<compile_context>
chip_gen: v7x
topology: tpu7x:2x2x1
jax: 0.10.2.dev20260603
libtpu: 0.0.44.dev20260713+nightly
codegen_flags: <defaults>
</compile_context>

<pallas_src>
import functools

import jax
import jax.numpy as jnp
from jax.experimental import pallas as pl
from jax.experimental.pallas import tpu as pltpu
from jax.experimental.pallas import tpu_sc as plsc

_NC = 2
_NS = 16
_LANES = 16


def _silu(v):
    return v * jax.nn.sigmoid(v)



def _ln_body(x_ref, g_ref, b_ref, o_ref):
    x = x_ref[...]
    mu = jnp.mean(x, axis=1, keepdims=True)
    xc = x - mu
    var = jnp.mean(xc * xc, axis=1, keepdims=True)
    o_ref[...] = xc / jnp.sqrt(var + 1e-5) * g_ref[...] + b_ref[...]


def _mlp_body(e_ref, s_ref, w1_ref, b1_ref, w2_ref, b2_ref, o_ref):
    h = _silu(e_ref[...] + s_ref[...]).astype(jnp.bfloat16)
    h = jnp.dot(h, w1_ref[...], preferred_element_type=jnp.float32) + b1_ref[...]
    h = _silu(h).astype(jnp.bfloat16)
    o_ref[...] = (
        jnp.dot(h, w2_ref[...], preferred_element_type=jnp.float32) + b2_ref[...]
    )


def _out_body(x_ref, a_ref, w3_ref, b3_ref, o_ref):
    t = _silu(x_ref[...] + a_ref[0] + a_ref[1])
    o_ref[...] = (
        jnp.dot(t, w3_ref[...], preferred_element_type=jnp.float32) + b3_ref[...]
    )


def _layer_norm_tc(x, gamma, beta, block_n):
    n, d = x.shape
    grid = n // block_n
    return pl.pallas_call(
        _ln_body,
        grid=(grid,),
        in_specs=[
            pl.BlockSpec((block_n, d), lambda i: (i, 0)),
            pl.BlockSpec((1, d), lambda i: (0, 0)),
            pl.BlockSpec((1, d), lambda i: (0, 0)),
        ],
        out_specs=pl.BlockSpec((block_n, d), lambda i: (i, 0)),
        out_shape=jax.ShapeDtypeStruct((n, d), jnp.float32),
    )(x, gamma, beta)


def _mlp_tc(edge_emb, s, w1, b1, w2, b2, block_e, chunk_block0):
    ec, d = s.shape
    h = w1.shape[1]
    grid = ec // block_e
    return pl.pallas_call(
        _mlp_body,
        grid=(grid,),
        in_specs=[
            pl.BlockSpec((block_e, d), lambda i: (chunk_block0 + i, 0)),
            pl.BlockSpec((block_e, d), lambda i: (i, 0)),
            pl.BlockSpec((d, h), lambda i: (0, 0)),
            pl.BlockSpec((1, h), lambda i: (0, 0)),
            pl.BlockSpec((h, d), lambda i: (0, 0)),
            pl.BlockSpec((1, d), lambda i: (0, 0)),
        ],
        out_specs=pl.BlockSpec((block_e, d), lambda i: (i, 0)),
        out_shape=jax.ShapeDtypeStruct((ec, d), jnp.float32),
    )(edge_emb, s, w1, b1, w2, b2)


def _final_tc(x, agg, w3, b3, block_n):
    n, d = x.shape
    grid = n // block_n
    return pl.pallas_call(
        _out_body,
        grid=(grid,),
        in_specs=[
            pl.BlockSpec((block_n, d), lambda i: (i, 0)),
            pl.BlockSpec((2, block_n, d), lambda i: (0, i, 0)),
            pl.BlockSpec((d, d), lambda i: (0, 0)),
            pl.BlockSpec((1, d), lambda i: (0, 0)),
        ],
        out_specs=pl.BlockSpec((block_n, d), lambda i: (i, 0)),
        out_shape=jax.ShapeDtypeStruct((n, d), jnp.float32),
    )(x, agg, w3, b3)



def _sc_gather_sum(x, idx_c, idx_n, n_win, base_win, window):
    d = x.shape[1]
    num_workers = _NC * _NS
    slots = ((-(-n_win // num_workers) + 2) // 2) * 2
    mesh = plsc.VectorSubcoreMesh(core_axis_name="core", subcore_axis_name="subcore")

    @functools.partial(
        pl.kernel,
        out_type=jax.ShapeDtypeStruct((n_win * window, d), jnp.float32),
        mesh=mesh,
        scratch_types=[
            pltpu.VMEM((window, d), jnp.float32),
            pltpu.VMEM((window, d), jnp.float32),
            pltpu.VMEM((window, d), jnp.float32),
            pltpu.VMEM((window, d), jnp.float32),
            pltpu.VMEM((1, window), jnp.int32),
            pltpu.VMEM((1, window), jnp.int32),
            pltpu.VMEM((1, window), jnp.int32),
            pltpu.VMEM((1, window), jnp.int32),
            pltpu.SemaphoreType.DMA,
            pltpu.SemaphoreType.DMA,
            pltpu.SemaphoreType.DMA,
            pltpu.SemaphoreType.DMA,
            pltpu.SemaphoreType.DMA,
            pltpu.SemaphoreType.DMA,
        ],
    )
    def gather_kernel(x_hbm, ic_hbm, in_hbm, s_hbm,
                      ce0, ce1, ne0, ne1, ic0, ic1, in0, in1,
                      si0, si1, sg0, sg1, so0, so1):
        cid = jax.lax.axis_index("core")
        sid = jax.lax.axis_index("subcore")
        wid = sid * _NC + cid
        ce = (ce0, ce1)
        ne = (ne0, ne1)
        icb = (ic0, ic1)
        inb = (in0, in1)
        si = (si0, si1)
        sg = (sg0, sg1)
        so = (so0, so1)

        pltpu.async_copy(
            ic_hbm.at[:, pl.ds((base_win + wid) * window, window)], icb[0], si[0]
        )
        pltpu.async_copy(
            in_hbm.at[:, pl.ds((base_win + wid) * window, window)], inb[0], si[0]
        )

        @pl.loop(0, slots // 2)
        def _outer(j):
            for p in range(2):
                k = j * 2 + p
                q = 1 - p
                w = wid + k * num_workers
                w_prev = w - num_workers
                w_next = w + num_workers

                @pl.when(w < n_win)
                def _():
                    @pl.when(k >= 2)
                    def _():
                        pltpu.make_async_copy(
                            ce[p], s_hbm.at[pl.ds(0, window)], so[p]
                        ).wait()

                    pltpu.make_async_copy(
                        ic_hbm.at[:, pl.ds(0, window)], icb[p], si[p]
                    ).wait()
                    pltpu.make_async_copy(
                        in_hbm.at[:, pl.ds(0, window)], inb[p], si[p]
                    ).wait()
                    pltpu.async_copy(x_hbm.at[icb[p].at[0]], ce[p], sg[p])
                    pltpu.async_copy(x_hbm.at[inb[p].at[0]], ne[p], sg[p])

                @pl.when((k >= 1) & (w_prev < n_win))
                def _():
                    pltpu.make_async_copy(
                        x_hbm.at[pl.ds(0, window)], ce[q], sg[q]
                    ).wait()
                    pltpu.make_async_copy(
                        x_hbm.at[pl.ds(0, window)], ne[q], sg[q]
                    ).wait()

                @pl.when(w_next < n_win)
                def _():
                    pltpu.async_copy(
                        ic_hbm.at[:, pl.ds((base_win + w_next) * window, window)],
                        icb[q], si[q],
                    )
                    pltpu.async_copy(
                        in_hbm.at[:, pl.ds((base_win + w_next) * window, window)],
                        inb[q], si[q],
                    )

                @pl.when((k >= 1) & (w_prev < n_win))
                def _():
                    @pl.loop(0, window)
                    def _row(r):
                        @pl.loop(0, d, step=_LANES)
                        def _col(c):
                            slc = (pl.ds(r, 1), pl.ds(c, _LANES))
                            ce[q].at[*slc][...] = (
                                ce[q].at[*slc][...] + ne[q].at[*slc][...]
                            )

                    pltpu.async_copy(
                        ce[q], s_hbm.at[pl.ds(w_prev * window, window)], so[q]
                    )

        pltpu.make_async_copy(ce0, s_hbm.at[pl.ds(0, window)], so0).wait()
        pltpu.make_async_copy(ce1, s_hbm.at[pl.ds(0, window)], so1).wait()

    return gather_kernel(x, idx_c, idx_n)


def _sc_scatter_agg(x, thetas, idx_c, idx_n, window):
    d = x.shape[1]
    n = x.shape[0]
    chunk_rows = 80
    num_chunks = n // chunk_rows
    chunks_per_tile = -(-num_chunks // _NS)
    mesh = plsc.VectorSubcoreMesh(core_axis_name="core", subcore_axis_name="subcore")

    num_workers = _NC * _NS
    chunk_wins = [t.shape[0] // window for t in thetas]
    chunk_bases = [sum(chunk_wins[:i]) for i in range(len(thetas))]

    @functools.partial(
        pl.kernel,
        out_type=jax.ShapeDtypeStruct((_NC, n, d), jnp.float32),
        mesh=mesh,
        scratch_types=[
            pltpu.VMEM((window, d), jnp.float32),
            pltpu.VMEM((window, d), jnp.float32),
            pltpu.VMEM((window, d), jnp.float32),
            pltpu.VMEM((1, window), jnp.int32),
            pltpu.VMEM((1, window), jnp.int32),
            pltpu.VMEM((1, window), jnp.int32),
            pltpu.VMEM((1, window), jnp.int32),
            pltpu.VMEM_SHARED((n, d), jnp.float32),
            pltpu.SemaphoreType.DMA,
            pltpu.SemaphoreType.DMA,
            pltpu.SemaphoreType.DMA,
            pltpu.SemaphoreType.DMA,
            pltpu.SemaphoreType.DMA,
            pltpu.SemaphoreType.DMA,
            pltpu.SemaphoreType.DMA,
            pltpu.SemaphoreType.DMA,
            pltpu.SemaphoreType.DMA,
        ],
    )
    def scatter_kernel(x_hbm, *rest):
        th_hbms = rest[: len(thetas)]
        (ic_hbm, in_hbm, agg_hbm,
         ne0, ne1, th_buf, ic0, ic1, in0, in1, shared,
         si0, si1, sic0, sic1, sg0, sg1, st, so0, so1) = rest[len(thetas):]
        cid = jax.lax.axis_index("core")
        sid = jax.lax.axis_index("subcore")
        wid = sid * _NC + cid
        ne = (ne0, ne1)
        icb = (ic0, ic1)
        inb = (in0, in1)
        si = (si0, si1)
        sic = (sic0, sic1)
        sg = (sg0, sg1)
        so = (so0, so1)

        @pl.loop(0, chunk_rows)
        def _zr(r):
            @pl.loop(0, d, step=_LANES)
            def _zc(c):
                ne0.at[pl.ds(r, 1), pl.ds(c, _LANES)][...] = jnp.zeros(
                    (1, _LANES), jnp.float32
                )

        @pl.loop(0, chunks_per_tile)
        def _z(k):
            j = sid + k * _NS

            @pl.when(j < num_chunks)
            def _():
                pltpu.sync_copy(
                    ne0.at[pl.ds(0, chunk_rows)],
                    shared.at[pl.ds(j * chunk_rows, chunk_rows)],
                )

        plsc.subcore_barrier()

        for ci in range(len(thetas)):
            th_hbm = th_hbms[ci]
            n_win = chunk_wins[ci]
            base_win = chunk_bases[ci]
            slots = ((-(-n_win // num_workers) + 2) // 2) * 2

            pltpu.async_copy(
                in_hbm.at[:, pl.ds((base_win + wid) * window, window)],
                inb[0], si[0],
            )

            @pl.loop(0, slots // 2)
            def _outer(j):
                for p in range(2):
                    k = j * 2 + p
                    q = 1 - p
                    w = wid + k * num_workers
                    w_prev = w - num_workers
                    w_next = w + num_workers
                    base = w * window

                    @pl.when(w < n_win)
                    def _():
                        @pl.when(k >= 2)
                        def _():
                            pltpu.make_async_copy(
                                ne[p], shared.at[pl.ds(0, window)], so[p]
                            ).wait()

                        pltpu.make_async_copy(
                            in_hbm.at[:, pl.ds(0, window)], inb[p], si[p]
                        ).wait()
                        pltpu.async_copy(x_hbm.at[inb[p].at[0]], ne[p], sg[p])

                    @pl.when((k >= 1) & (w_prev < n_win))
                    def _():
                        pltpu.make_async_copy(
                            x_hbm.at[pl.ds(0, window)], ne[q], sg[q]
                        ).wait()

                    @pl.when(w_next < n_win)
                    def _():
                        pltpu.async_copy(
                            in_hbm.at[
                                :, pl.ds((base_win + w_next) * window, window)
                            ],
                            inb[q], si[q],
                        )

                    @pl.when((k >= 1) & (w_prev < n_win))
                    def _():
                        pltpu.make_async_copy(
                            th_hbm.at[pl.ds(0, window)], th_buf, st
                        ).wait()

                        @pl.loop(0, window)
                        def _row(r):
                            @pl.loop(0, d, step=_LANES)
                            def _col(c):
                                slc = (pl.ds(r, 1), pl.ds(c, _LANES))
                                ne[q].at[*slc][...] = (
                                    ne[q].at[*slc][...] * th_buf.at[*slc][...]
                                )

                    @pl.when(w < n_win)
                    def _():
                        pltpu.async_copy(
                            th_hbm.at[pl.ds(base, window)], th_buf, st
                        )

                    @pl.when((k >= 1) & (w_prev < n_win))
                    def _():
                        pltpu.make_async_copy(
                            ic_hbm.at[:, pl.ds(0, window)], icb[q], sic[q]
                        ).wait()
                        pltpu.async_copy(
                            ne[q], shared.at[icb[q].at[0]], so[q], add=True
                        )

                    @pl.when(w < n_win)
                    def _():
                        pltpu.async_copy(
                            ic_hbm.at[
                                :, pl.ds((base_win + w) * window, window)
                            ],
                            icb[p], sic[p],
                        )

            pltpu.make_async_copy(ne0, shared.at[pl.ds(0, window)], so0).wait()
            pltpu.make_async_copy(ne1, shared.at[pl.ds(0, window)], so1).wait()

        plsc.subcore_barrier()

        @pl.loop(0, chunks_per_tile)
        def _d(k):
            j = sid + k * _NS

            @pl.when(j < num_chunks)
            def _():
                off = j * chunk_rows
                pltpu.sync_copy(shared.at[pl.ds(off, chunk_rows)],
                                th_buf.at[pl.ds(0, chunk_rows)])
                pltpu.sync_copy(th_buf.at[pl.ds(0, chunk_rows)],
                                agg_hbm.at[cid, pl.ds(off, chunk_rows)])

    return scatter_kernel(x, *thetas, idx_c, idx_n)



def kernel(node_embeddings, edge_embeddings, edge_index_list,
           ln_gamma, ln_beta, W1, b1, W2, b2, W3, b3):
    n, d = node_embeddings.shape
    e = edge_embeddings.shape[0]
    h = W1.shape[1]

    idx = edge_index_list.astype(jnp.int32)
    idx_c = idx[0:1, :]
    idx_n = idx[1:2, :]

    window = 128
    block_e = 3200
    chunk_wins = [800, 800, 800, 100]

    x = _layer_norm_tc(
        node_embeddings, ln_gamma.reshape(1, d), ln_beta.reshape(1, d), block_n=400
    )

    w1b = W1.astype(jnp.bfloat16)
    w2b = W2.astype(jnp.bfloat16)
    thetas = []
    base = 0
    for wins in chunk_wins:
        s_c = _sc_gather_sum(x, idx_c, idx_n, wins, base, window)
        thetas.append(
            _mlp_tc(edge_embeddings, s_c, w1b, b1.reshape(1, h), w2b,
                    b2.reshape(1, d), block_e=block_e,
                    chunk_block0=base * window // block_e)
        )
        base += wins
    agg = _sc_scatter_agg(x, thetas, idx_c, idx_n, window)
    out = _final_tc(x, agg, W3, b3.reshape(1, d), block_n=400)
    return out

# --- scband reference (transcript-rebuilt; emitter-appended) ---
"""Pipeline reference for scband-mpblock-21809843929774 (READ-ONLY COPY).

The authoritative reference and input builder live on the scoring server;
editing this copy changes nothing except your own understanding.
"""

import jax, jax.numpy as jnp
import numpy as np

def silu(x):
    return x * jax.nn.sigmoid(x)

def layer_norm(x, gamma, beta, eps=1e-5):
    mu = jnp.mean(x, axis=-1, keepdims=True)
    var = jnp.mean((x - mu) ** 2, axis=-1, keepdims=True)
    return (x - mu) / jnp.sqrt(var + eps) * gamma + beta

def setup_inputs(seed: int = 0) -> dict:
    key = jax.random.key(seed)
    ks = jax.random.split(key, 12)
    N, E, D, H = 10000, 320000, 128, 256
    node_embeddings = jax.random.normal(ks[0], (N, D), dtype=jnp.float32)
    edge_embeddings = jax.random.normal(ks[1], (E, D), dtype=jnp.float32)
    edge_index_list = jax.random.randint(ks[2], (2, E), 0, N, dtype=jnp.int64)
    # phi: Linear(D,H), Linear(H,D)  (stored as (in,out))
    W1 = jax.random.normal(ks[3], (D, H), dtype=jnp.float32) * (1.0 / np.sqrt(D))
    b1 = jnp.zeros((H,), dtype=jnp.float32)
    W2 = jax.random.normal(ks[4], (H, D), dtype=jnp.float32) * (1.0 / np.sqrt(H))
    b2 = jnp.zeros((D,), dtype=jnp.float32)
    # theta: Linear(D,D)
    W3 = jax.random.normal(ks[5], (D, D), dtype=jnp.float32) * (1.0 / np.sqrt(D))
    b3 = jnp.zeros((D,), dtype=jnp.float32)
    ln_gamma = jnp.ones((D,), dtype=jnp.float32)
    ln_beta = jnp.zeros((D,), dtype=jnp.float32)
    return {"node_embeddings": node_embeddings, "edge_embeddings": edge_embeddings,
            "edge_index_list": edge_index_list, "ln_gamma": ln_gamma, "ln_beta": ln_beta,
            "W1": W1, "b1": b1, "W2": W2, "b2": b2, "W3": W3, "b3": b3}

def reference(node_embeddings, edge_embeddings, edge_index_list, ln_gamma, ln_beta, W1, b1, W2, b2, W3, b3):
    x = layer_norm(node_embeddings, ln_gamma, ln_beta)
    center = edge_index_list[0, :]
    neigh = edge_index_list[1, :]
    ce = jnp.take(x, center, axis=0)
    ne = jnp.take(x, neigh, axis=0)
    s = edge_embeddings + ce + ne
    # phi
    h = silu(s)
    h = h @ W1 + b1
    h = silu(h)
    theta_edge = h @ W2 + b2
    msg = ne * theta_edge
    agg = jnp.zeros((x.shape[0], theta_edge.shape[1]), dtype=jnp.float32).at[center].add(msg)
    # theta
    out = silu(x + agg) @ W3 + b3
    return out

if __name__ == "__main__":
    import jax
    _d = setup_inputs()
    print(jax.jit(kernel)(*tuple(_d.values())))

</pallas_src>

<mosaic_0001>
#map = affine_map<(d0, d1) -> (0, 0)>
module attributes {stable_mosaic.version = 14 : i64} {
  func.func @gather_kernel(%arg0: i32, %arg1: i32, %arg2: memref<10000x128xf32, #tpu.memory_space<hbm>>, %arg3: memref<1x320000xi32, #tpu.memory_space<hbm>>, %arg4: memref<1x320000xi32, #tpu.memory_space<hbm>>, %arg5: memref<12800x128xf32, #tpu.memory_space<hbm>>, %arg6: memref<128x128xf32, #tpu.memory_space<vmem>>, %arg7: memref<128x128xf32, #tpu.memory_space<vmem>>, %arg8: memref<128x128xf32, #tpu.memory_space<vmem>>, %arg9: memref<128x128xf32, #tpu.memory_space<vmem>>, %arg10: memref<1x128xi32, #tpu.memory_space<vmem>>, %arg11: memref<1x128xi32, #tpu.memory_space<vmem>>, %arg12: memref<1x128xi32, #tpu.memory_space<vmem>>, %arg13: memref<1x128xi32, #tpu.memory_space<vmem>>, %arg14: memref<!tpu.dma_semaphore, #tpu.memory_space<semaphore_mem>>, %arg15: memref<!tpu.dma_semaphore, #tpu.memory_space<semaphore_mem>>, %arg16: memref<!tpu.dma_semaphore, #tpu.memory_space<semaphore_mem>>, %arg17: memref<!tpu.dma_semaphore, #tpu.memory_space<semaphore_mem>>, %arg18: memref<!tpu.dma_semaphore, #tpu.memory_space<semaphore_mem>>, %arg19: memref<!tpu.dma_semaphore, #tpu.memory_space<semaphore_mem>>) attributes {dimension_semantics = [#tpu.dimension_semantics<core_parallel>, #tpu.dimension_semantics<subcore_parallel>], iteration_bounds = array<i64: 2, 16>, scalar_prefetch = 0 : i64, scratch_operands = 14 : i64, tpu.core_type = #tpu.core_type<sc_vector_subcore>, window_params = [{transform_indices = #map}, {transform_indices = #map}, {transform_indices = #map}, {transform_indices = #map}]} {
    %mul3A = arith.constant 2 : i32
    %mul3A_0 = arith.muli %arg1, %mul3A : i32
    %add3A = arith.addi %mul3A_0, %arg0 : i32
    %add3A_1 = arith.constant 2400 : i32
    %add3A_2 = arith.addi %add3A_1, %add3A : i32
    %mul3A_3 = arith.constant 128 : i32
    %mul3A_4 = arith.muli %add3A_2, %mul3A_3 : i32
    %dma_start3A = arith.constant 0 : i32
    %dma_start3A_5 = tpu.memref_slice %arg3[%dma_start3A, %mul3A_4] : memref<1x320000xi32, #tpu.memory_space<hbm>> -> memref<1x128xi32, #tpu.memory_space<hbm>>
    %dma_start3A_6 = arith.constant 0 : i32
    %dma_start3A_7 = tpu.memref_slice %arg3[%dma_start3A_6, %mul3A_4] : memref<1x320000xi32, #tpu.memory_space<hbm>> -> memref<1x128xi32, #tpu.memory_space<hbm>>
    tpu.enqueue_dma source(%dma_start3A_7 : memref<1x128xi32, #tpu.memory_space<hbm>>) target(%arg10 : memref<1x128xi32, #tpu.memory_space<vmem>>) target_semaphore(%arg14 : memref<!tpu.dma_semaphore, #tpu.memory_space<semaphore_mem>>)
    %add3A_8 = arith.constant 2400 : i32
    %add3A_9 = arith.addi %add3A_8, %add3A : i32
    %mul3A_10 = arith.constant 128 : i32
    %mul3A_11 = arith.muli %add3A_9, %mul3A_10 : i32
    %dma_start3A_12 = arith.constant 0 : i32
    %dma_start3A_13 = tpu.memref_slice %arg4[%dma_start3A_12, %mul3A_11] : memref<1x320000xi32, #tpu.memory_space<hbm>> -> memref<1x128xi32, #tpu.memory_space<hbm>>
    %dma_start3A_14 = arith.constant 0 : i32
    %dma_start3A_15 = tpu.memref_slice %arg4[%dma_start3A_14, %mul3A_11] : memref<1x320000xi32, #tpu.memory_space<hbm>> -> memref<1x128xi32, #tpu.memory_space<hbm>>
    tpu.enqueue_dma source(%dma_start3A_15 : memref<1x128xi32, #tpu.memory_space<hbm>>) target(%arg12 : memref<1x128xi32, #tpu.memory_space<vmem>>) target_semaphore(%arg14 : memref<!tpu.dma_semaphore, #tpu.memory_space<semaphore_mem>>)
    %scan3A = arith.constant 0 : i32
    %scan3A_16 = arith.constant 3 : i32
    %scan3A_17 = arith.addi %scan3A, %scan3A_16 : i32
    %scan3A_18 = arith.constant 1 : i32
    scf.for %scan3A_31 = %scan3A to %scan3A_17 step %scan3A_18  : i32 {
      %mul3A_32 = arith.constant 1 : i32
      %mul3A_33 = arith.muli %scan3A_31, %mul3A_32 : i32
      %add3A_34 = arith.constant 0 : i32
      %add3A_35 = arith.addi %add3A_34, %mul3A_33 : i32
      %mul3A_36 = arith.constant 2 : i32
      %mul3A_37 = arith.muli %add3A_35, %mul3A_36 : i32
      %add3A_38 = arith.constant 0 : i32
      %add3A_39 = arith.addi %mul3A_37, %add3A_38 : i32
      %mul3A_40 = arith.constant 32 : i32
      %mul3A_41 = arith.muli %add3A_39, %mul3A_40 : i32
      %add3A_42 = arith.addi %add3A, %mul3A_41 : i32
      %sub3A = arith.constant 32 : i32
      %sub3A_43 = arith.subi %add3A_42, %sub3A : i32
      %add3A_44 = arith.constant 32 : i32
      %add3A_45 = arith.addi %add3A_42, %add3A_44 : i32
      %lt3A = arith.constant 100 : i32
      %lt3A_46 = arith.cmpi slt, %add3A_42, %lt3A : i32
      %convert_element_type3A = arith.extui %lt3A_46 : i1 to i32
      %cond3A = arith.constant 0 : i32
      %cond3A_47 = arith.cmpi ne, %convert_element_type3A, %cond3A : i32
      scf.if %cond3A_47 {
        %ge3A_104 = arith.constant 2 : i32
        %ge3A_105 = arith.cmpi sge, %add3A_39, %ge3A_104 : i32
        %convert_element_type3A_106 = arith.extui %ge3A_105 : i1 to i32
        %cond3A_107 = arith.constant 0 : i32
        %cond3A_108 = arith.cmpi ne, %convert_element_type3A_106, %cond3A_107 : i32
        scf.if %cond3A_108 {
          %dma_wait3A_135 = arith.constant 0 : i32
          %dma_wait3A_136 = arith.constant 0 : i32
          %dma_wait3A_137 = tpu.memref_slice %arg5[%dma_wait3A_135, %dma_wait3A_136] : memref<12800x128xf32, #tpu.memory_space<hbm>> -> memref<128x128xf32, #tpu.memory_space<hbm>>
          %dma_wait3A_138 = arith.constant 0 : i32
          %dma_wait3A_139 = arith.constant 0 : i32
          %dma_wait3A_140 = tpu.memref_slice %arg5[%dma_wait3A_138, %dma_wait3A_139] : memref<12800x128xf32, #tpu.memory_space<hbm>> -> memref<128x128xf32, #tpu.memory_space<hbm>>
          tpu.wait_dma2 semaphore(%arg18 : memref<!tpu.dma_semaphore, #tpu.memory_space<semaphore_mem>>) src(%arg6 : memref<128x128xf32, #tpu.memory_space<vmem>>) dst(%dma_wait3A_140 : memref<128x128xf32, #tpu.memory_space<hbm>>)
        } else {
        }
        %dma_wait3A_109 = arith.constant 0 : i32
        %dma_wait3A_110 = arith.constant 0 : i32
        %dma_wait3A_111 = tpu.memref_slice %arg3[%dma_wait3A_109, %dma_wait3A_110] : memref<1x320000xi32, #tpu.memory_space<hbm>> -> memref<1x128xi32, #tpu.memory_space<hbm>>
        %dma_wait3A_112 = arith.constant 0 : i32
        %dma_wait3A_113 = arith.constant 0 : i32
        %dma_wait3A_114 = tpu.memref_slice %arg3[%dma_wait3A_112, %dma_wait3A_113] : memref<1x320000xi32, #tpu.memory_space<hbm>> -> memref<1x128xi32, #tpu.memory_space<hbm>>
        tpu.wait_dma2 semaphore(%arg14 : memref<!tpu.dma_semaphore, #tpu.memory_space<semaphore_mem>>) src(%dma_wait3A_114 : memref<1x128xi32, #tpu.memory_space<hbm>>) dst(%arg10 : memref<1x128xi32, #tpu.memory_space<vmem>>)
        %dma_wait3A_115 = arith.constant 0 : i32
        %dma_wait3A_116 = arith.constant 0 : i32
        %dma_wait3A_117 = tpu.memref_slice %arg4[%dma_wait3A_115, %dma_wait3A_116] : memref<1x320000xi32, #tpu.memory_space<hbm>> -> memref<1x128xi32, #tpu.memory_space<hbm>>
        %dma_wait3A_118 = arith.constant 0 : i32
        %dma_wait3A_119 = arith.constant 0 : i32
        %dma_wait3A_120 = tpu.memref_slice %arg4[%dma_wait3A_118, %dma_wait3A_119] : memref<1x320000xi32, #tpu.memory_space<hbm>> -> memref<1x128xi32, #tpu.memory_space<hbm>>
        tpu.wait_dma2 semaphore(%arg14 : memref<!tpu.dma_semaphore, #tpu.memory_space<semaphore_mem>>) src(%dma_wait3A_120 : memref<1x128xi32, #tpu.memory_space<hbm>>) dst(%arg12 : memref<1x128xi32, #tpu.memory_space<vmem>>)
        %dma_start3A_121 = arith.constant 0 : i32
        %dma_start3A_122 = arith.constant 0 : i32
        %dma_start3A_123 = tpu.memref_slice %arg10[%dma_start3A_121, %dma_start3A_122] : memref<1x128xi32, #tpu.memory_space<vmem>> -> memref<1x128xi32, #tpu.memory_space<vmem>>
        %dma_start3A_124 = tpu.memref_squeeze %dma_start3A_123 : memref<1x128xi32, #tpu.memory_space<vmem>> -> memref<128xi32, #tpu.memory_space<vmem>>
        %dma_start3A_125 = arith.constant 0 : i32
        %dma_start3A_126 = arith.constant 0 : i32
        %dma_start3A_127 = tpu.memref_slice %arg2[%dma_start3A_125, %dma_start3A_126] : memref<10000x128xf32, #tpu.memory_space<hbm>> -> memref<10000x128xf32, #tpu.memory_space<hbm>>
        tpu.enqueue_indirect_dma source(%dma_start3A_127 : memref<10000x128xf32, #tpu.memory_space<hbm>>) target(%arg6 : memref<128x128xf32, #tpu.memory_space<vmem>>) offsets(%dma_start3A_124 : memref<128xi32, #tpu.memory_space<vmem>>) semaphore(%arg16 : memref<!tpu.dma_semaphore, #tpu.memory_space<semaphore_mem>>)
        %dma_start3A_128 = arith.constant 0 : i32
        %dma_start3A_129 = arith.constant 0 : i32
        %dma_start3A_130 = tpu.memref_slice %arg12[%dma_start3A_128, %dma_start3A_129] : memref<1x128xi32, #tpu.memory_space<vmem>> -> memref<1x128xi32, #tpu.memory_space<vmem>>
        %dma_start3A_131 = tpu.memref_squeeze %dma_start3A_130 : memref<1x128xi32, #tpu.memory_space<vmem>> -> memref<128xi32, #tpu.memory_space<vmem>>
        %dma_start3A_132 = arith.constant 0 : i32
        %dma_start3A_133 = arith.constant 0 : i32
        %dma_start3A_134 = tpu.memref_slice %arg2[%dma_start3A_132, %dma_start3A_133] : memref<10000x128xf32, #tpu.memory_space<hbm>> -> memref<10000x128xf32, #tpu.memory_space<hbm>>
        tpu.enqueue_indirect_dma source(%dma_start3A_134 : memref<10000x128xf32, #tpu.memory_space<hbm>>) target(%arg8 : memref<128x128xf32, #tpu.memory_space<vmem>>) offsets(%dma_start3A_131 : memref<128xi32, #tpu.memory_space<vmem>>) semaphore(%arg16 : memref<!tpu.dma_semaphore, #tpu.memory_space<semaphore_mem>>)
      } else {
      }
      %ge3A = arith.constant 1 : i32
      %ge3A_48 = arith.cmpi sge, %add3A_39, %ge3A : i32
      %lt3A_49 = arith.constant 100 : i32
      %lt3A_50 = arith.cmpi slt, %sub3A_43, %lt3A_49 : i32
      %and3A = arith.andi %ge3A_48, %lt3A_50 : i1
      %convert_element_type3A_51 = arith.extui %and3A : i1 to i32
      %cond3A_52 = arith.constant 0 : i32
      %cond3A_53 = arith.cmpi ne, %convert_element_type3A_51, %cond3A_52 : i32
      scf.if %cond3A_53 {
        %dma_wait3A_104 = arith.constant 0 : i32
        %dma_wait3A_105 = arith.constant 0 : i32
        %dma_wait3A_106 = tpu.memref_slice %arg2[%dma_wait3A_104, %dma_wait3A_105] : memref<10000x128xf32, #tpu.memory_space<hbm>> -> memref<128x128xf32, #tpu.memory_space<hbm>>
        %dma_wait3A_107 = arith.constant 0 : i32
        %dma_wait3A_108 = arith.constant 0 : i32
        %dma_wait3A_109 = tpu.memref_slice %arg2[%dma_wait3A_107, %dma_wait3A_108] : memref<10000x128xf32, #tpu.memory_space<hbm>> -> memref<128x128xf32, #tpu.memory_space<hbm>>
        tpu.wait_dma2 semaphore(%arg17 : memref<!tpu.dma_semaphore, #tpu.memory_space<semaphore_mem>>) src(%dma_wait3A_109 : memref<128x128xf32, #tpu.memory_space<hbm>>) dst(%arg7 : memref<128x128xf32, #tpu.memory_space<vmem>>)
        %dma_wait3A_110 = arith.constant 0 : i32
        %dma_wait3A_111 = arith.constant 0 : i32
        %dma_wait3A_112 = tpu.memref_slice %arg2[%dma_wait3A_110, %dma_wait3A_111] : memref<10000x128xf32, #tpu.memory_space<hbm>> -> memref<128x128xf32, #tpu.memory_space<hbm>>
        %dma_wait3A_113 = arith.constant 0 : i32
        %dma_wait3A_114 = arith.constant 0 : i32
        %dma_wait3A_115 = tpu.memref_slice %arg2[%dma_wait3A_113, %dma_wait3A_114] : memref<10000x128xf32, #tpu.memory_space<hbm>> -> memref<128x128xf32, #tpu.memory_space<hbm>>
        tpu.wait_dma2 semaphore(%arg17 : memref<!tpu.dma_semaphore, #tpu.memory_space<semaphore_mem>>) src(%dma_wait3A_115 : memref<128x128xf32, #tpu.memory_space<hbm>>) dst(%arg9 : memref<128x128xf32, #tpu.memory_space<vmem>>)
      } else {
      }
      %lt3A_54 = arith.constant 100 : i32
      %lt3A_55 = arith.cmpi slt, %add3A_45, %lt3A_54 : i32
      %convert_element_type3A_56 = arith.extui %lt3A_55 : i1 to i32
      %cond3A_57 = arith.constant 0 : i32
      %cond3A_58 = arith.cmpi ne, %convert_element_type3A_56, %cond3A_57 : i32
      scf.if %cond3A_58 {
        %add3A_104 = arith.constant 2400 : i32
        %add3A_105 = arith.addi %add3A_104, %add3A_45 : i32
        %mul3A_106 = arith.constant 128 : i32
        %mul3A_107 = arith.muli %add3A_105, %mul3A_106 : i32
        %dma_start3A_108 = arith.constant 0 : i32
        %dma_start3A_109 = tpu.memref_slice %arg3[%dma_start3A_108, %mul3A_107] : memref<1x320000xi32, #tpu.memory_space<hbm>> -> memref<1x128xi32, #tpu.memory_space<hbm>>
        %dma_start3A_110 = arith.constant 0 : i32
        %dma_start3A_111 = tpu.memref_slice %arg3[%dma_start3A_110, %mul3A_107] : memref<1x320000xi32, #tpu.memory_space<hbm>> -> memref<1x128xi32, #tpu.memory_space<hbm>>
        tpu.enqueue_dma source(%dma_start3A_111 : memref<1x128xi32, #tpu.memory_space<hbm>>) target(%arg11 : memref<1x128xi32, #tpu.memory_space<vmem>>) target_semaphore(%arg15 : memref<!tpu.dma_semaphore, #tpu.memory_space<semaphore_mem>>)
        %add3A_112 = arith.constant 2400 : i32
        %add3A_113 = arith.addi %add3A_112, %add3A_45 : i32
        %mul3A_114 = arith.constant 128 : i32
        %mul3A_115 = arith.muli %add3A_113, %mul3A_114 : i32
        %dma_start3A_116 = arith.constant 0 : i32
        %dma_start3A_117 = tpu.memref_slice %arg4[%dma_start3A_116, %mul3A_115] : memref<1x320000xi32, #tpu.memory_space<hbm>> -> memref<1x128xi32, #tpu.memory_space<hbm>>
        %dma_start3A_118 = arith.constant 0 : i32
        %dma_start3A_119 = tpu.memref_slice %arg4[%dma_start3A_118, %mul3A_115] : memref<1x320000xi32, #tpu.memory_space<hbm>> -> memref<1x128xi32, #tpu.memory_space<hbm>>
        tpu.enqueue_dma source(%dma_start3A_119 : memref<1x128xi32, #tpu.memory_space<hbm>>) target(%arg13 : memref<1x128xi32, #tpu.memory_space<vmem>>) target_semaphore(%arg15 : memref<!tpu.dma_semaphore, #tpu.memory_space<semaphore_mem>>)
      } else {
      }
      %ge3A_59 = arith.constant 1 : i32
      %ge3A_60 = arith.cmpi sge, %add3A_39, %ge3A_59 : i32
      %lt3A_61 = arith.constant 100 : i32
      %lt3A_62 = arith.cmpi slt, %sub3A_43, %lt3A_61 : i32
      %and3A_63 = arith.andi %ge3A_60, %lt3A_62 : i1
      %convert_element_type3A_64 = arith.extui %and3A_63 : i1 to i32
      %cond3A_65 = arith.constant 0 : i32
      %cond3A_66 = arith.cmpi ne, %convert_element_type3A_64, %cond3A_65 : i32
      scf.if %cond3A_66 {
        %scan3A_104 = arith.constant 0 : i32
        %scan3A_105 = arith.constant 128 : i32
        %scan3A_106 = arith.addi %scan3A_104, %scan3A_105 : i32
        %scan3A_107 = arith.constant 1 : i32
        scf.for %scan3A_115 = %scan3A_104 to %scan3A_106 step %scan3A_107  : i32 {
          %mul3A_116 = arith.constant 1 : i32
          %mul3A_117 = arith.muli %scan3A_115, %mul3A_116 : i32
          %add3A_118 = arith.constant 0 : i32
          %add3A_119 = arith.addi %add3A_118, %mul3A_117 : i32
          %scan3A_120 = arith.constant 0 : i32
          %scan3A_121 = arith.constant 8 : i32
          %scan3A_122 = arith.addi %scan3A_120, %scan3A_121 : i32
          %scan3A_123 = arith.constant 1 : i32
          scf.for %scan3A_125 = %scan3A_120 to %scan3A_122 step %scan3A_123  : i32 {
            %mul3A_126 = arith.constant 16 : i32
            %mul3A_127 = arith.muli %scan3A_125, %mul3A_126 : i32
            %add3A_128 = arith.constant 0 : i32
            %add3A_129 = arith.addi %add3A_128, %mul3A_127 : i32
            %get3A = arith.index_cast %add3A_119 : i32 to index
            %get3A_130 = arith.index_cast %add3A_129 : i32 to index
            %get3A_131 = tpu.vector_load %arg7[%get3A, %get3A_130] {strides = array<i32>} : memref<128x128xf32, #tpu.memory_space<vmem>>, vector<1x16xf32>,
            %get3A_132 = vector.shape_cast %get3A_131 : vector<1x16xf32> to vector<1x16xf32>
            %get3A_133 = arith.index_cast %add3A_119 : i32 to index
            %get3A_134 = arith.index_cast %add3A_129 : i32 to index
            %get3A_135 = tpu.vector_load %arg9[%get3A_133, %get3A_134] {strides = array<i32>} : memref<128x128xf32, #tpu.memory_space<vmem>>, vector<1x16xf32>,
            %get3A_136 = vector.shape_cast %get3A_135 : vector<1x16xf32> to vector<1x16xf32>
            %add3A_137 = arith.addf %get3A_132, %get3A_136 : vector<1x16xf32>
            %swap3A = arith.index_cast %add3A_119 : i32 to index
            %swap3A_138 = arith.index_cast %add3A_129 : i32 to index
            %swap3A_139 = tpu.vector_load %arg7[%swap3A, %swap3A_138] {strides = array<i32>} : memref<128x128xf32, #tpu.memory_space<vmem>>, vector<1x16xf32>,
            %swap3A_140 = vector.shape_cast %swap3A_139 : vector<1x16xf32> to vector<1x16xf32>
            %swap3A_141 = vector.shape_cast %add3A_137 : vector<1x16xf32> to vector<1x16xf32>
            tpu.vector_store %arg7[%swap3A, %swap3A_138], %swap3A_141 {strides = array<i32>} : memref<128x128xf32, #tpu.memory_space<vmem>>, vector<1x16xf32>,
          }
          %scan3A_124 = arith.constant 8 : i32
        }
        %scan3A_108 = arith.constant 128 : i32
        %mul3A_109 = arith.constant 128 : i32
        %mul3A_110 = arith.muli %sub3A_43, %mul3A_109 : i32
        %dma_start3A_111 = arith.constant 0 : i32
        %dma_start3A_112 = tpu.memref_slice %arg5[%mul3A_110, %dma_start3A_111] : memref<12800x128xf32, #tpu.memory_space<hbm>> -> memref<128x128xf32, #tpu.memory_space<hbm>>
        %dma_start3A_113 = arith.constant 0 : i32
        %dma_start3A_114 = tpu.memref_slice %arg5[%mul3A_110, %dma_start3A_113] : memref<12800x128xf32, #tpu.memory_space<hbm>> -> memref<128x128xf32, #tpu.memory_space<hbm>>
        tpu.enqueue_dma source(%arg7 : memref<128x128xf32, #tpu.memory_space<vmem>>) target(%dma_start3A_114 : memref<128x128xf32, #tpu.memory_space<hbm>>) target_semaphore(%arg19 : memref<!tpu.dma_semaphore, #tpu.memory_space<semaphore_mem>>)
      } else {
      }
      %mul3A_67 = arith.constant 2 : i32
      %mul3A_68 = arith.muli %add3A_35, %mul3A_67 : i32
      %add3A_69 = arith.constant 1 : i32
      %add3A_70 = arith.addi %mul3A_68, %add3A_69 : i32
      %mul3A_71 = arith.constant 32 : i32
      %mul3A_72 = arith.muli %add3A_70, %mul3A_71 : i32
      %add3A_73 = arith.addi %add3A, %mul3A_72 : i32
      %sub3A_74 = arith.constant 32 : i32
      %sub3A_75 = arith.subi %add3A_73, %sub3A_74 : i32
      %add3A_76 = arith.constant 32 : i32
      %add3A_77 = arith.addi %add3A_73, %add3A_76 : i32
      %lt3A_78 = arith.constant 100 : i32
      %lt3A_79 = arith.cmpi slt, %add3A_73, %lt3A_78 : i32
      %convert_element_type3A_80 = arith.extui %lt3A_79 : i1 to i32
      %cond3A_81 = arith.constant 0 : i32
      %cond3A_82 = arith.cmpi ne, %convert_element_type3A_80, %cond3A_81 : i32
      scf.if %cond3A_82 {
        %ge3A_104 = arith.constant 2 : i32
        %ge3A_105 = arith.cmpi sge, %add3A_70, %ge3A_104 : i32
        %convert_element_type3A_106 = arith.extui %ge3A_105 : i1 to i32
        %cond3A_107 = arith.constant 0 : i32
        %cond3A_108 = arith.cmpi ne, %convert_element_type3A_106, %cond3A_107 : i32
        scf.if %cond3A_108 {
          %dma_wait3A_135 = arith.constant 0 : i32
          %dma_wait3A_136 = arith.constant 0 : i32
          %dma_wait3A_137 = tpu.memref_slice %arg5[%dma_wait3A_135, %dma_wait3A_136] : memref<12800x128xf32, #tpu.memory_space<hbm>> -> memref<128x128xf32, #tpu.memory_space<hbm>>
          %dma_wait3A_138 = arith.constant 0 : i32
          %dma_wait3A_139 = arith.constant 0 : i32
          %dma_wait3A_140 = tpu.memref_slice %arg5[%dma_wait3A_138, %dma_wait3A_139] : memref<12800x128xf32, #tpu.memory_space<hbm>> -> memref<128x128xf32, #tpu.memory_space<hbm>>
          tpu.wait_dma2 semaphore(%arg19 : memref<!tpu.dma_semaphore, #tpu.memory_space<semaphore_mem>>) src(%arg7 : memref<128x128xf32, #tpu.memory_space<vmem>>) dst(%dma_wait3A_140 : memref<128x128xf32, #tpu.memory_space<hbm>>)
        } else {
        }
        %dma_wait3A_109 = arith.constant 0 : i32
        %dma_wait3A_110 = arith.constant 0 : i32
        %dma_wait3A_111 = tpu.memref_slice %arg3[%dma_wait3A_109, %dma_wait3A_110] : memref<1x320000xi32, #tpu.memory_space<hbm>> -> memref<1x128xi32, #tpu.memory_space<hbm>>
        %dma_wait3A_112 = arith.constant 0 : i32
        %dma_wait3A_113 = arith.constant 0 : i32
        %dma_wait3A_114 = tpu.memref_slice %arg3[%dma_wait3A_112, %dma_wait3A_113] : memref<1x320000xi32, #tpu.memory_space<hbm>> -> memref<1x128xi32, #tpu.memory_space<hbm>>
        tpu.wait_dma2 semaphore(%arg15 : memref<!tpu.dma_semaphore, #tpu.memory_space<semaphore_mem>>) src(%dma_wait3A_114 : memref<1x128xi32, #tpu.memory_space<hbm>>) dst(%arg11 : memref<1x128xi32, #tpu.memory_space<vmem>>)
        %dma_wait3A_115 = arith.constant 0 : i32
        %dma_wait3A_116 = arith.constant 0 : i32
        %dma_wait3A_117 = tpu.memref_slice %arg4[%dma_wait3A_115, %dma_wait3A_116] : memref<1x320000xi32, #tpu.memory_space<hbm>> -> memref<1x128xi32, #tpu.memory_space<hbm>>
        %dma_wait3A_118 = arith.constant 0 : i32
        %dma_wait3A_119 = arith.constant 0 : i32
        %dma_wait3A_120 = tpu.memref_slice %arg4[%dma_wait3A_118, %dma_wait3A_119] : memref<1x320000xi32, #tpu.memory_space<hbm>> -> memref<1x128xi32, #tpu.memory_space<hbm>>
        tpu.wait_dma2 semaphore(%arg15 : memref<!tpu.dma_semaphore, #tpu.memory_space<semaphore_mem>>) src(%dma_wait3A_120 : memref<1x128xi32, #tpu.memory_space<hbm>>) dst(%arg13 : memref<1x128xi32, #tpu.memory_space<vmem>>)
        %dma_start3A_121 = arith.constant 0 : i32
        %dma_start3A_122 = arith.constant 0 : i32
        %dma_start3A_123 = tpu.memref_slice %arg11[%dma_start3A_121, %dma_start3A_122] : memref<1x128xi32, #tpu.memory_space<vmem>> -> memref<1x128xi32, #tpu.memory_space<vmem>>
        %dma_start3A_124 = tpu.memref_squeeze %dma_start3A_123 : memref<1x128xi32, #tpu.memory_space<vmem>> -> memref<128xi32, #tpu.memory_space<vmem>>
        %dma_start3A_125 = arith.constant 0 : i32
        %dma_start3A_126 = arith.constant 0 : i32
        %dma_start3A_127 = tpu.memref_slice %arg2[%dma_start3A_125, %dma_start3A_126] : memref<10000x128xf32, #tpu.memory_space<hbm>> -> memref<10000x128xf32, #tpu.memory_space<hbm>>
        tpu.enqueue_indirect_dma source(%dma_start3A_127 : memref<10000x128xf32, #tpu.memory_space<hbm>>) target(%arg7 : memref<128x128xf32, #tpu.memory_space<vmem>>) offsets(%dma_start3A_124 : memref<128xi32, #tpu.memory_space<vmem>>) semaphore(%arg17 : memref<!tpu.dma_semaphore, #tpu.memory_space<semaphore_mem>>)
        %dma_start3A_128 = arith.constant 0 : i32
        %dma_start3A_129 = arith.constant 0 : i32
        %dma_start3A_130 = tpu.memref_slice %arg13[%dma_start3A_128, %dma_start3A_129] : memref<1x128xi32, #tpu.memory_space<vmem>> -> memref<1x128xi32, #tpu.memory_space<vmem>>
        %dma_start3A_131 = tpu.memref_squeeze %dma_start3A_130 : memref<1x128xi32, #tpu.memory_space<vmem>> -> memref<128xi32, #tpu.memory_space<vmem>>
        %dma_start3A_132 = arith.constant 0 : i32
        %dma_start3A_133 = arith.constant 0 : i32
        %dma_start3A_134 = tpu.memref_slice %arg2[%dma_start3A_132, %dma_start3A_133] : memref<10000x128xf32, #tpu.memory_space<hbm>> -> memref<10000x128xf32, #tpu.memory_space<hbm>>
        tpu.enqueue_indirect_dma source(%dma_start3A_134 : memref<10000x128xf32, #tpu.memory_space<hbm>>) target(%arg9 : memref<128x128xf32, #tpu.memory_space<vmem>>) offsets(%dma_start3A_131 : memref<128xi32, #tpu.memory_space<vmem>>) semaphore(%arg17 : memref<!tpu.dma_semaphore, #tpu.memory_space<semaphore_mem>>)
      } else {
      }
      %ge3A_83 = arith.constant 1 : i32
      %ge3A_84 = arith.cmpi sge, %add3A_70, %ge3A_83 : i32
      %lt3A_85 = arith.constant 100 : i32
      %lt3A_86 = arith.cmpi slt, %sub3A_75, %lt3A_85 : i32
      %and3A_87 = arith.andi %ge3A_84, %lt3A_86 : i1
      %convert_element_type3A_88 = arith.extui %and3A_87 : i1 to i32
      %cond3A_89 = arith.constant 0 : i32
      %cond3A_90 = arith.cmpi ne, %convert_element_type3A_88, %cond3A_89 : i32
      scf.if %cond3A_90 {
        %dma_wait3A_104 = arith.constant 0 : i32
        %dma_wait3A_105 = arith.constant 0 : i32
        %dma_wait3A_106 = tpu.memref_slice %arg2[%dma_wait3A_104, %dma_wait3A_105] : memref<10000x128xf32, #tpu.memory_space<hbm>> -> memref<128x128xf32, #tpu.memory_space<hbm>>
        %dma_wait3A_107 = arith.constant 0 : i32
        %dma_wait3A_108 = arith.constant 0 : i32
        %dma_wait3A_109 = tpu.memref_slice %arg2[%dma_wait3A_107, %dma_wait3A_108] : memref<10000x128xf32, #tpu.memory_space<hbm>> -> memref<128x128xf32, #tpu.memory_space<hbm>>
        tpu.wait_dma2 semaphore(%arg16 : memref<!tpu.dma_semaphore, #tpu.memory_space<semaphore_mem>>) src(%dma_wait3A_109 : memref<128x128xf32, #tpu.memory_space<hbm>>) dst(%arg6 : memref<128x128xf32, #tpu.memory_space<vmem>>)
        %dma_wait3A_110 = arith.constant 0 : i32
        %dma_wait3A_111 = arith.constant 0 : i32
        %dma_wait3A_112 = tpu.memref_slice %arg2[%dma_wait3A_110, %dma_wait3A_111] : memref<10000x128xf32, #tpu.memory_space<hbm>> -> memref<128x128xf32, #tpu.memory_space<hbm>>
        %dma_wait3A_113 = arith.constant 0 : i32
        %dma_wait3A_114 = arith.constant 0 : i32
        %dma_wait3A_115 = tpu.memref_slice %arg2[%dma_wait3A_113, %dma_wait3A_114] : memref<10000x128xf32, #tpu.memory_space<hbm>> -> memref<128x128xf32, #tpu.memory_space<hbm>>
        tpu.wait_dma2 semaphore(%arg16 : memref<!tpu.dma_semaphore, #tpu.memory_space<semaphore_mem>>) src(%dma_wait3A_115 : memref<128x128xf32, #tpu.memory_space<hbm>>) dst(%arg8 : memref<128x128xf32, #tpu.memory_space<vmem>>)
      } else {
      }
      %lt3A_91 = arith.constant 100 : i32
      %lt3A_92 = arith.cmpi slt, %add3A_77, %lt3A_91 : i32
      %convert_element_type3A_93 = arith.extui %lt3A_92 : i1 to i32
      %cond3A_94 = arith.constant 0 : i32
      %cond3A_95 = arith.cmpi ne, %convert_element_type3A_93, %cond3A_94 : i32
      scf.if %cond3A_95 {
        %add3A_104 = arith.constant 2400 : i32
        %add3A_105 = arith.addi %add3A_104, %add3A_77 : i32
        %mul3A_106 = arith.constant 128 : i32
        %mul3A_107 = arith.muli %add3A_105, %mul3A_106 : i32
        %dma_start3A_108 = arith.constant 0 : i32
        %dma_start3A_109 = tpu.memref_slice %arg3[%dma_start3A_108, %mul3A_107] : memref<1x320000xi32, #tpu.memory_space<hbm>> -> memref<1x128xi32, #tpu.memory_space<hbm>>
        %dma_start3A_110 = arith.constant 0 : i32
        %dma_start3A_111 = tpu.memref_slice %arg3[%dma_start3A_110, %mul3A_107] : memref<1x320000xi32, #tpu.memory_space<hbm>> -> memref<1x128xi32, #tpu.memory_space<hbm>>
        tpu.enqueue_dma source(%dma_start3A_111 : memref<1x128xi32, #tpu.memory_space<hbm>>) target(%arg10 : memref<1x128xi32, #tpu.memory_space<vmem>>) target_semaphore(%arg14 : memref<!tpu.dma_semaphore, #tpu.memory_space<semaphore_mem>>)
        %add3A_112 = arith.constant 2400 : i32
        %add3A_113 = arith.addi %add3A_112, %add3A_77 : i32
        %mul3A_114 = arith.constant 128 : i32
        %mul3A_115 = arith.muli %add3A_113, %mul3A_114 : i32
        %dma_start3A_116 = arith.constant 0 : i32
        %dma_start3A_117 = tpu.memref_slice %arg4[%dma_start3A_116, %mul3A_115] : memref<1x320000xi32, #tpu.memory_space<hbm>> -> memref<1x128xi32, #tpu.memory_space<hbm>>
        %dma_start3A_118 = arith.constant 0 : i32
        %dma_start3A_119 = tpu.memref_slice %arg4[%dma_start3A_118, %mul3A_115] : memref<1x320000xi32, #tpu.memory_space<hbm>> -> memref<1x128xi32, #tpu.memory_space<hbm>>
        tpu.enqueue_dma source(%dma_start3A_119 : memref<1x128xi32, #tpu.memory_space<hbm>>) target(%arg12 : memref<1x128xi32, #tpu.memory_space<vmem>>) target_semaphore(%arg14 : memref<!tpu.dma_semaphore, #tpu.memory_space<semaphore_mem>>)
      } else {
      }
      %ge3A_96 = arith.constant 1 : i32
      %ge3A_97 = arith.cmpi sge, %add3A_70, %ge3A_96 : i32
      %lt3A_98 = arith.constant 100 : i32
      %lt3A_99 = arith.cmpi slt, %sub3A_75, %lt3A_98 : i32
      %and3A_100 = arith.andi %ge3A_97, %lt3A_99 : i1
      %convert_element_type3A_101 = arith.extui %and3A_100 : i1 to i32
      %cond3A_102 = arith.constant 0 : i32
      %cond3A_103 = arith.cmpi ne, %convert_element_type3A_101, %cond3A_102 : i32
      scf.if %cond3A_103 {
        %scan3A_104 = arith.constant 0 : i32
        %scan3A_105 = arith.constant 128 : i32
        %scan3A_106 = arith.addi %scan3A_104, %scan3A_105 : i32
        %scan3A_107 = arith.constant 1 : i32
        scf.for %scan3A_115 = %scan3A_104 to %scan3A_106 step %scan3A_107  : i32 {
          %mul3A_116 = arith.constant 1 : i32
          %mul3A_117 = arith.muli %scan3A_115, %mul3A_116 : i32
          %add3A_118 = arith.constant 0 : i32
          %add3A_119 = arith.addi %add3A_118, %mul3A_117 : i32
          %scan3A_120 = arith.constant 0 : i32
          %scan3A_121 = arith.constant 8 : i32
          %scan3A_122 = arith.addi %scan3A_120, %scan3A_121 : i32
          %scan3A_123 = arith.constant 1 : i32
          scf.for %scan3A_125 = %scan3A_120 to %scan3A_122 step %scan3A_123  : i32 {
            %mul3A_126 = arith.constant 16 : i32
            %mul3A_127 = arith.muli %scan3A_125, %mul3A_126 : i32
            %add3A_128 = arith.constant 0 : i32
            %add3A_129 = arith.addi %add3A_128, %mul3A_127 : i32
            %get3A = arith.index_cast %add3A_119 : i32 to index
            %get3A_130 = arith.index_cast %add3A_129 : i32 to index
            %get3A_131 = tpu.vector_load %arg6[%get3A, %get3A_130] {strides = array<i32>} : memref<128x128xf32, #tpu.memory_space<vmem>>, vector<1x16xf32>,
            %get3A_132 = vector.shape_cast %get3A_131 : vector<1x16xf32> to vector<1x16xf32>
            %get3A_133 = arith.index_cast %add3A_119 : i32 to index
            %get3A_134 = arith.index_cast %add3A_129 : i32 to index
            %get3A_135 = tpu.vector_load %arg8[%get3A_133, %get3A_134] {strides = array<i32>} : memref<128x128xf32, #tpu.memory_space<vmem>>, vector<1x16xf32>,
            %get3A_136 = vector.shape_cast %get3A_135 : vector<1x16xf32> to vector<1x16xf32>
            %add3A_137 = arith.addf %get3A_132, %get3A_136 : vector<1x16xf32>
            %swap3A = arith.index_cast %add3A_119 : i32 to index
            %swap3A_138 = arith.index_cast %add3A_129 : i32 to index
            %swap3A_139 = tpu.vector_load %arg6[%swap3A, %swap3A_138] {strides = array<i32>} : memref<128x128xf32, #tpu.memory_space<vmem>>, vector<1x16xf32>,
            %swap3A_140 = vector.shape_cast %swap3A_139 : vector<1x16xf32> to vector<1x16xf32>
            %swap3A_141 = vector.shape_cast %add3A_137 : vector<1x16xf32> to vector<1x16xf32>
            tpu.vector_store %arg6[%swap3A, %swap3A_138], %swap3A_141 {strides = array<i32>} : memref<128x128xf32, #tpu.memory_space<vmem>>, vector<1x16xf32>,
          }
          %scan3A_124 = arith.constant 8 : i32
        }
        %scan3A_108 = arith.constant 128 : i32
        %mul3A_109 = arith.constant 128 : i32
        %mul3A_110 = arith.muli %sub3A_75, %mul3A_109 : i32
        %dma_start3A_111 = arith.constant 0 : i32
        %dma_start3A_112 = tpu.memref_slice %arg5[%mul3A_110, %dma_start3A_111] : memref<12800x128xf32, #tpu.memory_space<hbm>> -> memref<128x128xf32, #tpu.memory_space<hbm>>
        %dma_start3A_113 = arith.constant 0 : i32
        %dma_start3A_114 = tpu.memref_slice %arg5[%mul3A_110, %dma_start3A_113] : memref<12800x128xf32, #tpu.memory_space<hbm>> -> memref<128x128xf32, #tpu.memory_space<hbm>>
        tpu.enqueue_dma source(%arg6 : memref<128x128xf32, #tpu.memory_space<vmem>>) target(%dma_start3A_114 : memref<128x128xf32, #tpu.memory_space<hbm>>) target_semaphore(%arg18 : memref<!tpu.dma_semaphore, #tpu.memory_space<semaphore_mem>>)
      } else {
      }
    }
    %scan3A_19 = arith.constant 3 : i32
    %dma_wait3A = arith.constant 0 : i32
    %dma_wait3A_20 = arith.constant 0 : i32
    %dma_wait3A_21 = tpu.memref_slice %arg5[%dma_wait3A, %dma_wait3A_20] : memref<12800x128xf32, #tpu.memory_space<hbm>> -> memref<128x128xf32, #tpu.memory_space<hbm>>
    %dma_wait3A_22 = arith.constant 0 : i32
    %dma_wait3A_23 = arith.constant 0 : i32
    %dma_wait3A_24 = tpu.memref_slice %arg5[%dma_wait3A_22, %dma_wait3A_23] : memref<12800x128xf32, #tpu.memory_space<hbm>> -> memref<128x128xf32, #tpu.memory_space<hbm>>
    tpu.wait_dma2 semaphore(%arg18 : memref<!tpu.dma_semaphore, #tpu.memory_space<semaphore_mem>>) src(%arg6 : memref<128x128xf32, #tpu.memory_space<vmem>>) dst(%dma_wait3A_24 : memref<128x128xf32, #tpu.memory_space<hbm>>)
    %dma_wait3A_25 = arith.constant 0 : i32
    %dma_wait3A_26 = arith.constant 0 : i32
    %dma_wait3A_27 = tpu.memref_slice %arg5[%dma_wait3A_25, %dma_wait3A_26] : memref<12800x128xf32, #tpu.memory_space<hbm>> -> memref<128x128xf32, #tpu.memory_space<hbm>>
    %dma_wait3A_28 = arith.constant 0 : i32
    %dma_wait3A_29 = arith.constant 0 : i32
    %dma_wait3A_30 = tpu.memref_slice %arg5[%dma_wait3A_28, %dma_wait3A_29] : memref<12800x128xf32, #tpu.memory_space<hbm>> -> memref<128x128xf32, #tpu.memory_space<hbm>>
    tpu.wait_dma2 semaphore(%arg19 : memref<!tpu.dma_semaphore, #tpu.memory_space<semaphore_mem>>) src(%arg7 : memref<128x128xf32, #tpu.memory_space<vmem>>) dst(%dma_wait3A_30 : memref<128x128xf32, #tpu.memory_space<hbm>>)
    return
  }
}

#map = affine_map<(d0, d1) -> (0, 0)>
module attributes {stable_mosaic.version = 14 : i64} {
  func.func @gather_kernel(%arg0: i32, %arg1: i32, %arg2: memref<10000x128xf32, #tpu.memory_space<hbm>>, %arg3: memref<1x320000xi32, #tpu.memory_space<hbm>>, %arg4: memref<1x320000xi32, #tpu.memory_space<hbm>>, %arg5: memref<102400x128xf32, #tpu.memory_space<hbm>>, %arg6: memref<128x128xf32, #tpu.memory_space<vmem>>, %arg7: memref<128x128xf32, #tpu.memory_space<vmem>>, %arg8: memref<128x128xf32, #tpu.memory_space<vmem>>, %arg9: memref<128x128xf32, #tpu.memory_space<vmem>>, %arg10: memref<1x128xi32, #tpu.memory_space<vmem>>, %arg11: memref<1x128xi32, #tpu.memory_space<vmem>>, %arg12: memref<1x128xi32, #tpu.memory_space<vmem>>, %arg13: memref<1x128xi32, #tpu.memory_space<vmem>>, %arg14: memref<!tpu.dma_semaphore, #tpu.memory_space<semaphore_mem>>, %arg15: memref<!tpu.dma_semaphore, #tpu.memory_space<semaphore_mem>>, %arg16: memref<!tpu.dma_semaphore, #tpu.memory_space<semaphore_mem>>, %arg17: memref<!tpu.dma_semaphore, #tpu.memory_space<semaphore_mem>>, %arg18: memref<!tpu.dma_semaphore, #tpu.memory_space<semaphore_mem>>, %arg19: memref<!tpu.dma_semaphore, #tpu.memory_space<semaphore_mem>>) attributes {dimension_semantics = [#tpu.dimension_semantics<core_parallel>, #tpu.dimension_semantics<subcore_parallel>], iteration_bounds = array<i64: 2, 16>, scalar_prefetch = 0 : i64, scratch_operands = 14 : i64, tpu.core_type = #tpu.core_type<sc_vector_subcore>, window_params = [{transform_indices = #map}, {transform_indices = #map}, {transform_indices = #map}, {transform_indices = #map}]} {
    %mul3A = arith.constant 2 : i32
    %mul3A_0 = arith.muli %arg1, %mul3A : i32
    %add3A = arith.addi %mul3A_0, %arg0 : i32
    %add3A_1 = arith.constant 1600 : i32
    %add3A_2 = arith.addi %add3A_1, %add3A : i32
    %mul3A_3 = arith.constant 128 : i32
    %mul3A_4 = arith.muli %add3A_2, %mul3A_3 : i32
    %dma_start3A = arith.constant 0 : i32
    %dma_start3A_5 = tpu.memref_slice %arg3[%dma_start3A, %mul3A_4] : memref<1x320000xi32, #tpu.memory_space<hbm>> -> memref<1x128xi32, #tpu.memory_space<hbm>>
    %dma_start3A_6 = arith.constant 0 : i32
    %dma_start3A_7 = tpu.memref_slice %arg3[%dma_start3A_6, %mul3A_4] : memref<1x320000xi32, #tpu.memory_space<hbm>> -> memref<1x128xi32, #tpu.memory_space<hbm>>
    tpu.enqueue_dma source(%dma_start3A_7 : memref<1x128xi32, #tpu.memory_space<hbm>>) target(%arg10 : memref<1x128xi32, #tpu.memory_space<vmem>>) target_semaphore(%arg14 : memref<!tpu.dma_semaphore, #tpu.memory_space<semaphore_mem>>)
    %add3A_8 = arith.constant 1600 : i32
    %add3A_9 = arith.addi %add3A_8, %add3A : i32
    %mul3A_10 = arith.constant 128 : i32
    %mul3A_11 = arith.muli %add3A_9, %mul3A_10 : i32
    %dma_start3A_12 = arith.constant 0 : i32
    %dma_start3A_13 = tpu.memref_slice %arg4[%dma_start3A_12, %mul3A_11] : memref<1x320000xi32, #tpu.memory_space<hbm>> -> memref<1x128xi32, #tpu.memory_space<hbm>>
    %dma_start3A_14 = arith.constant 0 : i32
    %dma_start3A_15 = tpu.memref_slice %arg4[%dma_start3A_14, %mul3A_11] : memref<1x320000xi32, #tpu.memory_space<hbm>> -> memref<1x128xi32, #tpu.memory_space<hbm>>
    tpu.enqueue_dma source(%dma_start3A_15 : memref<1x128xi32, #tpu.memory_space<hbm>>) target(%arg12 : memref<1x128xi32, #tpu.memory_space<vmem>>) target_semaphore(%arg14 : memref<!tpu.dma_semaphore, #tpu.memory_space<semaphore_mem>>)
    %scan3A = arith.constant 0 : i32
    %scan3A_16 = arith.constant 13 : i32
    %scan3A_17 = arith.addi %scan3A, %scan3A_16 : i32
    %scan3A_18 = arith.constant 1 : i32
    scf.for %scan3A_31 = %scan3A to %scan3A_17 step %scan3A_18  : i32 {
      %mul3A_32 = arith.constant 1 : i32
      %mul3A_33 = arith.muli %scan3A_31, %mul3A_32 : i32
      %add3A_34 = arith.constant 0 : i32
      %add3A_35 = arith.addi %add3A_34, %mul3A_33 : i32
      %mul3A_36 = arith.constant 2 : i32
      %mul3A_37 = arith.muli %add3A_35, %mul3A_36 : i32
      %add3A_38 = arith.constant 0 : i32
      %add3A_39 = arith.addi %mul3A_37, %add3A_38 : i32
      %mul3A_40 = arith.constant 32 : i32
      %mul3A_41 = arith.muli %add3A_39, %mul3A_40 : i32
      %add3A_42 = arith.addi %add3A, %mul3A_41 : i32
      %sub3A = arith.constant 32 : i32
      %sub3A_43 = arith.subi %add3A_42, %sub3A : i32
      %add3A_44 = arith.constant 32 : i32
      %add3A_45 = arith.addi %add3A_42, %add3A_44 : i32
      %lt3A = arith.constant 800 : i32
      %lt3A_46 = arith.cmpi slt, %add3A_42, %lt3A : i32
      %convert_element_type3A = arith.extui %lt3A_46 : i1 to i32
      %cond3A = arith.constant 0 : i32
      %cond3A_47 = arith.cmpi ne, %convert_element_type3A, %cond3A : i32
      scf.if %cond3A_47 {
        %ge3A_104 = arith.constant 2 : i32
        %ge3A_105 = arith.cmpi sge, %add3A_39, %ge3A_104 : i32
        %convert_element_type3A_106 = arith.extui %ge3A_105 : i1 to i32
        %cond3A_107 = arith.constant 0 : i32
        %cond3A_108 = arith.cmpi ne, %convert_element_type3A_106, %cond3A_107 : i32
        scf.if %cond3A_108 {
          %dma_wait3A_135 = arith.constant 0 : i32
          %dma_wait3A_136 = arith.constant 0 : i32
          %dma_wait3A_137 = tpu.memref_slice %arg5[%dma_wait3A_135, %dma_wait3A_136] : memref<102400x128xf32, #tpu.memory_space<hbm>> -> memref<128x128xf32, #tpu.memory_space<hbm>>
          %dma_wait3A_138 = arith.constant 0 : i32
          %dma_wait3A_139 = arith.constant 0 : i32
          %dma_wait3A_140 = tpu.memref_slice %arg5[%dma_wait3A_138, %dma_wait3A_139] : memref<102400x128xf32, #tpu.memory_space<hbm>> -> memref<128x128xf32, #tpu.memory_space<hbm>>
          tpu.wait_dma2 semaphore(%arg18 : memref<!tpu.dma_semaphore, #tpu.memory_space<semaphore_mem>>) src(%arg6 : memref<128x128xf32, #tpu.memory_space<vmem>>) dst(%dma_wait3A_140 : memref<128x128xf32, #tpu.memory_space<hbm>>)
        } else {
        }
        %dma_wait3A_109 = arith.constant 0 : i32
        %dma_wait3A_110 = arith.constant 0 : i32
        %dma_wait3A_111 = tpu.memref_slice %arg3[%dma_wait3A_109, %dma_wait3A_110] : memref<1x320000xi32, #tpu.memory_space<hbm>> -> memref<1x128xi32, #tpu.memory_space<hbm>>
        %dma_wait3A_112 = arith.constant 0 : i32
        %dma_wait3A_113 = arith.constant 0 : i32
        %dma_wait3A_114 = tpu.memref_slice %arg3[%dma_wait3A_112, %dma_wait3A_113] : memref<1x320000xi32, #tpu.memory_space<hbm>> -> memref<1x128xi32, #tpu.memory_space<hbm>>
        tpu.wait_dma2 semaphore(%arg14 : memref<!tpu.dma_semaphore, #tpu.memory_space<semaphore_mem>>) src(%dma_wait3A_114 : memref<1x128xi32, #tpu.memory_space<hbm>>) dst(%arg10 : memref<1x128xi32, #tpu.memory_space<vmem>>)
        %dma_wait3A_115 = arith.constant 0 : i32
        %dma_wait3A_116 = arith.constant 0 : i32
        %dma_wait3A_117 = tpu.memref_slice %arg4[%dma_wait3A_115, %dma_wait3A_116] : memref<1x320000xi32, #tpu.memory_space<hbm>> -> memref<1x128xi32, #tpu.memory_space<hbm>>
        %dma_wait3A_118 = arith.constant 0 : i32
        %dma_wait3A_119 = arith.constant 0 : i32
        %dma_wait3A_120 = tpu.memref_slice %arg4[%dma_wait3A_118, %dma_wait3A_119] : memref<1x320000xi32, #tpu.memory_space<hbm>> -> memref<1x128xi32, #tpu.memory_space<hbm>>
        tpu.wait_dma2 semaphore(%arg14 : memref<!tpu.dma_semaphore, #tpu.memory_space<semaphore_mem>>) src(%dma_wait3A_120 : memref<1x128xi32, #tpu.memory_space<hbm>>) dst(%arg12 : memref<1x128xi32, #tpu.memory_space<vmem>>)
        %dma_start3A_121 = arith.constant 0 : i32
        %dma_start3A_122 = arith.constant 0 : i32
        %dma_start3A_123 = tpu.memref_slice %arg10[%dma_start3A_121, %dma_start3A_122] : memref<1x128xi32, #tpu.memory_space<vmem>> -> memref<1x128xi32, #tpu.memory_space<vmem>>
        %dma_start3A_124 = tpu.memref_squeeze %dma_start3A_123 : memref<1x128xi32, #tpu.memory_space<vmem>> -> memref<128xi32, #tpu.memory_space<vmem>>
        %dma_start3A_125 = arith.constant 0 : i32
        %dma_start3A_126 = arith.constant 0 : i32
        %dma_start3A_127 = tpu.memref_slice %arg2[%dma_start3A_125, %dma_start3A_126] : memref<10000x128xf32, #tpu.memory_space<hbm>> -> memref<10000x128xf32, #tpu.memory_space<hbm>>
        tpu.enqueue_indirect_dma source(%dma_start3A_127 : memref<10000x128xf32, #tpu.memory_space<hbm>>) target(%arg6 : memref<128x128xf32, #tpu.memory_space<vmem>>) offsets(%dma_start3A_124 : memref<128xi32, #tpu.memory_space<vmem>>) semaphore(%arg16 : memref<!tpu.dma_semaphore, #tpu.memory_space<semaphore_mem>>)
        %dma_start3A_128 = arith.constant 0 : i32
        %dma_start3A_129 = arith.constant 0 : i32
        %dma_start3A_130 = tpu.memref_slice %arg12[%dma_start3A_128, %dma_start3A_129] : memref<1x128xi32, #tpu.memory_space<vmem>> -> memref<1x128xi32, #tpu.memory_space<vmem>>
        %dma_start3A_131 = tpu.memref_squeeze %dma_start3A_130 : memref<1x128xi32, #tpu.memory_space<vmem>> -> memref<128xi32, #tpu.memory_space<vmem>>
        %dma_start3A_132 = arith.constant 0 : i32
        %dma_start3A_133 = arith.constant 0 : i32
        %dma_start3A_134 = tpu.memref_slice %arg2[%dma_start3A_132, %dma_start3A_133] : memref<10000x128xf32, #tpu.memory_space<hbm>> -> memref<10000x128xf32, #tpu.memory_space<hbm>>
        tpu.enqueue_indirect_dma source(%dma_start3A_134 : memref<10000x128xf32, #tpu.memory_space<hbm>>) target(%arg8 : memref<128x128xf32, #tpu.memory_space<vmem>>) offsets(%dma_start3A_131 : memref<128xi32, #tpu.memory_space<vmem>>) semaphore(%arg16 : memref<!tpu.dma_semaphore, #tpu.memory_space<semaphore_mem>>)
      } else {
      }
      %ge3A = arith.constant 1 : i32
      %ge3A_48 = arith.cmpi sge, %add3A_39, %ge3A : i32
      %lt3A_49 = arith.constant 800 : i32
      %lt3A_50 = arith.cmpi slt, %sub3A_43, %lt3A_49 : i32
      %and3A = arith.andi %ge3A_48, %lt3A_50 : i1
      %convert_element_type3A_51 = arith.extui %and3A : i1 to i32
      %cond3A_52 = arith.constant 0 : i32
      %cond3A_53 = arith.cmpi ne, %convert_element_type3A_51, %cond3A_52 : i32
      scf.if %cond3A_53 {
        %dma_wait3A_104 = arith.constant 0 : i32
        %dma_wait3A_105 = arith.constant 0 : i32
        %dma_wait3A_106 = tpu.memref_slice %arg2[%dma_wait3A_104, %dma_wait3A_105] : memref<10000x128xf32, #tpu.memory_space<hbm>> -> memref<128x128xf32, #tpu.memory_space<hbm>>
        %dma_wait3A_107 = arith.constant 0 : i32
        %dma_wait3A_108 = arith.constant 0 : i32
        %dma_wait3A_109 = tpu.memref_slice %arg2[%dma_wait3A_107, %dma_wait3A_108] : memref<10000x128xf32, #tpu.memory_space<hbm>> -> memref<128x128xf32, #tpu.memory_space<hbm>>
        tpu.wait_dma2 semaphore(%arg17 : memref<!tpu.dma_semaphore, #tpu.memory_space<semaphore_mem>>) src(%dma_wait3A_109 : memref<128x128xf32, #tpu.memory_space<hbm>>) dst(%arg7 : memref<128x128xf32, #tpu.memory_space<vmem>>)
        %dma_wait3A_110 = arith.constant 0 : i32
        %dma_wait3A_111 = arith.constant 0 : i32
        %dma_wait3A_112 = tpu.memref_slice %arg2[%dma_wait3A_110, %dma_wait3A_111] : memref<10000x128xf32, #tpu.memory_space<hbm>> -> memref<128x128xf32, #tpu.memory_space<hbm>>
        %dma_wait3A_113 = arith.constant 0 : i32
        %dma_wait3A_114 = arith.constant 0 : i32
        %dma_wait3A_115 = tpu.memref_slice %arg2[%dma_wait3A_113, %dma_wait3A_114] : memref<10000x128xf32, #tpu.memory_space<hbm>> -> memref<128x128xf32, #tpu.memory_space<hbm>>
        tpu.wait_dma2 semaphore(%arg17 : memref<!tpu.dma_semaphore, #tpu.memory_space<semaphore_mem>>) src(%dma_wait3A_115 : memref<128x128xf32, #tpu.memory_space<hbm>>) dst(%arg9 : memref<128x128xf32, #tpu.memory_space<vmem>>)
      } else {
      }
      %lt3A_54 = arith.constant 800 : i32
      %lt3A_55 = arith.cmpi slt, %add3A_45, %lt3A_54 : i32
      %convert_element_type3A_56 = arith.extui %lt3A_55 : i1 to i32
      %cond3A_57 = arith.constant 0 : i32
      %cond3A_58 = arith.cmpi ne, %convert_element_type3A_56, %cond3A_57 : i32
      scf.if %cond3A_58 {
        %add3A_104 = arith.constant 1600 : i32
        %add3A_105 = arith.addi %add3A_104, %add3A_45 : i32
        %mul3A_106 = arith.constant 128 : i32
        %mul3A_107 = arith.muli %add3A_105, %mul3A_106 : i32
        %dma_start3A_108 = arith.constant 0 : i32
        %dma_start3A_109 = tpu.memref_slice %arg3[%dma_start3A_108, %mul3A_107] : memref<1x320000xi32, #tpu.memory_space<hbm>> -> memref<1x128xi32, #tpu.memory_space<hbm>>
        %dma_start3A_110 = arith.constant 0 : i32
        %dma_start3A_111 = tpu.memref_slice %arg3[%dma_start3A_110, %mul3A_107] : memref<1x320000xi32, #tpu.memory_space<hbm>> -> memref<1x128xi32, #tpu.memory_space<hbm>>
        tpu.enqueue_dma source(%dma_start3A_111 : memref<1x128xi32, #tpu.memory_space<hbm>>) target(%arg11 : memref<1x128xi32, #tpu.memory_space<vmem>>) target_semaphore(%arg15 : memref<!tpu.dma_semaphore, #tpu.memory_space<semaphore_mem>>)
        %add3A_112 = arith.constant 1600 : i32
        %add3A_113 = arith.addi %add3A_112, %add3A_45 : i32
        %mul3A_114 = arith.constant 128 : i32
        %mul3A_115 = arith.muli %add3A_113, %mul3A_114 : i32
        %dma_start3A_116 = arith.constant 0 : i32
        %dma_start3A_117 = tpu.memref_slice %arg4[%dma_start3A_116, %mul3A_115] : memref<1x320000xi32, #tpu.memory_space<hbm>> -> memref<1x128xi32, #tpu.memory_space<hbm>>
        %dma_start3A_118 = arith.constant 0 : i32
        %dma_start3A_119 = tpu.memref_slice %arg4[%dma_start3A_118, %mul3A_115] : memref<1x320000xi32, #tpu.memory_space<hbm>> -> memref<1x128xi32, #tpu.memory_space<hbm>>
        tpu.enqueue_dma source(%dma_start3A_119 : memref<1x128xi32, #tpu.memory_space<hbm>>) target(%arg13 : memref<1x128xi32, #tpu.memory_space<vmem>>) target_semaphore(%arg15 : memref<!tpu.dma_semaphore, #tpu.memory_space<semaphore_mem>>)
      } else {
      }
      %ge3A_59 = arith.constant 1 : i32
      %ge3A_60 = arith.cmpi sge, %add3A_39, %ge3A_59 : i32
      %lt3A_61 = arith.constant 800 : i32
      %lt3A_62 = arith.cmpi slt, %sub3A_43, %lt3A_61 : i32
      %and3A_63 = arith.andi %ge3A_60, %lt3A_62 : i1
      %convert_element_type3A_64 = arith.extui %and3A_63 : i1 to i32
      %cond3A_65 = arith.constant 0 : i32
      %cond3A_66 = arith.cmpi ne, %convert_element_type3A_64, %cond3A_65 : i32
      scf.if %cond3A_66 {
        %scan3A_104 = arith.constant 0 : i32
        %scan3A_105 = arith.constant 128 : i32
        %scan3A_106 = arith.addi %scan3A_104, %scan3A_105 : i32
        %scan3A_107 = arith.constant 1 : i32
        scf.for %scan3A_115 = %scan3A_104 to %scan3A_106 step %scan3A_107  : i32 {
          %mul3A_116 = arith.constant 1 : i32
          %mul3A_117 = arith.muli %scan3A_115, %mul3A_116 : i32
          %add3A_118 = arith.constant 0 : i32
          %add3A_119 = arith.addi %add3A_118, %mul3A_117 : i32
          %scan3A_120 = arith.constant 0 : i32
          %scan3A_121 = arith.constant 8 : i32
          %scan3A_122 = arith.addi %scan3A_120, %scan3A_121 : i32
          %scan3A_123 = arith.constant 1 : i32
          scf.for %scan3A_125 = %scan3A_120 to %scan3A_122 step %scan3A_123  : i32 {
            %mul3A_126 = arith.constant 16 : i32
            %mul3A_127 = arith.muli %scan3A_125, %mul3A_126 : i32
            %add3A_128 = arith.constant 0 : i32
            %add3A_129 = arith.addi %add3A_128, %mul3A_127 : i32
            %get3A = arith.index_cast %add3A_119 : i32 to index
            %get3A_130 = arith.index_cast %add3A_129 : i32 to index
            %get3A_131 = tpu.vector_load %arg7[%get3A, %get3A_130] {strides = array<i32>} : memref<128x128xf32, #tpu.memory_space<vmem>>, vector<1x16xf32>,
            %get3A_132 = vector.shape_cast %get3A_131 : vector<1x16xf32> to vector<1x16xf32>
            %get3A_133 = arith.index_cast %add3A_119 : i32 to index
            %get3A_134 = arith.index_cast %add3A_129 : i32 to index
            %get3A_135 = tpu.vector_load %arg9[%get3A_133, %get3A_134] {strides = array<i32>} : memref<128x128xf32, #tpu.memory_space<vmem>>, vector<1x16xf32>,
            %get3A_136 = vector.shape_cast %get3A_135 : vector<1x16xf32> to vector<1x16xf32>
            %add3A_137 = arith.addf %get3A_132, %get3A_136 : vector<1x16xf32>
            %swap3A = arith.index_cast %add3A_119 : i32 to index
            %swap3A_138 = arith.index_cast %add3A_129 : i32 to index
            %swap3A_139 = tpu.vector_load %arg7[%swap3A, %swap3A_138] {strides = array<i32>} : memref<128x128xf32, #tpu.memory_space<vmem>>, vector<1x16xf32>,
            %swap3A_140 = vector.shape_cast %swap3A_139 : vector<1x16xf32> to vector<1x16xf32>
            %swap3A_141 = vector.shape_cast %add3A_137 : vector<1x16xf32> to vector<1x16xf32>
            tpu.vector_store %arg7[%swap3A, %swap3A_138], %swap3A_141 {strides = array<i32>} : memref<128x128xf32, #tpu.memory_space<vmem>>, vector<1x16xf32>,
          }
          %scan3A_124 = arith.constant 8 : i32
        }
        %scan3A_108 = arith.constant 128 : i32
        %mul3A_109 = arith.constant 128 : i32
        %mul3A_110 = arith.muli %sub3A_43, %mul3A_109 : i32
        %dma_start3A_111 = arith.constant 0 : i32
        %dma_start3A_112 = tpu.memref_slice %arg5[%mul3A_110, %dma_start3A_111] : memref<102400x128xf32, #tpu.memory_space<hbm>> -> memref<128x128xf32, #tpu.memory_space<hbm>>
        %dma_start3A_113 = arith.constant 0 : i32
        %dma_start3A_114 = tpu.memref_slice %arg5[%mul3A_110, %dma_start3A_113] : memref<102400x128xf32, #tpu.memory_space<hbm>> -> memref<128x128xf32, #tpu.memory_space<hbm>>
        tpu.enqueue_dma source(%arg7 : memref<128x128xf32, #tpu.memory_space<vmem>>) target(%dma_start3A_114 : memref<128x128xf32, #tpu.memory_space<hbm>>) target_semaphore(%arg19 : memref<!tpu.dma_semaphore, #tpu.memory_space<semaphore_mem>>)
      } else {
      }
      %mul3A_67 = arith.constant 2 : i32
      %mul3A_68 = arith.muli %add3A_35, %mul3A_67 : i32
      %add3A_69 = arith.constant 1 : i32
      %add3A_70 = arith.addi %mul3A_68, %add3A_69 : i32
      %mul3A_71 = arith.constant 32 : i32
      %mul3A_72 = arith.muli %add3A_70, %mul3A_71 : i32
      %add3A_73 = arith.addi %add3A, %mul3A_72 : i32
      %sub3A_74 = arith.constant 32 : i32
      %sub3A_75 = arith.subi %add3A_73, %sub3A_74 : i32
      %add3A_76 = arith.constant 32 : i32
      %add3A_77 = arith.addi %add3A_73, %add3A_76 : i32
      %lt3A_78 = arith.constant 800 : i32
      %lt3A_79 = arith.cmpi slt, %add3A_73, %lt3A_78 : i32
      %convert_element_type3A_80 = arith.extui %lt3A_79 : i1 to i32
      %cond3A_81 = arith.constant 0 : i32
      %cond3A_82 = arith.cmpi ne, %convert_element_type3A_80, %cond3A_81 : i32
      scf.if %cond3A_82 {
        %ge3A_104 = arith.constant 2 : i32
        %ge3A_105 = arith.cmpi sge, %add3A_70, %ge3A_104 : i32
        %convert_element_type3A_106 = arith.extui %ge3A_105 : i1 to i32
        %cond3A_107 = arith.constant 0 : i32
        %cond3A_108 = arith.cmpi ne, %convert_element_type3A_106, %cond3A_107 : i32
        scf.if %cond3A_108 {
          %dma_wait3A_135 = arith.constant 0 : i32
          %dma_wait3A_136 = arith.constant 0 : i32
          %dma_wait3A_137 = tpu.memref_slice %arg5[%dma_wait3A_135, %dma_wait3A_136] : memref<102400x128xf32, #tpu.memory_space<hbm>> -> memref<128x128xf32, #tpu.memory_space<hbm>>
          %dma_wait3A_138 = arith.constant 0 : i32
          %dma_wait3A_139 = arith.constant 0 : i32
          %dma_wait3A_140 = tpu.memref_slice %arg5[%dma_wait3A_138, %dma_wait3A_139] : memref<102400x128xf32, #tpu.memory_space<hbm>> -> memref<128x128xf32, #tpu.memory_space<hbm>>
          tpu.wait_dma2 semaphore(%arg19 : memref<!tpu.dma_semaphore, #tpu.memory_space<semaphore_mem>>) src(%arg7 : memref<128x128xf32, #tpu.memory_space<vmem>>) dst(%dma_wait3A_140 : memref<128x128xf32, #tpu.memory_space<hbm>>)
        } else {
        }
        %dma_wait3A_109 = arith.constant 0 : i32
        %dma_wait3A_110 = arith.constant 0 : i32
        %dma_wait3A_111 = tpu.memref_slice %arg3[%dma_wait3A_109, %dma_wait3A_110] : memref<1x320000xi32, #tpu.memory_space<hbm>> -> memref<1x128xi32, #tpu.memory_space<hbm>>
        %dma_wait3A_112 = arith.constant 0 : i32
        %dma_wait3A_113 = arith.constant 0 : i32
        %dma_wait3A_114 = tpu.memref_slice %arg3[%dma_wait3A_112, %dma_wait3A_113] : memref<1x320000xi32, #tpu.memory_space<hbm>> -> memref<1x128xi32, #tpu.memory_space<hbm>>
        tpu.wait_dma2 semaphore(%arg15 : memref<!tpu.dma_semaphore, #tpu.memory_space<semaphore_mem>>) src(%dma_wait3A_114 : memref<1x128xi32, #tpu.memory_space<hbm>>) dst(%arg11 : memref<1x128xi32, #tpu.memory_space<vmem>>)
        %dma_wait3A_115 = arith.constant 0 : i32
        %dma_wait3A_116 = arith.constant 0 : i32
        %dma_wait3A_117 = tpu.memref_slice %arg4[%dma_wait3A_115, %dma_wait3A_116] : memref<1x320000xi32, #tpu.memory_space<hbm>> -> memref<1x128xi32, #tpu.memory_space<hbm>>
        %dma_wait3A_118 = arith.constant 0 : i32
        %dma_wait3A_119 = arith.constant 0 : i32
        %dma_wait3A_120 = tpu.memref_slice %arg4[%dma_wait3A_118, %dma_wait3A_119] : memref<1x320000xi32, #tpu.memory_space<hbm>> -> memref<1x128xi32, #tpu.memory_space<hbm>>
        tpu.wait_dma2 semaphore(%arg15 : memref<!tpu.dma_semaphore, #tpu.memory_space<semaphore_mem>>) src(%dma_wait3A_120 : memref<1x128xi32, #tpu.memory_space<hbm>>) dst(%arg13 : memref<1x128xi32, #tpu.memory_space<vmem>>)
        %dma_start3A_121 = arith.constant 0 : i32
        %dma_start3A_122 = arith.constant 0 : i32
        %dma_start3A_123 = tpu.memref_slice %arg11[%dma_start3A_121, %dma_start3A_122] : memref<1x128xi32, #tpu.memory_space<vmem>> -> memref<1x128xi32, #tpu.memory_space<vmem>>
        %dma_start3A_124 = tpu.memref_squeeze %dma_start3A_123 : memref<1x128xi32, #tpu.memory_space<vmem>> -> memref<128xi32, #tpu.memory_space<vmem>>
        %dma_start3A_125 = arith.constant 0 : i32
        %dma_start3A_126 = arith.constant 0 : i32
        %dma_start3A_127 = tpu.memref_slice %arg2[%dma_start3A_125, %dma_start3A_126] : memref<10000x128xf32, #tpu.memory_space<hbm>> -> memref<10000x128xf32, #tpu.memory_space<hbm>>
        tpu.enqueue_indirect_dma source(%dma_start3A_127 : memref<10000x128xf32, #tpu.memory_space<hbm>>) target(%arg7 : memref<128x128xf32, #tpu.memory_space<vmem>>) offsets(%dma_start3A_124 : memref<128xi32, #tpu.memory_space<vmem>>) semaphore(%arg17 : memref<!tpu.dma_semaphore, #tpu.memory_space<semaphore_mem>>)
        %dma_start3A_128 = arith.constant 0 : i32
        %dma_start3A_129 = arith.constant 0 : i32
        %dma_start3A_130 = tpu.memref_slice %arg13[%dma_start3A_128, %dma_start3A_129] : memref<1x128xi32, #tpu.memory_space<vmem>> -> memref<1x128xi32, #tpu.memory_space<vmem>>
        %dma_start3A_131 = tpu.memref_squeeze %dma_start3A_130 : memref<1x128xi32, #tpu.memory_space<vmem>> -> memref<128xi32, #tpu.memory_space<vmem>>
        %dma_start3A_132 = arith.constant 0 : i32
        %dma_start3A_133 = arith.constant 0 : i32
        %dma_start3A_134 = tpu.memref_slice %arg2[%dma_start3A_132, %dma_start3A_133] : memref<10000x128xf32, #tpu.memory_space<hbm>> -> memref<10000x128xf32, #tpu.memory_space<hbm>>
        tpu.enqueue_indirect_dma source(%dma_start3A_134 : memref<10000x128xf32, #tpu.memory_space<hbm>>) target(%arg9 : memref<128x128xf32, #tpu.memory_space<vmem>>) offsets(%dma_start3A_131 : memref<128xi32, #tpu.memory_space<vmem>>) semaphore(%arg17 : memref<!tpu.dma_semaphore, #tpu.memory_space<semaphore_mem>>)
      } else {
      }
      %ge3A_83 = arith.constant 1 : i32
      %ge3A_84 = arith.cmpi sge, %add3A_70, %ge3A_83 : i32
      %lt3A_85 = arith.constant 800 : i32
      %lt3A_86 = arith.cmpi slt, %sub3A_75, %lt3A_85 : i32
      %and3A_87 = arith.andi %ge3A_84, %lt3A_86 : i1
      %convert_element_type3A_88 = arith.extui %and3A_87 : i1 to i32
      %cond3A_89 = arith.constant 0 : i32
      %cond3A_90 = arith.cmpi ne, %convert_element_type3A_88, %cond3A_89 : i32
      scf.if %cond3A_90 {
        %dma_wait3A_104 = arith.constant 0 : i32
        %dma_wait3A_105 = arith.constant 0 : i32
        %dma_wait3A_106 = tpu.memref_slice %arg2[%dma_wait3A_104, %dma_wait3A_105] : memref<10000x128xf32, #tpu.memory_space<hbm>> -> memref<128x128xf32, #tpu.memory_space<hbm>>
        %dma_wait3A_107 = arith.constant 0 : i32
        %dma_wait3A_108 = arith.constant 0 : i32
        %dma_wait3A_109 = tpu.memref_slice %arg2[%dma_wait3A_107, %dma_wait3A_108] : memref<10000x128xf32, #tpu.memory_space<hbm>> -> memref<128x128xf32, #tpu.memory_space<hbm>>
        tpu.wait_dma2 semaphore(%arg16 : memref<!tpu.dma_semaphore, #tpu.memory_space<semaphore_mem>>) src(%dma_wait3A_109 : memref<128x128xf32, #tpu.memory_space<hbm>>) dst(%arg6 : memref<128x128xf32, #tpu.memory_space<vmem>>)
        %dma_wait3A_110 = arith.constant 0 : i32
        %dma_wait3A_111 = arith.constant 0 : i32
        %dma_wait3A_112 = tpu.memref_slice %arg2[%dma_wait3A_110, %dma_wait3A_111] : memref<10000x128xf32, #tpu.memory_space<hbm>> -> memref<128x128xf32, #tpu.memory_space<hbm>>
        %dma_wait3A_113 = arith.constant 0 : i32
        %dma_wait3A_114 = arith.constant 0 : i32
        %dma_wait3A_115 = tpu.memref_slice %arg2[%dma_wait3A_113, %dma_wait3A_114] : memref<10000x128xf32, #tpu.memory_space<hbm>> -> memref<128x128xf32, #tpu.memory_space<hbm>>
        tpu.wait_dma2 semaphore(%arg16 : memref<!tpu.dma_semaphore, #tpu.memory_space<semaphore_mem>>) src(%dma_wait3A_115 : memref<128x128xf32, #tpu.memory_space<hbm>>) dst(%arg8 : memref<128x128xf32, #tpu.memory_space<vmem>>)
      } else {
      }
      %lt3A_91 = arith.constant 800 : i32
      %lt3A_92 = arith.cmpi slt, %add3A_77, %lt3A_91 : i32
      %convert_element_type3A_93 = arith.extui %lt3A_92 : i1 to i32
      %cond3A_94 = arith.constant 0 : i32
      %cond3A_95 = arith.cmpi ne, %convert_element_type3A_93, %cond3A_94 : i32
      scf.if %cond3A_95 {
        %add3A_104 = arith.constant 1600 : i32
        %add3A_105 = arith.addi %add3A_104, %add3A_77 : i32
        %mul3A_106 = arith.constant 128 : i32
        %mul3A_107 = arith.muli %add3A_105, %mul3A_106 : i32
        %dma_start3A_108 = arith.constant 0 : i32
        %dma_start3A_109 = tpu.memref_slice %arg3[%dma_start3A_108, %mul3A_107] : memref<1x320000xi32, #tpu.memory_space<hbm>> -> memref<1x128xi32, #tpu.memory_space<hbm>>
        %dma_start3A_110 = arith.constant 0 : i32
        %dma_start3A_111 = tpu.memref_slice %arg3[%dma_start3A_110, %mul3A_107] : memref<1x320000xi32, #tpu.memory_space<hbm>> -> memref<1x128xi32, #tpu.memory_space<hbm>>
        tpu.enqueue_dma source(%dma_start3A_111 : memref<1x128xi32, #tpu.memory_space<hbm>>) target(%arg10 : memref<1x128xi32, #tpu.memory_space<vmem>>) target_semaphore(%arg14 : memref<!tpu.dma_semaphore, #tpu.memory_space<semaphore_mem>>)
        %add3A_112 = arith.constant 1600 : i32
        %add3A_113 = arith.addi %add3A_112, %add3A_77 : i32
        %mul3A_114 = arith.constant 128 : i32
        %mul3A_115 = arith.muli %add3A_113, %mul3A_114 : i32
        %dma_start3A_116 = arith.constant 0 : i32
        %dma_start3A_117 = tpu.memref_slice %arg4[%dma_start3A_116, %mul3A_115] : memref<1x320000xi32, #tpu.memory_space<hbm>> -> memref<1x128xi32, #tpu.memory_space<hbm>>
        %dma_start3A_118 = arith.constant 0 : i32
        %dma_start3A_119 = tpu.memref_slice %arg4[%dma_start3A_118, %mul3A_115] : memref<1x320000xi32, #tpu.memory_space<hbm>> -> memref<1x128xi32, #tpu.memory_space<hbm>>
        tpu.enqueue_dma source(%dma_start3A_119 : memref<1x128xi32, #tpu.memory_space<hbm>>) target(%arg12 : memref<1x128xi32, #tpu.memory_space<vmem>>) target_semaphore(%arg14 : memref<!tpu.dma_semaphore, #tpu.memory_space<semaphore_mem>>)
      } else {
      }
      %ge3A_96 = arith.constant 1 : i32
      %ge3A_97 = arith.cmpi sge, %add3A_70, %ge3A_96 : i32
      %lt3A_98 = arith.constant 800 : i32
      %lt3A_99 = arith.cmpi slt, %sub3A_75, %lt3A_98 : i32
      %and3A_100 = arith.andi %ge3A_97, %lt3A_99 : i1
      %convert_element_type3A_101 = arith.extui %and3A_100 : i1 to i32
      %cond3A_102 = arith.constant 0 : i32
      %cond3A_103 = arith.cmpi ne, %convert_element_type3A_101, %cond3A_102 : i32
      scf.if %cond3A_103 {
        %scan3A_104 = arith.constant 0 : i32
        %scan3A_105 = arith.constant 128 : i32
        %scan3A_106 = arith.addi %scan3A_104, %scan3A_105 : i32
        %scan3A_107 = arith.constant 1 : i32
        scf.for %scan3A_115 = %scan3A_104 to %scan3A_106 step %scan3A_107  : i32 {
          %mul3A_116 = arith.constant 1 : i32
          %mul3A_117 = arith.muli %scan3A_115, %mul3A_116 : i32
          %add3A_118 = arith.constant 0 : i32
          %add3A_119 = arith.addi %add3A_118, %mul3A_117 : i32
          %scan3A_120 = arith.constant 0 : i32
          %scan3A_121 = arith.constant 8 : i32
          %scan3A_122 = arith.addi %scan3A_120, %scan3A_121 : i32
          %scan3A_123 = arith.constant 1 : i32
          scf.for %scan3A_125 = %scan3A_120 to %scan3A_122 step %scan3A_123  : i32 {
            %mul3A_126 = arith.constant 16 : i32
            %mul3A_127 = arith.muli %scan3A_125, %mul3A_126 : i32
            %add3A_128 = arith.constant 0 : i32
            %add3A_129 = arith.addi %add3A_128, %mul3A_127 : i32
            %get3A = arith.index_cast %add3A_119 : i32 to index
            %get3A_130 = arith.index_cast %add3A_129 : i32 to index
            %get3A_131 = tpu.vector_load %arg6[%get3A, %get3A_130] {strides = array<i32>} : memref<128x128xf32, #tpu.memory_space<vmem>>, vector<1x16xf32>,
            %get3A_132 = vector.shape_cast %get3A_131 : vector<1x16xf32> to vector<1x16xf32>
            %get3A_133 = arith.index_cast %add3A_119 : i32 to index
            %get3A_134 = arith.index_cast %add3A_129 : i32 to index
            %get3A_135 = tpu.vector_load %arg8[%get3A_133, %get3A_134] {strides = array<i32>} : memref<128x128xf32, #tpu.memory_space<vmem>>, vector<1x16xf32>,
            %get3A_136 = vector.shape_cast %get3A_135 : vector<1x16xf32> to vector<1x16xf32>
            %add3A_137 = arith.addf %get3A_132, %get3A_136 : vector<1x16xf32>
            %swap3A = arith.index_cast %add3A_119 : i32 to index
            %swap3A_138 = arith.index_cast %add3A_129 : i32 to index
            %swap3A_139 = tpu.vector_load %arg6[%swap3A, %swap3A_138] {strides = array<i32>} : memref<128x128xf32, #tpu.memory_space<vmem>>, vector<1x16xf32>,
            %swap3A_140 = vector.shape_cast %swap3A_139 : vector<1x16xf32> to vector<1x16xf32>
            %swap3A_141 = vector.shape_cast %add3A_137 : vector<1x16xf32> to vector<1x16xf32>
            tpu.vector_store %arg6[%swap3A, %swap3A_138], %swap3A_141 {strides = array<i32>} : memref<128x128xf32, #tpu.memory_space<vmem>>, vector<1x16xf32>,
          }
          %scan3A_124 = arith.constant 8 : i32
        }
        %scan3A_108 = arith.constant 128 : i32
        %mul3A_109 = arith.constant 128 : i32
        %mul3A_110 = arith.muli %sub3A_75, %mul3A_109 : i32
        %dma_start3A_111 = arith.constant 0 : i32
        %dma_start3A_112 = tpu.memref_slice %arg5[%mul3A_110, %dma_start3A_111] : memref<102400x128xf32, #tpu.memory_space<hbm>> -> memref<128x128xf32, #tpu.memory_space<hbm>>
        %dma_start3A_113 = arith.constant 0 : i32
        %dma_start3A_114 = tpu.memref_slice %arg5[%mul3A_110, %dma_start3A_113] : memref<102400x128xf32, #tpu.memory_space<hbm>> -> memref<128x128xf32, #tpu.memory_space<hbm>>
        tpu.enqueue_dma source(%arg6 : memref<128x128xf32, #tpu.memory_space<vmem>>) target(%dma_start3A_114 : memref<128x128xf32, #tpu.memory_space<hbm>>) target_semaphore(%arg18 : memref<!tpu.dma_semaphore, #tpu.memory_space<semaphore_mem>>)
      } else {
      }
    }
    %scan3A_19 = arith.constant 13 : i32
    %dma_wait3A = arith.constant 0 : i32
    %dma_wait3A_20 = arith.constant 0 : i32
    %dma_wait3A_21 = tpu.memref_slice %arg5[%dma_wait3A, %dma_wait3A_20] : memref<102400x128xf32, #tpu.memory_space<hbm>> -> memref<128x128xf32, #tpu.memory_space<hbm>>
    %dma_wait3A_22 = arith.constant 0 : i32
    %dma_wait3A_23 = arith.constant 0 : i32
    %dma_wait3A_24 = tpu.memref_slice %arg5[%dma_wait3A_22, %dma_wait3A_23] : memref<102400x128xf32, #tpu.memory_space<hbm>> -> memref<128x128xf32, #tpu.memory_space<hbm>>
    tpu.wait_dma2 semaphore(%arg18 : memref<!tpu.dma_semaphore, #tpu.memory_space<semaphore_mem>>) src(%arg6 : memref<128x128xf32, #tpu.memory_space<vmem>>) dst(%dma_wait3A_24 : memref<128x128xf32, #tpu.memory_space<hbm>>)
    %dma_wait3A_25 = arith.constant 0 : i32
    %dma_wait3A_26 = arith.constant 0 : i32
    %dma_wait3A_27 = tpu.memref_slice %arg5[%dma_wait3A_25, %dma_wait3A_26] : memref<102400x128xf32, #tpu.memory_space<hbm>> -> memref<128x128xf32, #tpu.memory_space<hbm>>
    %dma_wait3A_28 = arith.constant 0 : i32
    %dma_wait3A_29 = arith.constant 0 : i32
    %dma_wait3A_30 = tpu.memref_slice %arg5[%dma_wait3A_28, %dma_wait3A_29] : memref<102400x128xf32, #tpu.memory_space<hbm>> -> memref<128x128xf32, #tpu.memory_space<hbm>>
    tpu.wait_dma2 semaphore(%arg19 : memref<!tpu.dma_semaphore, #tpu.memory_space<semaphore_mem>>) src(%arg7 : memref<128x128xf32, #tpu.memory_space<vmem>>) dst(%dma_wait3A_30 : memref<128x128xf32, #tpu.memory_space<hbm>>)
    return
  }
}

#map = affine_map<(d0, d1) -> (0, 0)>
module attributes {stable_mosaic.version = 14 : i64} {
  func.func @gather_kernel(%arg0: i32, %arg1: i32, %arg2: memref<10000x128xf32, #tpu.memory_space<hbm>>, %arg3: memref<1x320000xi32, #tpu.memory_space<hbm>>, %arg4: memref<1x320000xi32, #tpu.memory_space<hbm>>, %arg5: memref<102400x128xf32, #tpu.memory_space<hbm>>, %arg6: memref<128x128xf32, #tpu.memory_space<vmem>>, %arg7: memref<128x128xf32, #tpu.memory_space<vmem>>, %arg8: memref<128x128xf32, #tpu.memory_space<vmem>>, %arg9: memref<128x128xf32, #tpu.memory_space<vmem>>, %arg10: memref<1x128xi32, #tpu.memory_space<vmem>>, %arg11: memref<1x128xi32, #tpu.memory_space<vmem>>, %arg12: memref<1x128xi32, #tpu.memory_space<vmem>>, %arg13: memref<1x128xi32, #tpu.memory_space<vmem>>, %arg14: memref<!tpu.dma_semaphore, #tpu.memory_space<semaphore_mem>>, %arg15: memref<!tpu.dma_semaphore, #tpu.memory_space<semaphore_mem>>, %arg16: memref<!tpu.dma_semaphore, #tpu.memory_space<semaphore_mem>>, %arg17: memref<!tpu.dma_semaphore, #tpu.memory_space<semaphore_mem>>, %arg18: memref<!tpu.dma_semaphore, #tpu.memory_space<semaphore_mem>>, %arg19: memref<!tpu.dma_semaphore, #tpu.memory_space<semaphore_mem>>) attributes {dimension_semantics = [#tpu.dimension_semantics<core_parallel>, #tpu.dimension_semantics<subcore_parallel>], iteration_bounds = array<i64: 2, 16>, scalar_prefetch = 0 : i64, scratch_operands = 14 : i64, tpu.core_type = #tpu.core_type<sc_vector_subcore>, window_params = [{transform_indices = #map}, {transform_indices = #map}, {transform_indices = #map}, {transform_indices = #map}]} {
    %mul3A = arith.constant 2 : i32
    %mul3A_0 = arith.muli %arg1, %mul3A : i32
    %add3A = arith.addi %mul3A_0, %arg0 : i32
    %add3A_1 = arith.constant 0 : i32
    %add3A_2 = arith.addi %add3A_1, %add3A : i32
    %mul3A_3 = arith.constant 128 : i32
    %mul3A_4 = arith.muli %add3A_2, %mul3A_3 : i32
    %dma_start3A = arith.constant 0 : i32
    %dma_start3A_5 = tpu.memref_slice %arg3[%dma_start3A, %mul3A_4] : memref<1x320000xi32, #tpu.memory_space<hbm>> -> memref<1x128xi32, #tpu.memory_space<hbm>>
    %dma_start3A_6 = arith.constant 0 : i32
    %dma_start3A_7 = tpu.memref_slice %arg3[%dma_start3A_6, %mul3A_4] : memref<1x320000xi32, #tpu.memory_space<hbm>> -> memref<1x128xi32, #tpu.memory_space<hbm>>
    tpu.enqueue_dma source(%dma_start3A_7 : memref<1x128xi32, #tpu.memory_space<hbm>>) target(%arg10 : memref<1x128xi32, #tpu.memory_space<vmem>>) target_semaphore(%arg14 : memref<!tpu.dma_semaphore, #tpu.memory_space<semaphore_mem>>)
    %add3A_8 = arith.constant 0 : i32
    %add3A_9 = arith.addi %add3A_8, %add3A : i32
    %mul3A_10 = arith.constant 128 : i32
    %mul3A_11 = arith.muli %add3A_9, %mul3A_10 : i32
    %dma_start3A_12 = arith.constant 0 : i32
    %dma_start3A_13 = tpu.memref_slice %arg4[%dma_start3A_12, %mul3A_11] : memref<1x320000xi32, #tpu.memory_space<hbm>> -> memref<1x128xi32, #tpu.memory_space<hbm>>
    %dma_start3A_14 = arith.constant 0 : i32
    %dma_start3A_15 = tpu.memref_slice %arg4[%dma_start3A_14, %mul3A_11] : memref<1x320000xi32, #tpu.memory_space<hbm>> -> memref<1x128xi32, #tpu.memory_space<hbm>>
    tpu.enqueue_dma source(%dma_start3A_15 : memref<1x128xi32, #tpu.memory_space<hbm>>) target(%arg12 : memref<1x128xi32, #tpu.memory_space<vmem>>) target_semaphore(%arg14 : memref<!tpu.dma_semaphore, #tpu.memory_space<semaphore_mem>>)
    %scan3A = arith.constant 0 : i32
    %scan3A_16 = arith.constant 13 : i32
    %scan3A_17 = arith.addi %scan3A, %scan3A_16 : i32
    %scan3A_18 = arith.constant 1 : i32
    scf.for %scan3A_31 = %scan3A to %scan3A_17 step %scan3A_18  : i32 {
      %mul3A_32 = arith.constant 1 : i32
      %mul3A_33 = arith.muli %scan3A_31, %mul3A_32 : i32
      %add3A_34 = arith.constant 0 : i32
      %add3A_35 = arith.addi %add3A_34, %mul3A_33 : i32
      %mul3A_36 = arith.constant 2 : i32
      %mul3A_37 = arith.muli %add3A_35, %mul3A_36 : i32
      %add3A_38 = arith.constant 0 : i32
      %add3A_39 = arith.addi %mul3A_37, %add3A_38 : i32
      %mul3A_40 = arith.constant 32 : i32
      %mul3A_41 = arith.muli %add3A_39, %mul3A_40 : i32
      %add3A_42 = arith.addi %add3A, %mul3A_41 : i32
      %sub3A = arith.constant 32 : i32
      %sub3A_43 = arith.subi %add3A_42, %sub3A : i32
      %add3A_44 = arith.constant 32 : i32
      %add3A_45 = arith.addi %add3A_42, %add3A_44 : i32
      %lt3A = arith.constant 800 : i32
      %lt3A_46 = arith.cmpi slt, %add3A_42, %lt3A : i32
      %convert_element_type3A = arith.extui %lt3A_46 : i1 to i32
      %cond3A = arith.constant 0 : i32
      %cond3A_47 = arith.cmpi ne, %convert_element_type3A, %cond3A : i32
      scf.if %cond3A_47 {
        %ge3A_104 = arith.constant 2 : i32
        %ge3A_105 = arith.cmpi sge, %add3A_39, %ge3A_104 : i32
        %convert_element_type3A_106 = arith.extui %ge3A_105 : i1 to i32
        %cond3A_107 = arith.constant 0 : i32
        %cond3A_108 = arith.cmpi ne, %convert_element_type3A_106, %cond3A_107 : i32
        scf.if %cond3A_108 {
          %dma_wait3A_135 = arith.constant 0 : i32
          %dma_wait3A_136 = arith.constant 0 : i32
          %dma_wait3A_137 = tpu.memref_slice %arg5[%dma_wait3A_135, %dma_wait3A_136] : memref<102400x128xf32, #tpu.memory_space<hbm>> -> memref<128x128xf32, #tpu.memory_space<hbm>>
          %dma_wait3A_138 = arith.constant 0 : i32
          %dma_wait3A_139 = arith.constant 0 : i32
          %dma_wait3A_140 = tpu.memref_slice %arg5[%dma_wait3A_138, %dma_wait3A_139] : memref<102400x128xf32, #tpu.memory_space<hbm>> -> memref<128x128xf32, #tpu.memory_space<hbm>>
          tpu.wait_dma2 semaphore(%arg18 : memref<!tpu.dma_semaphore, #tpu.memory_space<semaphore_mem>>) src(%arg6 : memref<128x128xf32, #tpu.memory_space<vmem>>) dst(%dma_wait3A_140 : memref<128x128xf32, #tpu.memory_space<hbm>>)
        } else {
        }
        %dma_wait3A_109 = arith.constant 0 : i32
        %dma_wait3A_110 = arith.constant 0 : i32
        %dma_wait3A_111 = tpu.memref_slice %arg3[%dma_wait3A_109, %dma_wait3A_110] : memref<1x320000xi32, #tpu.memory_space<hbm>> -> memref<1x128xi32, #tpu.memory_space<hbm>>
        %dma_wait3A_112 = arith.constant 0 : i32
        %dma_wait3A_113 = arith.constant 0 : i32
        %dma_wait3A_114 = tpu.memref_slice %arg3[%dma_wait3A_112, %dma_wait3A_113] : memref<1x320000xi32, #tpu.memory_space<hbm>> -> memref<1x128xi32, #tpu.memory_space<hbm>>
        tpu.wait_dma2 semaphore(%arg14 : memref<!tpu.dma_semaphore, #tpu.memory_space<semaphore_mem>>) src(%dma_wait3A_114 : memref<1x128xi32, #tpu.memory_space<hbm>>) dst(%arg10 : memref<1x128xi32, #tpu.memory_space<vmem>>)
        %dma_wait3A_115 = arith.constant 0 : i32
        %dma_wait3A_116 = arith.constant 0 : i32
        %dma_wait3A_117 = tpu.memref_slice %arg4[%dma_wait3A_115, %dma_wait3A_116] : memref<1x320000xi32, #tpu.memory_space<hbm>> -> memref<1x128xi32, #tpu.memory_space<hbm>>
        %dma_wait3A_118 = arith.constant 0 : i32
        %dma_wait3A_119 = arith.constant 0 : i32
        %dma_wait3A_120 = tpu.memref_slice %arg4[%dma_wait3A_118, %dma_wait3A_119] : memref<1x320000xi32, #tpu.memory_space<hbm>> -> memref<1x128xi32, #tpu.memory_space<hbm>>
        tpu.wait_dma2 semaphore(%arg14 : memref<!tpu.dma_semaphore, #tpu.memory_space<semaphore_mem>>) src(%dma_wait3A_120 : memref<1x128xi32, #tpu.memory_space<hbm>>) dst(%arg12 : memref<1x128xi32, #tpu.memory_space<vmem>>)
        %dma_start3A_121 = arith.constant 0 : i32
        %dma_start3A_122 = arith.constant 0 : i32
        %dma_start3A_123 = tpu.memref_slice %arg10[%dma_start3A_121, %dma_start3A_122] : memref<1x128xi32, #tpu.memory_space<vmem>> -> memref<1x128xi32, #tpu.memory_space<vmem>>
        %dma_start3A_124 = tpu.memref_squeeze %dma_start3A_123 : memref<1x128xi32, #tpu.memory_space<vmem>> -> memref<128xi32, #tpu.memory_space<vmem>>
        %dma_start3A_125 = arith.constant 0 : i32
        %dma_start3A_126 = arith.constant 0 : i32
        %dma_start3A_127 = tpu.memref_slice %arg2[%dma_start3A_125, %dma_start3A_126] : memref<10000x128xf32, #tpu.memory_space<hbm>> -> memref<10000x128xf32, #tpu.memory_space<hbm>>
        tpu.enqueue_indirect_dma source(%dma_start3A_127 : memref<10000x128xf32, #tpu.memory_space<hbm>>) target(%arg6 : memref<128x128xf32, #tpu.memory_space<vmem>>) offsets(%dma_start3A_124 : memref<128xi32, #tpu.memory_space<vmem>>) semaphore(%arg16 : memref<!tpu.dma_semaphore, #tpu.memory_space<semaphore_mem>>)
        %dma_start3A_128 = arith.constant 0 : i32
        %dma_start3A_129 = arith.constant 0 : i32
        %dma_start3A_130 = tpu.memref_slice %arg12[%dma_start3A_128, %dma_start3A_129] : memref<1x128xi32, #tpu.memory_space<vmem>> -> memref<1x128xi32, #tpu.memory_space<vmem>>
        %dma_start3A_131 = tpu.memref_squeeze %dma_start3A_130 : memref<1x128xi32, #tpu.memory_space<vmem>> -> memref<128xi32, #tpu.memory_space<vmem>>
        %dma_start3A_132 = arith.constant 0 : i32
        %dma_start3A_133 = arith.constant 0 : i32
        %dma_start3A_134 = tpu.memref_slice %arg2[%dma_start3A_132, %dma_start3A_133] : memref<10000x128xf32, #tpu.memory_space<hbm>> -> memref<10000x128xf32, #tpu.memory_space<hbm>>
        tpu.enqueue_indirect_dma source(%dma_start3A_134 : memref<10000x128xf32, #tpu.memory_space<hbm>>) target(%arg8 : memref<128x128xf32, #tpu.memory_space<vmem>>) offsets(%dma_start3A_131 : memref<128xi32, #tpu.memory_space<vmem>>) semaphore(%arg16 : memref<!tpu.dma_semaphore, #tpu.memory_space<semaphore_mem>>)
      } else {
      }
      %ge3A = arith.constant 1 : i32
      %ge3A_48 = arith.cmpi sge, %add3A_39, %ge3A : i32
      %lt3A_49 = arith.constant 800 : i32
      %lt3A_50 = arith.cmpi slt, %sub3A_43, %lt3A_49 : i32
      %and3A = arith.andi %ge3A_48, %lt3A_50 : i1
      %convert_element_type3A_51 = arith.extui %and3A : i1 to i32
      %cond3A_52 = arith.constant 0 : i32
      %cond3A_53 = arith.cmpi ne, %convert_element_type3A_51, %cond3A_52 : i32
      scf.if %cond3A_53 {
        %dma_wait3A_104 = arith.constant 0 : i32
        %dma_wait3A_105 = arith.constant 0 : i32
        %dma_wait3A_106 = tpu.memref_slice %arg2[%dma_wait3A_104, %dma_wait3A_105] : memref<10000x128xf32, #tpu.memory_space<hbm>> -> memref<128x128xf32, #tpu.memory_space<hbm>>
        %dma_wait3A_107 = arith.constant 0 : i32
        %dma_wait3A_108 = arith.constant 0 : i32
        %dma_wait3A_109 = tpu.memref_slice %arg2[%dma_wait3A_107, %dma_wait3A_108] : memref<10000x128xf32, #tpu.memory_space<hbm>> -> memref<128x128xf32, #tpu.memory_space<hbm>>
        tpu.wait_dma2 semaphore(%arg17 : memref<!tpu.dma_semaphore, #tpu.memory_space<semaphore_mem>>) src(%dma_wait3A_109 : memref<128x128xf32, #tpu.memory_space<hbm>>) dst(%arg7 : memref<128x128xf32, #tpu.memory_space<vmem>>)
        %dma_wait3A_110 = arith.constant 0 : i32
        %dma_wait3A_111 = arith.constant 0 : i32
        %dma_wait3A_112 = tpu.memref_slice %arg2[%dma_wait3A_110, %dma_wait3A_111] : memref<10000x128xf32, #tpu.memory_space<hbm>> -> memref<128x128xf32, #tpu.memory_space<hbm>>
        %dma_wait3A_113 = arith.constant 0 : i32
        %dma_wait3A_114 = arith.constant 0 : i32
        %dma_wait3A_115 = tpu.memref_slice %arg2[%dma_wait3A_113, %dma_wait3A_114] : memref<10000x128xf32, #tpu.memory_space<hbm>> -> memref<128x128xf32, #tpu.memory_space<hbm>>
        tpu.wait_dma2 semaphore(%arg17 : memref<!tpu.dma_semaphore, #tpu.memory_space<semaphore_mem>>) src(%dma_wait3A_115 : memref<128x128xf32, #tpu.memory_space<hbm>>) dst(%arg9 : memref<128x128xf32, #tpu.memory_space<vmem>>)
      } else {
      }
      %lt3A_54 = arith.constant 800 : i32
      %lt3A_55 = arith.cmpi slt, %add3A_45, %lt3A_54 : i32
      %convert_element_type3A_56 = arith.extui %lt3A_55 : i1 to i32
      %cond3A_57 = arith.constant 0 : i32
      %cond3A_58 = arith.cmpi ne, %convert_element_type3A_56, %cond3A_57 : i32
      scf.if %cond3A_58 {
        %add3A_104 = arith.constant 0 : i32
        %add3A_105 = arith.addi %add3A_104, %add3A_45 : i32
        %mul3A_106 = arith.constant 128 : i32
        %mul3A_107 = arith.muli %add3A_105, %mul3A_106 : i32
        %dma_start3A_108 = arith.constant 0 : i32
        %dma_start3A_109 = tpu.memref_slice %arg3[%dma_start3A_108, %mul3A_107] : memref<1x320000xi32, #tpu.memory_space<hbm>> -> memref<1x128xi32, #tpu.memory_space<hbm>>
        %dma_start3A_110 = arith.constant 0 : i32
        %dma_start3A_111 = tpu.memref_slice %arg3[%dma_start3A_110, %mul3A_107] : memref<1x320000xi32, #tpu.memory_space<hbm>> -> memref<1x128xi32, #tpu.memory_space<hbm>>
        tpu.enqueue_dma source(%dma_start3A_111 : memref<1x128xi32, #tpu.memory_space<hbm>>) target(%arg11 : memref<1x128xi32, #tpu.memory_space<vmem>>) target_semaphore(%arg15 : memref<!tpu.dma_semaphore, #tpu.memory_space<semaphore_mem>>)
        %add3A_112 = arith.constant 0 : i32
        %add3A_113 = arith.addi %add3A_112, %add3A_45 : i32
        %mul3A_114 = arith.constant 128 : i32
        %mul3A_115 = arith.muli %add3A_113, %mul3A_114 : i32
        %dma_start3A_116 = arith.constant 0 : i32
        %dma_start3A_117 = tpu.memref_slice %arg4[%dma_start3A_116, %mul3A_115] : memref<1x320000xi32, #tpu.memory_space<hbm>> -> memref<1x128xi32, #tpu.memory_space<hbm>>
        %dma_start3A_118 = arith.constant 0 : i32
        %dma_start3A_119 = tpu.memref_slice %arg4[%dma_start3A_118, %mul3A_115] : memref<1x320000xi32, #tpu.memory_space<hbm>> -> memref<1x128xi32, #tpu.memory_space<hbm>>
        tpu.enqueue_dma source(%dma_start3A_119 : memref<1x128xi32, #tpu.memory_space<hbm>>) target(%arg13 : memref<1x128xi32, #tpu.memory_space<vmem>>) target_semaphore(%arg15 : memref<!tpu.dma_semaphore, #tpu.memory_space<semaphore_mem>>)
      } else {
      }
      %ge3A_59 = arith.constant 1 : i32
      %ge3A_60 = arith.cmpi sge, %add3A_39, %ge3A_59 : i32
      %lt3A_61 = arith.constant 800 : i32
      %lt3A_62 = arith.cmpi slt, %sub3A_43, %lt3A_61 : i32
      %and3A_63 = arith.andi %ge3A_60, %lt3A_62 : i1
      %convert_element_type3A_64 = arith.extui %and3A_63 : i1 to i32
      %cond3A_65 = arith.constant 0 : i32
      %cond3A_66 = arith.cmpi ne, %convert_element_type3A_64, %cond3A_65 : i32
      scf.if %cond3A_66 {
        %scan3A_104 = arith.constant 0 : i32
        %scan3A_105 = arith.constant 128 : i32
        %scan3A_106 = arith.addi %scan3A_104, %scan3A_105 : i32
        %scan3A_107 = arith.constant 1 : i32
        scf.for %scan3A_115 = %scan3A_104 to %scan3A_106 step %scan3A_107  : i32 {
          %mul3A_116 = arith.constant 1 : i32
          %mul3A_117 = arith.muli %scan3A_115, %mul3A_116 : i32
          %add3A_118 = arith.constant 0 : i32
          %add3A_119 = arith.addi %add3A_118, %mul3A_117 : i32
          %scan3A_120 = arith.constant 0 : i32
          %scan3A_121 = arith.constant 8 : i32
          %scan3A_122 = arith.addi %scan3A_120, %scan3A_121 : i32
          %scan3A_123 = arith.constant 1 : i32
          scf.for %scan3A_125 = %scan3A_120 to %scan3A_122 step %scan3A_123  : i32 {
            %mul3A_126 = arith.constant 16 : i32
            %mul3A_127 = arith.muli %scan3A_125, %mul3A_126 : i32
            %add3A_128 = arith.constant 0 : i32
            %add3A_129 = arith.addi %add3A_128, %mul3A_127 : i32
            %get3A = arith.index_cast %add3A_119 : i32 to index
            %get3A_130 = arith.index_cast %add3A_129 : i32 to index
            %get3A_131 = tpu.vector_load %arg7[%get3A, %get3A_130] {strides = array<i32>} : memref<128x128xf32, #tpu.memory_space<vmem>>, vector<1x16xf32>,
            %get3A_132 = vector.shape_cast %get3A_131 : vector<1x16xf32> to vector<1x16xf32>
            %get3A_133 = arith.index_cast %add3A_119 : i32 to index
            %get3A_134 = arith.index_cast %add3A_129 : i32 to index
            %get3A_135 = tpu.vector_load %arg9[%get3A_133, %get3A_134] {strides = array<i32>} : memref<128x128xf32, #tpu.memory_space<vmem>>, vector<1x16xf32>,
            %get3A_136 = vector.shape_cast %get3A_135 : vector<1x16xf32> to vector<1x16xf32>
            %add3A_137 = arith.addf %get3A_132, %get3A_136 : vector<1x16xf32>
            %swap3A = arith.index_cast %add3A_119 : i32 to index
            %swap3A_138 = arith.index_cast %add3A_129 : i32 to index
            %swap3A_139 = tpu.vector_load %arg7[%swap3A, %swap3A_138] {strides = array<i32>} : memref<128x128xf32, #tpu.memory_space<vmem>>, vector<1x16xf32>,
            %swap3A_140 = vector.shape_cast %swap3A_139 : vector<1x16xf32> to vector<1x16xf32>
            %swap3A_141 = vector.shape_cast %add3A_137 : vector<1x16xf32> to vector<1x16xf32>
            tpu.vector_store %arg7[%swap3A, %swap3A_138], %swap3A_141 {strides = array<i32>} : memref<128x128xf32, #tpu.memory_space<vmem>>, vector<1x16xf32>,
          }
          %scan3A_124 = arith.constant 8 : i32
        }
        %scan3A_108 = arith.constant 128 : i32
        %mul3A_109 = arith.constant 128 : i32
        %mul3A_110 = arith.muli %sub3A_43, %mul3A_109 : i32
        %dma_start3A_111 = arith.constant 0 : i32
        %dma_start3A_112 = tpu.memref_slice %arg5[%mul3A_110, %dma_start3A_111] : memref<102400x128xf32, #tpu.memory_space<hbm>> -> memref<128x128xf32, #tpu.memory_space<hbm>>
        %dma_start3A_113 = arith.constant 0 : i32
        %dma_start3A_114 = tpu.memref_slice %arg5[%mul3A_110, %dma_start3A_113] : memref<102400x128xf32, #tpu.memory_space<hbm>> -> memref<128x128xf32, #tpu.memory_space<hbm>>
        tpu.enqueue_dma source(%arg7 : memref<128x128xf32, #tpu.memory_space<vmem>>) target(%dma_start3A_114 : memref<128x128xf32, #tpu.memory_space<hbm>>) target_semaphore(%arg19 : memref<!tpu.dma_semaphore, #tpu.memory_space<semaphore_mem>>)
      } else {
      }
      %mul3A_67 = arith.constant 2 : i32
      %mul3A_68 = arith.muli %add3A_35, %mul3A_67 : i32
      %add3A_69 = arith.constant 1 : i32
      %add3A_70 = arith.addi %mul3A_68, %add3A_69 : i32
      %mul3A_71 = arith.constant 32 : i32
      %mul3A_72 = arith.muli %add3A_70, %mul3A_71 : i32
      %add3A_73 = arith.addi %add3A, %mul3A_72 : i32
      %sub3A_74 = arith.constant 32 : i32
      %sub3A_75 = arith.subi %add3A_73, %sub3A_74 : i32
      %add3A_76 = arith.constant 32 : i32
      %add3A_77 = arith.addi %add3A_73, %add3A_76 : i32
      %lt3A_78 = arith.constant 800 : i32
      %lt3A_79 = arith.cmpi slt, %add3A_73, %lt3A_78 : i32
      %convert_element_type3A_80 = arith.extui %lt3A_79 : i1 to i32
      %cond3A_81 = arith.constant 0 : i32
      %cond3A_82 = arith.cmpi ne, %convert_element_type3A_80, %cond3A_81 : i32
      scf.if %cond3A_82 {
        %ge3A_104 = arith.constant 2 : i32
        %ge3A_105 = arith.cmpi sge, %add3A_70, %ge3A_104 : i32
        %convert_element_type3A_106 = arith.extui %ge3A_105 : i1 to i32
        %cond3A_107 = arith.constant 0 : i32
        %cond3A_108 = arith.cmpi ne, %convert_element_type3A_106, %cond3A_107 : i32
        scf.if %cond3A_108 {
          %dma_wait3A_135 = arith.constant 0 : i32
          %dma_wait3A_136 = arith.constant 0 : i32
          %dma_wait3A_137 = tpu.memref_slice %arg5[%dma_wait3A_135, %dma_wait3A_136] : memref<102400x128xf32, #tpu.memory_space<hbm>> -> memref<128x128xf32, #tpu.memory_space<hbm>>
          %dma_wait3A_138 = arith.constant 0 : i32
          %dma_wait3A_139 = arith.constant 0 : i32
          %dma_wait3A_140 = tpu.memref_slice %arg5[%dma_wait3A_138, %dma_wait3A_139] : memref<102400x128xf32, #tpu.memory_space<hbm>> -> memref<128x128xf32, #tpu.memory_space<hbm>>
          tpu.wait_dma2 semaphore(%arg19 : memref<!tpu.dma_semaphore, #tpu.memory_space<semaphore_mem>>) src(%arg7 : memref<128x128xf32, #tpu.memory_space<vmem>>) dst(%dma_wait3A_140 : memref<128x128xf32, #tpu.memory_space<hbm>>)
        } else {
        }
        %dma_wait3A_109 = arith.constant 0 : i32
        %dma_wait3A_110 = arith.constant 0 : i32
        %dma_wait3A_111 = tpu.memref_slice %arg3[%dma_wait3A_109, %dma_wait3A_110] : memref<1x320000xi32, #tpu.memory_space<hbm>> -> memref<1x128xi32, #tpu.memory_space<hbm>>
        %dma_wait3A_112 = arith.constant 0 : i32
        %dma_wait3A_113 = arith.constant 0 : i32
        %dma_wait3A_114 = tpu.memref_slice %arg3[%dma_wait3A_112, %dma_wait3A_113] : memref<1x320000xi32, #tpu.memory_space<hbm>> -> memref<1x128xi32, #tpu.memory_space<hbm>>
        tpu.wait_dma2 semaphore(%arg15 : memref<!tpu.dma_semaphore, #tpu.memory_space<semaphore_mem>>) src(%dma_wait3A_114 : memref<1x128xi32, #tpu.memory_space<hbm>>) dst(%arg11 : memref<1x128xi32, #tpu.memory_space<vmem>>)
        %dma_wait3A_115 = arith.constant 0 : i32
        %dma_wait3A_116 = arith.constant 0 : i32
        %dma_wait3A_117 = tpu.memref_slice %arg4[%dma_wait3A_115, %dma_wait3A_116] : memref<1x320000xi32, #tpu.memory_space<hbm>> -> memref<1x128xi32, #tpu.memory_space<hbm>>
        %dma_wait3A_118 = arith.constant 0 : i32
        %dma_wait3A_119 = arith.constant 0 : i32
        %dma_wait3A_120 = tpu.memref_slice %arg4[%dma_wait3A_118, %dma_wait3A_119] : memref<1x320000xi32, #tpu.memory_space<hbm>> -> memref<1x128xi32, #tpu.memory_space<hbm>>
        tpu.wait_dma2 semaphore(%arg15 : memref<!tpu.dma_semaphore, #tpu.memory_space<semaphore_mem>>) src(%dma_wait3A_120 : memref<1x128xi32, #tpu.memory_space<hbm>>) dst(%arg13 : memref<1x128xi32, #tpu.memory_space<vmem>>)
        %dma_start3A_121 = arith.constant 0 : i32
        %dma_start3A_122 = arith.constant 0 : i32
        %dma_start3A_123 = tpu.memref_slice %arg11[%dma_start3A_121, %dma_start3A_122] : memref<1x128xi32, #tpu.memory_space<vmem>> -> memref<1x128xi32, #tpu.memory_space<vmem>>
        %dma_start3A_124 = tpu.memref_squeeze %dma_start3A_123 : memref<1x128xi32, #tpu.memory_space<vmem>> -> memref<128xi32, #tpu.memory_space<vmem>>
        %dma_start3A_125 = arith.constant 0 : i32
        %dma_start3A_126 = arith.constant 0 : i32
        %dma_start3A_127 = tpu.memref_slice %arg2[%dma_start3A_125, %dma_start3A_126] : memref<10000x128xf32, #tpu.memory_space<hbm>> -> memref<10000x128xf32, #tpu.memory_space<hbm>>
        tpu.enqueue_indirect_dma source(%dma_start3A_127 : memref<10000x128xf32, #tpu.memory_space<hbm>>) target(%arg7 : memref<128x128xf32, #tpu.memory_space<vmem>>) offsets(%dma_start3A_124 : memref<128xi32, #tpu.memory_space<vmem>>) semaphore(%arg17 : memref<!tpu.dma_semaphore, #tpu.memory_space<semaphore_mem>>)
        %dma_start3A_128 = arith.constant 0 : i32
        %dma_start3A_129 = arith.constant 0 : i32
        %dma_start3A_130 = tpu.memref_slice %arg13[%dma_start3A_128, %dma_start3A_129] : memref<1x128xi32, #tpu.memory_space<vmem>> -> memref<1x128xi32, #tpu.memory_space<vmem>>
        %dma_start3A_131 = tpu.memref_squeeze %dma_start3A_130 : memref<1x128xi32, #tpu.memory_space<vmem>> -> memref<128xi32, #tpu.memory_space<vmem>>
        %dma_start3A_132 = arith.constant 0 : i32
        %dma_start3A_133 = arith.constant 0 : i32
        %dma_start3A_134 = tpu.memref_slice %arg2[%dma_start3A_132, %dma_start3A_133] : memref<10000x128xf32, #tpu.memory_space<hbm>> -> memref<10000x128xf32, #tpu.memory_space<hbm>>
        tpu.enqueue_indirect_dma source(%dma_start3A_134 : memref<10000x128xf32, #tpu.memory_space<hbm>>) target(%arg9 : memref<128x128xf32, #tpu.memory_space<vmem>>) offsets(%dma_start3A_131 : memref<128xi32, #tpu.memory_space<vmem>>) semaphore(%arg17 : memref<!tpu.dma_semaphore, #tpu.memory_space<semaphore_mem>>)
      } else {
      }
      %ge3A_83 = arith.constant 1 : i32
      %ge3A_84 = arith.cmpi sge, %add3A_70, %ge3A_83 : i32
      %lt3A_85 = arith.constant 800 : i32
      %lt3A_86 = arith.cmpi slt, %sub3A_75, %lt3A_85 : i32
      %and3A_87 = arith.andi %ge3A_84, %lt3A_86 : i1
      %convert_element_type3A_88 = arith.extui %and3A_87 : i1 to i32
      %cond3A_89 = arith.constant 0 : i32
      %cond3A_90 = arith.cmpi ne, %convert_element_type3A_88, %cond3A_89 : i32
      scf.if %cond3A_90 {
        %dma_wait3A_104 = arith.constant 0 : i32
        %dma_wait3A_105 = arith.constant 0 : i32
        %dma_wait3A_106 = tpu.memref_slice %arg2[%dma_wait3A_104, %dma_wait3A_105] : memref<10000x128xf32, #tpu.memory_space<hbm>> -> memref<128x128xf32, #tpu.memory_space<hbm>>
        %dma_wait3A_107 = arith.constant 0 : i32
        %dma_wait3A_108 = arith.constant 0 : i32
        %dma_wait3A_109 = tpu.memref_slice %arg2[%dma_wait3A_107, %dma_wait3A_108] : memref<10000x128xf32, #tpu.memory_space<hbm>> -> memref<128x128xf32, #tpu.memory_space<hbm>>
        tpu.wait_dma2 semaphore(%arg16 : memref<!tpu.dma_semaphore, #tpu.memory_space<semaphore_mem>>) src(%dma_wait3A_109 : memref<128x128xf32, #tpu.memory_space<hbm>>) dst(%arg6 : memref<128x128xf32, #tpu.memory_space<vmem>>)
        %dma_wait3A_110 = arith.constant 0 : i32
        %dma_wait3A_111 = arith.constant 0 : i32
        %dma_wait3A_112 = tpu.memref_slice %arg2[%dma_wait3A_110, %dma_wait3A_111] : memref<10000x128xf32, #tpu.memory_space<hbm>> -> memref<128x128xf32, #tpu.memory_space<hbm>>
        %dma_wait3A_113 = arith.constant 0 : i32
        %dma_wait3A_114 = arith.constant 0 : i32
        %dma_wait3A_115 = tpu.memref_slice %arg2[%dma_wait3A_113, %dma_wait3A_114] : memref<10000x128xf32, #tpu.memory_space<hbm>> -> memref<128x128xf32, #tpu.memory_space<hbm>>
        tpu.wait_dma2 semaphore(%arg16 : memref<!tpu.dma_semaphore, #tpu.memory_space<semaphore_mem>>) src(%dma_wait3A_115 : memref<128x128xf32, #tpu.memory_space<hbm>>) dst(%arg8 : memref<128x128xf32, #tpu.memory_space<vmem>>)
      } else {
      }
      %lt3A_91 = arith.constant 800 : i32
      %lt3A_92 = arith.cmpi slt, %add3A_77, %lt3A_91 : i32
      %convert_element_type3A_93 = arith.extui %lt3A_92 : i1 to i32
      %cond3A_94 = arith.constant 0 : i32
      %cond3A_95 = arith.cmpi ne, %convert_element_type3A_93, %cond3A_94 : i32
      scf.if %cond3A_95 {
        %add3A_104 = arith.constant 0 : i32
        %add3A_105 = arith.addi %add3A_104, %add3A_77 : i32
        %mul3A_106 = arith.constant 128 : i32
        %mul3A_107 = arith.muli %add3A_105, %mul3A_106 : i32
        %dma_start3A_108 = arith.constant 0 : i32
        %dma_start3A_109 = tpu.memref_slice %arg3[%dma_start3A_108, %mul3A_107] : memref<1x320000xi32, #tpu.memory_space<hbm>> -> memref<1x128xi32, #tpu.memory_space<hbm>>
        %dma_start3A_110 = arith.constant 0 : i32
        %dma_start3A_111 = tpu.memref_slice %arg3[%dma_start3A_110, %mul3A_107] : memref<1x320000xi32, #tpu.memory_space<hbm>> -> memref<1x128xi32, #tpu.memory_space<hbm>>
        tpu.enqueue_dma source(%dma_start3A_111 : memref<1x128xi32, #tpu.memory_space<hbm>>) target(%arg10 : memref<1x128xi32, #tpu.memory_space<vmem>>) target_semaphore(%arg14 : memref<!tpu.dma_semaphore, #tpu.memory_space<semaphore_mem>>)
        %add3A_112 = arith.constant 0 : i32
        %add3A_113 = arith.addi %add3A_112, %add3A_77 : i32
        %mul3A_114 = arith.constant 128 : i32
        %mul3A_115 = arith.muli %add3A_113, %mul3A_114 : i32
        %dma_start3A_116 = arith.constant 0 : i32
        %dma_start3A_117 = tpu.memref_slice %arg4[%dma_start3A_116, %mul3A_115] : memref<1x320000xi32, #tpu.memory_space<hbm>> -> memref<1x128xi32, #tpu.memory_space<hbm>>
        %dma_start3A_118 = arith.constant 0 : i32
        %dma_start3A_119 = tpu.memref_slice %arg4[%dma_start3A_118, %mul3A_115] : memref<1x320000xi32, #tpu.memory_space<hbm>> -> memref<1x128xi32, #tpu.memory_space<hbm>>
        tpu.enqueue_dma source(%dma_start3A_119 : memref<1x128xi32, #tpu.memory_space<hbm>>) target(%arg12 : memref<1x128xi32, #tpu.memory_space<vmem>>) target_semaphore(%arg14 : memref<!tpu.dma_semaphore, #tpu.memory_space<semaphore_mem>>)
      } else {
      }
      %ge3A_96 = arith.constant 1 : i32
      %ge3A_97 = arith.cmpi sge, %add3A_70, %ge3A_96 : i32
      %lt3A_98 = arith.constant 800 : i32
      %lt3A_99 = arith.cmpi slt, %sub3A_75, %lt3A_98 : i32
      %and3A_100 = arith.andi %ge3A_97, %lt3A_99 : i1
      %convert_element_type3A_101 = arith.extui %and3A_100 : i1 to i32
      %cond3A_102 = arith.constant 0 : i32
      %cond3A_103 = arith.cmpi ne, %convert_element_type3A_101, %cond3A_102 : i32
      scf.if %cond3A_103 {
        %scan3A_104 = arith.constant 0 : i32
        %scan3A_105 = arith.constant 128 : i32
        %scan3A_106 = arith.addi %scan3A_104, %scan3A_105 : i32
        %scan3A_107 = arith.constant 1 : i32
        scf.for %scan3A_115 = %scan3A_104 to %scan3A_106 step %scan3A_107  : i32 {
          %mul3A_116 = arith.constant 1 : i32
          %mul3A_117 = arith.muli %scan3A_115, %mul3A_116 : i32
          %add3A_118 = arith.constant 0 : i32
          %add3A_119 = arith.addi %add3A_118, %mul3A_117 : i32
          %scan3A_120 = arith.constant 0 : i32
          %scan3A_121 = arith.constant 8 : i32
          %scan3A_122 = arith.addi %scan3A_120, %scan3A_121 : i32
          %scan3A_123 = arith.constant 1 : i32
          scf.for %scan3A_125 = %scan3A_120 to %scan3A_122 step %scan3A_123  : i32 {
            %mul3A_126 = arith.constant 16 : i32
            %mul3A_127 = arith.muli %scan3A_125, %mul3A_126 : i32
            %add3A_128 = arith.constant 0 : i32
            %add3A_129 = arith.addi %add3A_128, %mul3A_127 : i32
            %get3A = arith.index_cast %add3A_119 : i32 to index
            %get3A_130 = arith.index_cast %add3A_129 : i32 to index
            %get3A_131 = tpu.vector_load %arg6[%get3A, %get3A_130] {strides = array<i32>} : memref<128x128xf32, #tpu.memory_space<vmem>>, vector<1x16xf32>,
            %get3A_132 = vector.shape_cast %get3A_131 : vector<1x16xf32> to vector<1x16xf32>
            %get3A_133 = arith.index_cast %add3A_119 : i32 to index
            %get3A_134 = arith.index_cast %add3A_129 : i32 to index
            %get3A_135 = tpu.vector_load %arg8[%get3A_133, %get3A_134] {strides = array<i32>} : memref<128x128xf32, #tpu.memory_space<vmem>>, vector<1x16xf32>,
            %get3A_136 = vector.shape_cast %get3A_135 : vector<1x16xf32> to vector<1x16xf32>
            %add3A_137 = arith.addf %get3A_132, %get3A_136 : vector<1x16xf32>
            %swap3A = arith.index_cast %add3A_119 : i32 to index
            %swap3A_138 = arith.index_cast %add3A_129 : i32 to index
            %swap3A_139 = tpu.vector_load %arg6[%swap3A, %swap3A_138] {strides = array<i32>} : memref<128x128xf32, #tpu.memory_space<vmem>>, vector<1x16xf32>,
            %swap3A_140 = vector.shape_cast %swap3A_139 : vector<1x16xf32> to vector<1x16xf32>
            %swap3A_141 = vector.shape_cast %add3A_137 : vector<1x16xf32> to vector<1x16xf32>
            tpu.vector_store %arg6[%swap3A, %swap3A_138], %swap3A_141 {strides = array<i32>} : memref<128x128xf32, #tpu.memory_space<vmem>>, vector<1x16xf32>,
          }
          %scan3A_124 = arith.constant 8 : i32
        }
        %scan3A_108 = arith.constant 128 : i32
        %mul3A_109 = arith.constant 128 : i32
        %mul3A_110 = arith.muli %sub3A_75, %mul3A_109 : i32
        %dma_start3A_111 = arith.constant 0 : i32
        %dma_start3A_112 = tpu.memref_slice %arg5[%mul3A_110, %dma_start3A_111] : memref<102400x128xf32, #tpu.memory_space<hbm>> -> memref<128x128xf32, #tpu.memory_space<hbm>>
        %dma_start3A_113 = arith.constant 0 : i32
        %dma_start3A_114 = tpu.memref_slice %arg5[%mul3A_110, %dma_start3A_113] : memref<102400x128xf32, #tpu.memory_space<hbm>> -> memref<128x128xf32, #tpu.memory_space<hbm>>
        tpu.enqueue_dma source(%arg6 : memref<128x128xf32, #tpu.memory_space<vmem>>) target(%dma_start3A_114 : memref<128x128xf32, #tpu.memory_space<hbm>>) target_semaphore(%arg18 : memref<!tpu.dma_semaphore, #tpu.memory_space<semaphore_mem>>)
      } else {
      }
    }
    %scan3A_19 = arith.constant 13 : i32
    %dma_wait3A = arith.constant 0 : i32
    %dma_wait3A_20 = arith.constant 0 : i32
    %dma_wait3A_21 = tpu.memref_slice %arg5[%dma_wait3A, %dma_wait3A_20] : memref<102400x128xf32, #tpu.memory_space<hbm>> -> memref<128x128xf32, #tpu.memory_space<hbm>>
    %dma_wait3A_22 = arith.constant 0 : i32
    %dma_wait3A_23 = arith.constant 0 : i32
    %dma_wait3A_24 = tpu.memref_slice %arg5[%dma_wait3A_22, %dma_wait3A_23] : memref<102400x128xf32, #tpu.memory_space<hbm>> -> memref<128x128xf32, #tpu.memory_space<hbm>>
    tpu.wait_dma2 semaphore(%arg18 : memref<!tpu.dma_semaphore, #tpu.memory_space<semaphore_mem>>) src(%arg6 : memref<128x128xf32, #tpu.memory_space<vmem>>) dst(%dma_wait3A_24 : memref<128x128xf32, #tpu.memory_space<hbm>>)
    %dma_wait3A_25 = arith.constant 0 : i32
    %dma_wait3A_26 = arith.constant 0 : i32
    %dma_wait3A_27 = tpu.memref_slice %arg5[%dma_wait3A_25, %dma_wait3A_26] : memref<102400x128xf32, #tpu.memory_space<hbm>> -> memref<128x128xf32, #tpu.memory_space<hbm>>
    %dma_wait3A_28 = arith.constant 0 : i32
    %dma_wait3A_29 = arith.constant 0 : i32
    %dma_wait3A_30 = tpu.memref_slice %arg5[%dma_wait3A_28, %dma_wait3A_29] : memref<102400x128xf32, #tpu.memory_space<hbm>> -> memref<128x128xf32, #tpu.memory_space<hbm>>
    tpu.wait_dma2 semaphore(%arg19 : memref<!tpu.dma_semaphore, #tpu.memory_space<semaphore_mem>>) src(%arg7 : memref<128x128xf32, #tpu.memory_space<vmem>>) dst(%dma_wait3A_30 : memref<128x128xf32, #tpu.memory_space<hbm>>)
    return
  }
}

#map = affine_map<(d0, d1) -> (0, 0)>
module attributes {stable_mosaic.version = 14 : i64} {
  func.func @gather_kernel(%arg0: i32, %arg1: i32, %arg2: memref<10000x128xf32, #tpu.memory_space<hbm>>, %arg3: memref<1x320000xi32, #tpu.memory_space<hbm>>, %arg4: memref<1x320000xi32, #tpu.memory_space<hbm>>, %arg5: memref<102400x128xf32, #tpu.memory_space<hbm>>, %arg6: memref<128x128xf32, #tpu.memory_space<vmem>>, %arg7: memref<128x128xf32, #tpu.memory_space<vmem>>, %arg8: memref<128x128xf32, #tpu.memory_space<vmem>>, %arg9: memref<128x128xf32, #tpu.memory_space<vmem>>, %arg10: memref<1x128xi32, #tpu.memory_space<vmem>>, %arg11: memref<1x128xi32, #tpu.memory_space<vmem>>, %arg12: memref<1x128xi32, #tpu.memory_space<vmem>>, %arg13: memref<1x128xi32, #tpu.memory_space<vmem>>, %arg14: memref<!tpu.dma_semaphore, #tpu.memory_space<semaphore_mem>>, %arg15: memref<!tpu.dma_semaphore, #tpu.memory_space<semaphore_mem>>, %arg16: memref<!tpu.dma_semaphore, #tpu.memory_space<semaphore_mem>>, %arg17: memref<!tpu.dma_semaphore, #tpu.memory_space<semaphore_mem>>, %arg18: memref<!tpu.dma_semaphore, #tpu.memory_space<semaphore_mem>>, %arg19: memref<!tpu.dma_semaphore, #tpu.memory_space<semaphore_mem>>) attributes {dimension_semantics = [#tpu.dimension_semantics<core_parallel>, #tpu.dimension_semantics<subcore_parallel>], iteration_bounds = array<i64: 2, 16>, scalar_prefetch = 0 : i64, scratch_operands = 14 : i64, tpu.core_type = #tpu.core_type<sc_vector_subcore>, window_params = [{transform_indices = #map}, {transform_indices = #map}, {transform_indices = #map}, {transform_indices = #map}]} {
    %mul3A = arith.constant 2 : i32
    %mul3A_0 = arith.muli %arg1, %mul3A : i32
    %add3A = arith.addi %mul3A_0, %arg0 : i32
    %add3A_1 = arith.constant 800 : i32
    %add3A_2 = arith.addi %add3A_1, %add3A : i32
    %mul3A_3 = arith.constant 128 : i32
    %mul3A_4 = arith.muli %add3A_2, %mul3A_3 : i32
    %dma_start3A = arith.constant 0 : i32
    %dma_start3A_5 = tpu.memref_slice %arg3[%dma_start3A, %mul3A_4] : memref<1x320000xi32, #tpu.memory_space<hbm>> -> memref<1x128xi32, #tpu.memory_space<hbm>>
    %dma_start3A_6 = arith.constant 0 : i32
    %dma_start3A_7 = tpu.memref_slice %arg3[%dma_start3A_6, %mul3A_4] : memref<1x320000xi32, #tpu.memory_space<hbm>> -> memref<1x128xi32, #tpu.memory_space<hbm>>
    tpu.enqueue_dma source(%dma_start3A_7 : memref<1x128xi32, #tpu.memory_space<hbm>>) target(%arg10 : memref<1x128xi32, #tpu.memory_space<vmem>>) target_semaphore(%arg14 : memref<!tpu.dma_semaphore, #tpu.memory_space<semaphore_mem>>)
    %add3A_8 = arith.constant 800 : i32
    %add3A_9 = arith.addi %add3A_8, %add3A : i32
    %mul3A_10 = arith.constant 128 : i32
    %mul3A_11 = arith.muli %add3A_9, %mul3A_10 : i32
    %dma_start3A_12 = arith.constant 0 : i32
    %dma_start3A_13 = tpu.memref_slice %arg4[%dma_start3A_12, %mul3A_11] : memref<1x320000xi32, #tpu.memory_space<hbm>> -> memref<1x128xi32, #tpu.memory_space<hbm>>
    %dma_start3A_14 = arith.constant 0 : i32
    %dma_start3A_15 = tpu.memref_slice %arg4[%dma_start3A_14, %mul3A_11] : memref<1x320000xi32, #tpu.memory_space<hbm>> -> memref<1x128xi32, #tpu.memory_space<hbm>>
    tpu.enqueue_dma source(%dma_start3A_15 : memref<1x128xi32, #tpu.memory_space<hbm>>) target(%arg12 : memref<1x128xi32, #tpu.memory_space<vmem>>) target_semaphore(%arg14 : memref<!tpu.dma_semaphore, #tpu.memory_space<semaphore_mem>>)
    %scan3A = arith.constant 0 : i32
    %scan3A_16 = arith.constant 13 : i32
    %scan3A_17 = arith.addi %scan3A, %scan3A_16 : i32
    %scan3A_18 = arith.constant 1 : i32
    scf.for %scan3A_31 = %scan3A to %scan3A_17 step %scan3A_18  : i32 {
      %mul3A_32 = arith.constant 1 : i32
      %mul3A_33 = arith.muli %scan3A_31, %mul3A_32 : i32
      %add3A_34 = arith.constant 0 : i32
      %add3A_35 = arith.addi %add3A_34, %mul3A_33 : i32
      %mul3A_36 = arith.constant 2 : i32
      %mul3A_37 = arith.muli %add3A_35, %mul3A_36 : i32
      %add3A_38 = arith.constant 0 : i32
      %add3A_39 = arith.addi %mul3A_37, %add3A_38 : i32
      %mul3A_40 = arith.constant 32 : i32
      %mul3A_41 = arith.muli %add3A_39, %mul3A_40 : i32
      %add3A_42 = arith.addi %add3A, %mul3A_41 : i32
      %sub3A = arith.constant 32 : i32
      %sub3A_43 = arith.subi %add3A_42, %sub3A : i32
      %add3A_44 = arith.constant 32 : i32
      %add3A_45 = arith.addi %add3A_42, %add3A_44 : i32
      %lt3A = arith.constant 800 : i32
      %lt3A_46 = arith.cmpi slt, %add3A_42, %lt3A : i32
      %convert_element_type3A = arith.extui %lt3A_46 : i1 to i32
      %cond3A = arith.constant 0 : i32
      %cond3A_47 = arith.cmpi ne, %convert_element_type3A, %cond3A : i32
      scf.if %cond3A_47 {
        %ge3A_104 = arith.constant 2 : i32
        %ge3A_105 = arith.cmpi sge, %add3A_39, %ge3A_104 : i32
        %convert_element_type3A_106 = arith.extui %ge3A_105 : i1 to i32
        %cond3A_107 = arith.constant 0 : i32
        %cond3A_108 = arith.cmpi ne, %convert_element_type3A_106, %cond3A_107 : i32
        scf.if %cond3A_108 {
          %dma_wait3A_135 = arith.constant 0 : i32
          %dma_wait3A_136 = arith.constant 0 : i32
          %dma_wait3A_137 = tpu.memref_slice %arg5[%dma_wait3A_135, %dma_wait3A_136] : memref<102400x128xf32, #tpu.memory_space<hbm>> -> memref<128x128xf32, #tpu.memory_space<hbm>>
          %dma_wait3A_138 = arith.constant 0 : i32
          %dma_wait3A_139 = arith.constant 0 : i32
          %dma_wait3A_140 = tpu.memref_slice %arg5[%dma_wait3A_138, %dma_wait3A_139] : memref<102400x128xf32, #tpu.memory_space<hbm>> -> memref<128x128xf32, #tpu.memory_space<hbm>>
          tpu.wait_dma2 semaphore(%arg18 : memref<!tpu.dma_semaphore, #tpu.memory_space<semaphore_mem>>) src(%arg6 : memref<128x128xf32, #tpu.memory_space<vmem>>) dst(%dma_wait3A_140 : memref<128x128xf32, #tpu.memory_space<hbm>>)
        } else {
        }
        %dma_wait3A_109 = arith.constant 0 : i32
        %dma_wait3A_110 = arith.constant 0 : i32
        %dma_wait3A_111 = tpu.memref_slice %arg3[%dma_wait3A_109, %dma_wait3A_110] : memref<1x320000xi32, #tpu.memory_space<hbm>> -> memref<1x128xi32, #tpu.memory_space<hbm>>
        %dma_wait3A_112 = arith.constant 0 : i32
        %dma_wait3A_113 = arith.constant 0 : i32
        %dma_wait3A_114 = tpu.memref_slice %arg3[%dma_wait3A_112, %dma_wait3A_113] : memref<1x320000xi32, #tpu.memory_space<hbm>> -> memref<1x128xi32, #tpu.memory_space<hbm>>
        tpu.wait_dma2 semaphore(%arg14 : memref<!tpu.dma_semaphore, #tpu.memory_space<semaphore_mem>>) src(%dma_wait3A_114 : memref<1x128xi32, #tpu.memory_space<hbm>>) dst(%arg10 : memref<1x128xi32, #tpu.memory_space<vmem>>)
        %dma_wait3A_115 = arith.constant 0 : i32
        %dma_wait3A_116 = arith.constant 0 : i32
        %dma_wait3A_117 = tpu.memref_slice %arg4[%dma_wait3A_115, %dma_wait3A_116] : memref<1x320000xi32, #tpu.memory_space<hbm>> -> memref<1x128xi32, #tpu.memory_space<hbm>>
        %dma_wait3A_118 = arith.constant 0 : i32
        %dma_wait3A_119 = arith.constant 0 : i32
        %dma_wait3A_120 = tpu.memref_slice %arg4[%dma_wait3A_118, %dma_wait3A_119] : memref<1x320000xi32, #tpu.memory_space<hbm>> -> memref<1x128xi32, #tpu.memory_space<hbm>>
        tpu.wait_dma2 semaphore(%arg14 : memref<!tpu.dma_semaphore, #tpu.memory_space<semaphore_mem>>) src(%dma_wait3A_120 : memref<1x128xi32, #tpu.memory_space<hbm>>) dst(%arg12 : memref<1x128xi32, #tpu.memory_space<vmem>>)
        %dma_start3A_121 = arith.constant 0 : i32
        %dma_start3A_122 = arith.constant 0 : i32
        %dma_start3A_123 = tpu.memref_slice %arg10[%dma_start3A_121, %dma_start3A_122] : memref<1x128xi32, #tpu.memory_space<vmem>> -> memref<1x128xi32, #tpu.memory_space<vmem>>
        %dma_start3A_124 = tpu.memref_squeeze %dma_start3A_123 : memref<1x128xi32, #tpu.memory_space<vmem>> -> memref<128xi32, #tpu.memory_space<vmem>>
        %dma_start3A_125 = arith.constant 0 : i32
        %dma_start3A_126 = arith.constant 0 : i32
        %dma_start3A_127 = tpu.memref_slice %arg2[%dma_start3A_125, %dma_start3A_126] : memref<10000x128xf32, #tpu.memory_space<hbm>> -> memref<10000x128xf32, #tpu.memory_space<hbm>>
        tpu.enqueue_indirect_dma source(%dma_start3A_127 : memref<10000x128xf32, #tpu.memory_space<hbm>>) target(%arg6 : memref<128x128xf32, #tpu.memory_space<vmem>>) offsets(%dma_start3A_124 : memref<128xi32, #tpu.memory_space<vmem>>) semaphore(%arg16 : memref<!tpu.dma_semaphore, #tpu.memory_space<semaphore_mem>>)
        %dma_start3A_128 = arith.constant 0 : i32
        %dma_start3A_129 = arith.constant 0 : i32
        %dma_start3A_130 = tpu.memref_slice %arg12[%dma_start3A_128, %dma_start3A_129] : memref<1x128xi32, #tpu.memory_space<vmem>> -> memref<1x128xi32, #tpu.memory_space<vmem>>
        %dma_start3A_131 = tpu.memref_squeeze %dma_start3A_130 : memref<1x128xi32, #tpu.memory_space<vmem>> -> memref<128xi32, #tpu.memory_space<vmem>>
        %dma_start3A_132 = arith.constant 0 : i32
        %dma_start3A_133 = arith.constant 0 : i32
        %dma_start3A_134 = tpu.memref_slice %arg2[%dma_start3A_132, %dma_start3A_133] : memref<10000x128xf32, #tpu.memory_space<hbm>> -> memref<10000x128xf32, #tpu.memory_space<hbm>>
        tpu.enqueue_indirect_dma source(%dma_start3A_134 : memref<10000x128xf32, #tpu.memory_space<hbm>>) target(%arg8 : memref<128x128xf32, #tpu.memory_space<vmem>>) offsets(%dma_start3A_131 : memref<128xi32, #tpu.memory_space<vmem>>) semaphore(%arg16 : memref<!tpu.dma_semaphore, #tpu.memory_space<semaphore_mem>>)
      } else {
      }
      %ge3A = arith.constant 1 : i32
      %ge3A_48 = arith.cmpi sge, %add3A_39, %ge3A : i32
      %lt3A_49 = arith.constant 800 : i32
      %lt3A_50 = arith.cmpi slt, %sub3A_43, %lt3A_49 : i32
      %and3A = arith.andi %ge3A_48, %lt3A_50 : i1
      %convert_element_type3A_51 = arith.extui %and3A : i1 to i32
      %cond3A_52 = arith.constant 0 : i32
      %cond3A_53 = arith.cmpi ne, %convert_element_type3A_51, %cond3A_52 : i32
      scf.if %cond3A_53 {
        %dma_wait3A_104 = arith.constant 0 : i32
        %dma_wait3A_105 = arith.constant 0 : i32
        %dma_wait3A_106 = tpu.memref_slice %arg2[%dma_wait3A_104, %dma_wait3A_105] : memref<10000x128xf32, #tpu.memory_space<hbm>> -> memref<128x128xf32, #tpu.memory_space<hbm>>
        %dma_wait3A_107 = arith.constant 0 : i32
        %dma_wait3A_108 = arith.constant 0 : i32
        %dma_wait3A_109 = tpu.memref_slice %arg2[%dma_wait3A_107, %dma_wait3A_108] : memref<10000x128xf32, #tpu.memory_space<hbm>> -> memref<128x128xf32, #tpu.memory_space<hbm>>
        tpu.wait_dma2 semaphore(%arg17 : memref<!tpu.dma_semaphore, #tpu.memory_space<semaphore_mem>>) src(%dma_wait3A_109 : memref<128x128xf32, #tpu.memory_space<hbm>>) dst(%arg7 : memref<128x128xf32, #tpu.memory_space<vmem>>)
        %dma_wait3A_110 = arith.constant 0 : i32
        %dma_wait3A_111 = arith.constant 0 : i32
        %dma_wait3A_112 = tpu.memref_slice %arg2[%dma_wait3A_110, %dma_wait3A_111] : memref<10000x128xf32, #tpu.memory_space<hbm>> -> memref<128x128xf32, #tpu.memory_space<hbm>>
        %dma_wait3A_113 = arith.constant 0 : i32
        %dma_wait3A_114 = arith.constant 0 : i32
        %dma_wait3A_115 = tpu.memref_slice %arg2[%dma_wait3A_113, %dma_wait3A_114] : memref<10000x128xf32, #tpu.memory_space<hbm>> -> memref<128x128xf32, #tpu.memory_space<hbm>>
        tpu.wait_dma2 semaphore(%arg17 : memref<!tpu.dma_semaphore, #tpu.memory_space<semaphore_mem>>) src(%dma_wait3A_115 : memref<128x128xf32, #tpu.memory_space<hbm>>) dst(%arg9 : memref<128x128xf32, #tpu.memory_space<vmem>>)
      } else {
      }
      %lt3A_54 = arith.constant 800 : i32
      %lt3A_55 = arith.cmpi slt, %add3A_45, %lt3A_54 : i32
      %convert_element_type3A_56 = arith.extui %lt3A_55 : i1 to i32
      %cond3A_57 = arith.constant 0 : i32
      %cond3A_58 = arith.cmpi ne, %convert_element_type3A_56, %cond3A_57 : i32
      scf.if %cond3A_58 {
        %add3A_104 = arith.constant 800 : i32
        %add3A_105 = arith.addi %add3A_104, %add3A_45 : i32
        %mul3A_106 = arith.constant 128 : i32
        %mul3A_107 = arith.muli %add3A_105, %mul3A_106 : i32
        %dma_start3A_108 = arith.constant 0 : i32
        %dma_start3A_109 = tpu.memref_slice %arg3[%dma_start3A_108, %mul3A_107] : memref<1x320000xi32, #tpu.memory_space<hbm>> -> memref<1x128xi32, #tpu.memory_space<hbm>>
        %dma_start3A_110 = arith.constant 0 : i32
        %dma_start3A_111 = tpu.memref_slice %arg3[%dma_start3A_110, %mul3A_107] : memref<1x320000xi32, #tpu.memory_space<hbm>> -> memref<1x128xi32, #tpu.memory_space<hbm>>
        tpu.enqueue_dma source(%dma_start3A_111 : memref<1x128xi32, #tpu.memory_space<hbm>>) target(%arg11 : memref<1x128xi32, #tpu.memory_space<vmem>>) target_semaphore(%arg15 : memref<!tpu.dma_semaphore, #tpu.memory_space<semaphore_mem>>)
        %add3A_112 = arith.constant 800 : i32
        %add3A_113 = arith.addi %add3A_112, %add3A_45 : i32
        %mul3A_114 = arith.constant 128 : i32
        %mul3A_115 = arith.muli %add3A_113, %mul3A_114 : i32
        %dma_start3A_116 = arith.constant 0 : i32
        %dma_start3A_117 = tpu.memref_slice %arg4[%dma_start3A_116, %mul3A_115] : memref<1x320000xi32, #tpu.memory_space<hbm>> -> memref<1x128xi32, #tpu.memory_space<hbm>>
        %dma_start3A_118 = arith.constant 0 : i32
        %dma_start3A_119 = tpu.memref_slice %arg4[%dma_start3A_118, %mul3A_115] : memref<1x320000xi32, #tpu.memory_space<hbm>> -> memref<1x128xi32, #tpu.memory_space<hbm>>
        tpu.enqueue_dma source(%dma_start3A_119 : memref<1x128xi32, #tpu.memory_space<hbm>>) target(%arg13 : memref<1x128xi32, #tpu.memory_space<vmem>>) target_semaphore(%arg15 : memref<!tpu.dma_semaphore, #tpu.memory_space<semaphore_mem>>)
      } else {
      }
      %ge3A_59 = arith.constant 1 : i32
      %ge3A_60 = arith.cmpi sge, %add3A_39, %ge3A_59 : i32
      %lt3A_61 = arith.constant 800 : i32
      %lt3A_62 = arith.cmpi slt, %sub3A_43, %lt3A_61 : i32
      %and3A_63 = arith.andi %ge3A_60, %lt3A_62 : i1
      %convert_element_type3A_64 = arith.extui %and3A_63 : i1 to i32
      %cond3A_65 = arith.constant 0 : i32
      %cond3A_66 = arith.cmpi ne, %convert_element_type3A_64, %cond3A_65 : i32
      scf.if %cond3A_66 {
        %scan3A_104 = arith.constant 0 : i32
        %scan3A_105 = arith.constant 128 : i32
        %scan3A_106 = arith.addi %scan3A_104, %scan3A_105 : i32
        %scan3A_107 = arith.constant 1 : i32
        scf.for %scan3A_115 = %scan3A_104 to %scan3A_106 step %scan3A_107  : i32 {
          %mul3A_116 = arith.constant 1 : i32
          %mul3A_117 = arith.muli %scan3A_115, %mul3A_116 : i32
          %add3A_118 = arith.constant 0 : i32
          %add3A_119 = arith.addi %add3A_118, %mul3A_117 : i32
          %scan3A_120 = arith.constant 0 : i32
          %scan3A_121 = arith.constant 8 : i32
          %scan3A_122 = arith.addi %scan3A_120, %scan3A_121 : i32
          %scan3A_123 = arith.constant 1 : i32
          scf.for %scan3A_125 = %scan3A_120 to %scan3A_122 step %scan3A_123  : i32 {
            %mul3A_126 = arith.constant 16 : i32
            %mul3A_127 = arith.muli %scan3A_125, %mul3A_126 : i32
            %add3A_128 = arith.constant 0 : i32
            %add3A_129 = arith.addi %add3A_128, %mul3A_127 : i32
            %get3A = arith.index_cast %add3A_119 : i32 to index
            %get3A_130 = arith.index_cast %add3A_129 : i32 to index
            %get3A_131 = tpu.vector_load %arg7[%get3A, %get3A_130] {strides = array<i32>} : memref<128x128xf32, #tpu.memory_space<vmem>>, vector<1x16xf32>,
            %get3A_132 = vector.shape_cast %get3A_131 : vector<1x16xf32> to vector<1x16xf32>
            %get3A_133 = arith.index_cast %add3A_119 : i32 to index
            %get3A_134 = arith.index_cast %add3A_129 : i32 to index
            %get3A_135 = tpu.vector_load %arg9[%get3A_133, %get3A_134] {strides = array<i32>} : memref<128x128xf32, #tpu.memory_space<vmem>>, vector<1x16xf32>,
            %get3A_136 = vector.shape_cast %get3A_135 : vector<1x16xf32> to vector<1x16xf32>
            %add3A_137 = arith.addf %get3A_132, %get3A_136 : vector<1x16xf32>
            %swap3A = arith.index_cast %add3A_119 : i32 to index
            %swap3A_138 = arith.index_cast %add3A_129 : i32 to index
            %swap3A_139 = tpu.vector_load %arg7[%swap3A, %swap3A_138] {strides = array<i32>} : memref<128x128xf32, #tpu.memory_space<vmem>>, vector<1x16xf32>,
            %swap3A_140 = vector.shape_cast %swap3A_139 : vector<1x16xf32> to vector<1x16xf32>
            %swap3A_141 = vector.shape_cast %add3A_137 : vector<1x16xf32> to vector<1x16xf32>
            tpu.vector_store %arg7[%swap3A, %swap3A_138], %swap3A_141 {strides = array<i32>} : memref<128x128xf32, #tpu.memory_space<vmem>>, vector<1x16xf32>,
          }
          %scan3A_124 = arith.constant 8 : i32
        }
        %scan3A_108 = arith.constant 128 : i32
        %mul3A_109 = arith.constant 128 : i32
        %mul3A_110 = arith.muli %sub3A_43, %mul3A_109 : i32
        %dma_start3A_111 = arith.constant 0 : i32
        %dma_start3A_112 = tpu.memref_slice %arg5[%mul3A_110, %dma_start3A_111] : memref<102400x128xf32, #tpu.memory_space<hbm>> -> memref<128x128xf32, #tpu.memory_space<hbm>>
        %dma_start3A_113 = arith.constant 0 : i32
        %dma_start3A_114 = tpu.memref_slice %arg5[%mul3A_110, %dma_start3A_113] : memref<102400x128xf32, #tpu.memory_space<hbm>> -> memref<128x128xf32, #tpu.memory_space<hbm>>
        tpu.enqueue_dma source(%arg7 : memref<128x128xf32, #tpu.memory_space<vmem>>) target(%dma_start3A_114 : memref<128x128xf32, #tpu.memory_space<hbm>>) target_semaphore(%arg19 : memref<!tpu.dma_semaphore, #tpu.memory_space<semaphore_mem>>)
      } else {
      }
      %mul3A_67 = arith.constant 2 : i32
      %mul3A_68 = arith.muli %add3A_35, %mul3A_67 : i32
      %add3A_69 = arith.constant 1 : i32
      %add3A_70 = arith.addi %mul3A_68, %add3A_69 : i32
      %mul3A_71 = arith.constant 32 : i32
      %mul3A_72 = arith.muli %add3A_70, %mul3A_71 : i32
      %add3A_73 = arith.addi %add3A, %mul3A_72 : i32
      %sub3A_74 = arith.constant 32 : i32
      %sub3A_75 = arith.subi %add3A_73, %sub3A_74 : i32
      %add3A_76 = arith.constant 32 : i32
      %add3A_77 = arith.addi %add3A_73, %add3A_76 : i32
      %lt3A_78 = arith.constant 800 : i32
      %lt3A_79 = arith.cmpi slt, %add3A_73, %lt3A_78 : i32
      %convert_element_type3A_80 = arith.extui %lt3A_79 : i1 to i32
      %cond3A_81 = arith.constant 0 : i32
      %cond3A_82 = arith.cmpi ne, %convert_element_type3A_80, %cond3A_81 : i32
      scf.if %cond3A_82 {
        %ge3A_104 = arith.constant 2 : i32
        %ge3A_105 = arith.cmpi sge, %add3A_70, %ge3A_104 : i32
        %convert_element_type3A_106 = arith.extui %ge3A_105 : i1 to i32
        %cond3A_107 = arith.constant 0 : i32
        %cond3A_108 = arith.cmpi ne, %convert_element_type3A_106, %cond3A_107 : i32
        scf.if %cond3A_108 {
          %dma_wait3A_135 = arith.constant 0 : i32
          %dma_wait3A_136 = arith.constant 0 : i32
          %dma_wait3A_137 = tpu.memref_slice %arg5[%dma_wait3A_135, %dma_wait3A_136] : memref<102400x128xf32, #tpu.memory_space<hbm>> -> memref<128x128xf32, #tpu.memory_space<hbm>>
          %dma_wait3A_138 = arith.constant 0 : i32
          %dma_wait3A_139 = arith.constant 0 : i32
          %dma_wait3A_140 = tpu.memref_slice %arg5[%dma_wait3A_138, %dma_wait3A_139] : memref<102400x128xf32, #tpu.memory_space<hbm>> -> memref<128x128xf32, #tpu.memory_space<hbm>>
          tpu.wait_dma2 semaphore(%arg19 : memref<!tpu.dma_semaphore, #tpu.memory_space<semaphore_mem>>) src(%arg7 : memref<128x128xf32, #tpu.memory_space<vmem>>) dst(%dma_wait3A_140 : memref<128x128xf32, #tpu.memory_space<hbm>>)
        } else {
        }
        %dma_wait3A_109 = arith.constant 0 : i32
        %dma_wait3A_110 = arith.constant 0 : i32
        %dma_wait3A_111 = tpu.memref_slice %arg3[%dma_wait3A_109, %dma_wait3A_110] : memref<1x320000xi32, #tpu.memory_space<hbm>> -> memref<1x128xi32, #tpu.memory_space<hbm>>
        %dma_wait3A_112 = arith.constant 0 : i32
        %dma_wait3A_113 = arith.constant 0 : i32
        %dma_wait3A_114 = tpu.memref_slice %arg3[%dma_wait3A_112, %dma_wait3A_113] : memref<1x320000xi32, #tpu.memory_space<hbm>> -> memref<1x128xi32, #tpu.memory_space<hbm>>
        tpu.wait_dma2 semaphore(%arg15 : memref<!tpu.dma_semaphore, #tpu.memory_space<semaphore_mem>>) src(%dma_wait3A_114 : memref<1x128xi32, #tpu.memory_space<hbm>>) dst(%arg11 : memref<1x128xi32, #tpu.memory_space<vmem>>)
        %dma_wait3A_115 = arith.constant 0 : i32
        %dma_wait3A_116 = arith.constant 0 : i32
        %dma_wait3A_117 = tpu.memref_slice %arg4[%dma_wait3A_115, %dma_wait3A_116] : memref<1x320000xi32, #tpu.memory_space<hbm>> -> memref<1x128xi32, #tpu.memory_space<hbm>>
        %dma_wait3A_118 = arith.constant 0 : i32
        %dma_wait3A_119 = arith.constant 0 : i32
        %dma_wait3A_120 = tpu.memref_slice %arg4[%dma_wait3A_118, %dma_wait3A_119] : memref<1x320000xi32, #tpu.memory_space<hbm>> -> memref<1x128xi32, #tpu.memory_space<hbm>>
        tpu.wait_dma2 semaphore(%arg15 : memref<!tpu.dma_semaphore, #tpu.memory_space<semaphore_mem>>) src(%dma_wait3A_120 : memref<1x128xi32, #tpu.memory_space<hbm>>) dst(%arg13 : memref<1x128xi32, #tpu.memory_space<vmem>>)
        %dma_start3A_121 = arith.constant 0 : i32
        %dma_start3A_122 = arith.constant 0 : i32
        %dma_start3A_123 = tpu.memref_slice %arg11[%dma_start3A_121, %dma_start3A_122] : memref<1x128xi32, #tpu.memory_space<vmem>> -> memref<1x128xi32, #tpu.memory_space<vmem>>
        %dma_start3A_124 = tpu.memref_squeeze %dma_start3A_123 : memref<1x128xi32, #tpu.memory_space<vmem>> -> memref<128xi32, #tpu.memory_space<vmem>>
        %dma_start3A_125 = arith.constant 0 : i32
        %dma_start3A_126 = arith.constant 0 : i32
        %dma_start3A_127 = tpu.memref_slice %arg2[%dma_start3A_125, %dma_start3A_126] : memref<10000x128xf32, #tpu.memory_space<hbm>> -> memref<10000x128xf32, #tpu.memory_space<hbm>>
        tpu.enqueue_indirect_dma source(%dma_start3A_127 : memref<10000x128xf32, #tpu.memory_space<hbm>>) target(%arg7 : memref<128x128xf32, #tpu.memory_space<vmem>>) offsets(%dma_start3A_124 : memref<128xi32, #tpu.memory_space<vmem>>) semaphore(%arg17 : memref<!tpu.dma_semaphore, #tpu.memory_space<semaphore_mem>>)
        %dma_start3A_128 = arith.constant 0 : i32
        %dma_start3A_129 = arith.constant 0 : i32
        %dma_start3A_130 = tpu.memref_slice %arg13[%dma_start3A_128, %dma_start3A_129] : memref<1x128xi32, #tpu.memory_space<vmem>> -> memref<1x128xi32, #tpu.memory_space<vmem>>
        %dma_start3A_131 = tpu.memref_squeeze %dma_start3A_130 : memref<1x128xi32, #tpu.memory_space<vmem>> -> memref<128xi32, #tpu.memory_space<vmem>>
        %dma_start3A_132 = arith.constant 0 : i32
        %dma_start3A_133 = arith.constant 0 : i32
        %dma_start3A_134 = tpu.memref_slice %arg2[%dma_start3A_132, %dma_start3A_133] : memref<10000x128xf32, #tpu.memory_space<hbm>> -> memref<10000x128xf32, #tpu.memory_space<hbm>>
        tpu.enqueue_indirect_dma source(%dma_start3A_134 : memref<10000x128xf32, #tpu.memory_space<hbm>>) target(%arg9 : memref<128x128xf32, #tpu.memory_space<vmem>>) offsets(%dma_start3A_131 : memref<128xi32, #tpu.memory_space<vmem>>) semaphore(%arg17 : memref<!tpu.dma_semaphore, #tpu.memory_space<semaphore_mem>>)
      } else {
      }
      %ge3A_83 = arith.constant 1 : i32
      %ge3A_84 = arith.cmpi sge, %add3A_70, %ge3A_83 : i32
      %lt3A_85 = arith.constant 800 : i32
      %lt3A_86 = arith.cmpi slt, %sub3A_75, %lt3A_85 : i32
      %and3A_87 = arith.andi %ge3A_84, %lt3A_86 : i1
      %convert_element_type3A_88 = arith.extui %and3A_87 : i1 to i32
      %cond3A_89 = arith.constant 0 : i32
      %cond3A_90 = arith.cmpi ne, %convert_element_type3A_88, %cond3A_89 : i32
      scf.if %cond3A_90 {
        %dma_wait3A_104 = arith.constant 0 : i32
        %dma_wait3A_105 = arith.constant 0 : i32
        %dma_wait3A_106 = tpu.memref_slice %arg2[%dma_wait3A_104, %dma_wait3A_105] : memref<10000x128xf32, #tpu.memory_space<hbm>> -> memref<128x128xf32, #tpu.memory_space<hbm>>
        %dma_wait3A_107 = arith.constant 0 : i32
        %dma_wait3A_108 = arith.constant 0 : i32
        %dma_wait3A_109 = tpu.memref_slice %arg2[%dma_wait3A_107, %dma_wait3A_108] : memref<10000x128xf32, #tpu.memory_space<hbm>> -> memref<128x128xf32, #tpu.memory_space<hbm>>
        tpu.wait_dma2 semaphore(%arg16 : memref<!tpu.dma_semaphore, #tpu.memory_space<semaphore_mem>>) src(%dma_wait3A_109 : memref<128x128xf32, #tpu.memory_space<hbm>>) dst(%arg6 : memref<128x128xf32, #tpu.memory_space<vmem>>)
        %dma_wait3A_110 = arith.constant 0 : i32
        %dma_wait3A_111 = arith.constant 0 : i32
        %dma_wait3A_112 = tpu.memref_slice %arg2[%dma_wait3A_110, %dma_wait3A_111] : memref<10000x128xf32, #tpu.memory_space<hbm>> -> memref<128x128xf32, #tpu.memory_space<hbm>>
        %dma_wait3A_113 = arith.constant 0 : i32
        %dma_wait3A_114 = arith.constant 0 : i32
        %dma_wait3A_115 = tpu.memref_slice %arg2[%dma_wait3A_113, %dma_wait3A_114] : memref<10000x128xf32, #tpu.memory_space<hbm>> -> memref<128x128xf32, #tpu.memory_space<hbm>>
        tpu.wait_dma2 semaphore(%arg16 : memref<!tpu.dma_semaphore, #tpu.memory_space<semaphore_mem>>) src(%dma_wait3A_115 : memref<128x128xf32, #tpu.memory_space<hbm>>) dst(%arg8 : memref<128x128xf32, #tpu.memory_space<vmem>>)
      } else {
      }
      %lt3A_91 = arith.constant 800 : i32
      %lt3A_92 = arith.cmpi slt, %add3A_77, %lt3A_91 : i32
      %convert_element_type3A_93 = arith.extui %lt3A_92 : i1 to i32
      %cond3A_94 = arith.constant 0 : i32
      %cond3A_95 = arith.cmpi ne, %convert_element_type3A_93, %cond3A_94 : i32
      scf.if %cond3A_95 {
        %add3A_104 = arith.constant 800 : i32
        %add3A_105 = arith.addi %add3A_104, %add3A_77 : i32
        %mul3A_106 = arith.constant 128 : i32
        %mul3A_107 = arith.muli %add3A_105, %mul3A_106 : i32
        %dma_start3A_108 = arith.constant 0 : i32
        %dma_start3A_109 = tpu.memref_slice %arg3[%dma_start3A_108, %mul3A_107] : memref<1x320000xi32, #tpu.memory_space<hbm>> -> memref<1x128xi32, #tpu.memory_space<hbm>>
        %dma_start3A_110 = arith.constant 0 : i32
        %dma_start3A_111 = tpu.memref_slice %arg3[%dma_start3A_110, %mul3A_107] : memref<1x320000xi32, #tpu.memory_space<hbm>> -> memref<1x128xi32, #tpu.memory_space<hbm>>
        tpu.enqueue_dma source(%dma_start3A_111 : memref<1x128xi32, #tpu.memory_space<hbm>>) target(%arg10 : memref<1x128xi32, #tpu.memory_space<vmem>>) target_semaphore(%arg14 : memref<!tpu.dma_semaphore, #tpu.memory_space<semaphore_mem>>)
        %add3A_112 = arith.constant 800 : i32
        %add3A_113 = arith.addi %add3A_112, %add3A_77 : i32
        %mul3A_114 = arith.constant 128 : i32
        %mul3A_115 = arith.muli %add3A_113, %mul3A_114 : i32
        %dma_start3A_116 = arith.constant 0 : i32
        %dma_start3A_117 = tpu.memref_slice %arg4[%dma_start3A_116, %mul3A_115] : memref<1x320000xi32, #tpu.memory_space<hbm>> -> memref<1x128xi32, #tpu.memory_space<hbm>>
        %dma_start3A_118 = arith.constant 0 : i32
        %dma_start3A_119 = tpu.memref_slice %arg4[%dma_start3A_118, %mul3A_115] : memref<1x320000xi32, #tpu.memory_space<hbm>> -> memref<1x128xi32, #tpu.memory_space<hbm>>
        tpu.enqueue_dma source(%dma_start3A_119 : memref<1x128xi32, #tpu.memory_space<hbm>>) target(%arg12 : memref<1x128xi32, #tpu.memory_space<vmem>>) target_semaphore(%arg14 : memref<!tpu.dma_semaphore, #tpu.memory_space<semaphore_mem>>)
      } else {
      }
      %ge3A_96 = arith.constant 1 : i32
      %ge3A_97 = arith.cmpi sge, %add3A_70, %ge3A_96 : i32
      %lt3A_98 = arith.constant 800 : i32
      %lt3A_99 = arith.cmpi slt, %sub3A_75, %lt3A_98 : i32
      %and3A_100 = arith.andi %ge3A_97, %lt3A_99 : i1
      %convert_element_type3A_101 = arith.extui %and3A_100 : i1 to i32
      %cond3A_102 = arith.constant 0 : i32
      %cond3A_103 = arith.cmpi ne, %convert_element_type3A_101, %cond3A_102 : i32
      scf.if %cond3A_103 {
        %scan3A_104 = arith.constant 0 : i32
        %scan3A_105 = arith.constant 128 : i32
        %scan3A_106 = arith.addi %scan3A_104, %scan3A_105 : i32
        %scan3A_107 = arith.constant 1 : i32
        scf.for %scan3A_115 = %scan3A_104 to %scan3A_106 step %scan3A_107  : i32 {
          %mul3A_116 = arith.constant 1 : i32
          %mul3A_117 = arith.muli %scan3A_115, %mul3A_116 : i32
          %add3A_118 = arith.constant 0 : i32
          %add3A_119 = arith.addi %add3A_118, %mul3A_117 : i32
          %scan3A_120 = arith.constant 0 : i32
          %scan3A_121 = arith.constant 8 : i32
          %scan3A_122 = arith.addi %scan3A_120, %scan3A_121 : i32
          %scan3A_123 = arith.constant 1 : i32
          scf.for %scan3A_125 = %scan3A_120 to %scan3A_122 step %scan3A_123  : i32 {
            %mul3A_126 = arith.constant 16 : i32
            %mul3A_127 = arith.muli %scan3A_125, %mul3A_126 : i32
            %add3A_128 = arith.constant 0 : i32
            %add3A_129 = arith.addi %add3A_128, %mul3A_127 : i32
            %get3A = arith.index_cast %add3A_119 : i32 to index
            %get3A_130 = arith.index_cast %add3A_129 : i32 to index
            %get3A_131 = tpu.vector_load %arg6[%get3A, %get3A_130] {strides = array<i32>} : memref<128x128xf32, #tpu.memory_space<vmem>>, vector<1x16xf32>,
            %get3A_132 = vector.shape_cast %get3A_131 : vector<1x16xf32> to vector<1x16xf32>
            %get3A_133 = arith.index_cast %add3A_119 : i32 to index
            %get3A_134 = arith.index_cast %add3A_129 : i32 to index
            %get3A_135 = tpu.vector_load %arg8[%get3A_133, %get3A_134] {strides = array<i32>} : memref<128x128xf32, #tpu.memory_space<vmem>>, vector<1x16xf32>,
            %get3A_136 = vector.shape_cast %get3A_135 : vector<1x16xf32> to vector<1x16xf32>
            %add3A_137 = arith.addf %get3A_132, %get3A_136 : vector<1x16xf32>
            %swap3A = arith.index_cast %add3A_119 : i32 to index
            %swap3A_138 = arith.index_cast %add3A_129 : i32 to index
            %swap3A_139 = tpu.vector_load %arg6[%swap3A, %swap3A_138] {strides = array<i32>} : memref<128x128xf32, #tpu.memory_space<vmem>>, vector<1x16xf32>,
            %swap3A_140 = vector.shape_cast %swap3A_139 : vector<1x16xf32> to vector<1x16xf32>
            %swap3A_141 = vector.shape_cast %add3A_137 : vector<1x16xf32> to vector<1x16xf32>
            tpu.vector_store %arg6[%swap3A, %swap3A_138], %swap3A_141 {strides = array<i32>} : memref<128x128xf32, #tpu.memory_space<vmem>>, vector<1x16xf32>,
          }
          %scan3A_124 = arith.constant 8 : i32
        }
        %scan3A_108 = arith.constant 128 : i32
        %mul3A_109 = arith.constant 128 : i32
        %mul3A_110 = arith.muli %sub3A_75, %mul3A_109 : i32
        %dma_start3A_111 = arith.constant 0 : i32
        %dma_start3A_112 = tpu.memref_slice %arg5[%mul3A_110, %dma_start3A_111] : memref<102400x128xf32, #tpu.memory_space<hbm>> -> memref<128x128xf32, #tpu.memory_space<hbm>>
        %dma_start3A_113 = arith.constant 0 : i32
        %dma_start3A_114 = tpu.memref_slice %arg5[%mul3A_110, %dma_start3A_113] : memref<102400x128xf32, #tpu.memory_space<hbm>> -> memref<128x128xf32, #tpu.memory_space<hbm>>
        tpu.enqueue_dma source(%arg6 : memref<128x128xf32, #tpu.memory_space<vmem>>) target(%dma_start3A_114 : memref<128x128xf32, #tpu.memory_space<hbm>>) target_semaphore(%arg18 : memref<!tpu.dma_semaphore, #tpu.memory_space<semaphore_mem>>)
      } else {
      }
    }
    %scan3A_19 = arith.constant 13 : i32
    %dma_wait3A = arith.constant 0 : i32
    %dma_wait3A_20 = arith.constant 0 : i32
    %dma_wait3A_21 = tpu.memref_slice %arg5[%dma_wait3A, %dma_wait3A_20] : memref<102400x128xf32, #tpu.memory_space<hbm>> -> memref<128x128xf32, #tpu.memory_space<hbm>>
    %dma_wait3A_22 = arith.constant 0 : i32
    %dma_wait3A_23 = arith.constant 0 : i32
    %dma_wait3A_24 = tpu.memref_slice %arg5[%dma_wait3A_22, %dma_wait3A_23] : memref<102400x128xf32, #tpu.memory_space<hbm>> -> memref<128x128xf32, #tpu.memory_space<hbm>>
    tpu.wait_dma2 semaphore(%arg18 : memref<!tpu.dma_semaphore, #tpu.memory_space<semaphore_mem>>) src(%arg6 : memref<128x128xf32, #tpu.memory_space<vmem>>) dst(%dma_wait3A_24 : memref<128x128xf32, #tpu.memory_space<hbm>>)
    %dma_wait3A_25 = arith.constant 0 : i32
    %dma_wait3A_26 = arith.constant 0 : i32
    %dma_wait3A_27 = tpu.memref_slice %arg5[%dma_wait3A_25, %dma_wait3A_26] : memref<102400x128xf32, #tpu.memory_space<hbm>> -> memref<128x128xf32, #tpu.memory_space<hbm>>
    %dma_wait3A_28 = arith.constant 0 : i32
    %dma_wait3A_29 = arith.constant 0 : i32
    %dma_wait3A_30 = tpu.memref_slice %arg5[%dma_wait3A_28, %dma_wait3A_29] : memref<102400x128xf32, #tpu.memory_space<hbm>> -> memref<128x128xf32, #tpu.memory_space<hbm>>
    tpu.wait_dma2 semaphore(%arg19 : memref<!tpu.dma_semaphore, #tpu.memory_space<semaphore_mem>>) src(%arg7 : memref<128x128xf32, #tpu.memory_space<vmem>>) dst(%dma_wait3A_30 : memref<128x128xf32, #tpu.memory_space<hbm>>)
    return
  }
}

#map = affine_map<(d0, d1) -> (0, 0)>
#map1 = affine_map<(d0, d1) -> (0, 0, 0)>
module attributes {stable_mosaic.version = 14 : i64} {
  func.func @scatter_kernel(%arg0: i32, %arg1: i32, %arg2: memref<10000x128xf32, #tpu.memory_space<hbm>>, %arg3: memref<102400x128xf32, #tpu.memory_space<hbm>>, %arg4: memref<102400x128xf32, #tpu.memory_space<hbm>>, %arg5: memref<102400x128xf32, #tpu.memory_space<hbm>>, %arg6: memref<12800x128xf32, #tpu.memory_space<hbm>>, %arg7: memref<1x320000xi32, #tpu.memory_space<hbm>>, %arg8: memref<1x320000xi32, #tpu.memory_space<hbm>>, %arg9: memref<2x10000x128xf32, #tpu.memory_space<hbm>>, %arg10: memref<128x128xf32, #tpu.memory_space<vmem>>, %arg11: memref<128x128xf32, #tpu.memory_space<vmem>>, %arg12: memref<128x128xf32, #tpu.memory_space<vmem>>, %arg13: memref<1x128xi32, #tpu.memory_space<vmem>>, %arg14: memref<1x128xi32, #tpu.memory_space<vmem>>, %arg15: memref<1x128xi32, #tpu.memory_space<vmem>>, %arg16: memref<1x128xi32, #tpu.memory_space<vmem>>, %arg17: memref<10000x128xf32, #tpu.memory_space<vmem_shared>>, %arg18: memref<!tpu.dma_semaphore, #tpu.memory_space<semaphore_mem>>, %arg19: memref<!tpu.dma_semaphore, #tpu.memory_space<semaphore_mem>>, %arg20: memref<!tpu.dma_semaphore, #tpu.memory_space<semaphore_mem>>, %arg21: memref<!tpu.dma_semaphore, #tpu.memory_space<semaphore_mem>>, %arg22: memref<!tpu.dma_semaphore, #tpu.memory_space<semaphore_mem>>, %arg23: memref<!tpu.dma_semaphore, #tpu.memory_space<semaphore_mem>>, %arg24: memref<!tpu.dma_semaphore, #tpu.memory_space<semaphore_mem>>, %arg25: memref<!tpu.dma_semaphore, #tpu.memory_space<semaphore_mem>>, %arg26: memref<!tpu.dma_semaphore, #tpu.memory_space<semaphore_mem>>) attributes {dimension_semantics = [#tpu.dimension_semantics<core_parallel>, #tpu.dimension_semantics<subcore_parallel>], iteration_bounds = array<i64: 2, 16>, scalar_prefetch = 0 : i64, scratch_operands = 17 : i64, tpu.core_type = #tpu.core_type<sc_vector_subcore>, window_params = [{transform_indices = #map}, {transform_indices = #map}, {transform_indices = #map}, {transform_indices = #map}, {transform_indices = #map}, {transform_indices = #map}, {transform_indices = #map}, {transform_indices = #map1}]} {
    %mul3A = arith.constant 2 : i32
    %mul3A_0 = arith.muli %arg1, %mul3A : i32
    %add3A = arith.addi %mul3A_0, %arg0 : i32
    %scan3A = arith.constant 0 : i32
    %scan3A_1 = arith.constant 80 : i32
    %scan3A_2 = arith.addi %scan3A, %scan3A_1 : i32
    %scan3A_3 = arith.constant 1 : i32
    scf.for %scan3A_114 = %scan3A to %scan3A_2 step %scan3A_3  : i32 {
      %mul3A_115 = arith.constant 1 : i32
      %mul3A_116 = arith.muli %scan3A_114, %mul3A_115 : i32
      %add3A_117 = arith.constant 0 : i32
      %add3A_118 = arith.addi %add3A_117, %mul3A_116 : i32
      %scan3A_119 = arith.constant 0 : i32
      %scan3A_120 = arith.constant 8 : i32
      %scan3A_121 = arith.addi %scan3A_119, %scan3A_120 : i32
      %scan3A_122 = arith.constant 1 : i32
      scf.for %scan3A_124 = %scan3A_119 to %scan3A_121 step %scan3A_122  : i32 {
        %mul3A_125 = arith.constant 16 : i32
        %mul3A_126 = arith.muli %scan3A_124, %mul3A_125 : i32
        %add3A_127 = arith.constant 0 : i32
        %add3A_128 = arith.addi %add3A_127, %mul3A_126 : i32
        %broadcast_in_dim3A = arith.constant 0.000000e+00 : f32
        %broadcast_in_dim3A_129 = vector.broadcast %broadcast_in_dim3A : f32 to vector<1x16xf32>
        %swap3A = arith.index_cast %add3A_118 : i32 to index
        %swap3A_130 = arith.index_cast %add3A_128 : i32 to index
        %swap3A_131 = tpu.vector_load %arg10[%swap3A, %swap3A_130] {strides = array<i32>} : memref<128x128xf32, #tpu.memory_space<vmem>>, vector<1x16xf32>,
        %swap3A_132 = vector.shape_cast %swap3A_131 : vector<1x16xf32> to vector<1x16xf32>
        %swap3A_133 = vector.shape_cast %broadcast_in_dim3A_129 : vector<1x16xf32> to vector<1x16xf32>
        tpu.vector_store %arg10[%swap3A, %swap3A_130], %swap3A_133 {strides = array<i32>} : memref<128x128xf32, #tpu.memory_space<vmem>>, vector<1x16xf32>,
      }
      %scan3A_123 = arith.constant 8 : i32
    }
    %scan3A_4 = arith.constant 80 : i32
    %scan3A_5 = arith.constant 0 : i32
    %scan3A_6 = arith.constant 8 : i32
    %scan3A_7 = arith.addi %scan3A_5, %scan3A_6 : i32
    %scan3A_8 = arith.constant 1 : i32
    scf.for %scan3A_114 = %scan3A_5 to %scan3A_7 step %scan3A_8  : i32 {
      %mul3A_115 = arith.constant 1 : i32
      %mul3A_116 = arith.muli %scan3A_114, %mul3A_115 : i32
      %add3A_117 = arith.constant 0 : i32
      %add3A_118 = arith.addi %add3A_117, %mul3A_116 : i32
      %mul3A_119 = arith.constant 16 : i32
      %mul3A_120 = arith.muli %add3A_118, %mul3A_119 : i32
      %add3A_121 = arith.addi %arg1, %mul3A_120 : i32
      %lt3A = arith.constant 125 : i32
      %lt3A_122 = arith.cmpi slt, %add3A_121, %lt3A : i32
      %convert_element_type3A = arith.extui %lt3A_122 : i1 to i32
      %cond3A = arith.constant 0 : i32
      %cond3A_123 = arith.cmpi ne, %convert_element_type3A, %cond3A : i32
      scf.if %cond3A_123 {
        %mul3A_124 = arith.constant 80 : i32
        %mul3A_125 = arith.muli %add3A_121, %mul3A_124 : i32
        "tpu.region"() ({
          %run_scoped3A = tpu.sem_alloc : memref<!tpu.dma_semaphore, #tpu.memory_space<semaphore_mem>>
          %dma_start3A_126 = arith.constant 0 : i32
          %dma_start3A_127 = arith.constant 0 : i32
          %dma_start3A_128 = tpu.memref_slice %arg10[%dma_start3A_126, %dma_start3A_127] : memref<128x128xf32, #tpu.memory_space<vmem>> -> memref<80x128xf32, #tpu.memory_space<vmem>>
          %dma_start3A_129 = arith.constant 0 : i32
          %dma_start3A_130 = tpu.memref_slice %arg17[%mul3A_125, %dma_start3A_129] : memref<10000x128xf32, #tpu.memory_space<vmem_shared>> -> memref<80x128xf32, #tpu.memory_space<vmem_shared>>
          %dma_start3A_131 = arith.constant 0 : i32
          %dma_start3A_132 = tpu.memref_slice %arg17[%mul3A_125, %dma_start3A_131] : memref<10000x128xf32, #tpu.memory_space<vmem_shared>> -> memref<80x128xf32, #tpu.memory_space<vmem_shared>>
          %dma_start3A_133 = arith.constant 0 : i32
          %dma_start3A_134 = arith.constant 0 : i32
          %dma_start3A_135 = tpu.memref_slice %arg10[%dma_start3A_133, %dma_start3A_134] : memref<128x128xf32, #tpu.memory_space<vmem>> -> memref<80x128xf32, #tpu.memory_space<vmem>>
          tpu.enqueue_dma source(%dma_start3A_135 : memref<80x128xf32, #tpu.memory_space<vmem>>) target(%dma_start3A_132 : memref<80x128xf32, #tpu.memory_space<vmem_shared>>) target_semaphore(%run_scoped3A : memref<!tpu.dma_semaphore, #tpu.memory_space<semaphore_mem>>)
          %dma_wait3A_136 = arith.constant 0 : i32
          %dma_wait3A_137 = arith.constant 0 : i32
          %dma_wait3A_138 = tpu.memref_slice %arg10[%dma_wait3A_136, %dma_wait3A_137] : memref<128x128xf32, #tpu.memory_space<vmem>> -> memref<80x128xf32, #tpu.memory_space<vmem>>
          %dma_wait3A_139 = arith.constant 0 : i32
          %dma_wait3A_140 = tpu.memref_slice %arg17[%mul3A_125, %dma_wait3A_139] : memref<10000x128xf32, #tpu.memory_space<vmem_shared>> -> memref<80x128xf32, #tpu.memory_space<vmem_shared>>
          %dma_wait3A_141 = arith.constant 0 : i32
          %dma_wait3A_142 = tpu.memref_slice %arg17[%mul3A_125, %dma_wait3A_141] : memref<10000x128xf32, #tpu.memory_space<vmem_shared>> -> memref<80x128xf32, #tpu.memory_space<vmem_shared>>
          %dma_wait3A_143 = arith.constant 0 : i32
          %dma_wait3A_144 = arith.constant 0 : i32
          %dma_wait3A_145 = tpu.memref_slice %arg10[%dma_wait3A_143, %dma_wait3A_144] : memref<128x128xf32, #tpu.memory_space<vmem>> -> memref<80x128xf32, #tpu.memory_space<vmem>>
          tpu.wait_dma2 semaphore(%run_scoped3A : memref<!tpu.dma_semaphore, #tpu.memory_space<semaphore_mem>>) src(%dma_wait3A_145 : memref<80x128xf32, #tpu.memory_space<vmem>>) dst(%dma_wait3A_142 : memref<80x128xf32, #tpu.memory_space<vmem_shared>>)
          tpu.yield
        }) : () -> ()
      } else {
      }
    }
    %scan3A_9 = arith.constant 8 : i32
    %barrier3A = arith.constant 0 : index
    tpu.barrier barrier_id(%barrier3A)
    %add3A_10 = arith.constant 0 : i32
    %add3A_11 = arith.addi %add3A_10, %add3A : i32
    %mul3A_12 = arith.constant 128 : i32
    %mul3A_13 = arith.muli %add3A_11, %mul3A_12 : i32
    %dma_start3A = arith.constant 0 : i32
    %dma_start3A_14 = tpu.memref_slice %arg8[%dma_start3A, %mul3A_13] : memref<1x320000xi32, #tpu.memory_space<hbm>> -> memref<1x128xi32, #tpu.memory_space<hbm>>
    %dma_start3A_15 = arith.constant 0 : i32
    %dma_start3A_16 = tpu.memref_slice %arg8[%dma_start3A_15, %mul3A_13] : memref<1x320000xi32, #tpu.memory_space<hbm>> -> memref<1x128xi32, #tpu.memory_space<hbm>>
    tpu.enqueue_dma source(%dma_start3A_16 : memref<1x128xi32, #tpu.memory_space<hbm>>) target(%arg15 : memref<1x128xi32, #tpu.memory_space<vmem>>) target_semaphore(%arg18 : memref<!tpu.dma_semaphore, #tpu.memory_space<semaphore_mem>>)
    %scan3A_17 = arith.constant 0 : i32
    %scan3A_18 = arith.constant 13 : i32
    %scan3A_19 = arith.addi %scan3A_17, %scan3A_18 : i32
    %scan3A_20 = arith.constant 1 : i32
    scf.for %scan3A_114 = %scan3A_17 to %scan3A_19 step %scan3A_20  : i32 {
      %mul3A_115 = arith.constant 1 : i32
      %mul3A_116 = arith.muli %scan3A_114, %mul3A_115 : i32
      %add3A_117 = arith.constant 0 : i32
      %add3A_118 = arith.addi %add3A_117, %mul3A_116 : i32
      %mul3A_119 = arith.constant 2 : i32
      %mul3A_120 = arith.muli %add3A_118, %mul3A_119 : i32
      %add3A_121 = arith.constant 0 : i32
      %add3A_122 = arith.addi %mul3A_120, %add3A_121 : i32
      %mul3A_123 = arith.constant 32 : i32
      %mul3A_124 = arith.muli %add3A_122, %mul3A_123 : i32
      %add3A_125 = arith.addi %add3A, %mul3A_124 : i32
      %sub3A = arith.constant 32 : i32
      %sub3A_126 = arith.subi %add3A_125, %sub3A : i32
      %add3A_127 = arith.constant 32 : i32
      %add3A_128 = arith.addi %add3A_125, %add3A_127 : i32
      %mul3A_129 = arith.constant 128 : i32
      %mul3A_130 = arith.muli %add3A_125, %mul3A_129 : i32
      %lt3A = arith.constant 800 : i32
      %lt3A_131 = arith.cmpi slt, %add3A_125, %lt3A : i32
      %convert_element_type3A = arith.extui %lt3A_131 : i1 to i32
      %cond3A = arith.constant 0 : i32
      %cond3A_132 = arith.cmpi ne, %convert_element_type3A, %cond3A : i32
      scf.if %cond3A_132 {
        %ge3A_227 = arith.constant 2 : i32
        %ge3A_228 = arith.cmpi sge, %add3A_122, %ge3A_227 : i32
        %convert_element_type3A_229 = arith.extui %ge3A_228 : i1 to i32
        %cond3A_230 = arith.constant 0 : i32
        %cond3A_231 = arith.cmpi ne, %convert_element_type3A_229, %cond3A_230 : i32
        scf.if %cond3A_231 {
          %dma_wait3A_245 = arith.constant 0 : i32
          %dma_wait3A_246 = arith.constant 0 : i32
          %dma_wait3A_247 = tpu.memref_slice %arg17[%dma_wait3A_245, %dma_wait3A_246] : memref<10000x128xf32, #tpu.memory_space<vmem_shared>> -> memref<128x128xf32, #tpu.memory_space<vmem_shared>>
          %dma_wait3A_248 = arith.constant 0 : i32
          %dma_wait3A_249 = arith.constant 0 : i32
          %dma_wait3A_250 = tpu.memref_slice %arg17[%dma_wait3A_248, %dma_wait3A_249] : memref<10000x128xf32, #tpu.memory_space<vmem_shared>> -> memref<128x128xf32, #tpu.memory_space<vmem_shared>>
          tpu.wait_dma2 semaphore(%arg25 : memref<!tpu.dma_semaphore, #tpu.memory_space<semaphore_mem>>) src(%arg10 : memref<128x128xf32, #tpu.memory_space<vmem>>) dst(%dma_wait3A_250 : memref<128x128xf32, #tpu.memory_space<vmem_shared>>)
        } else {
        }
        %dma_wait3A_232 = arith.constant 0 : i32
        %dma_wait3A_233 = arith.constant 0 : i32
        %dma_wait3A_234 = tpu.memref_slice %arg8[%dma_wait3A_232, %dma_wait3A_233] : memref<1x320000xi32, #tpu.memory_space<hbm>> -> memref<1x128xi32, #tpu.memory_space<hbm>>
        %dma_wait3A_235 = arith.constant 0 : i32
        %dma_wait3A_236 = arith.constant 0 : i32
        %dma_wait3A_237 = tpu.memref_slice %arg8[%dma_wait3A_235, %dma_wait3A_236] : memref<1x320000xi32, #tpu.memory_space<hbm>> -> memref<1x128xi32, #tpu.memory_space<hbm>>
        tpu.wait_dma2 semaphore(%arg18 : memref<!tpu.dma_semaphore, #tpu.memory_space<semaphore_mem>>) src(%dma_wait3A_237 : memref<1x128xi32, #tpu.memory_space<hbm>>) dst(%arg15 : memref<1x128xi32, #tpu.memory_space<vmem>>)
        %dma_start3A_238 = arith.constant 0 : i32
        %dma_start3A_239 = arith.constant 0 : i32
        %dma_start3A_240 = tpu.memref_slice %arg15[%dma_start3A_238, %dma_start3A_239] : memref<1x128xi32, #tpu.memory_space<vmem>> -> memref<1x128xi32, #tpu.memory_space<vmem>>
        %dma_start3A_241 = tpu.memref_squeeze %dma_start3A_240 : memref<1x128xi32, #tpu.memory_space<vmem>> -> memref<128xi32, #tpu.memory_space<vmem>>
        %dma_start3A_242 = arith.constant 0 : i32
        %dma_start3A_243 = arith.constant 0 : i32
        %dma_start3A_244 = tpu.memref_slice %arg2[%dma_start3A_242, %dma_start3A_243] : memref<10000x128xf32, #tpu.memory_space<hbm>> -> memref<10000x128xf32, #tpu.memory_space<hbm>>
        tpu.enqueue_indirect_dma source(%dma_start3A_244 : memref<10000x128xf32, #tpu.memory_space<hbm>>) target(%arg10 : memref<128x128xf32, #tpu.memory_space<vmem>>) offsets(%dma_start3A_241 : memref<128xi32, #tpu.memory_space<vmem>>) semaphore(%arg22 : memref<!tpu.dma_semaphore, #tpu.memory_space<semaphore_mem>>)
      } else {
      }
      %ge3A = arith.constant 1 : i32
      %ge3A_133 = arith.cmpi sge, %add3A_122, %ge3A : i32
      %lt3A_134 = arith.constant 800 : i32
      %lt3A_135 = arith.cmpi slt, %sub3A_126, %lt3A_134 : i32
      %and3A = arith.andi %ge3A_133, %lt3A_135 : i1
      %convert_element_type3A_136 = arith.extui %and3A : i1 to i32
      %cond3A_137 = arith.constant 0 : i32
      %cond3A_138 = arith.cmpi ne, %convert_element_type3A_136, %cond3A_137 : i32
      scf.if %cond3A_138 {
        %dma_wait3A_227 = arith.constant 0 : i32
        %dma_wait3A_228 = arith.constant 0 : i32
        %dma_wait3A_229 = tpu.memref_slice %arg2[%dma_wait3A_227, %dma_wait3A_228] : memref<10000x128xf32, #tpu.memory_space<hbm>> -> memref<128x128xf32, #tpu.memory_space<hbm>>
        %dma_wait3A_230 = arith.constant 0 : i32
        %dma_wait3A_231 = arith.constant 0 : i32
        %dma_wait3A_232 = tpu.memref_slice %arg2[%dma_wait3A_230, %dma_wait3A_231] : memref<10000x128xf32, #tpu.memory_space<hbm>> -> memref<128x128xf32, #tpu.memory_space<hbm>>
        tpu.wait_dma2 semaphore(%arg23 : memref<!tpu.dma_semaphore, #tpu.memory_space<semaphore_mem>>) src(%dma_wait3A_232 : memref<128x128xf32, #tpu.memory_space<hbm>>) dst(%arg11 : memref<128x128xf32, #tpu.memory_space<vmem>>)
      } else {
      }
      %lt3A_139 = arith.constant 800 : i32
      %lt3A_140 = arith.cmpi slt, %add3A_128, %lt3A_139 : i32
      %convert_element_type3A_141 = arith.extui %lt3A_140 : i1 to i32
      %cond3A_142 = arith.constant 0 : i32
      %cond3A_143 = arith.cmpi ne, %convert_element_type3A_141, %cond3A_142 : i32
      scf.if %cond3A_143 {
        %add3A_227 = arith.constant 0 : i32
        %add3A_228 = arith.addi %add3A_227, %add3A_128 : i32
        %mul3A_229 = arith.constant 128 : i32
        %mul3A_230 = arith.muli %add3A_228, %mul3A_229 : i32
        %dma_start3A_231 = arith.constant 0 : i32
        %dma_start3A_232 = tpu.memref_slice %arg8[%dma_start3A_231, %mul3A_230] : memref<1x320000xi32, #tpu.memory_space<hbm>> -> memref<1x128xi32, #tpu.memory_space<hbm>>
        %dma_start3A_233 = arith.constant 0 : i32
        %dma_start3A_234 = tpu.memref_slice %arg8[%dma_start3A_233, %mul3A_230] : memref<1x320000xi32, #tpu.memory_space<hbm>> -> memref<1x128xi32, #tpu.memory_space<hbm>>
        tpu.enqueue_dma source(%dma_start3A_234 : memref<1x128xi32, #tpu.memory_space<hbm>>) target(%arg16 : memref<1x128xi32, #tpu.memory_space<vmem>>) target_semaphore(%arg19 : memref<!tpu.dma_semaphore, #tpu.memory_space<semaphore_mem>>)
      } else {
      }
      %ge3A_144 = arith.constant 1 : i32
      %ge3A_145 = arith.cmpi sge, %add3A_122, %ge3A_144 : i32
      %lt3A_146 = arith.constant 800 : i32
      %lt3A_147 = arith.cmpi slt, %sub3A_126, %lt3A_146 : i32
      %and3A_148 = arith.andi %ge3A_145, %lt3A_147 : i1
      %convert_element_type3A_149 = arith.extui %and3A_148 : i1 to i32
      %cond3A_150 = arith.constant 0 : i32
      %cond3A_151 = arith.cmpi ne, %convert_element_type3A_149, %cond3A_150 : i32
      scf.if %cond3A_151 {
        %dma_wait3A_227 = arith.constant 0 : i32
        %dma_wait3A_228 = arith.constant 0 : i32
        %dma_wait3A_229 = tpu.memref_slice %arg3[%dma_wait3A_227, %dma_wait3A_228] : memref<102400x128xf32, #tpu.memory_space<hbm>> -> memref<128x128xf32, #tpu.memory_space<hbm>>
        %dma_wait3A_230 = arith.constant 0 : i32
        %dma_wait3A_231 = arith.constant 0 : i32
        %dma_wait3A_232 = tpu.memref_slice %arg3[%dma_wait3A_230, %dma_wait3A_231] : memref<102400x128xf32, #tpu.memory_space<hbm>> -> memref<128x128xf32, #tpu.memory_space<hbm>>
        tpu.wait_dma2 semaphore(%arg24 : memref<!tpu.dma_semaphore, #tpu.memory_space<semaphore_mem>>) src(%dma_wait3A_232 : memref<128x128xf32, #tpu.memory_space<hbm>>) dst(%arg12 : memref<128x128xf32, #tpu.memory_space<vmem>>)
        %scan3A_233 = arith.constant 0 : i32
        %scan3A_234 = arith.constant 128 : i32
        %scan3A_235 = arith.addi %scan3A_233, %scan3A_234 : i32
        %scan3A_236 = arith.constant 1 : i32
        scf.for %scan3A_238 = %scan3A_233 to %scan3A_235 step %scan3A_236  : i32 {
          %mul3A_239 = arith.constant 1 : i32
          %mul3A_240 = arith.muli %scan3A_238, %mul3A_239 : i32
          %add3A_241 = arith.constant 0 : i32
          %add3A_242 = arith.addi %add3A_241, %mul3A_240 : i32
          %scan3A_243 = arith.constant 0 : i32
          %scan3A_244 = arith.constant 8 : i32
          %scan3A_245 = arith.addi %scan3A_243, %scan3A_244 : i32
          %scan3A_246 = arith.constant 1 : i32
          scf.for %scan3A_248 = %scan3A_243 to %scan3A_245 step %scan3A_246  : i32 {
            %mul3A_249 = arith.constant 16 : i32
            %mul3A_250 = arith.muli %scan3A_248, %mul3A_249 : i32
            %add3A_251 = arith.constant 0 : i32
            %add3A_252 = arith.addi %add3A_251, %mul3A_250 : i32
            %get3A = arith.index_cast %add3A_242 : i32 to index
            %get3A_253 = arith.index_cast %add3A_252 : i32 to index
            %get3A_254 = tpu.vector_load %arg11[%get3A, %get3A_253] {strides = array<i32>} : memref<128x128xf32, #tpu.memory_space<vmem>>, vector<1x16xf32>,
            %get3A_255 = vector.shape_cast %get3A_254 : vector<1x16xf32> to vector<1x16xf32>
            %get3A_256 = arith.index_cast %add3A_242 : i32 to index
            %get3A_257 = arith.index_cast %add3A_252 : i32 to index
            %get3A_258 = tpu.vector_load %arg12[%get3A_256, %get3A_257] {strides = array<i32>} : memref<128x128xf32, #tpu.memory_space<vmem>>, vector<1x16xf32>,
            %get3A_259 = vector.shape_cast %get3A_258 : vector<1x16xf32> to vector<1x16xf32>
            %mul3A_260 = arith.mulf %get3A_255, %get3A_259 : vector<1x16xf32>
            %swap3A = arith.index_cast %add3A_242 : i32 to index
            %swap3A_261 = arith.index_cast %add3A_252 : i32 to index
            %swap3A_262 = tpu.vector_load %arg11[%swap3A, %swap3A_261] {strides = array<i32>} : memref<128x128xf32, #tpu.memory_space<vmem>>, vector<1x16xf32>,
            %swap3A_263 = vector.shape_cast %swap3A_262 : vector<1x16xf32> to vector<1x16xf32>
            %swap3A_264 = vector.shape_cast %mul3A_260 : vector<1x16xf32> to vector<1x16xf32>
            tpu.vector_store %arg11[%swap3A, %swap3A_261], %swap3A_264 {strides = array<i32>} : memref<128x128xf32, #tpu.memory_space<vmem>>, vector<1x16xf32>,
          }
          %scan3A_247 = arith.constant 8 : i32
        }
        %scan3A_237 = arith.constant 128 : i32
      } else {
      }
      %lt3A_152 = arith.constant 800 : i32
      %lt3A_153 = arith.cmpi slt, %add3A_125, %lt3A_152 : i32
      %convert_element_type3A_154 = arith.extui %lt3A_153 : i1 to i32
      %cond3A_155 = arith.constant 0 : i32
      %cond3A_156 = arith.cmpi ne, %convert_element_type3A_154, %cond3A_155 : i32
      scf.if %cond3A_156 {
        %dma_start3A_227 = arith.constant 0 : i32
        %dma_start3A_228 = tpu.memref_slice %arg3[%mul3A_130, %dma_start3A_227] : memref<102400x128xf32, #tpu.memory_space<hbm>> -> memref<128x128xf32, #tpu.memory_space<hbm>>
        %dma_start3A_229 = arith.constant 0 : i32
        %dma_start3A_230 = tpu.memref_slice %arg3[%mul3A_130, %dma_start3A_229] : memref<102400x128xf32, #tpu.memory_space<hbm>> -> memref<128x128xf32, #tpu.memory_space<hbm>>
        tpu.enqueue_dma source(%dma_start3A_230 : memref<128x128xf32, #tpu.memory_space<hbm>>) target(%arg12 : memref<128x128xf32, #tpu.memory_space<vmem>>) target_semaphore(%arg24 : memref<!tpu.dma_semaphore, #tpu.memory_space<semaphore_mem>>)
      } else {
      }
      %ge3A_157 = arith.constant 1 : i32
      %ge3A_158 = arith.cmpi sge, %add3A_122, %ge3A_157 : i32
      %lt3A_159 = arith.constant 800 : i32
      %lt3A_160 = arith.cmpi slt, %sub3A_126, %lt3A_159 : i32
      %and3A_161 = arith.andi %ge3A_158, %lt3A_160 : i1
      %convert_element_type3A_162 = arith.extui %and3A_161 : i1 to i32
      %cond3A_163 = arith.constant 0 : i32
      %cond3A_164 = arith.cmpi ne, %convert_element_type3A_162, %cond3A_163 : i32
      scf.if %cond3A_164 {
        %dma_wait3A_227 = arith.constant 0 : i32
        %dma_wait3A_228 = arith.constant 0 : i32
        %dma_wait3A_229 = tpu.memref_slice %arg7[%dma_wait3A_227, %dma_wait3A_228] : memref<1x320000xi32, #tpu.memory_space<hbm>> -> memref<1x128xi32, #tpu.memory_space<hbm>>
        %dma_wait3A_230 = arith.constant 0 : i32
        %dma_wait3A_231 = arith.constant 0 : i32
        %dma_wait3A_232 = tpu.memref_slice %arg7[%dma_wait3A_230, %dma_wait3A_231] : memref<1x320000xi32, #tpu.memory_space<hbm>> -> memref<1x128xi32, #tpu.memory_space<hbm>>
        tpu.wait_dma2 semaphore(%arg21 : memref<!tpu.dma_semaphore, #tpu.memory_space<semaphore_mem>>) src(%dma_wait3A_232 : memref<1x128xi32, #tpu.memory_space<hbm>>) dst(%arg14 : memref<1x128xi32, #tpu.memory_space<vmem>>)
        %dma_start3A_233 = arith.constant 0 : i32
        %dma_start3A_234 = arith.constant 0 : i32
        %dma_start3A_235 = tpu.memref_slice %arg14[%dma_start3A_233, %dma_start3A_234] : memref<1x128xi32, #tpu.memory_space<vmem>> -> memref<1x128xi32, #tpu.memory_space<vmem>>
        %dma_start3A_236 = tpu.memref_squeeze %dma_start3A_235 : memref<1x128xi32, #tpu.memory_space<vmem>> -> memref<128xi32, #tpu.memory_space<vmem>>
        %dma_start3A_237 = arith.constant 0 : i32
        %dma_start3A_238 = arith.constant 0 : i32
        %dma_start3A_239 = tpu.memref_slice %arg17[%dma_start3A_237, %dma_start3A_238] : memref<10000x128xf32, #tpu.memory_space<vmem_shared>> -> memref<10000x128xf32, #tpu.memory_space<vmem_shared>>
        tpu.enqueue_indirect_dma source(%arg11 : memref<128x128xf32, #tpu.memory_space<vmem>>) target(%dma_start3A_239 : memref<10000x128xf32, #tpu.memory_space<vmem_shared>>) offsets(%dma_start3A_236 : memref<128xi32, #tpu.memory_space<vmem>>) semaphore(%arg26 : memref<!tpu.dma_semaphore, #tpu.memory_space<semaphore_mem>>) {add = true}
      } else {
      }
      %lt3A_165 = arith.constant 800 : i32
      %lt3A_166 = arith.cmpi slt, %add3A_125, %lt3A_165 : i32
      %convert_element_type3A_167 = arith.extui %lt3A_166 : i1 to i32
      %cond3A_168 = arith.constant 0 : i32
      %cond3A_169 = arith.cmpi ne, %convert_element_type3A_167, %cond3A_168 : i32
      scf.if %cond3A_169 {
        %add3A_227 = arith.constant 0 : i32
        %add3A_228 = arith.addi %add3A_227, %add3A_125 : i32
        %mul3A_229 = arith.constant 128 : i32
        %mul3A_230 = arith.muli %add3A_228, %mul3A_229 : i32
        %dma_start3A_231 = arith.constant 0 : i32
        %dma_start3A_232 = tpu.memref_slice %arg7[%dma_start3A_231, %mul3A_230] : memref<1x320000xi32, #tpu.memory_space<hbm>> -> memref<1x128xi32, #tpu.memory_space<hbm>>
        %dma_start3A_233 = arith.constant 0 : i32
        %dma_start3A_234 = tpu.memref_slice %arg7[%dma_start3A_233, %mul3A_230] : memref<1x320000xi32, #tpu.memory_space<hbm>> -> memref<1x128xi32, #tpu.memory_space<hbm>>
        tpu.enqueue_dma source(%dma_start3A_234 : memref<1x128xi32, #tpu.memory_space<hbm>>) target(%arg13 : memref<1x128xi32, #tpu.memory_space<vmem>>) target_semaphore(%arg20 : memref<!tpu.dma_semaphore, #tpu.memory_space<semaphore_mem>>)
      } else {
      }
      %mul3A_170 = arith.constant 2 : i32
      %mul3A_171 = arith.muli %add3A_118, %mul3A_170 : i32
      %add3A_172 = arith.constant 1 : i32
      %add3A_173 = arith.addi %mul3A_171, %add3A_172 : i32
      %mul3A_174 = arith.constant 32 : i32
      %mul3A_175 = arith.muli %add3A_173, %mul3A_174 : i32
      %add3A_176 = arith.addi %add3A, %mul3A_175 : i32
      %sub3A_177 = arith.constant 32 : i32
      %sub3A_178 = arith.subi %add3A_176, %sub3A_177 : i32
      %add3A_179 = arith.constant 32 : i32
      %add3A_180 = arith.addi %add3A_176, %add3A_179 : i32
      %mul3A_181 = arith.constant 128 : i32
      %mul3A_182 = arith.muli %add3A_176, %mul3A_181 : i32
      %lt3A_183 = arith.constant 800 : i32
      %lt3A_184 = arith.cmpi slt, %add3A_176, %lt3A_183 : i32
      %convert_element_type3A_185 = arith.extui %lt3A_184 : i1 to i32
      %cond3A_186 = arith.constant 0 : i32
      %cond3A_187 = arith.cmpi ne, %convert_element_type3A_185, %cond3A_186 : i32
      scf.if %cond3A_187 {
        %ge3A_227 = arith.constant 2 : i32
        %ge3A_228 = arith.cmpi sge, %add3A_173, %ge3A_227 : i32
        %convert_element_type3A_229 = arith.extui %ge3A_228 : i1 to i32
        %cond3A_230 = arith.constant 0 : i32
        %cond3A_231 = arith.cmpi ne, %convert_element_type3A_229, %cond3A_230 : i32
        scf.if %cond3A_231 {
          %dma_wait3A_245 = arith.constant 0 : i32
          %dma_wait3A_246 = arith.constant 0 : i32
          %dma_wait3A_247 = tpu.memref_slice %arg17[%dma_wait3A_245, %dma_wait3A_246] : memref<10000x128xf32, #tpu.memory_space<vmem_shared>> -> memref<128x128xf32, #tpu.memory_space<vmem_shared>>
          %dma_wait3A_248 = arith.constant 0 : i32
          %dma_wait3A_249 = arith.constant 0 : i32
          %dma_wait3A_250 = tpu.memref_slice %arg17[%dma_wait3A_248, %dma_wait3A_249] : memref<10000x128xf32, #tpu.memory_space<vmem_shared>> -> memref<128x128xf32, #tpu.memory_space<vmem_shared>>
          tpu.wait_dma2 semaphore(%arg26 : memref<!tpu.dma_semaphore, #tpu.memory_space<semaphore_mem>>) src(%arg11 : memref<128x128xf32, #tpu.memory_space<vmem>>) dst(%dma_wait3A_250 : memref<128x128xf32, #tpu.memory_space<vmem_shared>>)
        } else {
        }
        %dma_wait3A_232 = arith.constant 0 : i32
        %dma_wait3A_233 = arith.constant 0 : i32
        %dma_wait3A_234 = tpu.memref_slice %arg8[%dma_wait3A_232, %dma_wait3A_233] : memref<1x320000xi32, #tpu.memory_space<hbm>> -> memref<1x128xi32, #tpu.memory_space<hbm>>
        %dma_wait3A_235 = arith.constant 0 : i32
        %dma_wait3A_236 = arith.constant 0 : i32
        %dma_wait3A_237 = tpu.memref_slice %arg8[%dma_wait3A_235, %dma_wait3A_236] : memref<1x320000xi32, #tpu.memory_space<hbm>> -> memref<1x128xi32, #tpu.memory_space<hbm>>
        tpu.wait_dma2 semaphore(%arg19 : memref<!tpu.dma_semaphore, #tpu.memory_space<semaphore_mem>>) src(%dma_wait3A_237 : memref<1x128xi32, #tpu.memory_space<hbm>>) dst(%arg16 : memref<1x128xi32, #tpu.memory_space<vmem>>)
        %dma_start3A_238 = arith.constant 0 : i32
        %dma_start3A_239 = arith.constant 0 : i32
        %dma_start3A_240 = tpu.memref_slice %arg16[%dma_start3A_238, %dma_start3A_239] : memref<1x128xi32, #tpu.memory_space<vmem>> -> memref<1x128xi32, #tpu.memory_space<vmem>>
        %dma_start3A_241 = tpu.memref_squeeze %dma_start3A_240 : memref<1x128xi32, #tpu.memory_space<vmem>> -> memref<128xi32, #tpu.memory_space<vmem>>
        %dma_start3A_242 = arith.constant 0 : i32
        %dma_start3A_243 = arith.constant 0 : i32
        %dma_start3A_244 = tpu.memref_slice %arg2[%dma_start3A_242, %dma_start3A_243] : memref<10000x128xf32, #tpu.memory_space<hbm>> -> memref<10000x128xf32, #tpu.memory_space<hbm>>
        tpu.enqueue_indirect_dma source(%dma_start3A_244 : memref<10000x128xf32, #tpu.memory_space<hbm>>) target(%arg11 : memref<128x128xf32, #tpu.memory_space<vmem>>) offsets(%dma_start3A_241 : memref<128xi32, #tpu.memory_space<vmem>>) semaphore(%arg23 : memref<!tpu.dma_semaphore, #tpu.memory_space<semaphore_mem>>)
      } else {
      }
      %ge3A_188 = arith.constant 1 : i32
      %ge3A_189 = arith.cmpi sge, %add3A_173, %ge3A_188 : i32
      %lt3A_190 = arith.constant 800 : i32
      %lt3A_191 = arith.cmpi slt, %sub3A_178, %lt3A_190 : i32
      %and3A_192 = arith.andi %ge3A_189, %lt3A_191 : i1
      %convert_element_type3A_193 = arith.extui %and3A_192 : i1 to i32
      %cond3A_194 = arith.constant 0 : i32
      %cond3A_195 = arith.cmpi ne, %convert_element_type3A_193, %cond3A_194 : i32
      scf.if %cond3A_195 {
        %dma_wait3A_227 = arith.constant 0 : i32
        %dma_wait3A_228 = arith.constant 0 : i32
        %dma_wait3A_229 = tpu.memref_slice %arg2[%dma_wait3A_227, %dma_wait3A_228] : memref<10000x128xf32, #tpu.memory_space<hbm>> -> memref<128x128xf32, #tpu.memory_space<hbm>>
        %dma_wait3A_230 = arith.constant 0 : i32
        %dma_wait3A_231 = arith.constant 0 : i32
        %dma_wait3A_232 = tpu.memref_slice %arg2[%dma_wait3A_230, %dma_wait3A_231] : memref<10000x128xf32, #tpu.memory_space<hbm>> -> memref<128x128xf32, #tpu.memory_space<hbm>>
        tpu.wait_dma2 semaphore(%arg22 : memref<!tpu.dma_semaphore, #tpu.memory_space<semaphore_mem>>) src(%dma_wait3A_232 : memref<128x128xf32, #tpu.memory_space<hbm>>) dst(%arg10 : memref<128x128xf32, #tpu.memory_space<vmem>>)
      } else {
      }
      %lt3A_196 = arith.constant 800 : i32
      %lt3A_197 = arith.cmpi slt, %add3A_180, %lt3A_196 : i32
      %convert_element_type3A_198 = arith.extui %lt3A_197 : i1 to i32
      %cond3A_199 = arith.constant 0 : i32
      %cond3A_200 = arith.cmpi ne, %convert_element_type3A_198, %cond3A_199 : i32
      scf.if %cond3A_200 {
        %add3A_227 = arith.constant 0 : i32
        %add3A_228 = arith.addi %add3A_227, %add3A_180 : i32
        %mul3A_229 = arith.constant 128 : i32
        %mul3A_230 = arith.muli %add3A_228, %mul3A_229 : i32
        %dma_start3A_231 = arith.constant 0 : i32
        %dma_start3A_232 = tpu.memref_slice %arg8[%dma_start3A_231, %mul3A_230] : memref<1x320000xi32, #tpu.memory_space<hbm>> -> memref<1x128xi32, #tpu.memory_space<hbm>>
        %dma_start3A_233 = arith.constant 0 : i32
        %dma_start3A_234 = tpu.memref_slice %arg8[%dma_start3A_233, %mul3A_230] : memref<1x320000xi32, #tpu.memory_space<hbm>> -> memref<1x128xi32, #tpu.memory_space<hbm>>
        tpu.enqueue_dma source(%dma_start3A_234 : memref<1x128xi32, #tpu.memory_space<hbm>>) target(%arg15 : memref<1x128xi32, #tpu.memory_space<vmem>>) target_semaphore(%arg18 : memref<!tpu.dma_semaphore, #tpu.memory_space<semaphore_mem>>)
      } else {
      }
      %ge3A_201 = arith.constant 1 : i32
      %ge3A_202 = arith.cmpi sge, %add3A_173, %ge3A_201 : i32
      %lt3A_203 = arith.constant 800 : i32
      %lt3A_204 = arith.cmpi slt, %sub3A_178, %lt3A_203 : i32
      %and3A_205 = arith.andi %ge3A_202, %lt3A_204 : i1
      %convert_element_type3A_206 = arith.extui %and3A_205 : i1 to i32
      %cond3A_207 = arith.constant 0 : i32
      %cond3A_208 = arith.cmpi ne, %convert_element_type3A_206, %cond3A_207 : i32
      scf.if %cond3A_208 {
        %dma_wait3A_227 = arith.constant 0 : i32
        %dma_wait3A_228 = arith.constant 0 : i32
        %dma_wait3A_229 = tpu.memref_slice %arg3[%dma_wait3A_227, %dma_wait3A_228] : memref<102400x128xf32, #tpu.memory_space<hbm>> -> memref<128x128xf32, #tpu.memory_space<hbm>>
        %dma_wait3A_230 = arith.constant 0 : i32
        %dma_wait3A_231 = arith.constant 0 : i32
        %dma_wait3A_232 = tpu.memref_slice %arg3[%dma_wait3A_230, %dma_wait3A_231] : memref<102400x128xf32, #tpu.memory_space<hbm>> -> memref<128x128xf32, #tpu.memory_space<hbm>>
        tpu.wait_dma2 semaphore(%arg24 : memref<!tpu.dma_semaphore, #tpu.memory_space<semaphore_mem>>) src(%dma_wait3A_232 : memref<128x128xf32, #tpu.memory_space<hbm>>) dst(%arg12 : memref<128x128xf32, #tpu.memory_space<vmem>>)
        %scan3A_233 = arith.constant 0 : i32
        %scan3A_234 = arith.constant 128 : i32
        %scan3A_235 = arith.addi %scan3A_233, %scan3A_234 : i32
        %scan3A_236 = arith.constant 1 : i32
        scf.for %scan3A_238 = %scan3A_233 to %scan3A_235 step %scan3A_236  : i32 {
          %mul3A_239 = arith.constant 1 : i32
          %mul3A_240 = arith.muli %scan3A_238, %mul3A_239 : i32
          %add3A_241 = arith.constant 0 : i32
          %add3A_242 = arith.addi %add3A_241, %mul3A_240 : i32
          %scan3A_243 = arith.constant 0 : i32
          %scan3A_244 = arith.constant 8 : i32
          %scan3A_245 = arith.addi %scan3A_243, %scan3A_244 : i32
          %scan3A_246 = arith.constant 1 : i32
          scf.for %scan3A_248 = %scan3A_243 to %scan3A_245 step %scan3A_246  : i32 {
            %mul3A_249 = arith.constant 16 : i32
            %mul3A_250 = arith.muli %scan3A_248, %mul3A_249 : i32
            %add3A_251 = arith.constant 0 : i32
            %add3A_252 = arith.addi %add3A_251, %mul3A_250 : i32
            %get3A = arith.index_cast %add3A_242 : i32 to index
            %get3A_253 = arith.index_cast %add3A_252 : i32 to index
            %get3A_254 = tpu.vector_load %arg10[%get3A, %get3A_253] {strides = array<i32>} : memref<128x128xf32, #tpu.memory_space<vmem>>, vector<1x16xf32>,
            %get3A_255 = vector.shape_cast %get3A_254 : vector<1x16xf32> to vector<1x16xf32>
            %get3A_256 = arith.index_cast %add3A_242 : i32 to index
            %get3A_257 = arith.index_cast %add3A_252 : i32 to index
            %get3A_258 = tpu.vector_load %arg12[%get3A_256, %get3A_257] {strides = array<i32>} : memref<128x128xf32, #tpu.memory_space<vmem>>, vector<1x16xf32>,
            %get3A_259 = vector.shape_cast %get3A_258 : vector<1x16xf32> to vector<1x16xf32>
            %mul3A_260 = arith.mulf %get3A_255, %get3A_259 : vector<1x16xf32>
            %swap3A = arith.index_cast %add3A_242 : i32 to index
            %swap3A_261 = arith.index_cast %add3A_252 : i32 to index
            %swap3A_262 = tpu.vector_load %arg10[%swap3A, %swap3A_261] {strides = array<i32>} : memref<128x128xf32, #tpu.memory_space<vmem>>, vector<1x16xf32>,
            %swap3A_263 = vector.shape_cast %swap3A_262 : vector<1x16xf32> to vector<1x16xf32>
            %swap3A_264 = vector.shape_cast %mul3A_260 : vector<1x16xf32> to vector<1x16xf32>
            tpu.vector_store %arg10[%swap3A, %swap3A_261], %swap3A_264 {strides = array<i32>} : memref<128x128xf32, #tpu.memory_space<vmem>>, vector<1x16xf32>,
          }
          %scan3A_247 = arith.constant 8 : i32
        }
        %scan3A_237 = arith.constant 128 : i32
      } else {
      }
      %lt3A_209 = arith.constant 800 : i32
      %lt3A_210 = arith.cmpi slt, %add3A_176, %lt3A_209 : i32
      %convert_element_type3A_211 = arith.extui %lt3A_210 : i1 to i32
      %cond3A_212 = arith.constant 0 : i32
      %cond3A_213 = arith.cmpi ne, %convert_element_type3A_211, %cond3A_212 : i32
      scf.if %cond3A_213 {
        %dma_start3A_227 = arith.constant 0 : i32
        %dma_start3A_228 = tpu.memref_slice %arg3[%mul3A_182, %dma_start3A_227] : memref<102400x128xf32, #tpu.memory_space<hbm>> -> memref<128x128xf32, #tpu.memory_space<hbm>>
        %dma_start3A_229 = arith.constant 0 : i32
        %dma_start3A_230 = tpu.memref_slice %arg3[%mul3A_182, %dma_start3A_229] : memref<102400x128xf32, #tpu.memory_space<hbm>> -> memref<128x128xf32, #tpu.memory_space<hbm>>
        tpu.enqueue_dma source(%dma_start3A_230 : memref<128x128xf32, #tpu.memory_space<hbm>>) target(%arg12 : memref<128x128xf32, #tpu.memory_space<vmem>>) target_semaphore(%arg24 : memref<!tpu.dma_semaphore, #tpu.memory_space<semaphore_mem>>)
      } else {
      }
      %ge3A_214 = arith.constant 1 : i32
      %ge3A_215 = arith.cmpi sge, %add3A_173, %ge3A_214 : i32
      %lt3A_216 = arith.constant 800 : i32
      %lt3A_217 = arith.cmpi slt, %sub3A_178, %lt3A_216 : i32
      %and3A_218 = arith.andi %ge3A_215, %lt3A_217 : i1
      %convert_element_type3A_219 = arith.extui %and3A_218 : i1 to i32
      %cond3A_220 = arith.constant 0 : i32
      %cond3A_221 = arith.cmpi ne, %convert_element_type3A_219, %cond3A_220 : i32
      scf.if %cond3A_221 {
        %dma_wait3A_227 = arith.constant 0 : i32
        %dma_wait3A_228 = arith.constant 0 : i32
        %dma_wait3A_229 = tpu.memref_slice %arg7[%dma_wait3A_227, %dma_wait3A_228] : memref<1x320000xi32, #tpu.memory_space<hbm>> -> memref<1x128xi32, #tpu.memory_space<hbm>>
        %dma_wait3A_230 = arith.constant 0 : i32
        %dma_wait3A_231 = arith.constant 0 : i32
        %dma_wait3A_232 = tpu.memref_slice %arg7[%dma_wait3A_230, %dma_wait3A_231] : memref<1x320000xi32, #tpu.memory_space<hbm>> -> memref<1x128xi32, #tpu.memory_space<hbm>>
        tpu.wait_dma2 semaphore(%arg20 : memref<!tpu.dma_semaphore, #tpu.memory_space<semaphore_mem>>) src(%dma_wait3A_232 : memref<1x128xi32, #tpu.memory_space<hbm>>) dst(%arg13 : memref<1x128xi32, #tpu.memory_space<vmem>>)
        %dma_start3A_233 = arith.constant 0 : i32
        %dma_start3A_234 = arith.constant 0 : i32
        %dma_start3A_235 = tpu.memref_slice %arg13[%dma_start3A_233, %dma_start3A_234] : memref<1x128xi32, #tpu.memory_space<vmem>> -> memref<1x128xi32, #tpu.memory_space<vmem>>
        %dma_start3A_236 = tpu.memref_squeeze %dma_start3A_235 : memref<1x128xi32, #tpu.memory_space<vmem>> -> memref<128xi32, #tpu.memory_space<vmem>>
        %dma_start3A_237 = arith.constant 0 : i32
        %dma_start3A_238 = arith.constant 0 : i32
        %dma_start3A_239 = tpu.memref_slice %arg17[%dma_start3A_237, %dma_start3A_238] : memref<10000x128xf32, #tpu.memory_space<vmem_shared>> -> memref<10000x128xf32, #tpu.memory_space<vmem_shared>>
        tpu.enqueue_indirect_dma source(%arg10 : memref<128x128xf32, #tpu.memory_space<vmem>>) target(%dma_start3A_239 : memref<10000x128xf32, #tpu.memory_space<vmem_shared>>) offsets(%dma_start3A_236 : memref<128xi32, #tpu.memory_space<vmem>>) semaphore(%arg25 : memref<!tpu.dma_semaphore, #tpu.memory_space<semaphore_mem>>) {add = true}
      } else {
      }
      %lt3A_222 = arith.constant 800 : i32
      %lt3A_223 = arith.cmpi slt, %add3A_176, %lt3A_222 : i32
      %convert_element_type3A_224 = arith.extui %lt3A_223 : i1 to i32
      %cond3A_225 = arith.constant 0 : i32
      %cond3A_226 = arith.cmpi ne, %convert_element_type3A_224, %cond3A_225 : i32
      scf.if %cond3A_226 {
        %add3A_227 = arith.constant 0 : i32
        %add3A_228 = arith.addi %add3A_227, %add3A_176 : i32
        %mul3A_229 = arith.constant 128 : i32
        %mul3A_230 = arith.muli %add3A_228, %mul3A_229 : i32
        %dma_start3A_231 = arith.constant 0 : i32
        %dma_start3A_232 = tpu.memref_slice %arg7[%dma_start3A_231, %mul3A_230] : memref<1x320000xi32, #tpu.memory_space<hbm>> -> memref<1x128xi32, #tpu.memory_space<hbm>>
        %dma_start3A_233 = arith.constant 0 : i32
        %dma_start3A_234 = tpu.memref_slice %arg7[%dma_start3A_233, %mul3A_230] : memref<1x320000xi32, #tpu.memory_space<hbm>> -> memref<1x128xi32, #tpu.memory_space<hbm>>
        tpu.enqueue_dma source(%dma_start3A_234 : memref<1x128xi32, #tpu.memory_space<hbm>>) target(%arg14 : memref<1x128xi32, #tpu.memory_space<vmem>>) target_semaphore(%arg21 : memref<!tpu.dma_semaphore, #tpu.memory_space<semaphore_mem>>)
      } else {
      }
    }
    %scan3A_21 = arith.constant 13 : i32
    %dma_wait3A = arith.constant 0 : i32
    %dma_wait3A_22 = arith.constant 0 : i32
    %dma_wait3A_23 = tpu.memref_slice %arg17[%dma_wait3A, %dma_wait3A_22] : memref<10000x128xf32, #tpu.memory_space<vmem_shared>> -> memref<128x128xf32, #tpu.memory_space<vmem_shared>>
    %dma_wait3A_24 = arith.constant 0 : i32
    %dma_wait3A_25 = arith.constant 0 : i32
    %dma_wait3A_26 = tpu.memref_slice %arg17[%dma_wait3A_24, %dma_wait3A_25] : memref<10000x128xf32, #tpu.memory_space<vmem_shared>> -> memref<128x128xf32, #tpu.memory_space<vmem_shared>>
    tpu.wait_dma2 semaphore(%arg25 : memref<!tpu.dma_semaphore, #tpu.memory_space<semaphore_mem>>) src(%arg10 : memref<128x128xf32, #tpu.memory_space<vmem>>) dst(%dma_wait3A_26 : memref<128x128xf32, #tpu.memory_space<vmem_shared>>)
    %dma_wait3A_27 = arith.constant 0 : i32
    %dma_wait3A_28 = arith.constant 0 : i32
    %dma_wait3A_29 = tpu.memref_slice %arg17[%dma_wait3A_27, %dma_wait3A_28] : memref<10000x128xf32, #tpu.memory_space<vmem_shared>> -> memref<128x128xf32, #tpu.memory_space<vmem_shared>>
    %dma_wait3A_30 = arith.constant 0 : i32
    %dma_wait3A_31 = arith.constant 0 : i32
    %dma_wait3A_32 = tpu.memref_slice %arg17[%dma_wait3A_30, %dma_wait3A_31] : memref<10000x128xf32, #tpu.memory_space<vmem_shared>> -> memref<128x128xf32, #tpu.memory_space<vmem_shared>>
    tpu.wait_dma2 semaphore(%arg26 : memref<!tpu.dma_semaphore, #tpu.memory_space<semaphore_mem>>) src(%arg11 : memref<128x128xf32, #tpu.memory_space<vmem>>) dst(%dma_wait3A_32 : memref<128x128xf32, #tpu.memory_space<vmem_shared>>)
    %add3A_33 = arith.constant 800 : i32
    %add3A_34 = arith.addi %add3A_33, %add3A : i32
    %mul3A_35 = arith.constant 128 : i32
    %mul3A_36 = arith.muli %add3A_34, %mul3A_35 : i32
    %dma_start3A_37 = arith.constant 0 : i32
    %dma_start3A_38 = tpu.memref_slice %arg8[%dma_start3A_37, %mul3A_36] : memref<1x320000xi32, #tpu.memory_space<hbm>> -> memref<1x128xi32, #tpu.memory_space<hbm>>
    %dma_start3A_39 = arith.constant 0 : i32
    %dma_start3A_40 = tpu.memref_slice %arg8[%dma_start3A_39, %mul3A_36] : memref<1x320000xi32, #tpu.memory_space<hbm>> -> memref<1x128xi32, #tpu.memory_space<hbm>>
    tpu.enqueue_dma source(%dma_start3A_40 : memref<1x128xi32, #tpu.memory_space<hbm>>) target(%arg15 : memref<1x128xi32, #tpu.memory_space<vmem>>) target_semaphore(%arg18 : memref<!tpu.dma_semaphore, #tpu.memory_space<semaphore_mem>>)
    %scan3A_41 = arith.constant 0 : i32
    %scan3A_42 = arith.constant 13 : i32
    %scan3A_43 = arith.addi %scan3A_41, %scan3A_42 : i32
    %scan3A_44 = arith.constant 1 : i32
    scf.for %scan3A_114 = %scan3A_41 to %scan3A_43 step %scan3A_44  : i32 {
      %mul3A_115 = arith.constant 1 : i32
      %mul3A_116 = arith.muli %scan3A_114, %mul3A_115 : i32
      %add3A_117 = arith.constant 0 : i32
      %add3A_118 = arith.addi %add3A_117, %mul3A_116 : i32
      %mul3A_119 = arith.constant 2 : i32
      %mul3A_120 = arith.muli %add3A_118, %mul3A_119 : i32
      %add3A_121 = arith.constant 0 : i32
      %add3A_122 = arith.addi %mul3A_120, %add3A_121 : i32
      %mul3A_123 = arith.constant 32 : i32
      %mul3A_124 = arith.muli %add3A_122, %mul3A_123 : i32
      %add3A_125 = arith.addi %add3A, %mul3A_124 : i32
      %sub3A = arith.constant 32 : i32
      %sub3A_126 = arith.subi %add3A_125, %sub3A : i32
      %add3A_127 = arith.constant 32 : i32
      %add3A_128 = arith.addi %add3A_125, %add3A_127 : i32
      %mul3A_129 = arith.constant 128 : i32
      %mul3A_130 = arith.muli %add3A_125, %mul3A_129 : i32
      %lt3A = arith.constant 800 : i32
      %lt3A_131 = arith.cmpi slt, %add3A_125, %lt3A : i32
      %convert_element_type3A = arith.extui %lt3A_131 : i1 to i32
      %cond3A = arith.constant 0 : i32
      %cond3A_132 = arith.cmpi ne, %convert_element_type3A, %cond3A : i32
      scf.if %cond3A_132 {
        %ge3A_227 = arith.constant 2 : i32
        %ge3A_228 = arith.cmpi sge, %add3A_122, %ge3A_227 : i32
        %convert_element_type3A_229 = arith.extui %ge3A_228 : i1 to i32
        %cond3A_230 = arith.constant 0 : i32
        %cond3A_231 = arith.cmpi ne, %convert_element_type3A_229, %cond3A_230 : i32
        scf.if %cond3A_231 {
          %dma_wait3A_245 = arith.constant 0 : i32
          %dma_wait3A_246 = arith.constant 0 : i32
          %dma_wait3A_247 = tpu.memref_slice %arg17[%dma_wait3A_245, %dma_wait3A_246] : memref<10000x128xf32, #tpu.memory_space<vmem_shared>> -> memref<128x128xf32, #tpu.memory_space<vmem_shared>>
          %dma_wait3A_248 = arith.constant 0 : i32
          %dma_wait3A_249 = arith.constant 0 : i32
          %dma_wait3A_250 = tpu.memref_slice %arg17[%dma_wait3A_248, %dma_wait3A_249] : memref<10000x128xf32, #tpu.memory_space<vmem_shared>> -> memref<128x128xf32, #tpu.memory_space<vmem_shared>>
          tpu.wait_dma2 semaphore(%arg25 : memref<!tpu.dma_semaphore, #tpu.memory_space<semaphore_mem>>) src(%arg10 : memref<128x128xf32, #tpu.memory_space<vmem>>) dst(%dma_wait3A_250 : memref<128x128xf32, #tpu.memory_space<vmem_shared>>)
        } else {
        }
        %dma_wait3A_232 = arith.constant 0 : i32
        %dma_wait3A_233 = arith.constant 0 : i32
        %dma_wait3A_234 = tpu.memref_slice %arg8[%dma_wait3A_232, %dma_wait3A_233] : memref<1x320000xi32, #tpu.memory_space<hbm>> -> memref<1x128xi32, #tpu.memory_space<hbm>>
        %dma_wait3A_235 = arith.constant 0 : i32
        %dma_wait3A_236 = arith.constant 0 : i32
        %dma_wait3A_237 = tpu.memref_slice %arg8[%dma_wait3A_235, %dma_wait3A_236] : memref<1x320000xi32, #tpu.memory_space<hbm>> -> memref<1x128xi32, #tpu.memory_space<hbm>>
        tpu.wait_dma2 semaphore(%arg18 : memref<!tpu.dma_semaphore, #tpu.memory_space<semaphore_mem>>) src(%dma_wait3A_237 : memref<1x128xi32, #tpu.memory_space<hbm>>) dst(%arg15 : memref<1x128xi32, #tpu.memory_space<vmem>>)
        %dma_start3A_238 = arith.constant 0 : i32
        %dma_start3A_239 = arith.constant 0 : i32
        %dma_start3A_240 = tpu.memref_slice %arg15[%dma_start3A_238, %dma_start3A_239] : memref<1x128xi32, #tpu.memory_space<vmem>> -> memref<1x128xi32, #tpu.memory_space<vmem>>
        %dma_start3A_241 = tpu.memref_squeeze %dma_start3A_240 : memref<1x128xi32, #tpu.memory_space<vmem>> -> memref<128xi32, #tpu.memory_space<vmem>>
        %dma_start3A_242 = arith.constant 0 : i32
        %dma_start3A_243 = arith.constant 0 : i32
        %dma_start3A_244 = tpu.memref_slice %arg2[%dma_start3A_242, %dma_start3A_243] : memref<10000x128xf32, #tpu.memory_space<hbm>> -> memref<10000x128xf32, #tpu.memory_space<hbm>>
        tpu.enqueue_indirect_dma source(%dma_start3A_244 : memref<10000x128xf32, #tpu.memory_space<hbm>>) target(%arg10 : memref<128x128xf32, #tpu.memory_space<vmem>>) offsets(%dma_start3A_241 : memref<128xi32, #tpu.memory_space<vmem>>) semaphore(%arg22 : memref<!tpu.dma_semaphore, #tpu.memory_space<semaphore_mem>>)
      } else {
      }
      %ge3A = arith.constant 1 : i32
      %ge3A_133 = arith.cmpi sge, %add3A_122, %ge3A : i32
      %lt3A_134 = arith.constant 800 : i32
      %lt3A_135 = arith.cmpi slt, %sub3A_126, %lt3A_134 : i32
      %and3A = arith.andi %ge3A_133, %lt3A_135 : i1
      %convert_element_type3A_136 = arith.extui %and3A : i1 to i32
      %cond3A_137 = arith.constant 0 : i32
      %cond3A_138 = arith.cmpi ne, %convert_element_type3A_136, %cond3A_137 : i32
      scf.if %cond3A_138 {
        %dma_wait3A_227 = arith.constant 0 : i32
        %dma_wait3A_228 = arith.constant 0 : i32
        %dma_wait3A_229 = tpu.memref_slice %arg2[%dma_wait3A_227, %dma_wait3A_228] : memref<10000x128xf32, #tpu.memory_space<hbm>> -> memref<128x128xf32, #tpu.memory_space<hbm>>
        %dma_wait3A_230 = arith.constant 0 : i32
        %dma_wait3A_231 = arith.constant 0 : i32
        %dma_wait3A_232 = tpu.memref_slice %arg2[%dma_wait3A_230, %dma_wait3A_231] : memref<10000x128xf32, #tpu.memory_space<hbm>> -> memref<128x128xf32, #tpu.memory_space<hbm>>
        tpu.wait_dma2 semaphore(%arg23 : memref<!tpu.dma_semaphore, #tpu.memory_space<semaphore_mem>>) src(%dma_wait3A_232 : memref<128x128xf32, #tpu.memory_space<hbm>>) dst(%arg11 : memref<128x128xf32, #tpu.memory_space<vmem>>)
      } else {
      }
      %lt3A_139 = arith.constant 800 : i32
      %lt3A_140 = arith.cmpi slt, %add3A_128, %lt3A_139 : i32
      %convert_element_type3A_141 = arith.extui %lt3A_140 : i1 to i32
      %cond3A_142 = arith.constant 0 : i32
      %cond3A_143 = arith.cmpi ne, %convert_element_type3A_141, %cond3A_142 : i32
      scf.if %cond3A_143 {
        %add3A_227 = arith.constant 800 : i32
        %add3A_228 = arith.addi %add3A_227, %add3A_128 : i32
        %mul3A_229 = arith.constant 128 : i32
        %mul3A_230 = arith.muli %add3A_228, %mul3A_229 : i32
        %dma_start3A_231 = arith.constant 0 : i32
        %dma_start3A_232 = tpu.memref_slice %arg8[%dma_start3A_231, %mul3A_230] : memref<1x320000xi32, #tpu.memory_space<hbm>> -> memref<1x128xi32, #tpu.memory_space<hbm>>
        %dma_start3A_233 = arith.constant 0 : i32
        %dma_start3A_234 = tpu.memref_slice %arg8[%dma_start3A_233, %mul3A_230] : memref<1x320000xi32, #tpu.memory_space<hbm>> -> memref<1x128xi32, #tpu.memory_space<hbm>>
        tpu.enqueue_dma source(%dma_start3A_234 : memref<1x128xi32, #tpu.memory_space<hbm>>) target(%arg16 : memref<1x128xi32, #tpu.memory_space<vmem>>) target_semaphore(%arg19 : memref<!tpu.dma_semaphore, #tpu.memory_space<semaphore_mem>>)
      } else {
      }
      %ge3A_144 = arith.constant 1 : i32
      %ge3A_145 = arith.cmpi sge, %add3A_122, %ge3A_144 : i32
      %lt3A_146 = arith.constant 800 : i32
      %lt3A_147 = arith.cmpi slt, %sub3A_126, %lt3A_146 : i32
      %and3A_148 = arith.andi %ge3A_145, %lt3A_147 : i1
      %convert_element_type3A_149 = arith.extui %and3A_148 : i1 to i32
      %cond3A_150 = arith.constant 0 : i32
      %cond3A_151 = arith.cmpi ne, %convert_element_type3A_149, %cond3A_150 : i32
      scf.if %cond3A_151 {
        %dma_wait3A_227 = arith.constant 0 : i32
        %dma_wait3A_228 = arith.constant 0 : i32
        %dma_wait3A_229 = tpu.memref_slice %arg4[%dma_wait3A_227, %dma_wait3A_228] : memref<102400x128xf32, #tpu.memory_space<hbm>> -> memref<128x128xf32, #tpu.memory_space<hbm>>
        %dma_wait3A_230 = arith.constant 0 : i32
        %dma_wait3A_231 = arith.constant 0 : i32
        %dma_wait3A_232 = tpu.memref_slice %arg4[%dma_wait3A_230, %dma_wait3A_231] : memref<102400x128xf32, #tpu.memory_space<hbm>> -> memref<128x128xf32, #tpu.memory_space<hbm>>
        tpu.wait_dma2 semaphore(%arg24 : memref<!tpu.dma_semaphore, #tpu.memory_space<semaphore_mem>>) src(%dma_wait3A_232 : memref<128x128xf32, #tpu.memory_space<hbm>>) dst(%arg12 : memref<128x128xf32, #tpu.memory_space<vmem>>)
        %scan3A_233 = arith.constant 0 : i32
        %scan3A_234 = arith.constant 128 : i32
        %scan3A_235 = arith.addi %scan3A_233, %scan3A_234 : i32
        %scan3A_236 = arith.constant 1 : i32
        scf.for %scan3A_238 = %scan3A_233 to %scan3A_235 step %scan3A_236  : i32 {
          %mul3A_239 = arith.constant 1 : i32
          %mul3A_240 = arith.muli %scan3A_238, %mul3A_239 : i32
          %add3A_241 = arith.constant 0 : i32
          %add3A_242 = arith.addi %add3A_241, %mul3A_240 : i32
          %scan3A_243 = arith.constant 0 : i32
          %scan3A_244 = arith.constant 8 : i32
          %scan3A_245 = arith.addi %scan3A_243, %scan3A_244 : i32
          %scan3A_246 = arith.constant 1 : i32
          scf.for %scan3A_248 = %scan3A_243 to %scan3A_245 step %scan3A_246  : i32 {
            %mul3A_249 = arith.constant 16 : i32
            %mul3A_250 = arith.muli %scan3A_248, %mul3A_249 : i32
            %add3A_251 = arith.constant 0 : i32
            %add3A_252 = arith.addi %add3A_251, %mul3A_250 : i32
            %get3A = arith.index_cast %add3A_242 : i32 to index
            %get3A_253 = arith.index_cast %add3A_252 : i32 to index
            %get3A_254 = tpu.vector_load %arg11[%get3A, %get3A_253] {strides = array<i32>} : memref<128x128xf32, #tpu.memory_space<vmem>>, vector<1x16xf32>,
            %get3A_255 = vector.shape_cast %get3A_254 : vector<1x16xf32> to vector<1x16xf32>
            %get3A_256 = arith.index_cast %add3A_242 : i32 to index
            %get3A_257 = arith.index_cast %add3A_252 : i32 to index
            %get3A_258 = tpu.vector_load %arg12[%get3A_256, %get3A_257] {strides = array<i32>} : memref<128x128xf32, #tpu.memory_space<vmem>>, vector<1x16xf32>,
            %get3A_259 = vector.shape_cast %get3A_258 : vector<1x16xf32> to vector<1x16xf32>
            %mul3A_260 = arith.mulf %get3A_255, %get3A_259 : vector<1x16xf32>
            %swap3A = arith.index_cast %add3A_242 : i32 to index
            %swap3A_261 = arith.index_cast %add3A_252 : i32 to index
            %swap3A_262 = tpu.vector_load %arg11[%swap3A, %swap3A_261] {strides = array<i32>} : memref<128x128xf32, #tpu.memory_space<vmem>>, vector<1x16xf32>,
            %swap3A_263 = vector.shape_cast %swap3A_262 : vector<1x16xf32> to vector<1x16xf32>
            %swap3A_264 = vector.shape_cast %mul3A_260 : vector<1x16xf32> to vector<1x16xf32>
            tpu.vector_store %arg11[%swap3A, %swap3A_261], %swap3A_264 {strides = array<i32>} : memref<128x128xf32, #tpu.memory_space<vmem>>, vector<1x16xf32>,
          }
          %scan3A_247 = arith.constant 8 : i32
        }
        %scan3A_237 = arith.constant 128 : i32
      } else {
      }
      %lt3A_152 = arith.constant 800 : i32
      %lt3A_153 = arith.cmpi slt, %add3A_125, %lt3A_152 : i32
      %convert_element_type3A_154 = arith.extui %lt3A_153 : i1 to i32
      %cond3A_155 = arith.constant 0 : i32
      %cond3A_156 = arith.cmpi ne, %convert_element_type3A_154, %cond3A_155 : i32
      scf.if %cond3A_156 {
        %dma_start3A_227 = arith.constant 0 : i32
        %dma_start3A_228 = tpu.memref_slice %arg4[%mul3A_130, %dma_start3A_227] : memref<102400x128xf32, #tpu.memory_space<hbm>> -> memref<128x128xf32, #tpu.memory_space<hbm>>
        %dma_start3A_229 = arith.constant 0 : i32
        %dma_start3A_230 = tpu.memref_slice %arg4[%mul3A_130, %dma_start3A_229] : memref<102400x128xf32, #tpu.memory_space<hbm>> -> memref<128x128xf32, #tpu.memory_space<hbm>>
        tpu.enqueue_dma source(%dma_start3A_230 : memref<128x128xf32, #tpu.memory_space<hbm>>) target(%arg12 : memref<128x128xf32, #tpu.memory_space<vmem>>) target_semaphore(%arg24 : memref<!tpu.dma_semaphore, #tpu.memory_space<semaphore_mem>>)
      } else {
      }
      %ge3A_157 = arith.constant 1 : i32
      %ge3A_158 = arith.cmpi sge, %add3A_122, %ge3A_157 : i32
      %lt3A_159 = arith.constant 800 : i32
      %lt3A_160 = arith.cmpi slt, %sub3A_126, %lt3A_159 : i32
      %and3A_161 = arith.andi %ge3A_158, %lt3A_160 : i1
      %convert_element_type3A_162 = arith.extui %and3A_161 : i1 to i32
      %cond3A_163 = arith.constant 0 : i32
      %cond3A_164 = arith.cmpi ne, %convert_element_type3A_162, %cond3A_163 : i32
      scf.if %cond3A_164 {
        %dma_wait3A_227 = arith.constant 0 : i32
        %dma_wait3A_228 = arith.constant 0 : i32
        %dma_wait3A_229 = tpu.memref_slice %arg7[%dma_wait3A_227, %dma_wait3A_228] : memref<1x320000xi32, #tpu.memory_space<hbm>> -> memref<1x128xi32, #tpu.memory_space<hbm>>
        %dma_wait3A_230 = arith.constant 0 : i32
        %dma_wait3A_231 = arith.constant 0 : i32
        %dma_wait3A_232 = tpu.memref_slice %arg7[%dma_wait3A_230, %dma_wait3A_231] : memref<1x320000xi32, #tpu.memory_space<hbm>> -> memref<1x128xi32, #tpu.memory_space<hbm>>
        tpu.wait_dma2 semaphore(%arg21 : memref<!tpu.dma_semaphore, #tpu.memory_space<semaphore_mem>>) src(%dma_wait3A_232 : memref<1x128xi32, #tpu.memory_space<hbm>>) dst(%arg14 : memref<1x128xi32, #tpu.memory_space<vmem>>)
        %dma_start3A_233 = arith.constant 0 : i32
        %dma_start3A_234 = arith.constant 0 : i32
        %dma_start3A_235 = tpu.memref_slice %arg14[%dma_start3A_233, %dma_start3A_234] : memref<1x128xi32, #tpu.memory_space<vmem>> -> memref<1x128xi32, #tpu.memory_space<vmem>>
        %dma_start3A_236 = tpu.memref_squeeze %dma_start3A_235 : memref<1x128xi32, #tpu.memory_space<vmem>> -> memref<128xi32, #tpu.memory_space<vmem>>
        %dma_start3A_237 = arith.constant 0 : i32
        %dma_start3A_238 = arith.constant 0 : i32
        %dma_start3A_239 = tpu.memref_slice %arg17[%dma_start3A_237, %dma_start3A_238] : memref<10000x128xf32, #tpu.memory_space<vmem_shared>> -> memref<10000x128xf32, #tpu.memory_space<vmem_shared>>
        tpu.enqueue_indirect_dma source(%arg11 : memref<128x128xf32, #tpu.memory_space<vmem>>) target(%dma_start3A_239 : memref<10000x128xf32, #tpu.memory_space<vmem_shared>>) offsets(%dma_start3A_236 : memref<128xi32, #tpu.memory_space<vmem>>) semaphore(%arg26 : memref<!tpu.dma_semaphore, #tpu.memory_space<semaphore_mem>>) {add = true}
      } else {
      }
      %lt3A_165 = arith.constant 800 : i32
      %lt3A_166 = arith.cmpi slt, %add3A_125, %lt3A_165 : i32
      %convert_element_type3A_167 = arith.extui %lt3A_166 : i1 to i32
      %cond3A_168 = arith.constant 0 : i32
      %cond3A_169 = arith.cmpi ne, %convert_element_type3A_167, %cond3A_168 : i32
      scf.if %cond3A_169 {
        %add3A_227 = arith.constant 800 : i32
        %add3A_228 = arith.addi %add3A_227, %add3A_125 : i32
        %mul3A_229 = arith.constant 128 : i32
        %mul3A_230 = arith.muli %add3A_228, %mul3A_229 : i32
        %dma_start3A_231 = arith.constant 0 : i32
        %dma_start3A_232 = tpu.memref_slice %arg7[%dma_start3A_231, %mul3A_230] : memref<1x320000xi32, #tpu.memory_space<hbm>> -> memref<1x128xi32, #tpu.memory_space<hbm>>
        %dma_start3A_233 = arith.constant 0 : i32
        %dma_start3A_234 = tpu.memref_slice %arg7[%dma_start3A_233, %mul3A_230] : memref<1x320000xi32, #tpu.memory_space<hbm>> -> memref<1x128xi32, #tpu.memory_space<hbm>>
        tpu.enqueue_dma source(%dma_start3A_234 : memref<1x128xi32, #tpu.memory_space<hbm>>) target(%arg13 : memref<1x128xi32, #tpu.memory_space<vmem>>) target_semaphore(%arg20 : memref<!tpu.dma_semaphore, #tpu.memory_space<semaphore_mem>>)
      } else {
      }
      %mul3A_170 = arith.constant 2 : i32
      %mul3A_171 = arith.muli %add3A_118, %mul3A_170 : i32
      %add3A_172 = arith.constant 1 : i32
      %add3A_173 = arith.addi %mul3A_171, %add3A_172 : i32
      %mul3A_174 = arith.constant 32 : i32
      %mul3A_175 = arith.muli %add3A_173, %mul3A_174 : i32
      %add3A_176 = arith.addi %add3A, %mul3A_175 : i32
      %sub3A_177 = arith.constant 32 : i32
      %sub3A_178 = arith.subi %add3A_176, %sub3A_177 : i32
      %add3A_179 = arith.constant 32 : i32
      %add3A_180 = arith.addi %add3A_176, %add3A_179 : i32
      %mul3A_181 = arith.constant 128 : i32
      %mul3A_182 = arith.muli %add3A_176, %mul3A_181 : i32
      %lt3A_183 = arith.constant 800 : i32
      %lt3A_184 = arith.cmpi slt, %add3A_176, %lt3A_183 : i32
      %convert_element_type3A_185 = arith.extui %lt3A_184 : i1 to i32
      %cond3A_186 = arith.constant 0 : i32
      %cond3A_187 = arith.cmpi ne, %convert_element_type3A_185, %cond3A_186 : i32
      scf.if %cond3A_187 {
        %ge3A_227 = arith.constant 2 : i32
        %ge3A_228 = arith.cmpi sge, %add3A_173, %ge3A_227 : i32
        %convert_element_type3A_229 = arith.extui %ge3A_228 : i1 to i32
        %cond3A_230 = arith.constant 0 : i32
        %cond3A_231 = arith.cmpi ne, %convert_element_type3A_229, %cond3A_230 : i32
        scf.if %cond3A_231 {
          %dma_wait3A_245 = arith.constant 0 : i32
          %dma_wait3A_246 = arith.constant 0 : i32
          %dma_wait3A_247 = tpu.memref_slice %arg17[%dma_wait3A_245, %dma_wait3A_246] : memref<10000x128xf32, #tpu.memory_space<vmem_shared>> -> memref<128x128xf32, #tpu.memory_space<vmem_shared>>
          %dma_wait3A_248 = arith.constant 0 : i32
          %dma_wait3A_249 = arith.constant 0 : i32
          %dma_wait3A_250 = tpu.memref_slice %arg17[%dma_wait3A_248, %dma_wait3A_249] : memref<10000x128xf32, #tpu.memory_space<vmem_shared>> -> memref<128x128xf32, #tpu.memory_space<vmem_shared>>
          tpu.wait_dma2 semaphore(%arg26 : memref<!tpu.dma_semaphore, #tpu.memory_space<semaphore_mem>>) src(%arg11 : memref<128x128xf32, #tpu.memory_space<vmem>>) dst(%dma_wait3A_250 : memref<128x128xf32, #tpu.memory_space<vmem_shared>>)
        } else {
        }
        %dma_wait3A_232 = arith.constant 0 : i32
        %dma_wait3A_233 = arith.constant 0 : i32
        %dma_wait3A_234 = tpu.memref_slice %arg8[%dma_wait3A_232, %dma_wait3A_233] : memref<1x320000xi32, #tpu.memory_space<hbm>> -> memref<1x128xi32, #tpu.memory_space<hbm>>
        %dma_wait3A_235 = arith.constant 0 : i32
        %dma_wait3A_236 = arith.constant 0 : i32
        %dma_wait3A_237 = tpu.memref_slice %arg8[%dma_wait3A_235, %dma_wait3A_236] : memref<1x320000xi32, #tpu.memory_space<hbm>> -> memref<1x128xi32, #tpu.memory_space<hbm>>
        tpu.wait_dma2 semaphore(%arg19 : memref<!tpu.dma_semaphore, #tpu.memory_space<semaphore_mem>>) src(%dma_wait3A_237 : memref<1x128xi32, #tpu.memory_space<hbm>>) dst(%arg16 : memref<1x128xi32, #tpu.memory_space<vmem>>)
        %dma_start3A_238 = arith.constant 0 : i32
        %dma_start3A_239 = arith.constant 0 : i32
        %dma_start3A_240 = tpu.memref_slice %arg16[%dma_start3A_238, %dma_start3A_239] : memref<1x128xi32, #tpu.memory_space<vmem>> -> memref<1x128xi32, #tpu.memory_space<vmem>>
        %dma_start3A_241 = tpu.memref_squeeze %dma_start3A_240 : memref<1x128xi32, #tpu.memory_space<vmem>> -> memref<128xi32, #tpu.memory_space<vmem>>
        %dma_start3A_242 = arith.constant 0 : i32
        %dma_start3A_243 = arith.constant 0 : i32
        %dma_start3A_244 = tpu.memref_slice %arg2[%dma_start3A_242, %dma_start3A_243] : memref<10000x128xf32, #tpu.memory_space<hbm>> -> memref<10000x128xf32, #tpu.memory_space<hbm>>
        tpu.enqueue_indirect_dma source(%dma_start3A_244 : memref<10000x128xf32, #tpu.memory_space<hbm>>) target(%arg11 : memref<128x128xf32, #tpu.memory_space<vmem>>) offsets(%dma_start3A_241 : memref<128xi32, #tpu.memory_space<vmem>>) semaphore(%arg23 : memref<!tpu.dma_semaphore, #tpu.memory_space<semaphore_mem>>)
      } else {
      }
      %ge3A_188 = arith.constant 1 : i32
      %ge3A_189 = arith.cmpi sge, %add3A_173, %ge3A_188 : i32
      %lt3A_190 = arith.constant 800 : i32
      %lt3A_191 = arith.cmpi slt, %sub3A_178, %lt3A_190 : i32
      %and3A_192 = arith.andi %ge3A_189, %lt3A_191 : i1
      %convert_element_type3A_193 = arith.extui %and3A_192 : i1 to i32
      %cond3A_194 = arith.constant 0 : i32
      %cond3A_195 = arith.cmpi ne, %convert_element_type3A_193, %cond3A_194 : i32
      scf.if %cond3A_195 {
        %dma_wait3A_227 = arith.constant 0 : i32
        %dma_wait3A_228 = arith.constant 0 : i32
        %dma_wait3A_229 = tpu.memref_slice %arg2[%dma_wait3A_227, %dma_wait3A_228] : memref<10000x128xf32, #tpu.memory_space<hbm>> -> memref<128x128xf32, #tpu.memory_space<hbm>>
        %dma_wait3A_230 = arith.constant 0 : i32
        %dma_wait3A_231 = arith.constant 0 : i32
        %dma_wait3A_232 = tpu.memref_slice %arg2[%dma_wait3A_230, %dma_wait3A_231] : memref<10000x128xf32, #tpu.memory_space<hbm>> -> memref<128x128xf32, #tpu.memory_space<hbm>>
        tpu.wait_dma2 semaphore(%arg22 : memref<!tpu.dma_semaphore, #tpu.memory_space<semaphore_mem>>) src(%dma_wait3A_232 : memref<128x128xf32, #tpu.memory_space<hbm>>) dst(%arg10 : memref<128x128xf32, #tpu.memory_space<vmem>>)
      } else {
      }
      %lt3A_196 = arith.constant 800 : i32
      %lt3A_197 = arith.cmpi slt, %add3A_180, %lt3A_196 : i32
      %convert_element_type3A_198 = arith.extui %lt3A_197 : i1 to i32
      %cond3A_199 = arith.constant 0 : i32
      %cond3A_200 = arith.cmpi ne, %convert_element_type3A_198, %cond3A_199 : i32
      scf.if %cond3A_200 {
        %add3A_227 = arith.constant 800 : i32
        %add3A_228 = arith.addi %add3A_227, %add3A_180 : i32
        %mul3A_229 = arith.constant 128 : i32
        %mul3A_230 = arith.muli %add3A_228, %mul3A_229 : i32
        %dma_start3A_231 = arith.constant 0 : i32
        %dma_start3A_232 = tpu.memref_slice %arg8[%dma_start3A_231, %mul3A_230] : memref<1x320000xi32, #tpu.memory_space<hbm>> -> memref<1x128xi32, #tpu.memory_space<hbm>>
        %dma_start3A_233 = arith.constant 0 : i32
        %dma_start3A_234 = tpu.memref_slice %arg8[%dma_start3A_233, %mul3A_230] : memref<1x320000xi32, #tpu.memory_space<hbm>> -> memref<1x128xi32, #tpu.memory_space<hbm>>
        tpu.enqueue_dma source(%dma_start3A_234 : memref<1x128xi32, #tpu.memory_space<hbm>>) target(%arg15 : memref<1x128xi32, #tpu.memory_space<vmem>>) target_semaphore(%arg18 : memref<!tpu.dma_semaphore, #tpu.memory_space<semaphore_mem>>)
      } else {
      }
      %ge3A_201 = arith.constant 1 : i32
      %ge3A_202 = arith.cmpi sge, %add3A_173, %ge3A_201 : i32
      %lt3A_203 = arith.constant 800 : i32
      %lt3A_204 = arith.cmpi slt, %sub3A_178, %lt3A_203 : i32
      %and3A_205 = arith.andi %ge3A_202, %lt3A_204 : i1
      %convert_element_type3A_206 = arith.extui %and3A_205 : i1 to i32
      %cond3A_207 = arith.constant 0 : i32
      %cond3A_208 = arith.cmpi ne, %convert_element_type3A_206, %cond3A_207 : i32
      scf.if %cond3A_208 {
        %dma_wait3A_227 = arith.constant 0 : i32
        %dma_wait3A_228 = arith.constant 0 : i32
        %dma_wait3A_229 = tpu.memref_slice %arg4[%dma_wait3A_227, %dma_wait3A_228] : memref<102400x128xf32, #tpu.memory_space<hbm>> -> memref<128x128xf32, #tpu.memory_space<hbm>>
        %dma_wait3A_230 = arith.constant 0 : i32
        %dma_wait3A_231 = arith.constant 0 : i32
        %dma_wait3A_232 = tpu.memref_slice %arg4[%dma_wait3A_230, %dma_wait3A_231] : memref<102400x128xf32, #tpu.memory_space<hbm>> -> memref<128x128xf32, #tpu.memory_space<hbm>>
        tpu.wait_dma2 semaphore(%arg24 : memref<!tpu.dma_semaphore, #tpu.memory_space<semaphore_mem>>) src(%dma_wait3A_232 : memref<128x128xf32, #tpu.memory_space<hbm>>) dst(%arg12 : memref<128x128xf32, #tpu.memory_space<vmem>>)
        %scan3A_233 = arith.constant 0 : i32
        %scan3A_234 = arith.constant 128 : i32
        %scan3A_235 = arith.addi %scan3A_233, %scan3A_234 : i32
        %scan3A_236 = arith.constant 1 : i32
        scf.for %scan3A_238 = %scan3A_233 to %scan3A_235 step %scan3A_236  : i32 {
          %mul3A_239 = arith.constant 1 : i32
          %mul3A_240 = arith.muli %scan3A_238, %mul3A_239 : i32
          %add3A_241 = arith.constant 0 : i32
          %add3A_242 = arith.addi %add3A_241, %mul3A_240 : i32
          %scan3A_243 = arith.constant 0 : i32
          %scan3A_244 = arith.constant 8 : i32
          %scan3A_245 = arith.addi %scan3A_243, %scan3A_244 : i32
          %scan3A_246 = arith.constant 1 : i32
          scf.for %scan3A_248 = %scan3A_243 to %scan3A_245 step %scan3A_246  : i32 {
            %mul3A_249 = arith.constant 16 : i32
            %mul3A_250 = arith.muli %scan3A_248, %mul3A_249 : i32
            %add3A_251 = arith.constant 0 : i32
            %add3A_252 = arith.addi %add3A_251, %mul3A_250 : i32
            %get3A = arith.index_cast %add3A_242 : i32 to index
            %get3A_253 = arith.index_cast %add3A_252 : i32 to index
            %get3A_254 = tpu.vector_load %arg10[%get3A, %get3A_253] {strides = array<i32>} : memref<128x128xf32, #tpu.memory_space<vmem>>, vector<1x16xf32>,
            %get3A_255 = vector.shape_cast %get3A_254 : vector<1x16xf32> to vector<1x16xf32>
            %get3A_256 = arith.index_cast %add3A_242 : i32 to index
            %get3A_257 = arith.index_cast %add3A_252 : i32 to index
            %get3A_258 = tpu.vector_load %arg12[%get3A_256, %get3A_257] {strides = array<i32>} : memref<128x128xf32, #tpu.memory_space<vmem>>, vector<1x16xf32>,
            %get3A_259 = vector.shape_cast %get3A_258 : vector<1x16xf32> to vector<1x16xf32>
            %mul3A_260 = arith.mulf %get3A_255, %get3A_259 : vector<1x16xf32>
            %swap3A = arith.index_cast %add3A_242 : i32 to index
            %swap3A_261 = arith.index_cast %add3A_252 : i32 to index
            %swap3A_262 = tpu.vector_load %arg10[%swap3A, %swap3A_261] {strides = array<i32>} : memref<128x128xf32, #tpu.memory_space<vmem>>, vector<1x16xf32>,
            %swap3A_263 = vector.shape_cast %swap3A_262 : vector<1x16xf32> to vector<1x16xf32>
            %swap3A_264 = vector.shape_cast %mul3A_260 : vector<1x16xf32> to vector<1x16xf32>
            tpu.vector_store %arg10[%swap3A, %swap3A_261], %swap3A_264 {strides = array<i32>} : memref<128x128xf32, #tpu.memory_space<vmem>>, vector<1x16xf32>,
          }
          %scan3A_247 = arith.constant 8 : i32
        }
        %scan3A_237 = arith.constant 128 : i32
      } else {
      }
      %lt3A_209 = arith.constant 800 : i32
      %lt3A_210 = arith.cmpi slt, %add3A_176, %lt3A_209 : i32
      %convert_element_type3A_211 = arith.extui %lt3A_210 : i1 to i32
      %cond3A_212 = arith.constant 0 : i32
      %cond3A_213 = arith.cmpi ne, %convert_element_type3A_211, %cond3A_212 : i32
      scf.if %cond3A_213 {
        %dma_start3A_227 = arith.constant 0 : i32
        %dma_start3A_228 = tpu.memref_slice %arg4[%mul3A_182, %dma_start3A_227] : memref<102400x128xf32, #tpu.memory_space<hbm>> -> memref<128x128xf32, #tpu.memory_space<hbm>>
        %dma_start3A_229 = arith.constant 0 : i32
        %dma_start3A_230 = tpu.memref_slice %arg4[%mul3A_182, %dma_start3A_229] : memref<102400x128xf32, #tpu.memory_space<hbm>> -> memref<128x128xf32, #tpu.memory_space<hbm>>
        tpu.enqueue_dma source(%dma_start3A_230 : memref<128x128xf32, #tpu.memory_space<hbm>>) target(%arg12 : memref<128x128xf32, #tpu.memory_space<vmem>>) target_semaphore(%arg24 : memref<!tpu.dma_semaphore, #tpu.memory_space<semaphore_mem>>)
      } else {
      }
      %ge3A_214 = arith.constant 1 : i32
      %ge3A_215 = arith.cmpi sge, %add3A_173, %ge3A_214 : i32
      %lt3A_216 = arith.constant 800 : i32
      %lt3A_217 = arith.cmpi slt, %sub3A_178, %lt3A_216 : i32
      %and3A_218 = arith.andi %ge3A_215, %lt3A_217 : i1
      %convert_element_type3A_219 = arith.extui %and3A_218 : i1 to i32
      %cond3A_220 = arith.constant 0 : i32
      %cond3A_221 = arith.cmpi ne, %convert_element_type3A_219, %cond3A_220 : i32
      scf.if %cond3A_221 {
        %dma_wait3A_227 = arith.constant 0 : i32
        %dma_wait3A_228 = arith.constant 0 : i32
        %dma_wait3A_229 = tpu.memref_slice %arg7[%dma_wait3A_227, %dma_wait3A_228] : memref<1x320000xi32, #tpu.memory_space<hbm>> -> memref<1x128xi32, #tpu.memory_space<hbm>>
        %dma_wait3A_230 = arith.constant 0 : i32
        %dma_wait3A_231 = arith.constant 0 : i32
        %dma_wait3A_232 = tpu.memref_slice %arg7[%dma_wait3A_230, %dma_wait3A_231] : memref<1x320000xi32, #tpu.memory_space<hbm>> -> memref<1x128xi32, #tpu.memory_space<hbm>>
        tpu.wait_dma2 semaphore(%arg20 : memref<!tpu.dma_semaphore, #tpu.memory_space<semaphore_mem>>) src(%dma_wait3A_232 : memref<1x128xi32, #tpu.memory_space<hbm>>) dst(%arg13 : memref<1x128xi32, #tpu.memory_space<vmem>>)
        %dma_start3A_233 = arith.constant 0 : i32
        %dma_start3A_234 = arith.constant 0 : i32
        %dma_start3A_235 = tpu.memref_slice %arg13[%dma_start3A_233, %dma_start3A_234] : memref<1x128xi32, #tpu.memory_space<vmem>> -> memref<1x128xi32, #tpu.memory_space<vmem>>
        %dma_start3A_236 = tpu.memref_squeeze %dma_start3A_235 : memref<1x128xi32, #tpu.memory_space<vmem>> -> memref<128xi32, #tpu.memory_space<vmem>>
        %dma_start3A_237 = arith.constant 0 : i32
        %dma_start3A_238 = arith.constant 0 : i32
        %dma_start3A_239 = tpu.memref_slice %arg17[%dma_start3A_237, %dma_start3A_238] : memref<10000x128xf32, #tpu.memory_space<vmem_shared>> -> memref<10000x128xf32, #tpu.memory_space<vmem_shared>>
        tpu.enqueue_indirect_dma source(%arg10 : memref<128x128xf32, #tpu.memory_space<vmem>>) target(%dma_start3A_239 : memref<10000x128xf32, #tpu.memory_space<vmem_shared>>) offsets(%dma_start3A_236 : memref<128xi32, #tpu.memory_space<vmem>>) semaphore(%arg25 : memref<!tpu.dma_semaphore, #tpu.memory_space<semaphore_mem>>) {add = true}
      } else {
      }
      %lt3A_222 = arith.constant 800 : i32
      %lt3A_223 = arith.cmpi slt, %add3A_176, %lt3A_222 : i32
      %convert_element_type3A_224 = arith.extui %lt3A_223 : i1 to i32
      %cond3A_225 = arith.constant 0 : i32
      %cond3A_226 = arith.cmpi ne, %convert_element_type3A_224, %cond3A_225 : i32
      scf.if %cond3A_226 {
        %add3A_227 = arith.constant 800 : i32
        %add3A_228 = arith.addi %add3A_227, %add3A_176 : i32
        %mul3A_229 = arith.constant 128 : i32
        %mul3A_230 = arith.muli %add3A_228, %mul3A_229 : i32
        %dma_start3A_231 = arith.constant 0 : i32
        %dma_start3A_232 = tpu.memref_slice %arg7[%dma_start3A_231, %mul3A_230] : memref<1x320000xi32, #tpu.memory_space<hbm>> -> memref<1x128xi32, #tpu.memory_space<hbm>>
        %dma_start3A_233 = arith.constant 0 : i32
        %dma_start3A_234 = tpu.memref_slice %arg7[%dma_start3A_233, %mul3A_230] : memref<1x320000xi32, #tpu.memory_space<hbm>> -> memref<1x128xi32, #tpu.memory_space<hbm>>
        tpu.enqueue_dma source(%dma_start3A_234 : memref<1x128xi32, #tpu.memory_space<hbm>>) target(%arg14 : memref<1x128xi32, #tpu.memory_space<vmem>>) target_semaphore(%arg21 : memref<!tpu.dma_semaphore, #tpu.memory_space<semaphore_mem>>)
      } else {
      }
    }
    %scan3A_45 = arith.constant 13 : i32
    %dma_wait3A_46 = arith.constant 0 : i32
    %dma_wait3A_47 = arith.constant 0 : i32
    %dma_wait3A_48 = tpu.memref_slice %arg17[%dma_wait3A_46, %dma_wait3A_47] : memref<10000x128xf32, #tpu.memory_space<vmem_shared>> -> memref<128x128xf32, #tpu.memory_space<vmem_shared>>
    %dma_wait3A_49 = arith.constant 0 : i32
    %dma_wait3A_50 = arith.constant 0 : i32
    %dma_wait3A_51 = tpu.memref_slice %arg17[%dma_wait3A_49, %dma_wait3A_50] : memref<10000x128xf32, #tpu.memory_space<vmem_shared>> -> memref<128x128xf32, #tpu.memory_space<vmem_shared>>
    tpu.wait_dma2 semaphore(%arg25 : memref<!tpu.dma_semaphore, #tpu.memory_space<semaphore_mem>>) src(%arg10 : memref<128x128xf32, #tpu.memory_space<vmem>>) dst(%dma_wait3A_51 : memref<128x128xf32, #tpu.memory_space<vmem_shared>>)
    %dma_wait3A_52 = arith.constant 0 : i32
    %dma_wait3A_53 = arith.constant 0 : i32
    %dma_wait3A_54 = tpu.memref_slice %arg17[%dma_wait3A_52, %dma_wait3A_53] : memref<10000x128xf32, #tpu.memory_space<vmem_shared>> -> memref<128x128xf32, #tpu.memory_space<vmem_shared>>
    %dma_wait3A_55 = arith.constant 0 : i32
    %dma_wait3A_56 = arith.constant 0 : i32
    %dma_wait3A_57 = tpu.memref_slice %arg17[%dma_wait3A_55, %dma_wait3A_56] : memref<10000x128xf32, #tpu.memory_space<vmem_shared>> -> memref<128x128xf32, #tpu.memory_space<vmem_shared>>
    tpu.wait_dma2 semaphore(%arg26 : memref<!tpu.dma_semaphore, #tpu.memory_space<semaphore_mem>>) src(%arg11 : memref<128x128xf32, #tpu.memory_space<vmem>>) dst(%dma_wait3A_57 : memref<128x128xf32, #tpu.memory_space<vmem_shared>>)
    %add3A_58 = arith.constant 1600 : i32
    %add3A_59 = arith.addi %add3A_58, %add3A : i32
    %mul3A_60 = arith.constant 128 : i32
    %mul3A_61 = arith.muli %add3A_59, %mul3A_60 : i32
    %dma_start3A_62 = arith.constant 0 : i32
    %dma_start3A_63 = tpu.memref_slice %arg8[%dma_start3A_62, %mul3A_61] : memref<1x320000xi32, #tpu.memory_space<hbm>> -> memref<1x128xi32, #tpu.memory_space<hbm>>
    %dma_start3A_64 = arith.constant 0 : i32
    %dma_start3A_65 = tpu.memref_slice %arg8[%dma_start3A_64, %mul3A_61] : memref<1x320000xi32, #tpu.memory_space<hbm>> -> memref<1x128xi32, #tpu.memory_space<hbm>>
    tpu.enqueue_dma source(%dma_start3A_65 : memref<1x128xi32, #tpu.memory_space<hbm>>) target(%arg15 : memref<1x128xi32, #tpu.memory_space<vmem>>) target_semaphore(%arg18 : memref<!tpu.dma_semaphore, #tpu.memory_space<semaphore_mem>>)
    %scan3A_66 = arith.constant 0 : i32
    %scan3A_67 = arith.constant 13 : i32
    %scan3A_68 = arith.addi %scan3A_66, %scan3A_67 : i32
    %scan3A_69 = arith.constant 1 : i32
    scf.for %scan3A_114 = %scan3A_66 to %scan3A_68 step %scan3A_69  : i32 {
      %mul3A_115 = arith.constant 1 : i32
      %mul3A_116 = arith.muli %scan3A_114, %mul3A_115 : i32
      %add3A_117 = arith.constant 0 : i32
      %add3A_118 = arith.addi %add3A_117, %mul3A_116 : i32
      %mul3A_119 = arith.constant 2 : i32
      %mul3A_120 = arith.muli %add3A_118, %mul3A_119 : i32
      %add3A_121 = arith.constant 0 : i32
      %add3A_122 = arith.addi %mul3A_120, %add3A_121 : i32
      %mul3A_123 = arith.constant 32 : i32
      %mul3A_124 = arith.muli %add3A_122, %mul3A_123 : i32
      %add3A_125 = arith.addi %add3A, %mul3A_124 : i32
      %sub3A = arith.constant 32 : i32
      %sub3A_126 = arith.subi %add3A_125, %sub3A : i32
      %add3A_127 = arith.constant 32 : i32
      %add3A_128 = arith.addi %add3A_125, %add3A_127 : i32
      %mul3A_129 = arith.constant 128 : i32
      %mul3A_130 = arith.muli %add3A_125, %mul3A_129 : i32
      %lt3A = arith.constant 800 : i32
      %lt3A_131 = arith.cmpi slt, %add3A_125, %lt3A : i32
      %convert_element_type3A = arith.extui %lt3A_131 : i1 to i32
      %cond3A = arith.constant 0 : i32
      %cond3A_132 = arith.cmpi ne, %convert_element_type3A, %cond3A : i32
      scf.if %cond3A_132 {
        %ge3A_227 = arith.constant 2 : i32
        %ge3A_228 = arith.cmpi sge, %add3A_122, %ge3A_227 : i32
        %convert_element_type3A_229 = arith.extui %ge3A_228 : i1 to i32
        %cond3A_230 = arith.constant 0 : i32
        %cond3A_231 = arith.cmpi ne, %convert_element_type3A_229, %cond3A_230 : i32
        scf.if %cond3A_231 {
          %dma_wait3A_245 = arith.constant 0 : i32
          %dma_wait3A_246 = arith.constant 0 : i32
          %dma_wait3A_247 = tpu.memref_slice %arg17[%dma_wait3A_245, %dma_wait3A_246] : memref<10000x128xf32, #tpu.memory_space<vmem_shared>> -> memref<128x128xf32, #tpu.memory_space<vmem_shared>>
          %dma_wait3A_248 = arith.constant 0 : i32
          %dma_wait3A_249 = arith.constant 0 : i32
          %dma_wait3A_250 = tpu.memref_slice %arg17[%dma_wait3A_248, %dma_wait3A_249] : memref<10000x128xf32, #tpu.memory_space<vmem_shared>> -> memref<128x128xf32, #tpu.memory_space<vmem_shared>>
          tpu.wait_dma2 semaphore(%arg25 : memref<!tpu.dma_semaphore, #tpu.memory_space<semaphore_mem>>) src(%arg10 : memref<128x128xf32, #tpu.memory_space<vmem>>) dst(%dma_wait3A_250 : memref<128x128xf32, #tpu.memory_space<vmem_shared>>)
        } else {
        }
        %dma_wait3A_232 = arith.constant 0 : i32
        %dma_wait3A_233 = arith.constant 0 : i32
        %dma_wait3A_234 = tpu.memref_slice %arg8[%dma_wait3A_232, %dma_wait3A_233] : memref<1x320000xi32, #tpu.memory_space<hbm>> -> memref<1x128xi32, #tpu.memory_space<hbm>>
        %dma_wait3A_235 = arith.constant 0 : i32
        %dma_wait3A_236 = arith.constant 0 : i32
        %dma_wait3A_237 = tpu.memref_slice %arg8[%dma_wait3A_235, %dma_wait3A_236] : memref<1x320000xi32, #tpu.memory_space<hbm>> -> memref<1x128xi32, #tpu.memory_space<hbm>>
        tpu.wait_dma2 semaphore(%arg18 : memref<!tpu.dma_semaphore, #tpu.memory_space<semaphore_mem>>) src(%dma_wait3A_237 : memref<1x128xi32, #tpu.memory_space<hbm>>) dst(%arg15 : memref<1x128xi32, #tpu.memory_space<vmem>>)
        %dma_start3A_238 = arith.constant 0 : i32
        %dma_start3A_239 = arith.constant 0 : i32
        %dma_start3A_240 = tpu.memref_slice %arg15[%dma_start3A_238, %dma_start3A_239] : memref<1x128xi32, #tpu.memory_space<vmem>> -> memref<1x128xi32, #tpu.memory_space<vmem>>
        %dma_start3A_241 = tpu.memref_squeeze %dma_start3A_240 : memref<1x128xi32, #tpu.memory_space<vmem>> -> memref<128xi32, #tpu.memory_space<vmem>>
        %dma_start3A_242 = arith.constant 0 : i32
        %dma_start3A_243 = arith.constant 0 : i32
        %dma_start3A_244 = tpu.memref_slice %arg2[%dma_start3A_242, %dma_start3A_243] : memref<10000x128xf32, #tpu.memory_space<hbm>> -> memref<10000x128xf32, #tpu.memory_space<hbm>>
        tpu.enqueue_indirect_dma source(%dma_start3A_244 : memref<10000x128xf32, #tpu.memory_space<hbm>>) target(%arg10 : memref<128x128xf32, #tpu.memory_space<vmem>>) offsets(%dma_start3A_241 : memref<128xi32, #tpu.memory_space<vmem>>) semaphore(%arg22 : memref<!tpu.dma_semaphore, #tpu.memory_space<semaphore_mem>>)
      } else {
      }
      %ge3A = arith.constant 1 : i32
      %ge3A_133 = arith.cmpi sge, %add3A_122, %ge3A : i32
      %lt3A_134 = arith.constant 800 : i32
      %lt3A_135 = arith.cmpi slt, %sub3A_126, %lt3A_134 : i32
      %and3A = arith.andi %ge3A_133, %lt3A_135 : i1
      %convert_element_type3A_136 = arith.extui %and3A : i1 to i32
      %cond3A_137 = arith.constant 0 : i32
      %cond3A_138 = arith.cmpi ne, %convert_element_type3A_136, %cond3A_137 : i32
      scf.if %cond3A_138 {
        %dma_wait3A_227 = arith.constant 0 : i32
        %dma_wait3A_228 = arith.constant 0 : i32
        %dma_wait3A_229 = tpu.memref_slice %arg2[%dma_wait3A_227, %dma_wait3A_228] : memref<10000x128xf32, #tpu.memory_space<hbm>> -> memref<128x128xf32, #tpu.memory_space<hbm>>
        %dma_wait3A_230 = arith.constant 0 : i32
        %dma_wait3A_231 = arith.constant 0 : i32
        %dma_wait3A_232 = tpu.memref_slice %arg2[%dma_wait3A_230, %dma_wait3A_231] : memref<10000x128xf32, #tpu.memory_space<hbm>> -> memref<128x128xf32, #tpu.memory_space<hbm>>
        tpu.wait_dma2 semaphore(%arg23 : memref<!tpu.dma_semaphore, #tpu.memory_space<semaphore_mem>>) src(%dma_wait3A_232 : memref<128x128xf32, #tpu.memory_space<hbm>>) dst(%arg11 : memref<128x128xf32, #tpu.memory_space<vmem>>)
      } else {
      }
      %lt3A_139 = arith.constant 800 : i32
      %lt3A_140 = arith.cmpi slt, %add3A_128, %lt3A_139 : i32
      %convert_element_type3A_141 = arith.extui %lt3A_140 : i1 to i32
      %cond3A_142 = arith.constant 0 : i32
      %cond3A_143 = arith.cmpi ne, %convert_element_type3A_141, %cond3A_142 : i32
      scf.if %cond3A_143 {
        %add3A_227 = arith.constant 1600 : i32
        %add3A_228 = arith.addi %add3A_227, %add3A_128 : i32
        %mul3A_229 = arith.constant 128 : i32
        %mul3A_230 = arith.muli %add3A_228, %mul3A_229 : i32
        %dma_start3A_231 = arith.constant 0 : i32
        %dma_start3A_232 = tpu.memref_slice %arg8[%dma_start3A_231, %mul3A_230] : memref<1x320000xi32, #tpu.memory_space<hbm>> -> memref<1x128xi32, #tpu.memory_space<hbm>>
        %dma_start3A_233 = arith.constant 0 : i32
        %dma_start3A_234 = tpu.memref_slice %arg8[%dma_start3A_233, %mul3A_230] : memref<1x320000xi32, #tpu.memory_space<hbm>> -> memref<1x128xi32, #tpu.memory_space<hbm>>
        tpu.enqueue_dma source(%dma_start3A_234 : memref<1x128xi32, #tpu.memory_space<hbm>>) target(%arg16 : memref<1x128xi32, #tpu.memory_space<vmem>>) target_semaphore(%arg19 : memref<!tpu.dma_semaphore, #tpu.memory_space<semaphore_mem>>)
      } else {
      }
      %ge3A_144 = arith.constant 1 : i32
      %ge3A_145 = arith.cmpi sge, %add3A_122, %ge3A_144 : i32
      %lt3A_146 = arith.constant 800 : i32
      %lt3A_147 = arith.cmpi slt, %sub3A_126, %lt3A_146 : i32
      %and3A_148 = arith.andi %ge3A_145, %lt3A_147 : i1
      %convert_element_type3A_149 = arith.extui %and3A_148 : i1 to i32
      %cond3A_150 = arith.constant 0 : i32
      %cond3A_151 = arith.cmpi ne, %convert_element_type3A_149, %cond3A_150 : i32
      scf.if %cond3A_151 {
        %dma_wait3A_227 = arith.constant 0 : i32
        %dma_wait3A_228 = arith.constant 0 : i32
        %dma_wait3A_229 = tpu.memref_slice %arg5[%dma_wait3A_227, %dma_wait3A_228] : memref<102400x128xf32, #tpu.memory_space<hbm>> -> memref<128x128xf32, #tpu.memory_space<hbm>>
        %dma_wait3A_230 = arith.constant 0 : i32
        %dma_wait3A_231 = arith.constant 0 : i32
        %dma_wait3A_232 = tpu.memref_slice %arg5[%dma_wait3A_230, %dma_wait3A_231] : memref<102400x128xf32, #tpu.memory_space<hbm>> -> memref<128x128xf32, #tpu.memory_space<hbm>>
        tpu.wait_dma2 semaphore(%arg24 : memref<!tpu.dma_semaphore, #tpu.memory_space<semaphore_mem>>) src(%dma_wait3A_232 : memref<128x128xf32, #tpu.memory_space<hbm>>) dst(%arg12 : memref<128x128xf32, #tpu.memory_space<vmem>>)
        %scan3A_233 = arith.constant 0 : i32
        %scan3A_234 = arith.constant 128 : i32
        %scan3A_235 = arith.addi %scan3A_233, %scan3A_234 : i32
        %scan3A_236 = arith.constant 1 : i32
        scf.for %scan3A_238 = %scan3A_233 to %scan3A_235 step %scan3A_236  : i32 {
          %mul3A_239 = arith.constant 1 : i32
          %mul3A_240 = arith.muli %scan3A_238, %mul3A_239 : i32
          %add3A_241 = arith.constant 0 : i32
          %add3A_242 = arith.addi %add3A_241, %mul3A_240 : i32
          %scan3A_243 = arith.constant 0 : i32
          %scan3A_244 = arith.constant 8 : i32
          %scan3A_245 = arith.addi %scan3A_243, %scan3A_244 : i32
          %scan3A_246 = arith.constant 1 : i32
          scf.for %scan3A_248 = %scan3A_243 to %scan3A_245 step %scan3A_246  : i32 {
            %mul3A_249 = arith.constant 16 : i32
            %mul3A_250 = arith.muli %scan3A_248, %mul3A_249 : i32
            %add3A_251 = arith.constant 0 : i32
            %add3A_252 = arith.addi %add3A_251, %mul3A_250 : i32
            %get3A = arith.index_cast %add3A_242 : i32 to index
            %get3A_253 = arith.index_cast %add3A_252 : i32 to index
            %get3A_254 = tpu.vector_load %arg11[%get3A, %get3A_253] {strides = array<i32>} : memref<128x128xf32, #tpu.memory_space<vmem>>, vector<1x16xf32>,
            %get3A_255 = vector.shape_cast %get3A_254 : vector<1x16xf32> to vector<1x16xf32>
            %get3A_256 = arith.index_cast %add3A_242 : i32 to index
            %get3A_257 = arith.index_cast %add3A_252 : i32 to index
            %get3A_258 = tpu.vector_load %arg12[%get3A_256, %get3A_257] {strides = array<i32>} : memref<128x128xf32, #tpu.memory_space<vmem>>, vector<1x16xf32>,
            %get3A_259 = vector.shape_cast %get3A_258 : vector<1x16xf32> to vector<1x16xf32>
            %mul3A_260 = arith.mulf %get3A_255, %get3A_259 : vector<1x16xf32>
            %swap3A = arith.index_cast %add3A_242 : i32 to index
            %swap3A_261 = arith.index_cast %add3A_252 : i32 to index
            %swap3A_262 = tpu.vector_load %arg11[%swap3A, %swap3A_261] {strides = array<i32>} : memref<128x128xf32, #tpu.memory_space<vmem>>, vector<1x16xf32>,
            %swap3A_263 = vector.shape_cast %swap3A_262 : vector<1x16xf32> to vector<1x16xf32>
            %swap3A_264 = vector.shape_cast %mul3A_260 : vector<1x16xf32> to vector<1x16xf32>
            tpu.vector_store %arg11[%swap3A, %swap3A_261], %swap3A_264 {strides = array<i32>} : memref<128x128xf32, #tpu.memory_space<vmem>>, vector<1x16xf32>,
          }
          %scan3A_247 = arith.constant 8 : i32
        }
        %scan3A_237 = arith.constant 128 : i32
      } else {
      }
      %lt3A_152 = arith.constant 800 : i32
      %lt3A_153 = arith.cmpi slt, %add3A_125, %lt3A_152 : i32
      %convert_element_type3A_154 = arith.extui %lt3A_153 : i1 to i32
      %cond3A_155 = arith.constant 0 : i32
      %cond3A_156 = arith.cmpi ne, %convert_element_type3A_154, %cond3A_155 : i32
      scf.if %cond3A_156 {
        %dma_start3A_227 = arith.constant 0 : i32
        %dma_start3A_228 = tpu.memref_slice %arg5[%mul3A_130, %dma_start3A_227] : memref<102400x128xf32, #tpu.memory_space<hbm>> -> memref<128x128xf32, #tpu.memory_space<hbm>>
        %dma_start3A_229 = arith.constant 0 : i32
        %dma_start3A_230 = tpu.memref_slice %arg5[%mul3A_130, %dma_start3A_229] : memref<102400x128xf32, #tpu.memory_space<hbm>> -> memref<128x128xf32, #tpu.memory_space<hbm>>
        tpu.enqueue_dma source(%dma_start3A_230 : memref<128x128xf32, #tpu.memory_space<hbm>>) target(%arg12 : memref<128x128xf32, #tpu.memory_space<vmem>>) target_semaphore(%arg24 : memref<!tpu.dma_semaphore, #tpu.memory_space<semaphore_mem>>)
      } else {
      }
      %ge3A_157 = arith.constant 1 : i32
      %ge3A_158 = arith.cmpi sge, %add3A_122, %ge3A_157 : i32
      %lt3A_159 = arith.constant 800 : i32
      %lt3A_160 = arith.cmpi slt, %sub3A_126, %lt3A_159 : i32
      %and3A_161 = arith.andi %ge3A_158, %lt3A_160 : i1
      %convert_element_type3A_162 = arith.extui %and3A_161 : i1 to i32
      %cond3A_163 = arith.constant 0 : i32
      %cond3A_164 = arith.cmpi ne, %convert_element_type3A_162, %cond3A_163 : i32
      scf.if %cond3A_164 {
        %dma_wait3A_227 = arith.constant 0 : i32
        %dma_wait3A_228 = arith.constant 0 : i32
        %dma_wait3A_229 = tpu.memref_slice %arg7[%dma_wait3A_227, %dma_wait3A_228] : memref<1x320000xi32, #tpu.memory_space<hbm>> -> memref<1x128xi32, #tpu.memory_space<hbm>>
        %dma_wait3A_230 = arith.constant 0 : i32
        %dma_wait3A_231 = arith.constant 0 : i32
        %dma_wait3A_232 = tpu.memref_slice %arg7[%dma_wait3A_230, %dma_wait3A_231] : memref<1x320000xi32, #tpu.memory_space<hbm>> -> memref<1x128xi32, #tpu.memory_space<hbm>>
        tpu.wait_dma2 semaphore(%arg21 : memref<!tpu.dma_semaphore, #tpu.memory_space<semaphore_mem>>) src(%dma_wait3A_232 : memref<1x128xi32, #tpu.memory_space<hbm>>) dst(%arg14 : memref<1x128xi32, #tpu.memory_space<vmem>>)
        %dma_start3A_233 = arith.constant 0 : i32
        %dma_start3A_234 = arith.constant 0 : i32
        %dma_start3A_235 = tpu.memref_slice %arg14[%dma_start3A_233, %dma_start3A_234] : memref<1x128xi32, #tpu.memory_space<vmem>> -> memref<1x128xi32, #tpu.memory_space<vmem>>
        %dma_start3A_236 = tpu.memref_squeeze %dma_start3A_235 : memref<1x128xi32, #tpu.memory_space<vmem>> -> memref<128xi32, #tpu.memory_space<vmem>>
        %dma_start3A_237 = arith.constant 0 : i32
        %dma_start3A_238 = arith.constant 0 : i32
        %dma_start3A_239 = tpu.memref_slice %arg17[%dma_start3A_237, %dma_start3A_238] : memref<10000x128xf32, #tpu.memory_space<vmem_shared>> -> memref<10000x128xf32, #tpu.memory_space<vmem_shared>>
        tpu.enqueue_indirect_dma source(%arg11 : memref<128x128xf32, #tpu.memory_space<vmem>>) target(%dma_start3A_239 : memref<10000x128xf32, #tpu.memory_space<vmem_shared>>) offsets(%dma_start3A_236 : memref<128xi32, #tpu.memory_space<vmem>>) semaphore(%arg26 : memref<!tpu.dma_semaphore, #tpu.memory_space<semaphore_mem>>) {add = true}
      } else {
      }
      %lt3A_165 = arith.constant 800 : i32
      %lt3A_166 = arith.cmpi slt, %add3A_125, %lt3A_165 : i32
      %convert_element_type3A_167 = arith.extui %lt3A_166 : i1 to i32
      %cond3A_168 = arith.constant 0 : i32
      %cond3A_169 = arith.cmpi ne, %convert_element_type3A_167, %cond3A_168 : i32
      scf.if %cond3A_169 {
        %add3A_227 = arith.constant 1600 : i32
        %add3A_228 = arith.addi %add3A_227, %add3A_125 : i32
        %mul3A_229 = arith.constant 128 : i32
        %mul3A_230 = arith.muli %add3A_228, %mul3A_229 : i32
        %dma_start3A_231 = arith.constant 0 : i32
        %dma_start3A_232 = tpu.memref_slice %arg7[%dma_start3A_231, %mul3A_230] : memref<1x320000xi32, #tpu.memory_space<hbm>> -> memref<1x128xi32, #tpu.memory_space<hbm>>
        %dma_start3A_233 = arith.constant 0 : i32
        %dma_start3A_234 = tpu.memref_slice %arg7[%dma_start3A_233, %mul3A_230] : memref<1x320000xi32, #tpu.memory_space<hbm>> -> memref<1x128xi32, #tpu.memory_space<hbm>>
        tpu.enqueue_dma source(%dma_start3A_234 : memref<1x128xi32, #tpu.memory_space<hbm>>) target(%arg13 : memref<1x128xi32, #tpu.memory_space<vmem>>) target_semaphore(%arg20 : memref<!tpu.dma_semaphore, #tpu.memory_space<semaphore_mem>>)
      } else {
      }
      %mul3A_170 = arith.constant 2 : i32
      %mul3A_171 = arith.muli %add3A_118, %mul3A_170 : i32
      %add3A_172 = arith.constant 1 : i32
      %add3A_173 = arith.addi %mul3A_171, %add3A_172 : i32
      %mul3A_174 = arith.constant 32 : i32
      %mul3A_175 = arith.muli %add3A_173, %mul3A_174 : i32
      %add3A_176 = arith.addi %add3A, %mul3A_175 : i32
      %sub3A_177 = arith.constant 32 : i32
      %sub3A_178 = arith.subi %add3A_176, %sub3A_177 : i32
      %add3A_179 = arith.constant 32 : i32
      %add3A_180 = arith.addi %add3A_176, %add3A_179 : i32
      %mul3A_181 = arith.constant 128 : i32
      %mul3A_182 = arith.muli %add3A_176, %mul3A_181 : i32
      %lt3A_183 = arith.constant 800 : i32
      %lt3A_184 = arith.cmpi slt, %add3A_176, %lt3A_183 : i32
      %convert_element_type3A_185 = arith.extui %lt3A_184 : i1 to i32
      %cond3A_186 = arith.constant 0 : i32
      %cond3A_187 = arith.cmpi ne, %convert_element_type3A_185, %cond3A_186 : i32
      scf.if %cond3A_187 {
        %ge3A_227 = arith.constant 2 : i32
        %ge3A_228 = arith.cmpi sge, %add3A_173, %ge3A_227 : i32
        %convert_element_type3A_229 = arith.extui %ge3A_228 : i1 to i32
        %cond3A_230 = arith.constant 0 : i32
        %cond3A_231 = arith.cmpi ne, %convert_element_type3A_229, %cond3A_230 : i32
        scf.if %cond3A_231 {
          %dma_wait3A_245 = arith.constant 0 : i32
          %dma_wait3A_246 = arith.constant 0 : i32
          %dma_wait3A_247 = tpu.memref_slice %arg17[%dma_wait3A_245, %dma_wait3A_246] : memref<10000x128xf32, #tpu.memory_space<vmem_shared>> -> memref<128x128xf32, #tpu.memory_space<vmem_shared>>
          %dma_wait3A_248 = arith.constant 0 : i32
          %dma_wait3A_249 = arith.constant 0 : i32
          %dma_wait3A_250 = tpu.memref_slice %arg17[%dma_wait3A_248, %dma_wait3A_249] : memref<10000x128xf32, #tpu.memory_space<vmem_shared>> -> memref<128x128xf32, #tpu.memory_space<vmem_shared>>
          tpu.wait_dma2 semaphore(%arg26 : memref<!tpu.dma_semaphore, #tpu.memory_space<semaphore_mem>>) src(%arg11 : memref<128x128xf32, #tpu.memory_space<vmem>>) dst(%dma_wait3A_250 : memref<128x128xf32, #tpu.memory_space<vmem_shared>>)
        } else {
        }
        %dma_wait3A_232 = arith.constant 0 : i32
        %dma_wait3A_233 = arith.constant 0 : i32
        %dma_wait3A_234 = tpu.memref_slice %arg8[%dma_wait3A_232, %dma_wait3A_233] : memref<1x320000xi32, #tpu.memory_space<hbm>> -> memref<1x128xi32, #tpu.memory_space<hbm>>
        %dma_wait3A_235 = arith.constant 0 : i32
        %dma_wait3A_236 = arith.constant 0 : i32
        %dma_wait3A_237 = tpu.memref_slice %arg8[%dma_wait3A_235, %dma_wait3A_236] : memref<1x320000xi32, #tpu.memory_space<hbm>> -> memref<1x128xi32, #tpu.memory_space<hbm>>
        tpu.wait_dma2 semaphore(%arg19 : memref<!tpu.dma_semaphore, #tpu.memory_space<semaphore_mem>>) src(%dma_wait3A_237 : memref<1x128xi32, #tpu.memory_space<hbm>>) dst(%arg16 : memref<1x128xi32, #tpu.memory_space<vmem>>)
        %dma_start3A_238 = arith.constant 0 : i32
        %dma_start3A_239 = arith.constant 0 : i32
        %dma_start3A_240 = tpu.memref_slice %arg16[%dma_start3A_238, %dma_start3A_239] : memref<1x128xi32, #tpu.memory_space<vmem>> -> memref<1x128xi32, #tpu.memory_space<vmem>>
        %dma_start3A_241 = tpu.memref_squeeze %dma_start3A_240 : memref<1x128xi32, #tpu.memory_space<vmem>> -> memref<128xi32, #tpu.memory_space<vmem>>
        %dma_start3A_242 = arith.constant 0 : i32
        %dma_start3A_243 = arith.constant 0 : i32
        %dma_start3A_244 = tpu.memref_slice %arg2[%dma_start3A_242, %dma_start3A_243] : memref<10000x128xf32, #tpu.memory_space<hbm>> -> memref<10000x128xf32, #tpu.memory_space<hbm>>
        tpu.enqueue_indirect_dma source(%dma_start3A_244 : memref<10000x128xf32, #tpu.memory_space<hbm>>) target(%arg11 : memref<128x128xf32, #tpu.memory_space<vmem>>) offsets(%dma_start3A_241 : memref<128xi32, #tpu.memory_space<vmem>>) semaphore(%arg23 : memref<!tpu.dma_semaphore, #tpu.memory_space<semaphore_mem>>)
      } else {
      }
      %ge3A_188 = arith.constant 1 : i32
      %ge3A_189 = arith.cmpi sge, %add3A_173, %ge3A_188 : i32
      %lt3A_190 = arith.constant 800 : i32
      %lt3A_191 = arith.cmpi slt, %sub3A_178, %lt3A_190 : i32
      %and3A_192 = arith.andi %ge3A_189, %lt3A_191 : i1
      %convert_element_type3A_193 = arith.extui %and3A_192 : i1 to i32
      %cond3A_194 = arith.constant 0 : i32
      %cond3A_195 = arith.cmpi ne, %convert_element_type3A_193, %cond3A_194 : i32
      scf.if %cond3A_195 {
        %dma_wait3A_227 = arith.constant 0 : i32
        %dma_wait3A_228 = arith.constant 0 : i32
        %dma_wait3A_229 = tpu.memref_slice %arg2[%dma_wait3A_227, %dma_wait3A_228] : memref<10000x128xf32, #tpu.memory_space<hbm>> -> memref<128x128xf32, #tpu.memory_space<hbm>>
        %dma_wait3A_230 = arith.constant 0 : i32
        %dma_wait3A_231 = arith.constant 0 : i32
        %dma_wait3A_232 = tpu.memref_slice %arg2[%dma_wait3A_230, %dma_wait3A_231] : memref<10000x128xf32, #tpu.memory_space<hbm>> -> memref<128x128xf32, #tpu.memory_space<hbm>>
        tpu.wait_dma2 semaphore(%arg22 : memref<!tpu.dma_semaphore, #tpu.memory_space<semaphore_mem>>) src(%dma_wait3A_232 : memref<128x128xf32, #tpu.memory_space<hbm>>) dst(%arg10 : memref<128x128xf32, #tpu.memory_space<vmem>>)
      } else {
      }
      %lt3A_196 = arith.constant 800 : i32
      %lt3A_197 = arith.cmpi slt, %add3A_180, %lt3A_196 : i32
      %convert_element_type3A_198 = arith.extui %lt3A_197 : i1 to i32
      %cond3A_199 = arith.constant 0 : i32
      %cond3A_200 = arith.cmpi ne, %convert_element_type3A_198, %cond3A_199 : i32
      scf.if %cond3A_200 {
        %add3A_227 = arith.constant 1600 : i32
        %add3A_228 = arith.addi %add3A_227, %add3A_180 : i32
        %mul3A_229 = arith.constant 128 : i32
        %mul3A_230 = arith.muli %add3A_228, %mul3A_229 : i32
        %dma_start3A_231 = arith.constant 0 : i32
        %dma_start3A_232 = tpu.memref_slice %arg8[%dma_start3A_231, %mul3A_230] : memref<1x320000xi32, #tpu.memory_space<hbm>> -> memref<1x128xi32, #tpu.memory_space<hbm>>
        %dma_start3A_233 = arith.constant 0 : i32
        %dma_start3A_234 = tpu.memref_slice %arg8[%dma_start3A_233, %mul3A_230] : memref<1x320000xi32, #tpu.memory_space<hbm>> -> memref<1x128xi32, #tpu.memory_space<hbm>>
        tpu.enqueue_dma source(%dma_start3A_234 : memref<1x128xi32, #tpu.memory_space<hbm>>) target(%arg15 : memref<1x128xi32, #tpu.memory_space<vmem>>) target_semaphore(%arg18 : memref<!tpu.dma_semaphore, #tpu.memory_space<semaphore_mem>>)
      } else {
      }
      %ge3A_201 = arith.constant 1 : i32
      %ge3A_202 = arith.cmpi sge, %add3A_173, %ge3A_201 : i32
      %lt3A_203 = arith.constant 800 : i32
      %lt3A_204 = arith.cmpi slt, %sub3A_178, %lt3A_203 : i32
      %and3A_205 = arith.andi %ge3A_202, %lt3A_204 : i1
      %convert_element_type3A_206 = arith.extui %and3A_205 : i1 to i32
      %cond3A_207 = arith.constant 0 : i32
      %cond3A_208 = arith.cmpi ne, %convert_element_type3A_206, %cond3A_207 : i32
      scf.if %cond3A_208 {
        %dma_wait3A_227 = arith.constant 0 : i32
        %dma_wait3A_228 = arith.constant 0 : i32
        %dma_wait3A_229 = tpu.memref_slice %arg5[%dma_wait3A_227, %dma_wait3A_228] : memref<102400x128xf32, #tpu.memory_space<hbm>> -> memref<128x128xf32, #tpu.memory_space<hbm>>
        %dma_wait3A_230 = arith.constant 0 : i32
        %dma_wait3A_231 = arith.constant 0 : i32
        %dma_wait3A_232 = tpu.memref_slice %arg5[%dma_wait3A_230, %dma_wait3A_231] : memref<102400x128xf32, #tpu.memory_space<hbm>> -> memref<128x128xf32, #tpu.memory_space<hbm>>
        tpu.wait_dma2 semaphore(%arg24 : memref<!tpu.dma_semaphore, #tpu.memory_space<semaphore_mem>>) src(%dma_wait3A_232 : memref<128x128xf32, #tpu.memory_space<hbm>>) dst(%arg12 : memref<128x128xf32, #tpu.memory_space<vmem>>)
        %scan3A_233 = arith.constant 0 : i32
        %scan3A_234 = arith.constant 128 : i32
        %scan3A_235 = arith.addi %scan3A_233, %scan3A_234 : i32
        %scan3A_236 = arith.constant 1 : i32
        scf.for %scan3A_238 = %scan3A_233 to %scan3A_235 step %scan3A_236  : i32 {
          %mul3A_239 = arith.constant 1 : i32
          %mul3A_240 = arith.muli %scan3A_238, %mul3A_239 : i32
          %add3A_241 = arith.constant 0 : i32
          %add3A_242 = arith.addi %add3A_241, %mul3A_240 : i32
          %scan3A_243 = arith.constant 0 : i32
          %scan3A_244 = arith.constant 8 : i32
          %scan3A_245 = arith.addi %scan3A_243, %scan3A_244 : i32
          %scan3A_246 = arith.constant 1 : i32
          scf.for %scan3A_248 = %scan3A_243 to %scan3A_245 step %scan3A_246  : i32 {
            %mul3A_249 = arith.constant 16 : i32
            %mul3A_250 = arith.muli %scan3A_248, %mul3A_249 : i32
            %add3A_251 = arith.constant 0 : i32
            %add3A_252 = arith.addi %add3A_251, %mul3A_250 : i32
            %get3A = arith.index_cast %add3A_242 : i32 to index
            %get3A_253 = arith.index_cast %add3A_252 : i32 to index
            %get3A_254 = tpu.vector_load %arg10[%get3A, %get3A_253] {strides = array<i32>} : memref<128x128xf32, #tpu.memory_space<vmem>>, vector<1x16xf32>,
            %get3A_255 = vector.shape_cast %get3A_254 : vector<1x16xf32> to vector<1x16xf32>
            %get3A_256 = arith.index_cast %add3A_242 : i32 to index
            %get3A_257 = arith.index_cast %add3A_252 : i32 to index
            %get3A_258 = tpu.vector_load %arg12[%get3A_256, %get3A_257] {strides = array<i32>} : memref<128x128xf32, #tpu.memory_space<vmem>>, vector<1x16xf32>,
            %get3A_259 = vector.shape_cast %get3A_258 : vector<1x16xf32> to vector<1x16xf32>
            %mul3A_260 = arith.mulf %get3A_255, %get3A_259 : vector<1x16xf32>
            %swap3A = arith.index_cast %add3A_242 : i32 to index
            %swap3A_261 = arith.index_cast %add3A_252 : i32 to index
            %swap3A_262 = tpu.vector_load %arg10[%swap3A, %swap3A_261] {strides = array<i32>} : memref<128x128xf32, #tpu.memory_space<vmem>>, vector<1x16xf32>,
            %swap3A_263 = vector.shape_cast %swap3A_262 : vector<1x16xf32> to vector<1x16xf32>
            %swap3A_264 = vector.shape_cast %mul3A_260 : vector<1x16xf32> to vector<1x16xf32>
            tpu.vector_store %arg10[%swap3A, %swap3A_261], %swap3A_264 {strides = array<i32>} : memref<128x128xf32, #tpu.memory_space<vmem>>, vector<1x16xf32>,
          }
          %scan3A_247 = arith.constant 8 : i32
        }
        %scan3A_237 = arith.constant 128 : i32
      } else {
      }
      %lt3A_209 = arith.constant 800 : i32
      %lt3A_210 = arith.cmpi slt, %add3A_176, %lt3A_209 : i32
      %convert_element_type3A_211 = arith.extui %lt3A_210 : i1 to i32
      %cond3A_212 = arith.constant 0 : i32
      %cond3A_213 = arith.cmpi ne, %convert_element_type3A_211, %cond3A_212 : i32
      scf.if %cond3A_213 {
        %dma_start3A_227 = arith.constant 0 : i32
        %dma_start3A_228 = tpu.memref_slice %arg5[%mul3A_182, %dma_start3A_227] : memref<102400x128xf32, #tpu.memory_space<hbm>> -> memref<128x128xf32, #tpu.memory_space<hbm>>
        %dma_start3A_229 = arith.constant 0 : i32
        %dma_start3A_230 = tpu.memref_slice %arg5[%mul3A_182, %dma_start3A_229] : memref<102400x128xf32, #tpu.memory_space<hbm>> -> memref<128x128xf32, #tpu.memory_space<hbm>>
        tpu.enqueue_dma source(%dma_start3A_230 : memref<128x128xf32, #tpu.memory_space<hbm>>) target(%arg12 : memref<128x128xf32, #tpu.memory_space<vmem>>) target_semaphore(%arg24 : memref<!tpu.dma_semaphore, #tpu.memory_space<semaphore_mem>>)
      } else {
      }
      %ge3A_214 = arith.constant 1 : i32
      %ge3A_215 = arith.cmpi sge, %add3A_173, %ge3A_214 : i32
      %lt3A_216 = arith.constant 800 : i32
      %lt3A_217 = arith.cmpi slt, %sub3A_178, %lt3A_216 : i32
      %and3A_218 = arith.andi %ge3A_215, %lt3A_217 : i1
      %convert_element_type3A_219 = arith.extui %and3A_218 : i1 to i32
      %cond3A_220 = arith.constant 0 : i32
      %cond3A_221 = arith.cmpi ne, %convert_element_type3A_219, %cond3A_220 : i32
      scf.if %cond3A_221 {
        %dma_wait3A_227 = arith.constant 0 : i32
        %dma_wait3A_228 = arith.constant 0 : i32
        %dma_wait3A_229 = tpu.memref_slice %arg7[%dma_wait3A_227, %dma_wait3A_228] : memref<1x320000xi32, #tpu.memory_space<hbm>> -> memref<1x128xi32, #tpu.memory_space<hbm>>
        %dma_wait3A_230 = arith.constant 0 : i32
        %dma_wait3A_231 = arith.constant 0 : i32
        %dma_wait3A_232 = tpu.memref_slice %arg7[%dma_wait3A_230, %dma_wait3A_231] : memref<1x320000xi32, #tpu.memory_space<hbm>> -> memref<1x128xi32, #tpu.memory_space<hbm>>
        tpu.wait_dma2 semaphore(%arg20 : memref<!tpu.dma_semaphore, #tpu.memory_space<semaphore_mem>>) src(%dma_wait3A_232 : memref<1x128xi32, #tpu.memory_space<hbm>>) dst(%arg13 : memref<1x128xi32, #tpu.memory_space<vmem>>)
        %dma_start3A_233 = arith.constant 0 : i32
        %dma_start3A_234 = arith.constant 0 : i32
        %dma_start3A_235 = tpu.memref_slice %arg13[%dma_start3A_233, %dma_start3A_234] : memref<1x128xi32, #tpu.memory_space<vmem>> -> memref<1x128xi32, #tpu.memory_space<vmem>>
        %dma_start3A_236 = tpu.memref_squeeze %dma_start3A_235 : memref<1x128xi32, #tpu.memory_space<vmem>> -> memref<128xi32, #tpu.memory_space<vmem>>
        %dma_start3A_237 = arith.constant 0 : i32
        %dma_start3A_238 = arith.constant 0 : i32
        %dma_start3A_239 = tpu.memref_slice %arg17[%dma_start3A_237, %dma_start3A_238] : memref<10000x128xf32, #tpu.memory_space<vmem_shared>> -> memref<10000x128xf32, #tpu.memory_space<vmem_shared>>
        tpu.enqueue_indirect_dma source(%arg10 : memref<128x128xf32, #tpu.memory_space<vmem>>) target(%dma_start3A_239 : memref<10000x128xf32, #tpu.memory_space<vmem_shared>>) offsets(%dma_start3A_236 : memref<128xi32, #tpu.memory_space<vmem>>) semaphore(%arg25 : memref<!tpu.dma_semaphore, #tpu.memory_space<semaphore_mem>>) {add = true}
      } else {
      }
      %lt3A_222 = arith.constant 800 : i32
      %lt3A_223 = arith.cmpi slt, %add3A_176, %lt3A_222 : i32
      %convert_element_type3A_224 = arith.extui %lt3A_223 : i1 to i32
      %cond3A_225 = arith.constant 0 : i32
      %cond3A_226 = arith.cmpi ne, %convert_element_type3A_224, %cond3A_225 : i32
      scf.if %cond3A_226 {
        %add3A_227 = arith.constant 1600 : i32
        %add3A_228 = arith.addi %add3A_227, %add3A_176 : i32
        %mul3A_229 = arith.constant 128 : i32
        %mul3A_230 = arith.muli %add3A_228, %mul3A_229 : i32
        %dma_start3A_231 = arith.constant 0 : i32
        %dma_start3A_232 = tpu.memref_slice %arg7[%dma_start3A_231, %mul3A_230] : memref<1x320000xi32, #tpu.memory_space<hbm>> -> memref<1x128xi32, #tpu.memory_space<hbm>>
        %dma_start3A_233 = arith.constant 0 : i32
        %dma_start3A_234 = tpu.memref_slice %arg7[%dma_start3A_233, %mul3A_230] : memref<1x320000xi32, #tpu.memory_space<hbm>> -> memref<1x128xi32, #tpu.memory_space<hbm>>
        tpu.enqueue_dma source(%dma_start3A_234 : memref<1x128xi32, #tpu.memory_space<hbm>>) target(%arg14 : memref<1x128xi32, #tpu.memory_space<vmem>>) target_semaphore(%arg21 : memref<!tpu.dma_semaphore, #tpu.memory_space<semaphore_mem>>)
      } else {
      }
    }
    %scan3A_70 = arith.constant 13 : i32
    %dma_wait3A_71 = arith.constant 0 : i32
    %dma_wait3A_72 = arith.constant 0 : i32
    %dma_wait3A_73 = tpu.memref_slice %arg17[%dma_wait3A_71, %dma_wait3A_72] : memref<10000x128xf32, #tpu.memory_space<vmem_shared>> -> memref<128x128xf32, #tpu.memory_space<vmem_shared>>
    %dma_wait3A_74 = arith.constant 0 : i32
    %dma_wait3A_75 = arith.constant 0 : i32
    %dma_wait3A_76 = tpu.memref_slice %arg17[%dma_wait3A_74, %dma_wait3A_75] : memref<10000x128xf32, #tpu.memory_space<vmem_shared>> -> memref<128x128xf32, #tpu.memory_space<vmem_shared>>
    tpu.wait_dma2 semaphore(%arg25 : memref<!tpu.dma_semaphore, #tpu.memory_space<semaphore_mem>>) src(%arg10 : memref<128x128xf32, #tpu.memory_space<vmem>>) dst(%dma_wait3A_76 : memref<128x128xf32, #tpu.memory_space<vmem_shared>>)
    %dma_wait3A_77 = arith.constant 0 : i32
    %dma_wait3A_78 = arith.constant 0 : i32
    %dma_wait3A_79 = tpu.memref_slice %arg17[%dma_wait3A_77, %dma_wait3A_78] : memref<10000x128xf32, #tpu.memory_space<vmem_shared>> -> memref<128x128xf32, #tpu.memory_space<vmem_shared>>
    %dma_wait3A_80 = arith.constant 0 : i32
    %dma_wait3A_81 = arith.constant 0 : i32
    %dma_wait3A_82 = tpu.memref_slice %arg17[%dma_wait3A_80, %dma_wait3A_81] : memref<10000x128xf32, #tpu.memory_space<vmem_shared>> -> memref<128x128xf32, #tpu.memory_space<vmem_shared>>
    tpu.wait_dma2 semaphore(%arg26 : memref<!tpu.dma_semaphore, #tpu.memory_space<semaphore_mem>>) src(%arg11 : memref<128x128xf32, #tpu.memory_space<vmem>>) dst(%dma_wait3A_82 : memref<128x128xf32, #tpu.memory_space<vmem_shared>>)
    %add3A_83 = arith.constant 2400 : i32
    %add3A_84 = arith.addi %add3A_83, %add3A : i32
    %mul3A_85 = arith.constant 128 : i32
    %mul3A_86 = arith.muli %add3A_84, %mul3A_85 : i32
    %dma_start3A_87 = arith.constant 0 : i32
    %dma_start3A_88 = tpu.memref_slice %arg8[%dma_start3A_87, %mul3A_86] : memref<1x320000xi32, #tpu.memory_space<hbm>> -> memref<1x128xi32, #tpu.memory_space<hbm>>
    %dma_start3A_89 = arith.constant 0 : i32
    %dma_start3A_90 = tpu.memref_slice %arg8[%dma_start3A_89, %mul3A_86] : memref<1x320000xi32, #tpu.memory_space<hbm>> -> memref<1x128xi32, #tpu.memory_space<hbm>>
    tpu.enqueue_dma source(%dma_start3A_90 : memref<1x128xi32, #tpu.memory_space<hbm>>) target(%arg15 : memref<1x128xi32, #tpu.memory_space<vmem>>) target_semaphore(%arg18 : memref<!tpu.dma_semaphore, #tpu.memory_space<semaphore_mem>>)
    %scan3A_91 = arith.constant 0 : i32
    %scan3A_92 = arith.constant 3 : i32
    %scan3A_93 = arith.addi %scan3A_91, %scan3A_92 : i32
    %scan3A_94 = arith.constant 1 : i32
    scf.for %scan3A_114 = %scan3A_91 to %scan3A_93 step %scan3A_94  : i32 {
      %mul3A_115 = arith.constant 1 : i32
      %mul3A_116 = arith.muli %scan3A_114, %mul3A_115 : i32
      %add3A_117 = arith.constant 0 : i32
      %add3A_118 = arith.addi %add3A_117, %mul3A_116 : i32
      %mul3A_119 = arith.constant 2 : i32
      %mul3A_120 = arith.muli %add3A_118, %mul3A_119 : i32
      %add3A_121 = arith.constant 0 : i32
      %add3A_122 = arith.addi %mul3A_120, %add3A_121 : i32
      %mul3A_123 = arith.constant 32 : i32
      %mul3A_124 = arith.muli %add3A_122, %mul3A_123 : i32
      %add3A_125 = arith.addi %add3A, %mul3A_124 : i32
      %sub3A = arith.constant 32 : i32
      %sub3A_126 = arith.subi %add3A_125, %sub3A : i32
      %add3A_127 = arith.constant 32 : i32
      %add3A_128 = arith.addi %add3A_125, %add3A_127 : i32
      %mul3A_129 = arith.constant 128 : i32
      %mul3A_130 = arith.muli %add3A_125, %mul3A_129 : i32
      %lt3A = arith.constant 100 : i32
      %lt3A_131 = arith.cmpi slt, %add3A_125, %lt3A : i32
      %convert_element_type3A = arith.extui %lt3A_131 : i1 to i32
      %cond3A = arith.constant 0 : i32
      %cond3A_132 = arith.cmpi ne, %convert_element_type3A, %cond3A : i32
      scf.if %cond3A_132 {
        %ge3A_227 = arith.constant 2 : i32
        %ge3A_228 = arith.cmpi sge, %add3A_122, %ge3A_227 : i32
        %convert_element_type3A_229 = arith.extui %ge3A_228 : i1 to i32
        %cond3A_230 = arith.constant 0 : i32
        %cond3A_231 = arith.cmpi ne, %convert_element_type3A_229, %cond3A_230 : i32
        scf.if %cond3A_231 {
          %dma_wait3A_245 = arith.constant 0 : i32
          %dma_wait3A_246 = arith.constant 0 : i32
          %dma_wait3A_247 = tpu.memref_slice %arg17[%dma_wait3A_245, %dma_wait3A_246] : memref<10000x128xf32, #tpu.memory_space<vmem_shared>> -> memref<128x128xf32, #tpu.memory_space<vmem_shared>>
          %dma_wait3A_248 = arith.constant 0 : i32
          %dma_wait3A_249 = arith.constant 0 : i32
          %dma_wait3A_250 = tpu.memref_slice %arg17[%dma_wait3A_248, %dma_wait3A_249] : memref<10000x128xf32, #tpu.memory_space<vmem_shared>> -> memref<128x128xf32, #tpu.memory_space<vmem_shared>>
          tpu.wait_dma2 semaphore(%arg25 : memref<!tpu.dma_semaphore, #tpu.memory_space<semaphore_mem>>) src(%arg10 : memref<128x128xf32, #tpu.memory_space<vmem>>) dst(%dma_wait3A_250 : memref<128x128xf32, #tpu.memory_space<vmem_shared>>)
        } else {
        }
        %dma_wait3A_232 = arith.constant 0 : i32
        %dma_wait3A_233 = arith.constant 0 : i32
        %dma_wait3A_234 = tpu.memref_slice %arg8[%dma_wait3A_232, %dma_wait3A_233] : memref<1x320000xi32, #tpu.memory_space<hbm>> -> memref<1x128xi32, #tpu.memory_space<hbm>>
        %dma_wait3A_235 = arith.constant 0 : i32
        %dma_wait3A_236 = arith.constant 0 : i32
        %dma_wait3A_237 = tpu.memref_slice %arg8[%dma_wait3A_235, %dma_wait3A_236] : memref<1x320000xi32, #tpu.memory_space<hbm>> -> memref<1x128xi32, #tpu.memory_space<hbm>>
        tpu.wait_dma2 semaphore(%arg18 : memref<!tpu.dma_semaphore, #tpu.memory_space<semaphore_mem>>) src(%dma_wait3A_237 : memref<1x128xi32, #tpu.memory_space<hbm>>) dst(%arg15 : memref<1x128xi32, #tpu.memory_space<vmem>>)
        %dma_start3A_238 = arith.constant 0 : i32
        %dma_start3A_239 = arith.constant 0 : i32
        %dma_start3A_240 = tpu.memref_slice %arg15[%dma_start3A_238, %dma_start3A_239] : memref<1x128xi32, #tpu.memory_space<vmem>> -> memref<1x128xi32, #tpu.memory_space<vmem>>
        %dma_start3A_241 = tpu.memref_squeeze %dma_start3A_240 : memref<1x128xi32, #tpu.memory_space<vmem>> -> memref<128xi32, #tpu.memory_space<vmem>>
        %dma_start3A_242 = arith.constant 0 : i32
        %dma_start3A_243 = arith.constant 0 : i32
        %dma_start3A_244 = tpu.memref_slice %arg2[%dma_start3A_242, %dma_start3A_243] : memref<10000x128xf32, #tpu.memory_space<hbm>> -> memref<10000x128xf32, #tpu.memory_space<hbm>>
        tpu.enqueue_indirect_dma source(%dma_start3A_244 : memref<10000x128xf32, #tpu.memory_space<hbm>>) target(%arg10 : memref<128x128xf32, #tpu.memory_space<vmem>>) offsets(%dma_start3A_241 : memref<128xi32, #tpu.memory_space<vmem>>) semaphore(%arg22 : memref<!tpu.dma_semaphore, #tpu.memory_space<semaphore_mem>>)
      } else {
      }
      %ge3A = arith.constant 1 : i32
      %ge3A_133 = arith.cmpi sge, %add3A_122, %ge3A : i32
      %lt3A_134 = arith.constant 100 : i32
      %lt3A_135 = arith.cmpi slt, %sub3A_126, %lt3A_134 : i32
      %and3A = arith.andi %ge3A_133, %lt3A_135 : i1
      %convert_element_type3A_136 = arith.extui %and3A : i1 to i32
      %cond3A_137 = arith.constant 0 : i32
      %cond3A_138 = arith.cmpi ne, %convert_element_type3A_136, %cond3A_137 : i32
      scf.if %cond3A_138 {
        %dma_wait3A_227 = arith.constant 0 : i32
        %dma_wait3A_228 = arith.constant 0 : i32
        %dma_wait3A_229 = tpu.memref_slice %arg2[%dma_wait3A_227, %dma_wait3A_228] : memref<10000x128xf32, #tpu.memory_space<hbm>> -> memref<128x128xf32, #tpu.memory_space<hbm>>
        %dma_wait3A_230 = arith.constant 0 : i32
        %dma_wait3A_231 = arith.constant 0 : i32
        %dma_wait3A_232 = tpu.memref_slice %arg2[%dma_wait3A_230, %dma_wait3A_231] : memref<10000x128xf32, #tpu.memory_space<hbm>> -> memref<128x128xf32, #tpu.memory_space<hbm>>
        tpu.wait_dma2 semaphore(%arg23 : memref<!tpu.dma_semaphore, #tpu.memory_space<semaphore_mem>>) src(%dma_wait3A_232 : memref<128x128xf32, #tpu.memory_space<hbm>>) dst(%arg11 : memref<128x128xf32, #tpu.memory_space<vmem>>)
      } else {
      }
      %lt3A_139 = arith.constant 100 : i32
      %lt3A_140 = arith.cmpi slt, %add3A_128, %lt3A_139 : i32
      %convert_element_type3A_141 = arith.extui %lt3A_140 : i1 to i32
      %cond3A_142 = arith.constant 0 : i32
      %cond3A_143 = arith.cmpi ne, %convert_element_type3A_141, %cond3A_142 : i32
      scf.if %cond3A_143 {
        %add3A_227 = arith.constant 2400 : i32
        %add3A_228 = arith.addi %add3A_227, %add3A_128 : i32
        %mul3A_229 = arith.constant 128 : i32
        %mul3A_230 = arith.muli %add3A_228, %mul3A_229 : i32
        %dma_start3A_231 = arith.constant 0 : i32
        %dma_start3A_232 = tpu.memref_slice %arg8[%dma_start3A_231, %mul3A_230] : memref<1x320000xi32, #tpu.memory_space<hbm>> -> memref<1x128xi32, #tpu.memory_space<hbm>>
        %dma_start3A_233 = arith.constant 0 : i32
        %dma_start3A_234 = tpu.memref_slice %arg8[%dma_start3A_233, %mul3A_230] : memref<1x320000xi32, #tpu.memory_space<hbm>> -> memref<1x128xi32, #tpu.memory_space<hbm>>
        tpu.enqueue_dma source(%dma_start3A_234 : memref<1x128xi32, #tpu.memory_space<hbm>>) target(%arg16 : memref<1x128xi32, #tpu.memory_space<vmem>>) target_semaphore(%arg19 : memref<!tpu.dma_semaphore, #tpu.memory_space<semaphore_mem>>)
      } else {
      }
      %ge3A_144 = arith.constant 1 : i32
      %ge3A_145 = arith.cmpi sge, %add3A_122, %ge3A_144 : i32
      %lt3A_146 = arith.constant 100 : i32
      %lt3A_147 = arith.cmpi slt, %sub3A_126, %lt3A_146 : i32
      %and3A_148 = arith.andi %ge3A_145, %lt3A_147 : i1
      %convert_element_type3A_149 = arith.extui %and3A_148 : i1 to i32
      %cond3A_150 = arith.constant 0 : i32
      %cond3A_151 = arith.cmpi ne, %convert_element_type3A_149, %cond3A_150 : i32
      scf.if %cond3A_151 {
        %dma_wait3A_227 = arith.constant 0 : i32
        %dma_wait3A_228 = arith.constant 0 : i32
        %dma_wait3A_229 = tpu.memref_slice %arg6[%dma_wait3A_227, %dma_wait3A_228] : memref<12800x128xf32, #tpu.memory_space<hbm>> -> memref<128x128xf32, #tpu.memory_space<hbm>>
        %dma_wait3A_230 = arith.constant 0 : i32
        %dma_wait3A_231 = arith.constant 0 : i32
        %dma_wait3A_232 = tpu.memref_slice %arg6[%dma_wait3A_230, %dma_wait3A_231] : memref<12800x128xf32, #tpu.memory_space<hbm>> -> memref<128x128xf32, #tpu.memory_space<hbm>>
        tpu.wait_dma2 semaphore(%arg24 : memref<!tpu.dma_semaphore, #tpu.memory_space<semaphore_mem>>) src(%dma_wait3A_232 : memref<128x128xf32, #tpu.memory_space<hbm>>) dst(%arg12 : memref<128x128xf32, #tpu.memory_space<vmem>>)
        %scan3A_233 = arith.constant 0 : i32
        %scan3A_234 = arith.constant 128 : i32
        %scan3A_235 = arith.addi %scan3A_233, %scan3A_234 : i32
        %scan3A_236 = arith.constant 1 : i32
        scf.for %scan3A_238 = %scan3A_233 to %scan3A_235 step %scan3A_236  : i32 {
          %mul3A_239 = arith.constant 1 : i32
          %mul3A_240 = arith.muli %scan3A_238, %mul3A_239 : i32
          %add3A_241 = arith.constant 0 : i32
          %add3A_242 = arith.addi %add3A_241, %mul3A_240 : i32
          %scan3A_243 = arith.constant 0 : i32
          %scan3A_244 = arith.constant 8 : i32
          %scan3A_245 = arith.addi %scan3A_243, %scan3A_244 : i32
          %scan3A_246 = arith.constant 1 : i32
          scf.for %scan3A_248 = %scan3A_243 to %scan3A_245 step %scan3A_246  : i32 {
            %mul3A_249 = arith.constant 16 : i32
            %mul3A_250 = arith.muli %scan3A_248, %mul3A_249 : i32
            %add3A_251 = arith.constant 0 : i32
            %add3A_252 = arith.addi %add3A_251, %mul3A_250 : i32
            %get3A = arith.index_cast %add3A_242 : i32 to index
            %get3A_253 = arith.index_cast %add3A_252 : i32 to index
            %get3A_254 = tpu.vector_load %arg11[%get3A, %get3A_253] {strides = array<i32>} : memref<128x128xf32, #tpu.memory_space<vmem>>, vector<1x16xf32>,
            %get3A_255 = vector.shape_cast %get3A_254 : vector<1x16xf32> to vector<1x16xf32>
            %get3A_256 = arith.index_cast %add3A_242 : i32 to index
            %get3A_257 = arith.index_cast %add3A_252 : i32 to index
            %get3A_258 = tpu.vector_load %arg12[%get3A_256, %get3A_257] {strides = array<i32>} : memref<128x128xf32, #tpu.memory_space<vmem>>, vector<1x16xf32>,
            %get3A_259 = vector.shape_cast %get3A_258 : vector<1x16xf32> to vector<1x16xf32>
            %mul3A_260 = arith.mulf %get3A_255, %get3A_259 : vector<1x16xf32>
            %swap3A = arith.index_cast %add3A_242 : i32 to index
            %swap3A_261 = arith.index_cast %add3A_252 : i32 to index
            %swap3A_262 = tpu.vector_load %arg11[%swap3A, %swap3A_261] {strides = array<i32>} : memref<128x128xf32, #tpu.memory_space<vmem>>, vector<1x16xf32>,
            %swap3A_263 = vector.shape_cast %swap3A_262 : vector<1x16xf32> to vector<1x16xf32>
            %swap3A_264 = vector.shape_cast %mul3A_260 : vector<1x16xf32> to vector<1x16xf32>
            tpu.vector_store %arg11[%swap3A, %swap3A_261], %swap3A_264 {strides = array<i32>} : memref<128x128xf32, #tpu.memory_space<vmem>>, vector<1x16xf32>,
          }
          %scan3A_247 = arith.constant 8 : i32
        }
        %scan3A_237 = arith.constant 128 : i32
      } else {
      }
      %lt3A_152 = arith.constant 100 : i32
      %lt3A_153 = arith.cmpi slt, %add3A_125, %lt3A_152 : i32
      %convert_element_type3A_154 = arith.extui %lt3A_153 : i1 to i32
      %cond3A_155 = arith.constant 0 : i32
      %cond3A_156 = arith.cmpi ne, %convert_element_type3A_154, %cond3A_155 : i32
      scf.if %cond3A_156 {
        %dma_start3A_227 = arith.constant 0 : i32
        %dma_start3A_228 = tpu.memref_slice %arg6[%mul3A_130, %dma_start3A_227] : memref<12800x128xf32, #tpu.memory_space<hbm>> -> memref<128x128xf32, #tpu.memory_space<hbm>>
        %dma_start3A_229 = arith.constant 0 : i32
        %dma_start3A_230 = tpu.memref_slice %arg6[%mul3A_130, %dma_start3A_229] : memref<12800x128xf32, #tpu.memory_space<hbm>> -> memref<128x128xf32, #tpu.memory_space<hbm>>
        tpu.enqueue_dma source(%dma_start3A_230 : memref<128x128xf32, #tpu.memory_space<hbm>>) target(%arg12 : memref<128x128xf32, #tpu.memory_space<vmem>>) target_semaphore(%arg24 : memref<!tpu.dma_semaphore, #tpu.memory_space<semaphore_mem>>)
      } else {
      }
      %ge3A_157 = arith.constant 1 : i32
      %ge3A_158 = arith.cmpi sge, %add3A_122, %ge3A_157 : i32
      %lt3A_159 = arith.constant 100 : i32
      %lt3A_160 = arith.cmpi slt, %sub3A_126, %lt3A_159 : i32
      %and3A_161 = arith.andi %ge3A_158, %lt3A_160 : i1
      %convert_element_type3A_162 = arith.extui %and3A_161 : i1 to i32
      %cond3A_163 = arith.constant 0 : i32
      %cond3A_164 = arith.cmpi ne, %convert_element_type3A_162, %cond3A_163 : i32
      scf.if %cond3A_164 {
        %dma_wait3A_227 = arith.constant 0 : i32
        %dma_wait3A_228 = arith.constant 0 : i32
        %dma_wait3A_229 = tpu.memref_slice %arg7[%dma_wait3A_227, %dma_wait3A_228] : memref<1x320000xi32, #tpu.memory_space<hbm>> -> memref<1x128xi32, #tpu.memory_space<hbm>>
        %dma_wait3A_230 = arith.constant 0 : i32
        %dma_wait3A_231 = arith.constant 0 : i32
        %dma_wait3A_232 = tpu.memref_slice %arg7[%dma_wait3A_230, %dma_wait3A_231] : memref<1x320000xi32, #tpu.memory_space<hbm>> -> memref<1x128xi32, #tpu.memory_space<hbm>>
        tpu.wait_dma2 semaphore(%arg21 : memref<!tpu.dma_semaphore, #tpu.memory_space<semaphore_mem>>) src(%dma_wait3A_232 : memref<1x128xi32, #tpu.memory_space<hbm>>) dst(%arg14 : memref<1x128xi32, #tpu.memory_space<vmem>>)
        %dma_start3A_233 = arith.constant 0 : i32
        %dma_start3A_234 = arith.constant 0 : i32
        %dma_start3A_235 = tpu.memref_slice %arg14[%dma_start3A_233, %dma_start3A_234] : memref<1x128xi32, #tpu.memory_space<vmem>> -> memref<1x128xi32, #tpu.memory_space<vmem>>
        %dma_start3A_236 = tpu.memref_squeeze %dma_start3A_235 : memref<1x128xi32, #tpu.memory_space<vmem>> -> memref<128xi32, #tpu.memory_space<vmem>>
        %dma_start3A_237 = arith.constant 0 : i32
        %dma_start3A_238 = arith.constant 0 : i32
        %dma_start3A_239 = tpu.memref_slice %arg17[%dma_start3A_237, %dma_start3A_238] : memref<10000x128xf32, #tpu.memory_space<vmem_shared>> -> memref<10000x128xf32, #tpu.memory_space<vmem_shared>>
        tpu.enqueue_indirect_dma source(%arg11 : memref<128x128xf32, #tpu.memory_space<vmem>>) target(%dma_start3A_239 : memref<10000x128xf32, #tpu.memory_space<vmem_shared>>) offsets(%dma_start3A_236 : memref<128xi32, #tpu.memory_space<vmem>>) semaphore(%arg26 : memref<!tpu.dma_semaphore, #tpu.memory_space<semaphore_mem>>) {add = true}
      } else {
      }
      %lt3A_165 = arith.constant 100 : i32
      %lt3A_166 = arith.cmpi slt, %add3A_125, %lt3A_165 : i32
      %convert_element_type3A_167 = arith.extui %lt3A_166 : i1 to i32
      %cond3A_168 = arith.constant 0 : i32
      %cond3A_169 = arith.cmpi ne, %convert_element_type3A_167, %cond3A_168 : i32
      scf.if %cond3A_169 {
        %add3A_227 = arith.constant 2400 : i32
        %add3A_228 = arith.addi %add3A_227, %add3A_125 : i32
        %mul3A_229 = arith.constant 128 : i32
        %mul3A_230 = arith.muli %add3A_228, %mul3A_229 : i32
        %dma_start3A_231 = arith.constant 0 : i32
        %dma_start3A_232 = tpu.memref_slice %arg7[%dma_start3A_231, %mul3A_230] : memref<1x320000xi32, #tpu.memory_space<hbm>> -> memref<1x128xi32, #tpu.memory_space<hbm>>
        %dma_start3A_233 = arith.constant 0 : i32
        %dma_start3A_234 = tpu.memref_slice %arg7[%dma_start3A_233, %mul3A_230] : memref<1x320000xi32, #tpu.memory_space<hbm>> -> memref<1x128xi32, #tpu.memory_space<hbm>>
        tpu.enqueue_dma source(%dma_start3A_234 : memref<1x128xi32, #tpu.memory_space<hbm>>) target(%arg13 : memref<1x128xi32, #tpu.memory_space<vmem>>) target_semaphore(%arg20 : memref<!tpu.dma_semaphore, #tpu.memory_space<semaphore_mem>>)
      } else {
      }
      %mul3A_170 = arith.constant 2 : i32
      %mul3A_171 = arith.muli %add3A_118, %mul3A_170 : i32
      %add3A_172 = arith.constant 1 : i32
      %add3A_173 = arith.addi %mul3A_171, %add3A_172 : i32
      %mul3A_174 = arith.constant 32 : i32
      %mul3A_175 = arith.muli %add3A_173, %mul3A_174 : i32
      %add3A_176 = arith.addi %add3A, %mul3A_175 : i32
      %sub3A_177 = arith.constant 32 : i32
      %sub3A_178 = arith.subi %add3A_176, %sub3A_177 : i32
      %add3A_179 = arith.constant 32 : i32
      %add3A_180 = arith.addi %add3A_176, %add3A_179 : i32
      %mul3A_181 = arith.constant 128 : i32
      %mul3A_182 = arith.muli %add3A_176, %mul3A_181 : i32
      %lt3A_183 = arith.constant 100 : i32
      %lt3A_184 = arith.cmpi slt, %add3A_176, %lt3A_183 : i32
      %convert_element_type3A_185 = arith.extui %lt3A_184 : i1 to i32
      %cond3A_186 = arith.constant 0 : i32
      %cond3A_187 = arith.cmpi ne, %convert_element_type3A_185, %cond3A_186 : i32
      scf.if %cond3A_187 {
        %ge3A_227 = arith.constant 2 : i32
        %ge3A_228 = arith.cmpi sge, %add3A_173, %ge3A_227 : i32
        %convert_element_type3A_229 = arith.extui %ge3A_228 : i1 to i32
        %cond3A_230 = arith.constant 0 : i32
        %cond3A_231 = arith.cmpi ne, %convert_element_type3A_229, %cond3A_230 : i32
        scf.if %cond3A_231 {
          %dma_wait3A_245 = arith.constant 0 : i32
          %dma_wait3A_246 = arith.constant 0 : i32
          %dma_wait3A_247 = tpu.memref_slice %arg17[%dma_wait3A_245, %dma_wait3A_246] : memref<10000x128xf32, #tpu.memory_space<vmem_shared>> -> memref<128x128xf32, #tpu.memory_space<vmem_shared>>
          %dma_wait3A_248 = arith.constant 0 : i32
          %dma_wait3A_249 = arith.constant 0 : i32
          %dma_wait3A_250 = tpu.memref_slice %arg17[%dma_wait3A_248, %dma_wait3A_249] : memref<10000x128xf32, #tpu.memory_space<vmem_shared>> -> memref<128x128xf32, #tpu.memory_space<vmem_shared>>
          tpu.wait_dma2 semaphore(%arg26 : memref<!tpu.dma_semaphore, #tpu.memory_space<semaphore_mem>>) src(%arg11 : memref<128x128xf32, #tpu.memory_space<vmem>>) dst(%dma_wait3A_250 : memref<128x128xf32, #tpu.memory_space<vmem_shared>>)
        } else {
        }
        %dma_wait3A_232 = arith.constant 0 : i32
        %dma_wait3A_233 = arith.constant 0 : i32
        %dma_wait3A_234 = tpu.memref_slice %arg8[%dma_wait3A_232, %dma_wait3A_233] : memref<1x320000xi32, #tpu.memory_space<hbm>> -> memref<1x128xi32, #tpu.memory_space<hbm>>
        %dma_wait3A_235 = arith.constant 0 : i32
        %dma_wait3A_236 = arith.constant 0 : i32
        %dma_wait3A_237 = tpu.memref_slice %arg8[%dma_wait3A_235, %dma_wait3A_236] : memref<1x320000xi32, #tpu.memory_space<hbm>> -> memref<1x128xi32, #tpu.memory_space<hbm>>
        tpu.wait_dma2 semaphore(%arg19 : memref<!tpu.dma_semaphore, #tpu.memory_space<semaphore_mem>>) src(%dma_wait3A_237 : memref<1x128xi32, #tpu.memory_space<hbm>>) dst(%arg16 : memref<1x128xi32, #tpu.memory_space<vmem>>)
        %dma_start3A_238 = arith.constant 0 : i32
        %dma_start3A_239 = arith.constant 0 : i32
        %dma_start3A_240 = tpu.memref_slice %arg16[%dma_start3A_238, %dma_start3A_239] : memref<1x128xi32, #tpu.memory_space<vmem>> -> memref<1x128xi32, #tpu.memory_space<vmem>>
        %dma_start3A_241 = tpu.memref_squeeze %dma_start3A_240 : memref<1x128xi32, #tpu.memory_space<vmem>> -> memref<128xi32, #tpu.memory_space<vmem>>
        %dma_start3A_242 = arith.constant 0 : i32
        %dma_start3A_243 = arith.constant 0 : i32
        %dma_start3A_244 = tpu.memref_slice %arg2[%dma_start3A_242, %dma_start3A_243] : memref<10000x128xf32, #tpu.memory_space<hbm>> -> memref<10000x128xf32, #tpu.memory_space<hbm>>
        tpu.enqueue_indirect_dma source(%dma_start3A_244 : memref<10000x128xf32, #tpu.memory_space<hbm>>) target(%arg11 : memref<128x128xf32, #tpu.memory_space<vmem>>) offsets(%dma_start3A_241 : memref<128xi32, #tpu.memory_space<vmem>>) semaphore(%arg23 : memref<!tpu.dma_semaphore, #tpu.memory_space<semaphore_mem>>)
      } else {
      }
      %ge3A_188 = arith.constant 1 : i32
      %ge3A_189 = arith.cmpi sge, %add3A_173, %ge3A_188 : i32
      %lt3A_190 = arith.constant 100 : i32
      %lt3A_191 = arith.cmpi slt, %sub3A_178, %lt3A_190 : i32
      %and3A_192 = arith.andi %ge3A_189, %lt3A_191 : i1
      %convert_element_type3A_193 = arith.extui %and3A_192 : i1 to i32
      %cond3A_194 = arith.constant 0 : i32
      %cond3A_195 = arith.cmpi ne, %convert_element_type3A_193, %cond3A_194 : i32
      scf.if %cond3A_195 {
        %dma_wait3A_227 = arith.constant 0 : i32
        %dma_wait3A_228 = arith.constant 0 : i32
        %dma_wait3A_229 = tpu.memref_slice %arg2[%dma_wait3A_227, %dma_wait3A_228] : memref<10000x128xf32, #tpu.memory_space<hbm>> -> memref<128x128xf32, #tpu.memory_space<hbm>>
        %dma_wait3A_230 = arith.constant 0 : i32
        %dma_wait3A_231 = arith.constant 0 : i32
        %dma_wait3A_232 = tpu.memref_slice %arg2[%dma_wait3A_230, %dma_wait3A_231] : memref<10000x128xf32, #tpu.memory_space<hbm>> -> memref<128x128xf32, #tpu.memory_space<hbm>>
        tpu.wait_dma2 semaphore(%arg22 : memref<!tpu.dma_semaphore, #tpu.memory_space<semaphore_mem>>) src(%dma_wait3A_232 : memref<128x128xf32, #tpu.memory_space<hbm>>) dst(%arg10 : memref<128x128xf32, #tpu.memory_space<vmem>>)
      } else {
      }
      %lt3A_196 = arith.constant 100 : i32
      %lt3A_197 = arith.cmpi slt, %add3A_180, %lt3A_196 : i32
      %convert_element_type3A_198 = arith.extui %lt3A_197 : i1 to i32
      %cond3A_199 = arith.constant 0 : i32
      %cond3A_200 = arith.cmpi ne, %convert_element_type3A_198, %cond3A_199 : i32
      scf.if %cond3A_200 {
        %add3A_227 = arith.constant 2400 : i32
        %add3A_228 = arith.addi %add3A_227, %add3A_180 : i32
        %mul3A_229 = arith.constant 128 : i32
        %mul3A_230 = arith.muli %add3A_228, %mul3A_229 : i32
        %dma_start3A_231 = arith.constant 0 : i32
        %dma_start3A_232 = tpu.memref_slice %arg8[%dma_start3A_231, %mul3A_230] : memref<1x320000xi32, #tpu.memory_space<hbm>> -> memref<1x128xi32, #tpu.memory_space<hbm>>
        %dma_start3A_233 = arith.constant 0 : i32
        %dma_start3A_234 = tpu.memref_slice %arg8[%dma_start3A_233, %mul3A_230] : memref<1x320000xi32, #tpu.memory_space<hbm>> -> memref<1x128xi32, #tpu.memory_space<hbm>>
        tpu.enqueue_dma source(%dma_start3A_234 : memref<1x128xi32, #tpu.memory_space<hbm>>) target(%arg15 : memref<1x128xi32, #tpu.memory_space<vmem>>) target_semaphore(%arg18 : memref<!tpu.dma_semaphore, #tpu.memory_space<semaphore_mem>>)
      } else {
      }
      %ge3A_201 = arith.constant 1 : i32
      %ge3A_202 = arith.cmpi sge, %add3A_173, %ge3A_201 : i32
      %lt3A_203 = arith.constant 100 : i32
      %lt3A_204 = arith.cmpi slt, %sub3A_178, %lt3A_203 : i32
      %and3A_205 = arith.andi %ge3A_202, %lt3A_204 : i1
      %convert_element_type3A_206 = arith.extui %and3A_205 : i1 to i32
      %cond3A_207 = arith.constant 0 : i32
      %cond3A_208 = arith.cmpi ne, %convert_element_type3A_206, %cond3A_207 : i32
      scf.if %cond3A_208 {
        %dma_wait3A_227 = arith.constant 0 : i32
        %dma_wait3A_228 = arith.constant 0 : i32
        %dma_wait3A_229 = tpu.memref_slice %arg6[%dma_wait3A_227, %dma_wait3A_228] : memref<12800x128xf32, #tpu.memory_space<hbm>> -> memref<128x128xf32, #tpu.memory_space<hbm>>
        %dma_wait3A_230 = arith.constant 0 : i32
        %dma_wait3A_231 = arith.constant 0 : i32
        %dma_wait3A_232 = tpu.memref_slice %arg6[%dma_wait3A_230, %dma_wait3A_231] : memref<12800x128xf32, #tpu.memory_space<hbm>> -> memref<128x128xf32, #tpu.memory_space<hbm>>
        tpu.wait_dma2 semaphore(%arg24 : memref<!tpu.dma_semaphore, #tpu.memory_space<semaphore_mem>>) src(%dma_wait3A_232 : memref<128x128xf32, #tpu.memory_space<hbm>>) dst(%arg12 : memref<128x128xf32, #tpu.memory_space<vmem>>)
        %scan3A_233 = arith.constant 0 : i32
        %scan3A_234 = arith.constant 128 : i32
        %scan3A_235 = arith.addi %scan3A_233, %scan3A_234 : i32
        %scan3A_236 = arith.constant 1 : i32
        scf.for %scan3A_238 = %scan3A_233 to %scan3A_235 step %scan3A_236  : i32 {
          %mul3A_239 = arith.constant 1 : i32
          %mul3A_240 = arith.muli %scan3A_238, %mul3A_239 : i32
          %add3A_241 = arith.constant 0 : i32
          %add3A_242 = arith.addi %add3A_241, %mul3A_240 : i32
          %scan3A_243 = arith.constant 0 : i32
          %scan3A_244 = arith.constant 8 : i32
          %scan3A_245 = arith.addi %scan3A_243, %scan3A_244 : i32
          %scan3A_246 = arith.constant 1 : i32
          scf.for %scan3A_248 = %scan3A_243 to %scan3A_245 step %scan3A_246  : i32 {
            %mul3A_249 = arith.constant 16 : i32
            %mul3A_250 = arith.muli %scan3A_248, %mul3A_249 : i32
            %add3A_251 = arith.constant 0 : i32
            %add3A_252 = arith.addi %add3A_251, %mul3A_250 : i32
            %get3A = arith.index_cast %add3A_242 : i32 to index
            %get3A_253 = arith.index_cast %add3A_252 : i32 to index
            %get3A_254 = tpu.vector_load %arg10[%get3A, %get3A_253] {strides = array<i32>} : memref<128x128xf32, #tpu.memory_space<vmem>>, vector<1x16xf32>,
            %get3A_255 = vector.shape_cast %get3A_254 : vector<1x16xf32> to vector<1x16xf32>
            %get3A_256 = arith.index_cast %add3A_242 : i32 to index
            %get3A_257 = arith.index_cast %add3A_252 : i32 to index
            %get3A_258 = tpu.vector_load %arg12[%get3A_256, %get3A_257] {strides = array<i32>} : memref<128x128xf32, #tpu.memory_space<vmem>>, vector<1x16xf32>,
            %get3A_259 = vector.shape_cast %get3A_258 : vector<1x16xf32> to vector<1x16xf32>
            %mul3A_260 = arith.mulf %get3A_255, %get3A_259 : vector<1x16xf32>
            %swap3A = arith.index_cast %add3A_242 : i32 to index
            %swap3A_261 = arith.index_cast %add3A_252 : i32 to index
            %swap3A_262 = tpu.vector_load %arg10[%swap3A, %swap3A_261] {strides = array<i32>} : memref<128x128xf32, #tpu.memory_space<vmem>>, vector<1x16xf32>,
            %swap3A_263 = vector.shape_cast %swap3A_262 : vector<1x16xf32> to vector<1x16xf32>
            %swap3A_264 = vector.shape_cast %mul3A_260 : vector<1x16xf32> to vector<1x16xf32>
            tpu.vector_store %arg10[%swap3A, %swap3A_261], %swap3A_264 {strides = array<i32>} : memref<128x128xf32, #tpu.memory_space<vmem>>, vector<1x16xf32>,
          }
          %scan3A_247 = arith.constant 8 : i32
        }
        %scan3A_237 = arith.constant 128 : i32
      } else {
      }
      %lt3A_209 = arith.constant 100 : i32
      %lt3A_210 = arith.cmpi slt, %add3A_176, %lt3A_209 : i32
      %convert_element_type3A_211 = arith.extui %lt3A_210 : i1 to i32
      %cond3A_212 = arith.constant 0 : i32
      %cond3A_213 = arith.cmpi ne, %convert_element_type3A_211, %cond3A_212 : i32
      scf.if %cond3A_213 {
        %dma_start3A_227 = arith.constant 0 : i32
        %dma_start3A_228 = tpu.memref_slice %arg6[%mul3A_182, %dma_start3A_227] : memref<12800x128xf32, #tpu.memory_space<hbm>> -> memref<128x128xf32, #tpu.memory_space<hbm>>
        %dma_start3A_229 = arith.constant 0 : i32
        %dma_start3A_230 = tpu.memref_slice %arg6[%mul3A_182, %dma_start3A_229] : memref<12800x128xf32, #tpu.memory_space<hbm>> -> memref<128x128xf32, #tpu.memory_space<hbm>>
        tpu.enqueue_dma source(%dma_start3A_230 : memref<128x128xf32, #tpu.memory_space<hbm>>) target(%arg12 : memref<128x128xf32, #tpu.memory_space<vmem>>) target_semaphore(%arg24 : memref<!tpu.dma_semaphore, #tpu.memory_space<semaphore_mem>>)
      } else {
      }
      %ge3A_214 = arith.constant 1 : i32
      %ge3A_215 = arith.cmpi sge, %add3A_173, %ge3A_214 : i32
      %lt3A_216 = arith.constant 100 : i32
      %lt3A_217 = arith.cmpi slt, %sub3A_178, %lt3A_216 : i32
      %and3A_218 = arith.andi %ge3A_215, %lt3A_217 : i1
      %convert_element_type3A_219 = arith.extui %and3A_218 : i1 to i32
      %cond3A_220 = arith.constant 0 : i32
      %cond3A_221 = arith.cmpi ne, %convert_element_type3A_219, %cond3A_220 : i32
      scf.if %cond3A_221 {
        %dma_wait3A_227 = arith.constant 0 : i32
        %dma_wait3A_228 = arith.constant 0 : i32
        %dma_wait3A_229 = tpu.memref_slice %arg7[%dma_wait3A_227, %dma_wait3A_228] : memref<1x320000xi32, #tpu.memory_space<hbm>> -> memref<1x128xi32, #tpu.memory_space<hbm>>
        %dma_wait3A_230 = arith.constant 0 : i32
        %dma_wait3A_231 = arith.constant 0 : i32
        %dma_wait3A_232 = tpu.memref_slice %arg7[%dma_wait3A_230, %dma_wait3A_231] : memref<1x320000xi32, #tpu.memory_space<hbm>> -> memref<1x128xi32, #tpu.memory_space<hbm>>
        tpu.wait_dma2 semaphore(%arg20 : memref<!tpu.dma_semaphore, #tpu.memory_space<semaphore_mem>>) src(%dma_wait3A_232 : memref<1x128xi32, #tpu.memory_space<hbm>>) dst(%arg13 : memref<1x128xi32, #tpu.memory_space<vmem>>)
        %dma_start3A_233 = arith.constant 0 : i32
        %dma_start3A_234 = arith.constant 0 : i32
        %dma_start3A_235 = tpu.memref_slice %arg13[%dma_start3A_233, %dma_start3A_234] : memref<1x128xi32, #tpu.memory_space<vmem>> -> memref<1x128xi32, #tpu.memory_space<vmem>>
        %dma_start3A_236 = tpu.memref_squeeze %dma_start3A_235 : memref<1x128xi32, #tpu.memory_space<vmem>> -> memref<128xi32, #tpu.memory_space<vmem>>
        %dma_start3A_237 = arith.constant 0 : i32
        %dma_start3A_238 = arith.constant 0 : i32
        %dma_start3A_239 = tpu.memref_slice %arg17[%dma_start3A_237, %dma_start3A_238] : memref<10000x128xf32, #tpu.memory_space<vmem_shared>> -> memref<10000x128xf32, #tpu.memory_space<vmem_shared>>
        tpu.enqueue_indirect_dma source(%arg10 : memref<128x128xf32, #tpu.memory_space<vmem>>) target(%dma_start3A_239 : memref<10000x128xf32, #tpu.memory_space<vmem_shared>>) offsets(%dma_start3A_236 : memref<128xi32, #tpu.memory_space<vmem>>) semaphore(%arg25 : memref<!tpu.dma_semaphore, #tpu.memory_space<semaphore_mem>>) {add = true}
      } else {
      }
      %lt3A_222 = arith.constant 100 : i32
      %lt3A_223 = arith.cmpi slt, %add3A_176, %lt3A_222 : i32
      %convert_element_type3A_224 = arith.extui %lt3A_223 : i1 to i32
      %cond3A_225 = arith.constant 0 : i32
      %cond3A_226 = arith.cmpi ne, %convert_element_type3A_224, %cond3A_225 : i32
      scf.if %cond3A_226 {
        %add3A_227 = arith.constant 2400 : i32
        %add3A_228 = arith.addi %add3A_227, %add3A_176 : i32
        %mul3A_229 = arith.constant 128 : i32
        %mul3A_230 = arith.muli %add3A_228, %mul3A_229 : i32
        %dma_start3A_231 = arith.constant 0 : i32
        %dma_start3A_232 = tpu.memref_slice %arg7[%dma_start3A_231, %mul3A_230] : memref<1x320000xi32, #tpu.memory_space<hbm>> -> memref<1x128xi32, #tpu.memory_space<hbm>>
        %dma_start3A_233 = arith.constant 0 : i32
        %dma_start3A_234 = tpu.memref_slice %arg7[%dma_start3A_233, %mul3A_230] : memref<1x320000xi32, #tpu.memory_space<hbm>> -> memref<1x128xi32, #tpu.memory_space<hbm>>
        tpu.enqueue_dma source(%dma_start3A_234 : memref<1x128xi32, #tpu.memory_space<hbm>>) target(%arg14 : memref<1x128xi32, #tpu.memory_space<vmem>>) target_semaphore(%arg21 : memref<!tpu.dma_semaphore, #tpu.memory_space<semaphore_mem>>)
      } else {
      }
    }
    %scan3A_95 = arith.constant 3 : i32
    %dma_wait3A_96 = arith.constant 0 : i32
    %dma_wait3A_97 = arith.constant 0 : i32
    %dma_wait3A_98 = tpu.memref_slice %arg17[%dma_wait3A_96, %dma_wait3A_97] : memref<10000x128xf32, #tpu.memory_space<vmem_shared>> -> memref<128x128xf32, #tpu.memory_space<vmem_shared>>
    %dma_wait3A_99 = arith.constant 0 : i32
    %dma_wait3A_100 = arith.constant 0 : i32
    %dma_wait3A_101 = tpu.memref_slice %arg17[%dma_wait3A_99, %dma_wait3A_100] : memref<10000x128xf32, #tpu.memory_space<vmem_shared>> -> memref<128x128xf32, #tpu.memory_space<vmem_shared>>
    tpu.wait_dma2 semaphore(%arg25 : memref<!tpu.dma_semaphore, #tpu.memory_space<semaphore_mem>>) src(%arg10 : memref<128x128xf32, #tpu.memory_space<vmem>>) dst(%dma_wait3A_101 : memref<128x128xf32, #tpu.memory_space<vmem_shared>>)
    %dma_wait3A_102 = arith.constant 0 : i32
    %dma_wait3A_103 = arith.constant 0 : i32
    %dma_wait3A_104 = tpu.memref_slice %arg17[%dma_wait3A_102, %dma_wait3A_103] : memref<10000x128xf32, #tpu.memory_space<vmem_shared>> -> memref<128x128xf32, #tpu.memory_space<vmem_shared>>
    %dma_wait3A_105 = arith.constant 0 : i32
    %dma_wait3A_106 = arith.constant 0 : i32
    %dma_wait3A_107 = tpu.memref_slice %arg17[%dma_wait3A_105, %dma_wait3A_106] : memref<10000x128xf32, #tpu.memory_space<vmem_shared>> -> memref<128x128xf32, #tpu.memory_space<vmem_shared>>
    tpu.wait_dma2 semaphore(%arg26 : memref<!tpu.dma_semaphore, #tpu.memory_space<semaphore_mem>>) src(%arg11 : memref<128x128xf32, #tpu.memory_space<vmem>>) dst(%dma_wait3A_107 : memref<128x128xf32, #tpu.memory_space<vmem_shared>>)
    %barrier3A_108 = arith.constant 0 : index
    tpu.barrier barrier_id(%barrier3A_108)
    %scan3A_109 = arith.constant 0 : i32
    %scan3A_110 = arith.constant 8 : i32
    %scan3A_111 = arith.addi %scan3A_109, %scan3A_110 : i32
    %scan3A_112 = arith.constant 1 : i32
    scf.for %scan3A_114 = %scan3A_109 to %scan3A_111 step %scan3A_112  : i32 {
      %mul3A_115 = arith.constant 1 : i32
      %mul3A_116 = arith.muli %scan3A_114, %mul3A_115 : i32
      %add3A_117 = arith.constant 0 : i32
      %add3A_118 = arith.addi %add3A_117, %mul3A_116 : i32
      %mul3A_119 = arith.constant 16 : i32
      %mul3A_120 = arith.muli %add3A_118, %mul3A_119 : i32
      %add3A_121 = arith.addi %arg1, %mul3A_120 : i32
      %lt3A = arith.constant 125 : i32
      %lt3A_122 = arith.cmpi slt, %add3A_121, %lt3A : i32
      %convert_element_type3A = arith.extui %lt3A_122 : i1 to i32
      %cond3A = arith.constant 0 : i32
      %cond3A_123 = arith.cmpi ne, %convert_element_type3A, %cond3A : i32
      scf.if %cond3A_123 {
        %mul3A_124 = arith.constant 80 : i32
        %mul3A_125 = arith.muli %add3A_121, %mul3A_124 : i32
        "tpu.region"() ({
          %run_scoped3A = tpu.sem_alloc : memref<!tpu.dma_semaphore, #tpu.memory_space<semaphore_mem>>
          %dma_start3A_126 = arith.constant 0 : i32
          %dma_start3A_127 = arith.constant 0 : i32
          %dma_start3A_128 = tpu.memref_slice %arg12[%dma_start3A_126, %dma_start3A_127] : memref<128x128xf32, #tpu.memory_space<vmem>> -> memref<80x128xf32, #tpu.memory_space<vmem>>
          %dma_start3A_129 = arith.constant 0 : i32
          %dma_start3A_130 = tpu.memref_slice %arg17[%mul3A_125, %dma_start3A_129] : memref<10000x128xf32, #tpu.memory_space<vmem_shared>> -> memref<80x128xf32, #tpu.memory_space<vmem_shared>>
          %dma_start3A_131 = arith.constant 0 : i32
          %dma_start3A_132 = arith.constant 0 : i32
          %dma_start3A_133 = tpu.memref_slice %arg12[%dma_start3A_131, %dma_start3A_132] : memref<128x128xf32, #tpu.memory_space<vmem>> -> memref<80x128xf32, #tpu.memory_space<vmem>>
          %dma_start3A_134 = arith.constant 0 : i32
          %dma_start3A_135 = tpu.memref_slice %arg17[%mul3A_125, %dma_start3A_134] : memref<10000x128xf32, #tpu.memory_space<vmem_shared>> -> memref<80x128xf32, #tpu.memory_space<vmem_shared>>
          tpu.enqueue_dma source(%dma_start3A_135 : memref<80x128xf32, #tpu.memory_space<vmem_shared>>) target(%dma_start3A_133 : memref<80x128xf32, #tpu.memory_space<vmem>>) target_semaphore(%run_scoped3A : memref<!tpu.dma_semaphore, #tpu.memory_space<semaphore_mem>>)
          %dma_wait3A_136 = arith.constant 0 : i32
          %dma_wait3A_137 = arith.constant 0 : i32
          %dma_wait3A_138 = tpu.memref_slice %arg12[%dma_wait3A_136, %dma_wait3A_137] : memref<128x128xf32, #tpu.memory_space<vmem>> -> memref<80x128xf32, #tpu.memory_space<vmem>>
          %dma_wait3A_139 = arith.constant 0 : i32
          %dma_wait3A_140 = tpu.memref_slice %arg17[%mul3A_125, %dma_wait3A_139] : memref<10000x128xf32, #tpu.memory_space<vmem_shared>> -> memref<80x128xf32, #tpu.memory_space<vmem_shared>>
          %dma_wait3A_141 = arith.constant 0 : i32
          %dma_wait3A_142 = arith.constant 0 : i32
          %dma_wait3A_143 = tpu.memref_slice %arg12[%dma_wait3A_141, %dma_wait3A_142] : memref<128x128xf32, #tpu.memory_space<vmem>> -> memref<80x128xf32, #tpu.memory_space<vmem>>
          %dma_wait3A_144 = arith.constant 0 : i32
          %dma_wait3A_145 = tpu.memref_slice %arg17[%mul3A_125, %dma_wait3A_144] : memref<10000x128xf32, #tpu.memory_space<vmem_shared>> -> memref<80x128xf32, #tpu.memory_space<vmem_shared>>
          tpu.wait_dma2 semaphore(%run_scoped3A : memref<!tpu.dma_semaphore, #tpu.memory_space<semaphore_mem>>) src(%dma_wait3A_145 : memref<80x128xf32, #tpu.memory_space<vmem_shared>>) dst(%dma_wait3A_143 : memref<80x128xf32, #tpu.memory_space<vmem>>)
          tpu.yield
        }) : () -> ()
        "tpu.region"() ({
          %run_scoped3A = tpu.sem_alloc : memref<!tpu.dma_semaphore, #tpu.memory_space<semaphore_mem>>
          %dma_start3A_126 = arith.constant 0 : i32
          %dma_start3A_127 = arith.constant 0 : i32
          %dma_start3A_128 = tpu.memref_slice %arg12[%dma_start3A_126, %dma_start3A_127] : memref<128x128xf32, #tpu.memory_space<vmem>> -> memref<80x128xf32, #tpu.memory_space<vmem>>
          %dma_start3A_129 = arith.constant 0 : i32
          %dma_start3A_130 = tpu.memref_slice %arg9[%arg0, %mul3A_125, %dma_start3A_129] : memref<2x10000x128xf32, #tpu.memory_space<hbm>> -> memref<1x80x128xf32, #tpu.memory_space<hbm>>
          %dma_start3A_131 = tpu.memref_squeeze %dma_start3A_130 : memref<1x80x128xf32, #tpu.memory_space<hbm>> -> memref<80x128xf32, #tpu.memory_space<hbm>>
          %dma_start3A_132 = arith.constant 0 : i32
          %dma_start3A_133 = tpu.memref_slice %arg9[%arg0, %mul3A_125, %dma_start3A_132] : memref<2x10000x128xf32, #tpu.memory_space<hbm>> -> memref<1x80x128xf32, #tpu.memory_space<hbm>>
          %dma_start3A_134 = tpu.memref_squeeze %dma_start3A_133 : memref<1x80x128xf32, #tpu.memory_space<hbm>> -> memref<80x128xf32, #tpu.memory_space<hbm>>
          %dma_start3A_135 = arith.constant 0 : i32
          %dma_start3A_136 = arith.constant 0 : i32
          %dma_start3A_137 = tpu.memref_slice %arg12[%dma_start3A_135, %dma_start3A_136] : memref<128x128xf32, #tpu.memory_space<vmem>> -> memref<80x128xf32, #tpu.memory_space<vmem>>
          tpu.enqueue_dma source(%dma_start3A_137 : memref<80x128xf32, #tpu.memory_space<vmem>>) target(%dma_start3A_134 : memref<80x128xf32, #tpu.memory_space<hbm>>) target_semaphore(%run_scoped3A : memref<!tpu.dma_semaphore, #tpu.memory_space<semaphore_mem>>)
          %dma_wait3A_138 = arith.constant 0 : i32
          %dma_wait3A_139 = arith.constant 0 : i32
          %dma_wait3A_140 = tpu.memref_slice %arg12[%dma_wait3A_138, %dma_wait3A_139] : memref<128x128xf32, #tpu.memory_space<vmem>> -> memref<80x128xf32, #tpu.memory_space<vmem>>
          %dma_wait3A_141 = arith.constant 0 : i32
          %dma_wait3A_142 = tpu.memref_slice %arg9[%arg0, %mul3A_125, %dma_wait3A_141] : memref<2x10000x128xf32, #tpu.memory_space<hbm>> -> memref<1x80x128xf32, #tpu.memory_space<hbm>>
          %dma_wait3A_143 = tpu.memref_squeeze %dma_wait3A_142 : memref<1x80x128xf32, #tpu.memory_space<hbm>> -> memref<80x128xf32, #tpu.memory_space<hbm>>
          %dma_wait3A_144 = arith.constant 0 : i32
          %dma_wait3A_145 = tpu.memref_slice %arg9[%arg0, %mul3A_125, %dma_wait3A_144] : memref<2x10000x128xf32, #tpu.memory_space<hbm>> -> memref<1x80x128xf32, #tpu.memory_space<hbm>>
          %dma_wait3A_146 = tpu.memref_squeeze %dma_wait3A_145 : memref<1x80x128xf32, #tpu.memory_space<hbm>> -> memref<80x128xf32, #tpu.memory_space<hbm>>
          %dma_wait3A_147 = arith.constant 0 : i32
          %dma_wait3A_148 = arith.constant 0 : i32
          %dma_wait3A_149 = tpu.memref_slice %arg12[%dma_wait3A_147, %dma_wait3A_148] : memref<128x128xf32, #tpu.memory_space<vmem>> -> memref<80x128xf32, #tpu.memory_space<vmem>>
          tpu.wait_dma2 semaphore(%run_scoped3A : memref<!tpu.dma_semaphore, #tpu.memory_space<semaphore_mem>>) src(%dma_wait3A_149 : memref<80x128xf32, #tpu.memory_space<vmem>>) dst(%dma_wait3A_146 : memref<80x128xf32, #tpu.memory_space<hbm>>)
          tpu.yield
        }) : () -> ()
      } else {
      }
    }
    %scan3A_113 = arith.constant 8 : i32
    return
  }
}

module attributes {stable_mosaic.version = 14 : i64} {
  func.func @_mlp_body(%arg0: i32, %arg1: memref<3200x128xf32, #tpu.memory_space<vmem>>, %arg2: memref<3200x128xf32, #tpu.memory_space<vmem>>, %arg3: memref<128x256xbf16, #tpu.memory_space<vmem>>, %arg4: memref<1x256xf32, #tpu.memory_space<vmem>>, %arg5: memref<256x128xbf16, #tpu.memory_space<vmem>>, %arg6: memref<1x128xf32, #tpu.memory_space<vmem>>, %arg7: memref<3200x128xf32, #tpu.memory_space<vmem>>) attributes {dimension_semantics = [#tpu.dimension_semantics<arbitrary>], iteration_bounds = array<i64: 32>, scalar_prefetch = 0 : i64, scratch_operands = 0 : i64, tpu.core_type = #tpu.core_type<tc>, window_params = [{transform_indices = @transform_0, window_bounds = array<i64: 3200, 128>}, {transform_indices = @transform_1, window_bounds = array<i64: 3200, 128>}, {pipeline_mode = #tpu.pipeline_mode<synchronous>, transform_indices = @transform_2, window_bounds = array<i64: 128, 256>}, {pipeline_mode = #tpu.pipeline_mode<synchronous>, transform_indices = @transform_3, window_bounds = array<i64: 1, 256>}, {pipeline_mode = #tpu.pipeline_mode<synchronous>, transform_indices = @transform_4, window_bounds = array<i64: 256, 128>}, {pipeline_mode = #tpu.pipeline_mode<synchronous>, transform_indices = @transform_5, window_bounds = array<i64: 1, 128>}, {transform_indices = @transform_6, window_bounds = array<i64: 3200, 128>}]} {
    %get3A = arith.constant 0 : index
    %get3A_0 = arith.constant 0 : index
    %get3A_1 = vector.load %arg1[%get3A, %get3A_0] : memref<3200x128xf32, #tpu.memory_space<vmem>>, vector<3200x128xf32>
    %get3A_2 = arith.constant 0 : index
    %get3A_3 = arith.constant 0 : index
    %get3A_4 = vector.load %arg2[%get3A_2, %get3A_3] : memref<3200x128xf32, #tpu.memory_space<vmem>>, vector<3200x128xf32>
    %add3A = arith.addf %get3A_1, %get3A_4 : vector<3200x128xf32>
    %logistic3A = arith.negf %add3A : vector<3200x128xf32>
    %logistic3A_5 = math.exp %logistic3A : vector<3200x128xf32>
    %logistic3A_6 = arith.constant 1.000000e+00 : f32
    %logistic3A_7 = vector.broadcast %logistic3A_6 : f32 to vector<3200x128xf32>
    %logistic3A_8 = arith.addf %logistic3A_7, %logistic3A_5 : vector<3200x128xf32>
    %logistic3A_9 = arith.divf %logistic3A_7, %logistic3A_8 : vector<3200x128xf32>
    %mul3A = arith.mulf %add3A, %logistic3A_9 : vector<3200x128xf32>
    %convert_element_type3A = arith.truncf %mul3A : vector<3200x128xf32> to vector<3200x128xbf16>
    %get3A_10 = arith.constant 0 : index
    %get3A_11 = arith.constant 0 : index
    %get3A_12 = vector.load %arg3[%get3A_10, %get3A_11] : memref<128x256xbf16, #tpu.memory_space<vmem>>, vector<128x256xbf16>
    %dot_general3A = arith.constant dense<0.000000e+00> : vector<3200x256xf32>
    %dot_general3A_13 = tpu.matmul %convert_element_type3A, %get3A_12, %dot_general3A {dimension_numbers = #tpu.dot_dimension_numbers<[1], [0], [0], [1], [0, 0, 1, 1], [], []>, transpose_lhs_hint = false} : vector<3200x128xbf16>, vector<128x256xbf16>, vector<3200x256xf32> -> vector<3200x256xf32>
    %get3A_14 = arith.constant 0 : index
    %get3A_15 = arith.constant 0 : index
    %get3A_16 = vector.load %arg4[%get3A_14, %get3A_15] : memref<1x256xf32, #tpu.memory_space<vmem>>, vector<1x256xf32>
    %add3A_17 = vector.broadcast %get3A_16 : vector<1x256xf32> to vector<3200x256xf32>
    %add3A_18 = arith.addf %dot_general3A_13, %add3A_17 : vector<3200x256xf32>
    %logistic3A_19 = arith.negf %add3A_18 : vector<3200x256xf32>
    %logistic3A_20 = math.exp %logistic3A_19 : vector<3200x256xf32>
    %logistic3A_21 = arith.constant 1.000000e+00 : f32
    %logistic3A_22 = vector.broadcast %logistic3A_21 : f32 to vector<3200x256xf32>
    %logistic3A_23 = arith.addf %logistic3A_22, %logistic3A_20 : vector<3200x256xf32>
    %logistic3A_24 = arith.divf %logistic3A_22, %logistic3A_23 : vector<3200x256xf32>
    %mul3A_25 = arith.mulf %add3A_18, %logistic3A_24 : vector<3200x256xf32>
    %convert_element_type3A_26 = arith.truncf %mul3A_25 : vector<3200x256xf32> to vector<3200x256xbf16>
    %get3A_27 = arith.constant 0 : index
    %get3A_28 = arith.constant 0 : index
    %get3A_29 = vector.load %arg5[%get3A_27, %get3A_28] : memref<256x128xbf16, #tpu.memory_space<vmem>>, vector<256x128xbf16>
    %dot_general3A_30 = arith.constant dense<0.000000e+00> : vector<3200x128xf32>
    %dot_general3A_31 = tpu.matmul %convert_element_type3A_26, %get3A_29, %dot_general3A_30 {dimension_numbers = #tpu.dot_dimension_numbers<[1], [0], [0], [1], [0, 0, 1, 1], [], []>, transpose_lhs_hint = false} : vector<3200x256xbf16>, vector<256x128xbf16>, vector<3200x128xf32> -> vector<3200x128xf32>
    %get3A_32 = arith.constant 0 : index
    %get3A_33 = arith.constant 0 : index
    %get3A_34 = vector.load %arg6[%get3A_32, %get3A_33] : memref<1x128xf32, #tpu.memory_space<vmem>>, vector<1x128xf32>
    %add3A_35 = vector.broadcast %get3A_34 : vector<1x128xf32> to vector<3200x128xf32>
    %add3A_36 = arith.addf %dot_general3A_31, %add3A_35 : vector<3200x128xf32>
    %swap3A = arith.constant 0 : index
    %swap3A_37 = arith.constant 0 : index
    %swap3A_38 = vector.load %arg7[%swap3A, %swap3A_37] : memref<3200x128xf32, #tpu.memory_space<vmem>>, vector<3200x128xf32>
    tpu.vector_store %arg7[%swap3A, %swap3A_37], %add3A_36 {strides = array<i32>} : memref<3200x128xf32, #tpu.memory_space<vmem>>, vector<3200x128xf32>,
    return
  }
  func.func @transform_0(%arg0: i32) -> (i32, i32) {
    %add3A = arith.constant 64 : i32
    %add3A_0 = arith.addi %add3A, %arg0 : i32
    %c0_i32 = arith.constant 0 : i32
    %c0_i32_1 = arith.constant 0 : i32
    return %add3A_0, %c0_i32 : i32, i32
  }
  func.func @transform_1(%arg0: i32) -> (i32, i32) {
    %c0_i32 = arith.constant 0 : i32
    %c0_i32_0 = arith.constant 0 : i32
    return %arg0, %c0_i32 : i32, i32
  }
  func.func @transform_2(%arg0: i32) -> (i32, i32) {
    %c0_i32 = arith.constant 0 : i32
    %c0_i32_0 = arith.constant 0 : i32
    %c0_i32_1 = arith.constant 0 : i32
    return %c0_i32, %c0_i32_0 : i32, i32
  }
  func.func @transform_3(%arg0: i32) -> (i32, i32) {
    %c0_i32 = arith.constant 0 : i32
    %c0_i32_0 = arith.constant 0 : i32
    %c0_i32_1 = arith.constant 0 : i32
    return %c0_i32, %c0_i32_0 : i32, i32
  }
  func.func @transform_4(%arg0: i32) -> (i32, i32) {
    %c0_i32 = arith.constant 0 : i32
    %c0_i32_0 = arith.constant 0 : i32
    %c0_i32_1 = arith.constant 0 : i32
    return %c0_i32, %c0_i32_0 : i32, i32
  }
  func.func @transform_5(%arg0: i32) -> (i32, i32) {
    %c0_i32 = arith.constant 0 : i32
    %c0_i32_0 = arith.constant 0 : i32
    %c0_i32_1 = arith.constant 0 : i32
    return %c0_i32, %c0_i32_0 : i32, i32
  }
  func.func @transform_6(%arg0: i32) -> (i32, i32) {
    %c0_i32 = arith.constant 0 : i32
    %c0_i32_0 = arith.constant 0 : i32
    return %arg0, %c0_i32 : i32, i32
  }
}

module attributes {stable_mosaic.version = 14 : i64} {
  func.func @_mlp_body(%arg0: i32, %arg1: memref<3200x128xf32, #tpu.memory_space<vmem>>, %arg2: memref<3200x128xf32, #tpu.memory_space<vmem>>, %arg3: memref<128x256xbf16, #tpu.memory_space<vmem>>, %arg4: memref<1x256xf32, #tpu.memory_space<vmem>>, %arg5: memref<256x128xbf16, #tpu.memory_space<vmem>>, %arg6: memref<1x128xf32, #tpu.memory_space<vmem>>, %arg7: memref<3200x128xf32, #tpu.memory_space<vmem>>) attributes {dimension_semantics = [#tpu.dimension_semantics<arbitrary>], iteration_bounds = array<i64: 32>, scalar_prefetch = 0 : i64, scratch_operands = 0 : i64, tpu.core_type = #tpu.core_type<tc>, window_params = [{transform_indices = @transform_0, window_bounds = array<i64: 3200, 128>}, {transform_indices = @transform_1, window_bounds = array<i64: 3200, 128>}, {pipeline_mode = #tpu.pipeline_mode<synchronous>, transform_indices = @transform_2, window_bounds = array<i64: 128, 256>}, {pipeline_mode = #tpu.pipeline_mode<synchronous>, transform_indices = @transform_3, window_bounds = array<i64: 1, 256>}, {pipeline_mode = #tpu.pipeline_mode<synchronous>, transform_indices = @transform_4, window_bounds = array<i64: 256, 128>}, {pipeline_mode = #tpu.pipeline_mode<synchronous>, transform_indices = @transform_5, window_bounds = array<i64: 1, 128>}, {transform_indices = @transform_6, window_bounds = array<i64: 3200, 128>}]} {
    %get3A = arith.constant 0 : index
    %get3A_0 = arith.constant 0 : index
    %get3A_1 = vector.load %arg1[%get3A, %get3A_0] : memref<3200x128xf32, #tpu.memory_space<vmem>>, vector<3200x128xf32>
    %get3A_2 = arith.constant 0 : index
    %get3A_3 = arith.constant 0 : index
    %get3A_4 = vector.load %arg2[%get3A_2, %get3A_3] : memref<3200x128xf32, #tpu.memory_space<vmem>>, vector<3200x128xf32>
    %add3A = arith.addf %get3A_1, %get3A_4 : vector<3200x128xf32>
    %logistic3A = arith.negf %add3A : vector<3200x128xf32>
    %logistic3A_5 = math.exp %logistic3A : vector<3200x128xf32>
    %logistic3A_6 = arith.constant 1.000000e+00 : f32
    %logistic3A_7 = vector.broadcast %logistic3A_6 : f32 to vector<3200x128xf32>
    %logistic3A_8 = arith.addf %logistic3A_7, %logistic3A_5 : vector<3200x128xf32>
    %logistic3A_9 = arith.divf %logistic3A_7, %logistic3A_8 : vector<3200x128xf32>
    %mul3A = arith.mulf %add3A, %logistic3A_9 : vector<3200x128xf32>
    %convert_element_type3A = arith.truncf %mul3A : vector<3200x128xf32> to vector<3200x128xbf16>
    %get3A_10 = arith.constant 0 : index
    %get3A_11 = arith.constant 0 : index
    %get3A_12 = vector.load %arg3[%get3A_10, %get3A_11] : memref<128x256xbf16, #tpu.memory_space<vmem>>, vector<128x256xbf16>
    %dot_general3A = arith.constant dense<0.000000e+00> : vector<3200x256xf32>
    %dot_general3A_13 = tpu.matmul %convert_element_type3A, %get3A_12, %dot_general3A {dimension_numbers = #tpu.dot_dimension_numbers<[1], [0], [0], [1], [0, 0, 1, 1], [], []>, transpose_lhs_hint = false} : vector<3200x128xbf16>, vector<128x256xbf16>, vector<3200x256xf32> -> vector<3200x256xf32>
    %get3A_14 = arith.constant 0 : index
    %get3A_15 = arith.constant 0 : index
    %get3A_16 = vector.load %arg4[%get3A_14, %get3A_15] : memref<1x256xf32, #tpu.memory_space<vmem>>, vector<1x256xf32>
    %add3A_17 = vector.broadcast %get3A_16 : vector<1x256xf32> to vector<3200x256xf32>
    %add3A_18 = arith.addf %dot_general3A_13, %add3A_17 : vector<3200x256xf32>
    %logistic3A_19 = arith.negf %add3A_18 : vector<3200x256xf32>
    %logistic3A_20 = math.exp %logistic3A_19 : vector<3200x256xf32>
    %logistic3A_21 = arith.constant 1.000000e+00 : f32
    %logistic3A_22 = vector.broadcast %logistic3A_21 : f32 to vector<3200x256xf32>
    %logistic3A_23 = arith.addf %logistic3A_22, %logistic3A_20 : vector<3200x256xf32>
    %logistic3A_24 = arith.divf %logistic3A_22, %logistic3A_23 : vector<3200x256xf32>
    %mul3A_25 = arith.mulf %add3A_18, %logistic3A_24 : vector<3200x256xf32>
    %convert_element_type3A_26 = arith.truncf %mul3A_25 : vector<3200x256xf32> to vector<3200x256xbf16>
    %get3A_27 = arith.constant 0 : index
    %get3A_28 = arith.constant 0 : index
    %get3A_29 = vector.load %arg5[%get3A_27, %get3A_28] : memref<256x128xbf16, #tpu.memory_space<vmem>>, vector<256x128xbf16>
    %dot_general3A_30 = arith.constant dense<0.000000e+00> : vector<3200x128xf32>
    %dot_general3A_31 = tpu.matmul %convert_element_type3A_26, %get3A_29, %dot_general3A_30 {dimension_numbers = #tpu.dot_dimension_numbers<[1], [0], [0], [1], [0, 0, 1, 1], [], []>, transpose_lhs_hint = false} : vector<3200x256xbf16>, vector<256x128xbf16>, vector<3200x128xf32> -> vector<3200x128xf32>
    %get3A_32 = arith.constant 0 : index
    %get3A_33 = arith.constant 0 : index
    %get3A_34 = vector.load %arg6[%get3A_32, %get3A_33] : memref<1x128xf32, #tpu.memory_space<vmem>>, vector<1x128xf32>
    %add3A_35 = vector.broadcast %get3A_34 : vector<1x128xf32> to vector<3200x128xf32>
    %add3A_36 = arith.addf %dot_general3A_31, %add3A_35 : vector<3200x128xf32>
    %swap3A = arith.constant 0 : index
    %swap3A_37 = arith.constant 0 : index
    %swap3A_38 = vector.load %arg7[%swap3A, %swap3A_37] : memref<3200x128xf32, #tpu.memory_space<vmem>>, vector<3200x128xf32>
    tpu.vector_store %arg7[%swap3A, %swap3A_37], %add3A_36 {strides = array<i32>} : memref<3200x128xf32, #tpu.memory_space<vmem>>, vector<3200x128xf32>,
    return
  }
  func.func @transform_0(%arg0: i32) -> (i32, i32) {
    %add3A = arith.constant 32 : i32
    %add3A_0 = arith.addi %add3A, %arg0 : i32
    %c0_i32 = arith.constant 0 : i32
    %c0_i32_1 = arith.constant 0 : i32
    return %add3A_0, %c0_i32 : i32, i32
  }
  func.func @transform_1(%arg0: i32) -> (i32, i32) {
    %c0_i32 = arith.constant 0 : i32
    %c0_i32_0 = arith.constant 0 : i32
    return %arg0, %c0_i32 : i32, i32
  }
  func.func @transform_2(%arg0: i32) -> (i32, i32) {
    %c0_i32 = arith.constant 0 : i32
    %c0_i32_0 = arith.constant 0 : i32
    %c0_i32_1 = arith.constant 0 : i32
    return %c0_i32, %c0_i32_0 : i32, i32
  }
  func.func @transform_3(%arg0: i32) -> (i32, i32) {
    %c0_i32 = arith.constant 0 : i32
    %c0_i32_0 = arith.constant 0 : i32
    %c0_i32_1 = arith.constant 0 : i32
    return %c0_i32, %c0_i32_0 : i32, i32
  }
  func.func @transform_4(%arg0: i32) -> (i32, i32) {
    %c0_i32 = arith.constant 0 : i32
    %c0_i32_0 = arith.constant 0 : i32
    %c0_i32_1 = arith.constant 0 : i32
    return %c0_i32, %c0_i32_0 : i32, i32
  }
  func.func @transform_5(%arg0: i32) -> (i32, i32) {
    %c0_i32 = arith.constant 0 : i32
    %c0_i32_0 = arith.constant 0 : i32
    %c0_i32_1 = arith.constant 0 : i32
    return %c0_i32, %c0_i32_0 : i32, i32
  }
  func.func @transform_6(%arg0: i32) -> (i32, i32) {
    %c0_i32 = arith.constant 0 : i32
    %c0_i32_0 = arith.constant 0 : i32
    return %arg0, %c0_i32 : i32, i32
  }
}

module attributes {stable_mosaic.version = 14 : i64} {
  func.func @_ln_body(%arg0: i32, %arg1: memref<400x128xf32, #tpu.memory_space<vmem>>, %arg2: memref<1x128xf32, #tpu.memory_space<vmem>>, %arg3: memref<1x128xf32, #tpu.memory_space<vmem>>, %arg4: memref<400x128xf32, #tpu.memory_space<vmem>>) attributes {dimension_semantics = [#tpu.dimension_semantics<arbitrary>], iteration_bounds = array<i64: 25>, scalar_prefetch = 0 : i64, scratch_operands = 0 : i64, tpu.core_type = #tpu.core_type<tc>, window_params = [{transform_indices = @transform_0, window_bounds = array<i64: 400, 128>}, {pipeline_mode = #tpu.pipeline_mode<synchronous>, transform_indices = @transform_1, window_bounds = array<i64: 1, 128>}, {pipeline_mode = #tpu.pipeline_mode<synchronous>, transform_indices = @transform_2, window_bounds = array<i64: 1, 128>}, {transform_indices = @transform_3, window_bounds = array<i64: 400, 128>}]} {
    %get3A = arith.constant 0 : index
    %get3A_0 = arith.constant 0 : index
    %get3A_1 = vector.load %arg1[%get3A, %get3A_0] : memref<400x128xf32, #tpu.memory_space<vmem>>, vector<400x128xf32>
    %reduce_sum3A = arith.constant dense<0.000000e+00> : vector<400xf32>
    %reduce_sum3A_2 = vector.multi_reduction <add>, %get3A_1, %reduce_sum3A [1] : vector<400x128xf32> to vector<400xf32>
    %broadcast_in_dim3A = vector.shape_cast %reduce_sum3A_2 : vector<400xf32> to vector<400x1xf32>
    %div3A = arith.constant 1.280000e+02 : f32
    %div3A_3 = vector.broadcast %div3A : f32 to vector<400x1xf32>
    %div3A_4 = arith.divf %broadcast_in_dim3A, %div3A_3 : vector<400x1xf32>
    %sub3A = vector.broadcast %div3A_4 : vector<400x1xf32> to vector<400x128xf32>
    %sub3A_5 = arith.subf %get3A_1, %sub3A : vector<400x128xf32>
    %mul3A = arith.mulf %sub3A_5, %sub3A_5 : vector<400x128xf32>
    %reduce_sum3A_6 = arith.constant dense<0.000000e+00> : vector<400xf32>
    %reduce_sum3A_7 = vector.multi_reduction <add>, %mul3A, %reduce_sum3A_6 [1] : vector<400x128xf32> to vector<400xf32>
    %broadcast_in_dim3A_8 = vector.shape_cast %reduce_sum3A_7 : vector<400xf32> to vector<400x1xf32>
    %div3A_9 = arith.constant 1.280000e+02 : f32
    %div3A_10 = vector.broadcast %div3A_9 : f32 to vector<400x1xf32>
    %div3A_11 = arith.divf %broadcast_in_dim3A_8, %div3A_10 : vector<400x1xf32>
    %add3A = arith.constant 9.99999974E-6 : f32
    %add3A_12 = vector.broadcast %add3A : f32 to vector<400x1xf32>
    %add3A_13 = arith.addf %div3A_11, %add3A_12 : vector<400x1xf32>
    %sqrt3A = math.sqrt %add3A_13 : vector<400x1xf32>
    %div3A_14 = vector.broadcast %sqrt3A : vector<400x1xf32> to vector<400x128xf32>
    %div3A_15 = arith.divf %sub3A_5, %div3A_14 : vector<400x128xf32>
    %get3A_16 = arith.constant 0 : index
    %get3A_17 = arith.constant 0 : index
    %get3A_18 = vector.load %arg2[%get3A_16, %get3A_17] : memref<1x128xf32, #tpu.memory_space<vmem>>, vector<1x128xf32>
    %mul3A_19 = vector.broadcast %get3A_18 : vector<1x128xf32> to vector<400x128xf32>
    %mul3A_20 = arith.mulf %div3A_15, %mul3A_19 : vector<400x128xf32>
    %get3A_21 = arith.constant 0 : index
    %get3A_22 = arith.constant 0 : index
    %get3A_23 = vector.load %arg3[%get3A_21, %get3A_22] : memref<1x128xf32, #tpu.memory_space<vmem>>, vector<1x128xf32>
    %add3A_24 = vector.broadcast %get3A_23 : vector<1x128xf32> to vector<400x128xf32>
    %add3A_25 = arith.addf %mul3A_20, %add3A_24 : vector<400x128xf32>
    %swap3A = arith.constant 0 : index
    %swap3A_26 = arith.constant 0 : index
    %swap3A_27 = vector.load %arg4[%swap3A, %swap3A_26] : memref<400x128xf32, #tpu.memory_space<vmem>>, vector<400x128xf32>
    tpu.vector_store %arg4[%swap3A, %swap3A_26], %add3A_25 {strides = array<i32>} : memref<400x128xf32, #tpu.memory_space<vmem>>, vector<400x128xf32>,
    return
  }
  func.func @transform_0(%arg0: i32) -> (i32, i32) {
    %c0_i32 = arith.constant 0 : i32
    %c0_i32_0 = arith.constant 0 : i32
    return %arg0, %c0_i32 : i32, i32
  }
  func.func @transform_1(%arg0: i32) -> (i32, i32) {
    %c0_i32 = arith.constant 0 : i32
    %c0_i32_0 = arith.constant 0 : i32
    %c0_i32_1 = arith.constant 0 : i32
    return %c0_i32, %c0_i32_0 : i32, i32
  }
  func.func @transform_2(%arg0: i32) -> (i32, i32) {
    %c0_i32 = arith.constant 0 : i32
    %c0_i32_0 = arith.constant 0 : i32
    %c0_i32_1 = arith.constant 0 : i32
    return %c0_i32, %c0_i32_0 : i32, i32
  }
  func.func @transform_3(%arg0: i32) -> (i32, i32) {
    %c0_i32 = arith.constant 0 : i32
    %c0_i32_0 = arith.constant 0 : i32
    return %arg0, %c0_i32 : i32, i32
  }
}

module attributes {stable_mosaic.version = 14 : i64} {
  func.func @_mlp_body(%arg0: i32, %arg1: memref<3200x128xf32, #tpu.memory_space<vmem>>, %arg2: memref<3200x128xf32, #tpu.memory_space<vmem>>, %arg3: memref<128x256xbf16, #tpu.memory_space<vmem>>, %arg4: memref<1x256xf32, #tpu.memory_space<vmem>>, %arg5: memref<256x128xbf16, #tpu.memory_space<vmem>>, %arg6: memref<1x128xf32, #tpu.memory_space<vmem>>, %arg7: memref<3200x128xf32, #tpu.memory_space<vmem>>) attributes {dimension_semantics = [#tpu.dimension_semantics<arbitrary>], iteration_bounds = array<i64: 32>, scalar_prefetch = 0 : i64, scratch_operands = 0 : i64, tpu.core_type = #tpu.core_type<tc>, window_params = [{transform_indices = @transform_0, window_bounds = array<i64: 3200, 128>}, {transform_indices = @transform_1, window_bounds = array<i64: 3200, 128>}, {pipeline_mode = #tpu.pipeline_mode<synchronous>, transform_indices = @transform_2, window_bounds = array<i64: 128, 256>}, {pipeline_mode = #tpu.pipeline_mode<synchronous>, transform_indices = @transform_3, window_bounds = array<i64: 1, 256>}, {pipeline_mode = #tpu.pipeline_mode<synchronous>, transform_indices = @transform_4, window_bounds = array<i64: 256, 128>}, {pipeline_mode = #tpu.pipeline_mode<synchronous>, transform_indices = @transform_5, window_bounds = array<i64: 1, 128>}, {transform_indices = @transform_6, window_bounds = array<i64: 3200, 128>}]} {
    %get3A = arith.constant 0 : index
    %get3A_0 = arith.constant 0 : index
    %get3A_1 = vector.load %arg1[%get3A, %get3A_0] : memref<3200x128xf32, #tpu.memory_space<vmem>>, vector<3200x128xf32>
    %get3A_2 = arith.constant 0 : index
    %get3A_3 = arith.constant 0 : index
    %get3A_4 = vector.load %arg2[%get3A_2, %get3A_3] : memref<3200x128xf32, #tpu.memory_space<vmem>>, vector<3200x128xf32>
    %add3A = arith.addf %get3A_1, %get3A_4 : vector<3200x128xf32>
    %logistic3A = arith.negf %add3A : vector<3200x128xf32>
    %logistic3A_5 = math.exp %logistic3A : vector<3200x128xf32>
    %logistic3A_6 = arith.constant 1.000000e+00 : f32
    %logistic3A_7 = vector.broadcast %logistic3A_6 : f32 to vector<3200x128xf32>
    %logistic3A_8 = arith.addf %logistic3A_7, %logistic3A_5 : vector<3200x128xf32>
    %logistic3A_9 = arith.divf %logistic3A_7, %logistic3A_8 : vector<3200x128xf32>
    %mul3A = arith.mulf %add3A, %logistic3A_9 : vector<3200x128xf32>
    %convert_element_type3A = arith.truncf %mul3A : vector<3200x128xf32> to vector<3200x128xbf16>
    %get3A_10 = arith.constant 0 : index
    %get3A_11 = arith.constant 0 : index
    %get3A_12 = vector.load %arg3[%get3A_10, %get3A_11] : memref<128x256xbf16, #tpu.memory_space<vmem>>, vector<128x256xbf16>
    %dot_general3A = arith.constant dense<0.000000e+00> : vector<3200x256xf32>
    %dot_general3A_13 = tpu.matmul %convert_element_type3A, %get3A_12, %dot_general3A {dimension_numbers = #tpu.dot_dimension_numbers<[1], [0], [0], [1], [0, 0, 1, 1], [], []>, transpose_lhs_hint = false} : vector<3200x128xbf16>, vector<128x256xbf16>, vector<3200x256xf32> -> vector<3200x256xf32>
    %get3A_14 = arith.constant 0 : index
    %get3A_15 = arith.constant 0 : index
    %get3A_16 = vector.load %arg4[%get3A_14, %get3A_15] : memref<1x256xf32, #tpu.memory_space<vmem>>, vector<1x256xf32>
    %add3A_17 = vector.broadcast %get3A_16 : vector<1x256xf32> to vector<3200x256xf32>
    %add3A_18 = arith.addf %dot_general3A_13, %add3A_17 : vector<3200x256xf32>
    %logistic3A_19 = arith.negf %add3A_18 : vector<3200x256xf32>
    %logistic3A_20 = math.exp %logistic3A_19 : vector<3200x256xf32>
    %logistic3A_21 = arith.constant 1.000000e+00 : f32
    %logistic3A_22 = vector.broadcast %logistic3A_21 : f32 to vector<3200x256xf32>
    %logistic3A_23 = arith.addf %logistic3A_22, %logistic3A_20 : vector<3200x256xf32>
    %logistic3A_24 = arith.divf %logistic3A_22, %logistic3A_23 : vector<3200x256xf32>
    %mul3A_25 = arith.mulf %add3A_18, %logistic3A_24 : vector<3200x256xf32>
    %convert_element_type3A_26 = arith.truncf %mul3A_25 : vector<3200x256xf32> to vector<3200x256xbf16>
    %get3A_27 = arith.constant 0 : index
    %get3A_28 = arith.constant 0 : index
    %get3A_29 = vector.load %arg5[%get3A_27, %get3A_28] : memref<256x128xbf16, #tpu.memory_space<vmem>>, vector<256x128xbf16>
    %dot_general3A_30 = arith.constant dense<0.000000e+00> : vector<3200x128xf32>
    %dot_general3A_31 = tpu.matmul %convert_element_type3A_26, %get3A_29, %dot_general3A_30 {dimension_numbers = #tpu.dot_dimension_numbers<[1], [0], [0], [1], [0, 0, 1, 1], [], []>, transpose_lhs_hint = false} : vector<3200x256xbf16>, vector<256x128xbf16>, vector<3200x128xf32> -> vector<3200x128xf32>
    %get3A_32 = arith.constant 0 : index
    %get3A_33 = arith.constant 0 : index
    %get3A_34 = vector.load %arg6[%get3A_32, %get3A_33] : memref<1x128xf32, #tpu.memory_space<vmem>>, vector<1x128xf32>
    %add3A_35 = vector.broadcast %get3A_34 : vector<1x128xf32> to vector<3200x128xf32>
    %add3A_36 = arith.addf %dot_general3A_31, %add3A_35 : vector<3200x128xf32>
    %swap3A = arith.constant 0 : index
    %swap3A_37 = arith.constant 0 : index
    %swap3A_38 = vector.load %arg7[%swap3A, %swap3A_37] : memref<3200x128xf32, #tpu.memory_space<vmem>>, vector<3200x128xf32>
    tpu.vector_store %arg7[%swap3A, %swap3A_37], %add3A_36 {strides = array<i32>} : memref<3200x128xf32, #tpu.memory_space<vmem>>, vector<3200x128xf32>,
    return
  }
  func.func @transform_0(%arg0: i32) -> (i32, i32) {
    %add3A = arith.constant 0 : i32
    %add3A_0 = arith.addi %add3A, %arg0 : i32
    %c0_i32 = arith.constant 0 : i32
    %c0_i32_1 = arith.constant 0 : i32
    return %add3A_0, %c0_i32 : i32, i32
  }
  func.func @transform_1(%arg0: i32) -> (i32, i32) {
    %c0_i32 = arith.constant 0 : i32
    %c0_i32_0 = arith.constant 0 : i32
    return %arg0, %c0_i32 : i32, i32
  }
  func.func @transform_2(%arg0: i32) -> (i32, i32) {
    %c0_i32 = arith.constant 0 : i32
    %c0_i32_0 = arith.constant 0 : i32
    %c0_i32_1 = arith.constant 0 : i32
    return %c0_i32, %c0_i32_0 : i32, i32
  }
  func.func @transform_3(%arg0: i32) -> (i32, i32) {
    %c0_i32 = arith.constant 0 : i32
    %c0_i32_0 = arith.constant 0 : i32
    %c0_i32_1 = arith.constant 0 : i32
    return %c0_i32, %c0_i32_0 : i32, i32
  }
  func.func @transform_4(%arg0: i32) -> (i32, i32) {
    %c0_i32 = arith.constant 0 : i32
    %c0_i32_0 = arith.constant 0 : i32
    %c0_i32_1 = arith.constant 0 : i32
    return %c0_i32, %c0_i32_0 : i32, i32
  }
  func.func @transform_5(%arg0: i32) -> (i32, i32) {
    %c0_i32 = arith.constant 0 : i32
    %c0_i32_0 = arith.constant 0 : i32
    %c0_i32_1 = arith.constant 0 : i32
    return %c0_i32, %c0_i32_0 : i32, i32
  }
  func.func @transform_6(%arg0: i32) -> (i32, i32) {
    %c0_i32 = arith.constant 0 : i32
    %c0_i32_0 = arith.constant 0 : i32
    return %arg0, %c0_i32 : i32, i32
  }
}

module attributes {stable_mosaic.version = 14 : i64} {
  func.func @_mlp_body(%arg0: i32, %arg1: memref<3200x128xf32, #tpu.memory_space<vmem>>, %arg2: memref<3200x128xf32, #tpu.memory_space<vmem>>, %arg3: memref<128x256xbf16, #tpu.memory_space<vmem>>, %arg4: memref<1x256xf32, #tpu.memory_space<vmem>>, %arg5: memref<256x128xbf16, #tpu.memory_space<vmem>>, %arg6: memref<1x128xf32, #tpu.memory_space<vmem>>, %arg7: memref<3200x128xf32, #tpu.memory_space<vmem>>) attributes {dimension_semantics = [#tpu.dimension_semantics<arbitrary>], iteration_bounds = array<i64: 4>, scalar_prefetch = 0 : i64, scratch_operands = 0 : i64, tpu.core_type = #tpu.core_type<tc>, window_params = [{transform_indices = @transform_0, window_bounds = array<i64: 3200, 128>}, {transform_indices = @transform_1, window_bounds = array<i64: 3200, 128>}, {pipeline_mode = #tpu.pipeline_mode<synchronous>, transform_indices = @transform_2, window_bounds = array<i64: 128, 256>}, {pipeline_mode = #tpu.pipeline_mode<synchronous>, transform_indices = @transform_3, window_bounds = array<i64: 1, 256>}, {pipeline_mode = #tpu.pipeline_mode<synchronous>, transform_indices = @transform_4, window_bounds = array<i64: 256, 128>}, {pipeline_mode = #tpu.pipeline_mode<synchronous>, transform_indices = @transform_5, window_bounds = array<i64: 1, 128>}, {transform_indices = @transform_6, window_bounds = array<i64: 3200, 128>}]} {
    %get3A = arith.constant 0 : index
    %get3A_0 = arith.constant 0 : index
    %get3A_1 = vector.load %arg1[%get3A, %get3A_0] : memref<3200x128xf32, #tpu.memory_space<vmem>>, vector<3200x128xf32>
    %get3A_2 = arith.constant 0 : index
    %get3A_3 = arith.constant 0 : index
    %get3A_4 = vector.load %arg2[%get3A_2, %get3A_3] : memref<3200x128xf32, #tpu.memory_space<vmem>>, vector<3200x128xf32>
    %add3A = arith.addf %get3A_1, %get3A_4 : vector<3200x128xf32>
    %logistic3A = arith.negf %add3A : vector<3200x128xf32>
    %logistic3A_5 = math.exp %logistic3A : vector<3200x128xf32>
    %logistic3A_6 = arith.constant 1.000000e+00 : f32
    %logistic3A_7 = vector.broadcast %logistic3A_6 : f32 to vector<3200x128xf32>
    %logistic3A_8 = arith.addf %logistic3A_7, %logistic3A_5 : vector<3200x128xf32>
    %logistic3A_9 = arith.divf %logistic3A_7, %logistic3A_8 : vector<3200x128xf32>
    %mul3A = arith.mulf %add3A, %logistic3A_9 : vector<3200x128xf32>
    %convert_element_type3A = arith.truncf %mul3A : vector<3200x128xf32> to vector<3200x128xbf16>
    %get3A_10 = arith.constant 0 : index
    %get3A_11 = arith.constant 0 : index
    %get3A_12 = vector.load %arg3[%get3A_10, %get3A_11] : memref<128x256xbf16, #tpu.memory_space<vmem>>, vector<128x256xbf16>
    %dot_general3A = arith.constant dense<0.000000e+00> : vector<3200x256xf32>
    %dot_general3A_13 = tpu.matmul %convert_element_type3A, %get3A_12, %dot_general3A {dimension_numbers = #tpu.dot_dimension_numbers<[1], [0], [0], [1], [0, 0, 1, 1], [], []>, transpose_lhs_hint = false} : vector<3200x128xbf16>, vector<128x256xbf16>, vector<3200x256xf32> -> vector<3200x256xf32>
    %get3A_14 = arith.constant 0 : index
    %get3A_15 = arith.constant 0 : index
    %get3A_16 = vector.load %arg4[%get3A_14, %get3A_15] : memref<1x256xf32, #tpu.memory_space<vmem>>, vector<1x256xf32>
    %add3A_17 = vector.broadcast %get3A_16 : vector<1x256xf32> to vector<3200x256xf32>
    %add3A_18 = arith.addf %dot_general3A_13, %add3A_17 : vector<3200x256xf32>
    %logistic3A_19 = arith.negf %add3A_18 : vector<3200x256xf32>
    %logistic3A_20 = math.exp %logistic3A_19 : vector<3200x256xf32>
    %logistic3A_21 = arith.constant 1.000000e+00 : f32
    %logistic3A_22 = vector.broadcast %logistic3A_21 : f32 to vector<3200x256xf32>
    %logistic3A_23 = arith.addf %logistic3A_22, %logistic3A_20 : vector<3200x256xf32>
    %logistic3A_24 = arith.divf %logistic3A_22, %logistic3A_23 : vector<3200x256xf32>
    %mul3A_25 = arith.mulf %add3A_18, %logistic3A_24 : vector<3200x256xf32>
    %convert_element_type3A_26 = arith.truncf %mul3A_25 : vector<3200x256xf32> to vector<3200x256xbf16>
    %get3A_27 = arith.constant 0 : index
    %get3A_28 = arith.constant 0 : index
    %get3A_29 = vector.load %arg5[%get3A_27, %get3A_28] : memref<256x128xbf16, #tpu.memory_space<vmem>>, vector<256x128xbf16>
    %dot_general3A_30 = arith.constant dense<0.000000e+00> : vector<3200x128xf32>
    %dot_general3A_31 = tpu.matmul %convert_element_type3A_26, %get3A_29, %dot_general3A_30 {dimension_numbers = #tpu.dot_dimension_numbers<[1], [0], [0], [1], [0, 0, 1, 1], [], []>, transpose_lhs_hint = false} : vector<3200x256xbf16>, vector<256x128xbf16>, vector<3200x128xf32> -> vector<3200x128xf32>
    %get3A_32 = arith.constant 0 : index
    %get3A_33 = arith.constant 0 : index
    %get3A_34 = vector.load %arg6[%get3A_32, %get3A_33] : memref<1x128xf32, #tpu.memory_space<vmem>>, vector<1x128xf32>
    %add3A_35 = vector.broadcast %get3A_34 : vector<1x128xf32> to vector<3200x128xf32>
    %add3A_36 = arith.addf %dot_general3A_31, %add3A_35 : vector<3200x128xf32>
    %swap3A = arith.constant 0 : index
    %swap3A_37 = arith.constant 0 : index
    %swap3A_38 = vector.load %arg7[%swap3A, %swap3A_37] : memref<3200x128xf32, #tpu.memory_space<vmem>>, vector<3200x128xf32>
    tpu.vector_store %arg7[%swap3A, %swap3A_37], %add3A_36 {strides = array<i32>} : memref<3200x128xf32, #tpu.memory_space<vmem>>, vector<3200x128xf32>,
    return
  }
  func.func @transform_0(%arg0: i32) -> (i32, i32) {
    %add3A = arith.constant 96 : i32
    %add3A_0 = arith.addi %add3A, %arg0 : i32
    %c0_i32 = arith.constant 0 : i32
    %c0_i32_1 = arith.constant 0 : i32
    return %add3A_0, %c0_i32 : i32, i32
  }
  func.func @transform_1(%arg0: i32) -> (i32, i32) {
    %c0_i32 = arith.constant 0 : i32
    %c0_i32_0 = arith.constant 0 : i32
    return %arg0, %c0_i32 : i32, i32
  }
  func.func @transform_2(%arg0: i32) -> (i32, i32) {
    %c0_i32 = arith.constant 0 : i32
    %c0_i32_0 = arith.constant 0 : i32
    %c0_i32_1 = arith.constant 0 : i32
    return %c0_i32, %c0_i32_0 : i32, i32
  }
  func.func @transform_3(%arg0: i32) -> (i32, i32) {
    %c0_i32 = arith.constant 0 : i32
    %c0_i32_0 = arith.constant 0 : i32
    %c0_i32_1 = arith.constant 0 : i32
    return %c0_i32, %c0_i32_0 : i32, i32
  }
  func.func @transform_4(%arg0: i32) -> (i32, i32) {
    %c0_i32 = arith.constant 0 : i32
    %c0_i32_0 = arith.constant 0 : i32
    %c0_i32_1 = arith.constant 0 : i32
    return %c0_i32, %c0_i32_0 : i32, i32
  }
  func.func @transform_5(%arg0: i32) -> (i32, i32) {
    %c0_i32 = arith.constant 0 : i32
    %c0_i32_0 = arith.constant 0 : i32
    %c0_i32_1 = arith.constant 0 : i32
    return %c0_i32, %c0_i32_0 : i32, i32
  }
  func.func @transform_6(%arg0: i32) -> (i32, i32) {
    %c0_i32 = arith.constant 0 : i32
    %c0_i32_0 = arith.constant 0 : i32
    return %arg0, %c0_i32 : i32, i32
  }
}

module attributes {stable_mosaic.version = 14 : i64} {
  func.func @_out_body(%arg0: i32, %arg1: memref<400x128xf32, #tpu.memory_space<vmem>>, %arg2: memref<2x400x128xf32, #tpu.memory_space<vmem>>, %arg3: memref<128x128xf32, #tpu.memory_space<vmem>>, %arg4: memref<1x128xf32, #tpu.memory_space<vmem>>, %arg5: memref<400x128xf32, #tpu.memory_space<vmem>>) attributes {dimension_semantics = [#tpu.dimension_semantics<arbitrary>], iteration_bounds = array<i64: 25>, scalar_prefetch = 0 : i64, scratch_operands = 0 : i64, tpu.core_type = #tpu.core_type<tc>, window_params = [{transform_indices = @transform_0, window_bounds = array<i64: 400, 128>}, {transform_indices = @transform_1, window_bounds = array<i64: 2, 400, 128>}, {pipeline_mode = #tpu.pipeline_mode<synchronous>, transform_indices = @transform_2, window_bounds = array<i64: 128, 128>}, {pipeline_mode = #tpu.pipeline_mode<synchronous>, transform_indices = @transform_3, window_bounds = array<i64: 1, 128>}, {transform_indices = @transform_4, window_bounds = array<i64: 400, 128>}]} {
    %get3A = arith.constant 0 : index
    %get3A_0 = arith.constant 0 : index
    %get3A_1 = vector.load %arg1[%get3A, %get3A_0] : memref<400x128xf32, #tpu.memory_space<vmem>>, vector<400x128xf32>
    %get3A_2 = arith.constant 0 : index
    %get3A_3 = arith.constant 0 : index
    %get3A_4 = arith.constant 0 : index
    %get3A_5 = vector.load %arg2[%get3A_2, %get3A_3, %get3A_4] : memref<2x400x128xf32, #tpu.memory_space<vmem>>, vector<1x400x128xf32>
    %get3A_6 = vector.shape_cast %get3A_5 : vector<1x400x128xf32> to vector<400x128xf32>
    %add3A = arith.addf %get3A_1, %get3A_6 : vector<400x128xf32>
    %get3A_7 = arith.constant 1 : index
    %get3A_8 = arith.constant 0 : index
    %get3A_9 = arith.constant 0 : index
    %get3A_10 = vector.load %arg2[%get3A_7, %get3A_8, %get3A_9] : memref<2x400x128xf32, #tpu.memory_space<vmem>>, vector<1x400x128xf32>
    %get3A_11 = vector.shape_cast %get3A_10 : vector<1x400x128xf32> to vector<400x128xf32>
    %add3A_12 = arith.addf %add3A, %get3A_11 : vector<400x128xf32>
    %logistic3A = arith.negf %add3A_12 : vector<400x128xf32>
    %logistic3A_13 = math.exp %logistic3A : vector<400x128xf32>
    %logistic3A_14 = arith.constant 1.000000e+00 : f32
    %logistic3A_15 = vector.broadcast %logistic3A_14 : f32 to vector<400x128xf32>
    %logistic3A_16 = arith.addf %logistic3A_15, %logistic3A_13 : vector<400x128xf32>
    %logistic3A_17 = arith.divf %logistic3A_15, %logistic3A_16 : vector<400x128xf32>
    %mul3A = arith.mulf %add3A_12, %logistic3A_17 : vector<400x128xf32>
    %get3A_18 = arith.constant 0 : index
    %get3A_19 = arith.constant 0 : index
    %get3A_20 = vector.load %arg3[%get3A_18, %get3A_19] : memref<128x128xf32, #tpu.memory_space<vmem>>, vector<128x128xf32>
    %dot_general3A = arith.constant dense<0.000000e+00> : vector<400x128xf32>
    %dot_general3A_21 = tpu.matmul %mul3A, %get3A_20, %dot_general3A {dimension_numbers = #tpu.dot_dimension_numbers<[1], [0], [0], [1], [0, 0, 1, 1], [], []>, transpose_lhs_hint = false} : vector<400x128xf32>, vector<128x128xf32>, vector<400x128xf32> -> vector<400x128xf32>
    %get3A_22 = arith.constant 0 : index
    %get3A_23 = arith.constant 0 : index
    %get3A_24 = vector.load %arg4[%get3A_22, %get3A_23] : memref<1x128xf32, #tpu.memory_space<vmem>>, vector<1x128xf32>
    %add3A_25 = vector.broadcast %get3A_24 : vector<1x128xf32> to vector<400x128xf32>
    %add3A_26 = arith.addf %dot_general3A_21, %add3A_25 : vector<400x128xf32>
    %swap3A = arith.constant 0 : index
    %swap3A_27 = arith.constant 0 : index
    %swap3A_28 = vector.load %arg5[%swap3A, %swap3A_27] : memref<400x128xf32, #tpu.memory_space<vmem>>, vector<400x128xf32>
    tpu.vector_store %arg5[%swap3A, %swap3A_27], %add3A_26 {strides = array<i32>} : memref<400x128xf32, #tpu.memory_space<vmem>>, vector<400x128xf32>,
    return
  }
  func.func @transform_0(%arg0: i32) -> (i32, i32) {
    %c0_i32 = arith.constant 0 : i32
    %c0_i32_0 = arith.constant 0 : i32
    return %arg0, %c0_i32 : i32, i32
  }
  func.func @transform_1(%arg0: i32) -> (i32, i32, i32) {
    %c0_i32 = arith.constant 0 : i32
    %c0_i32_0 = arith.constant 0 : i32
    %c0_i32_1 = arith.constant 0 : i32
    return %c0_i32, %arg0, %c0_i32_0 : i32, i32, i32
  }
  func.func @transform_2(%arg0: i32) -> (i32, i32) {
    %c0_i32 = arith.constant 0 : i32
    %c0_i32_0 = arith.constant 0 : i32
    %c0_i32_1 = arith.constant 0 : i32
    return %c0_i32, %c0_i32_0 : i32, i32
  }
  func.func @transform_3(%arg0: i32) -> (i32, i32) {
    %c0_i32 = arith.constant 0 : i32
    %c0_i32_0 = arith.constant 0 : i32
    %c0_i32_1 = arith.constant 0 : i32
    return %c0_i32, %c0_i32_0 : i32, i32
  }
  func.func @transform_4(%arg0: i32) -> (i32, i32) {
    %c0_i32 = arith.constant 0 : i32
    %c0_i32_0 = arith.constant 0 : i32
    return %arg0, %c0_i32 : i32, i32
  }
}

</mosaic_0001>

<sc_bundles>
// kernel: kernel.13.cloned.1.call-start
scs
__scs_entry_jumppad:
0x0: {  	(pc) =	sbr.rel $0x88, $3  }
0x1: {  	(tag) =	ssettag $0x0;
	lr =	simm.s32 $0x1  }
0x2: {  	[smem:$0x3F96] =	sst lr;
	_ =	strace $0xD0000000  }
0x3: {  	_ = 	snop  }
0x4: {  	_ = 	snop  }
0x5: {  	_ = 	snop  }
0x6: {  	_ = 	snop  }
0x7: {  	_ = 	snop  }
__scs_overlays_trampoline_lowered:
0x8: {  	[smem:$0x3FA5] =	sst s0  }
0x9: {  	[smem:$0x3FA6] =	sst s1  }
0xa: {  	[smem:$0x3FA7] =	sst s2  }
0xb: {  	[smem:$0x3FA8] =	sst s3  }
0xc: {  	[smem:$0x3FA9] =	sst s4  }
0xd: {  	[smem:$0x3FAA] =	sst s5  }
0xe: {  	[smem:$0x3FAB] =	sst s6  }
0xf: {  	[smem:$0x3FAC] =	sst s7  }
0x10: {  	[smem:$0x3FAD] =	sst s8  }
0x11: {  	[smem:$0x3FAE] =	sst s9;
	s0 =	simm.s32 @!p0 $0x0  }
0x12: {  	s1 =	sld [smem:$0x3F94];
	s0 =	simm.s32 @p0 $0x1  }
0x13: {  	[smem:$0x3FAF] =	sst s0;
	s0 =	simm.s32 @!p1 $0x0  }
0x14: {  	s2 =	sld [smem:$0x3F93];
	s0 =	simm.s32 @p1 $0x1  }
0x15: {  	[smem:$0x3FB0] =	sst s0;
	s0 =	simm.s32 @!p2 $0x0  }
0x16: {  	s3 =	sld [smem:$0x3FDB];
	s0 =	simm.s32 @p2 $0x1  }
0x17: {  	s4 =	simm.s32 $0x1BF5;
	[smem:$0x3FB2] =	sst s0  }
0x18: {  	s0 =	sld [smem:$0x3F95];
	_ =	swait.ge [sflag:s4], $0x0  }
0x19: {  	s7 =	sld [smem:$0x3F96]  }
0x1a: {  	s8 =	sadd.s32 $0xFFFFE003, lr  }
0x1b: {  	s9 =	sadd.s32 $0xFFFFFEF7, lr;
	s5 =	simm.s32 $0xFFFFFFFF;
	p2 =	slt.u32 s8, $0xFFFFF086  }
0x1c: {  	p1 =	slt.u32 s9, $0xF7A;
	s5 =	simm.s32 @!p2 $0x0  }
0x1d: {  	s5 =	simm.s32 @p1 $0x1;
	p0 =	seq.s32 s7, s2  }
0x1e: {  	s7 =	smul.u32 @!p0 $0xF7A, s2;
	p2 =	seq.s32 @!p0 s5, $0x0  }
0x1f: {  	s9 =	smul.u32 $0xF7A, s1;
	s8 =	simm.s32 @!p0 $0x1BF5;
	p2 =	por !p2, p0  }
0x20: {  	[sflag:s8] =	ssyncset.s32 @!p0 $0xFFFFF086;
	s6 =	sadd.s32 @!p0 s3, s7;
	s7 =	simm.s32 @!p0 $0x108  }
0x21: {  	s3 =	sadd.s32 s3, s9;
	s6 =	sadd.s32 @!p0 $0x88, s6;
	s7 =	simm.s32 @p2 $0x1082  }
0x22: {  	[simem:s7], [sflag:s8] =	dma.local @!p0 [hbm:s6], $0xF7A  }
0x23: {  	s9 =	sor.u32 $0xD0000000, s2;
	s6 =	simm.s32 $0x108;
	_ =	swait.ge @!p0 [sflag:s8], $0x0  }
0x24: {  	s3 =	sadd.s32 $0x88, s3;
	s6 =	simm.s32 @!p1 $0x1082;
	[sflag:s4] =	ssyncset.s32 $0xFFFFF086  }
0x25: {  	[simem:s6], [sflag:s4] =	dma.local [hbm:s3], $0xF7A  }
0x26: {  	[smem:$0x3F96] =	sst s1;
	(tag) =	ssettag s2;
	_ =	strace s9  }
0x27: {  	s1 =	sld [smem:$0x3FA6]  }
0x28: {  	s2 =	sld [smem:$0x3FA7]  }
0x29: {  	s4 =	sld [smem:$0x3FA9]  }
0x2a: {  	p0 =	seq.s32 s5, $0x0;
	s5 =	sld [smem:$0x3FAA]  }
0x2b: {  	s6 =	sld [smem:$0x3FAB]  }
0x2c: {  	s7 =	sld [smem:$0x3FAC]  }
0x2d: {  	s3 =	simm.s32 $0x108;
	s8 =	sld [smem:$0x3FAD]  }
0x2e: {  	s3 =	simm.s32 @!p0 $0x1082;
	s9 =	sld [smem:$0x3FAE]  }
0x2f: {  	lr =	sadd.s32 s0, s3;
	s0 =	sld [smem:$0x3FA5]  }
0x30: {  	s3 =	sld [smem:$0x3FA8]  }
0x31: {  	[smem:$0x3FB1] =	sst s10  }
0x32: {  	s10 =	sld [smem:$0x3FAF];
	_ =	sdelay $0x3  }
0x33: {  	p0 =	seq.s32 s10, $0x1;
	s10 =	sld [smem:$0x3FB1];
	_ =	sdelay $0x3  }
0x34: {  	[smem:$0x3FB1] =	sst s10  }
0x35: {  	s10 =	sld [smem:$0x3FB0];
	_ =	sdelay $0x3  }
0x36: {  	p1 =	seq.s32 s10, $0x1;
	s10 =	sld [smem:$0x3FB1];
	_ =	sdelay $0x3  }
0x37: {  	[smem:$0x3FB1] =	sst s10  }
0x38: {  	s10 =	sld [smem:$0x3FB2]  }
0x39: {  	_ = 	snop;
	(pc) =	sbr.ind lr, $3  }
0x3a: {  	_ = 	snop  }
0x3b: {  	_ = 	snop  }
0x3c: {  	p2 =	seq.s32 s10, $0x1;
	s10 =	sld [smem:$0x3FB1]  }
0x3d: {  	_ =	shalt  }
0x3e: {  	_ =	shalt  }
0x3f: {  	_ =	shalt  }
0x40: {  	_ =	shalt  }
0x41: {  	_ =	shalt  }
0x42: {  	_ =	shalt  }
0x43: {  	_ =	shalt  }
0x44: {  	_ =	shalt  }
0x45: {  	_ =	shalt  }
0x46: {  	_ =	shalt  }
0x47: {  	_ =	shalt  }
0x48: {  	_ =	shalt  }
0x49: {  	_ =	shalt  }
0x4a: {  	_ =	shalt  }
0x4b: {  	_ =	shalt  }
0x4c: {  	_ =	shalt  }
0x4d: {  	_ =	shalt  }
0x4e: {  	_ =	shalt  }
0x4f: {  	_ =	shalt  }
0x50: {  	_ =	shalt  }
0x51: {  	_ =	shalt  }
0x52: {  	_ =	shalt  }
0x53: {  	_ =	shalt  }
0x54: {  	_ =	shalt  }
0x55: {  	_ =	shalt  }
0x56: {  	_ =	shalt  }
0x57: {  	_ =	shalt  }
0x58: {  	_ =	shalt  }
0x59: {  	_ =	shalt  }
0x5a: {  	_ =	shalt  }
0x5b: {  	_ =	shalt  }
0x5c: {  	_ =	shalt  }
0x5d: {  	_ =	shalt  }
0x5e: {  	_ =	shalt  }
0x5f: {  	_ =	shalt  }
0x60: {  	_ =	shalt  }
0x61: {  	_ =	shalt  }
0x62: {  	_ =	shalt  }
0x63: {  	_ =	shalt  }
0x64: {  	_ =	shalt  }
0x65: {  	_ =	shalt  }
0x66: {  	_ =	shalt  }
0x67: {  	_ =	shalt  }
0x68: {  	_ =	shalt  }
0x69: {  	_ =	shalt  }
0x6a: {  	_ =	shalt  }
0x6b: {  	_ =	shalt  }
0x6c: {  	_ =	shalt  }
0x6d: {  	_ =	shalt  }
0x6e: {  	_ =	shalt  }
0x6f: {  	_ =	shalt  }
0x70: {  	_ =	shalt  }
0x71: {  	_ =	shalt  }
0x72: {  	_ =	shalt  }
0x73: {  	_ =	shalt  }
0x74: {  	_ =	shalt  }
0x75: {  	_ =	shalt  }
0x76: {  	_ =	shalt  }
0x77: {  	_ =	shalt  }
0x78: {  	_ =	shalt  }
0x79: {  	_ =	shalt  }
0x7a: {  	_ =	shalt  }
0x7b: {  	_ =	shalt  }
0x7c: {  	_ =	shalt  }
0x7d: {  	_ =	shalt  }
0x7e: {  	_ =	shalt  }
0x7f: {  	_ =	shalt  }
0x80: {  	_ =	shalt  }
0x81: {  	_ =	shalt  }
0x82: {  	_ =	shalt  }
0x83: {  	_ =	shalt  }
0x84: {  	_ =	shalt  }
0x85: {  	_ =	shalt  }
0x86: {  	_ =	shalt  }
0x87: {  	_ =	shalt  }
.Lfunc_end0:
.L_simem_size_0:
called_computation_lowered:
.L_overlay_start_0:
0x88: {  	s2 =	sld [smem:$0x3FD9]  }
0x89: {  	s3 =	sld [smem:$0x3FFE];
	_ =	sdelay $0x1  }
0x8a: {  	s1 =	srdreg.scid  }
0x8b: {  	s0 =	sand.u32 $0x1, s1  }
0x8c: {  	s17 =	sshll.u32 s0, $0xA;
	s2 =	sadd.s32 s3, s2  }
0x8d: {  	s2 =	sadd.s32 s2, s17  }
0x8e: {  	[smem:$0x3FBD] =	sst s2  }
0x8f: {  	_ = 	snop  }
0x90: {  	s18 =	sld [smem:$0x3FD0];
	(tm) =	ssettm $0x1  }
0x91: {  	s19 =	sld [smem:$0x3FFB];
	_ =	sdelay $0x3  }
0x92: {  	_ =	strace s19  }
0x93: {  	s2 =	sld [smem:$0x3FFC];
	_ =	sdelay $0x3  }
0x94: {  	_ =	strace s2  }
0x95: {  	s2 =	sld [smem:$0x3FFD];
	_ =	sdelay $0x3  }
0x96: {  	_ =	strace s2  }
0x97: {  	_ =	strace $0x8FFFFFFF  }
0x98: {  	s20 =	sld [smem:$0x3FDB];
	_ =	sdelay $0x1  }
0x99: {  	s4 =	simm.s32 $_scs_section_size  }
0x9a: {  	s5 =	simm.s32 $_size__tile_overlayer_lowered;
	s6 =	simm.s32 $_tile_overlayer_lowered  }
0x9b: {  	s7 =	simm.s32 $0x1BFF;
	s21 =	sshll.u32 s6, $0x1;
	s4 =	sadd.s32 s4, s20  }
0x9c: {  	s22 =	simm.s32 $0x0;
	s5 =	sshll.u32 s5, $0x1;
	s6 =	sadd.s32 s21, s4  }
0x9d: {  	[timem:s22], [sflag:s7] =	dma.local [hbm:s6], s5  }
0x9e: {  	_ =	swait.ge [sflag:s7], s5  }
0x9f: {  	s5 =	ssub.s32 $0x0, s5;
	[sflag:s7] =	ssyncset.done $0x0  }
0xa0: {  	[sflag:s7] =	ssyncadd.s32 s5;
	_ =	sdelay $0x1  }
0xa1: {  	s23 =	simm.s32 $0x1B8B  }
0xa2: {  	_ =	swait.ge [sflag:s23], $0x1  }
0xa3: {  	[sflag:s23] =	ssyncset.done $0x0  }
0xa4: {  	[sflag:s23] =	ssyncadd.s32 $0xFFFFFFFF  }
0xa5: {  	s5 =	sld [smem:$0x0]  }
0xa6: {  	s6 =	sand.u32 $0xFFFFFFFE, s1  }
0xa7: {  	p0 =	sne.s32 s1, s6  }
0xa8: {  	s6 =	sshll.u32 @p0 s6, $0xE  }
0xa9: {  	s6 =	sadd.s32 @p0 $0x11B8D, s6;
	s7 =	sshll.u32 @p0 s5, $0x11  }
0xaa: {  	s6 =	sor.u32 @p0 s7, s6  }
0xab: {  	[sflag:s6] =	ssyncadd.remote.s32 @p0 $0x1;
	_ =	sdelay $0x1  }
0xac: {  	s6 =	simm.s32 @p0 $0x1B8D  }
0xad: {  	_ =	swait.eq @p0 [sflag:s6], $0x1  }
0xae: {  	[sflag:s6] =	ssyncadd.s32 @p0 $0xFFFFFFFF  }
0xaf: {  	s7 =	sshll.u32 @!p0 s1, $0xE  }
0xb0: {  	s7 =	sor.u32 @!p0 $0x4000, s7;
	s6 =	simm.s32 @!p0 $0x1B8D  }
0xb1: {  	s5 =	sshll.u32 @!p0 s5, $0x11;
	s7 =	sadd.s32 @!p0 $0x11B8D, s7;
	_ =	swait.eq @!p0 [sflag:s6], $0x1  }
0xb2: {  	s5 =	sor.u32 @!p0 s5, s7;
	[sflag:s6] =	ssyncadd.s32 @!p0 $0xFFFFFFFF  }
0xb3: {  	s25 =	simm.s32 $0x1B8E;
	s24 =	sld [smem:$0x3FFE];
	[sflag:s5] =	ssyncadd.remote.s32 @!p0 $0x1  }
0xb4: {  	s26 =	simm.s32 $execute0_lowered;
	[smem:$0x3FD2] =	sst s25  }
0xb5: {  	s6 =	sshll.u32 s26, $0x1;
	_ =	strace $0x8000004C;
	[dreg:$0x1] =	wrdreg $0xFFFFFFFF  }
0xb6: {  	s28 =	simm.s32 $_size_execute0_lowered;
	s4 =	sadd.s32 s4, s6;
	[dreg:$0x0] =	wrdreg $0x0  }
0xb7: {  	s6 =	sshll.u32 s28, $0x1;
	[dreg:$0x2] =	wrdreg s4  }
0xb8: {  	[dreg:$0x3] =	wrdreg s6  }
0xb9: {  	[dreg:$0x4] =	wrdreg $0xC0  }
0xba: {  	_ =	task [dreg:s22], $0x5FFFF  }
0xbb: {  	[dreg:$0x1] =	wrdreg $0xFFFFFFFF  }
0xbc: {  	[dreg:$0x0] =	wrdreg $0x60  }
0xbd: {  	[dreg:$0x2] =	wrdreg s18  }
0xbe: {  	[dreg:$0x3] =	wrdreg s24  }
0xbf: {  	[dreg:$0x4] =	wrdreg $0x9  }
0xc0: {  	_ =	task.clear_ibuf [dreg:s22], $0x5FFFF;
	_ =	strace $0x9000004C  }
0xc1: {  	s29 =	simm.s32 $0x9;
	_ =	strace $0x8000004E  }
0xc2: {  	_ =	swait.ge [sflag:s29], $0x1  }
0xc3: {  	[sflag:s29] =	ssyncadd.s32 $0xFFFFFFFF  }
0xc4: {  	_ =	strace $0x9000004E  }
0xc5: {  	_ =	sfence  }
0xc6: {  	s30 =	sld [smem:$0x0];
	_ =	sdelay $0x2  }
0xc7: {  	s31 =	sshll.u32 s1, $0xD;
	s1 =	sshrl.u32 s1, $0x2  }
0xc8: {  	s4 =	sand.u32 $0x4000, s31;
	s1 =	sadd.s32 s1, s30  }
0xc9: {  	s0 =	sor.u32 s4, s0;
	s1 =	sshll.u32 s1, $0x11  }
0xca: {  	s0 =	sor.u32 s1, s0  }
0xcb: {  	s0 =	sadd.s32 $0x8F2B, s0  }
0xcc: {  	[sflag:s0] =	ssyncadd.remote.s32 $0x1  }
0xcd: {  	_ =	sfence.sel $0xFFFF  }
0xce: {  	[dreg:$0x0] =	wrdreg $0xFFFFFFFF;
	(pc) =	sbr.abs _section_cstart, $3  }
0xcf: {  	[dreg:$0x1] =	wrdreg $0xFFFFFFFF  }
0xd0: {  	_ =	task.clear_ibuf [dreg:s22], $0x2FFFF;
	_ =	strace $0x9FFFFFFF  }
0xd1: {  	(tm) =	ssettm $0x7FFFFFFF  }
tec
execute0_lowered:
.L_overlay_start_1:
0x0: {  	(tag) =	ssettag $0x1  }
0x1: {  	s1 =	rddreg [dreg:$0x0]  }
0x2: {  	s7 =	rddreg [dreg:$0x1]  }
0x3: {  	s0 =	rddreg [dreg:$0x2];
	s3 =	simm.s32 $0x0  }
0x4: {  	s4 =	srdreg.scid;
	s2 =	stileid.u32;
	s12 =	simm.s32 $0x10000  }
0x5: {  	s13 =	simm.s32 $0x10100;
	s14 =	simm.s32 $0x2;
	s15 =	simm.s32 $0x80  }
0x6: {  	s16 =	simm.s32 $0x10080;
	s17 =	simm.s32 $0x4000;
	s18 =	simm.s32 $0x10180  }
0x7: {  	s19 =	simm.s32 $0xC000;
	s20 =	simm.s32 $0x3;
	s21 =	simm.s32 $0x5  }
0x8: {  	s22 =	simm.s32 $0x6;
	s23 =	simm.s32 $0x0;
	[smem:$0x7FF] =	sst s3  }
0x9: {  	s5 =	sand.u32 $0x1, s4;
	s6 =	sshll.u32 s2, $0x1;
	s4 =	sadd.s32 $0xD000, s7  }
0xa: {  	_ =	strace $0x8000004D;
	s8 =	ssub.s32 $0x2, s5;
	s5 =	sor.u32 s5, s6  }
0xb: {  	s6 =	sadd.s32 $0x3200, s7;
	s9 =	sshrl.u32 s8, $0x1;
	s10 =	sshll.u32 s5, $0x4  }
0xc: {  	s7 =	sadd.s32 $0x336E00, s7;
	s11 =	ssub.s32 s8, s9;
	s8 =	sadd.s32 s4, s10  }
0xd: {  	s9 =	sadd.s32 s6, s10;
	s10 =	sor.u32 $0x20, s5;
	s11 =	smax.u32 s11, $0x1  }
.LBB2_1:
0xe: {  	[tilespmem:s12], [sflag:$0x1] =	stream.linear.gather [hbm4b:s8+s3], $0x80, $0x38;
	[tilespmem:$0x10200] =	vst v63  }
0xf: {  	s24 =	simm.s32 $0x0  }
0x10: {  	[tilespmem:s13], [sflag:$0x1] =	stream.linear.gather [hbm4b:s9+s3], $0x80, $0x38;
	[tilespmem:$0x10200] =	vst v63  }
.LBB2_2:
0x11: {  	p0 =	seq.s32 s24, $0x0  }
0x12: {  	s25 =	simm.s32 @p0 $0x1  }
0x13: {  	_ =	swait.ge @p0 [sflag:s25], $0x80  }
0x14: {  	[sflag:s25] =	ssyncset.done @p0 $0x0  }
0x15: {  	[sflag:s25] =	ssyncadd.s32 @p0 $0xFFFFFF80  }
0x16: {  	_ =	swait.ge @p0 [sflag:s25], $0x80  }
0x17: {  	s26 =	simm.s32 @p0 $0x10000;
	[sflag:s25] =	ssyncset.done @p0 $0x0  }
0x18: {  	s28 =	simm.s32 @p0 $0x0;
	[sflag:s25] =	ssyncadd.s32 @p0 $0xFFFFFF80;
	s25 =	simm.s32 @p0 $0x80  }
0x19: {  	[tilespmem:s28], [sflag:$0x3] =	stream.indirect.gather @p0 [hbm4b:s1+s25], $0x80, s26, s25, $0xb8;
	[tilespmem:$0x10200] =	vst v63  }
0x1a: {  	s26 =	simm.s32 @p0 $0x10100;
	s28 =	simm.s32 @p0 $0x8000  }
0x1b: {  	[tilespmem:s28], [sflag:$0x3] =	stream.indirect.gather @p0 [hbm4b:s1+s25], $0x80, s26, s25, $0xb8;
	[tilespmem:$0x10200] =	vst v63  }
0x1c: {  	s25 =	simm.s32 @!p0 $0x5  }
0x1d: {  	_ =	swait.ge @!p0 [sflag:s25], $0x4000  }
0x1e: {  	[sflag:s25] =	ssyncset.done @!p0 $0x0  }
0x1f: {  	[sflag:s25] =	ssyncadd.s32 @!p0 $0xFFFFC000;
	s25 =	simm.s32 @!p0 $0x1  }
0x20: {  	_ =	swait.ge @!p0 [sflag:s25], $0x80  }
0x21: {  	[sflag:s25] =	ssyncset.done @!p0 $0x0  }
0x22: {  	[sflag:s25] =	ssyncadd.s32 @!p0 $0xFFFFFF80  }
0x23: {  	_ =	swait.ge @!p0 [sflag:s25], $0x80  }
0x24: {  	s26 =	simm.s32 @!p0 $0x10000;
	[sflag:s25] =	ssyncset.done @!p0 $0x0  }
0x25: {  	s28 =	simm.s32 @!p0 $0x0;
	[sflag:s25] =	ssyncadd.s32 @!p0 $0xFFFFFF80;
	s25 =	simm.s32 @!p0 $0x80  }
0x26: {  	[tilespmem:s28], [sflag:$0x3] =	stream.indirect.gather @!p0 [hbm4b:s1+s25], $0x80, s26, s25, $0xb8;
	[tilespmem:$0x10200] =	vst v63  }
0x27: {  	s26 =	simm.s32 @!p0 $0x10100;
	s28 =	simm.s32 @!p0 $0x8000  }
0x28: {  	[tilespmem:s28], [sflag:$0x3] =	stream.indirect.gather @!p0 [hbm4b:s1+s25], $0x80, s26, s25, $0xb8;
	[tilespmem:$0x10200] =	vst v63  }
0x29: {  	s25 =	simm.s32 @!p0 $0x4  }
0x2a: {  	_ =	swait.ge @!p0 [sflag:s25], $0x4000  }
0x2b: {  	s26 =	sshll.u32 s24, $0x6;
	[sflag:s25] =	ssyncset.done @!p0 $0x0  }
0x2c: {  	s28 =	sor.u32 s5, s26;
	[sflag:s25] =	ssyncadd.s32 @!p0 $0xFFFFC000  }
0x2d: {  	s29 =	sor.u32 $0x20, s28;
	_ =	swait.ge @!p0 [sflag:s25], $0x4000  }
0x2e: {  	p1 =	sgt.u32 s29, $0x31F;
	[sflag:s25] =	ssyncset.done @!p0 $0x0  }
0x2f: {  	s30 =	simm.s32 @!p1 $0x0;
	[sflag:s25] =	ssyncadd.s32 @!p0 $0xFFFFC000;
	s25 =	sshll.u32 @!p1 s29, $0x4  }
.Ltmp0:
0x30: {  	s31 =	simm.s32 @!p1 $0x10080;
	s29 =	sadd.s32 @!p1 s4, s25;
	(pc) =	sbr.rel @p0 .LBB2_7-.Ltmp0, $4  }
0x31: {  	[tilespmem:s31], [sflag:$0x2] =	stream.linear.gather @!p1 [hbm4b:s29+s30], $0x80, $0x38;
	[tilespmem:$0x10200] =	vst v63  }
0x32: {  	s25 =	sadd.s32 @!p1 s6, s25;
	s29 =	simm.s32 @!p1 $0x10180  }
0x33: {  	[tilespmem:s29], [sflag:$0x2] =	stream.linear.gather @!p1 [hbm4b:s25+s30], $0x80, $0x38;
	[tilespmem:$0x10200] =	vst v63  }
0x34: {  	s25 =	smov.u32 s10  }
0x35: {  	s25 =	simm.s32 $0x0  }
0x36: {  	v7 =	vld [tilespmem:s25+$0xC000]  }
0x37: {  	v11 =	vld [tilespmem:s25+$0xC010]  }
0x38: {  	v5 =	vld [tilespmem:s25+$0xC020]  }
0x39: {  	v4 =	vld [tilespmem:s25+$0xC030]  }
0x3a: {  	v3 =	vld [tilespmem:s25+$0xC040]  }
0x3b: {  	v2 =	vld [tilespmem:s25+$0xC050]  }
0x3c: {  	v1 =	vld [tilespmem:s25+$0xC060]  }
0x3d: {  	v0 =	vld [tilespmem:s25+$0xC070]  }
0x3e: {  	v12 =	vld [tilespmem:s25+$0x4000]  }
0x3f: {  	v13 =	vld [tilespmem:s25+$0x4010]  }
0x40: {  	v10 =	vld [tilespmem:s25+$0x4020]  }
0x41: {  	v9 =	vld [tilespmem:s25+$0x4030]  }
0x42: {  	v8 =	vld [tilespmem:s25+$0x4040]  }
0x43: {  	v6 =	vld [tilespmem:s25+$0x4050];
	v12 =	vadd.f32 v7, v12  }
0x44: {  	s29 =	simm.s32 $0x200;
	v11 =	vadd.f32 v11, v13;
	v7 =	vld [tilespmem:s25+$0x4060]  }
.LBB2_4:
0x45: {  	s30 =	sshra.s32 s29, $0x2;
	p0 =	sne.s32 s29, $0xFE00;
	[tilespmem:s25+$0x4000] =	vst v12;
	v5 =	vadd.f32 v5, v10;
	v10 =	vld [tilespmem:s25+$0x4070]  }
0x46: {  	v12 =	vld [tilespmem:s30+$0xC000];
	[tilespmem:s25+$0x4010] =	vst v11;
	v4 =	vadd.f32 v4, v9  }
0x47: {  	v11 =	vld [tilespmem:s30+$0xC010];
	[tilespmem:s25+$0x4020] =	vst v5;
	v3 =	vadd.f32 v3, v8  }
0x48: {  	v5 =	vld [tilespmem:s30+$0xC020];
	[tilespmem:s25+$0x4030] =	vst v4;
	v2 =	vadd.f32 v2, v6  }
0x49: {  	v4 =	vld [tilespmem:s30+$0xC030];
	[tilespmem:s25+$0x4040] =	vst v3;
	v1 =	vadd.f32 v1, v7  }
0x4a: {  	v3 =	vld [tilespmem:s30+$0xC040];
	[tilespmem:s25+$0x4050] =	vst v2;
	v0 =	vadd.f32 v0, v10  }
0x4b: {  	v2 =	vld [tilespmem:s30+$0xC050];
	[tilespmem:s25+$0x4060] =	vst v1  }
0x4c: {  	v1 =	vld [tilespmem:s30+$0xC060];
	[tilespmem:s25+$0x4070] =	vst v0;
	s25 =	smov.u32 s30  }
0x4d: {  	v0 =	vld [tilespmem:s25+$0xC070]  }
0x4e: {  	v6 =	vld [tilespmem:s25+$0x4000]  }
0x4f: {  	v7 =	vld [tilespmem:s25+$0x4010]  }
.Ltmp1:
0x50: {  	v10 =	vld [tilespmem:s25+$0x4020];
	(pc) =	sbr.rel @p0 .LBB2_4-.Ltmp1, $4  }
0x51: {  	v9 =	vld [tilespmem:s25+$0x4030]  }
0x52: {  	v8 =	vld [tilespmem:s25+$0x4040]  }
0x53: {  	v12 =	vadd.f32 v12, v6;
	v6 =	vld [tilespmem:s25+$0x4050]  }
0x54: {  	s29 =	sadd.s32 $0x200, s29;
	v11 =	vadd.f32 v11, v7;
	v7 =	vld [tilespmem:s25+$0x4060]  }
0x55: {  	[tilespmem:s25+$0x4000] =	vst v12;
	v5 =	vadd.f32 v5, v10;
	v63 =	vld [tilespmem:s25+$0x4070]  }
0x56: {  	[tilespmem:s25+$0x4010] =	vst v11;
	v4 =	vadd.f32 v4, v9  }
0x57: {  	s31 =	sor.u32 $0x20, s26;
	[tilespmem:s25+$0x4020] =	vst v5;
	v3 =	vadd.f32 v3, v8  }
0x58: {  	p0 =	sgt.u32 s31, $0x31F;
	[tilespmem:s25+$0x4030] =	vst v4;
	v2 =	vadd.f32 v2, v6  }
.Ltmp2:
0x59: {  	s28 =	sshll.u32 s28, $0xB;
	[tilespmem:s25+$0x4040] =	vst v3;
	v1 =	vadd.f32 v1, v7;
	(pc) =	sbr.rel @p0 .LBB2_8-.Ltmp2, $4  }
0x5a: {  	s28 =	sadd.s32 $0x1FFF0000, s28;
	[tilespmem:s25+$0x4050] =	vst v2;
	v0 =	vadd.f32 v0, v63  }
0x5b: {  	s28 =	sand.u32 $0x1FFFF800, s28;
	[tilespmem:s25+$0x4060] =	vst v1  }
0x5c: {  	s30 =	sadd.s32 s7, s28;
	[tilespmem:s25+$0x4070] =	vst v0;
	s25 =	sor.u32 s5, s31  }
0x5d: {  	[hbm4b:s30+s3] =	stream.linear.scatter [tilespmem:s17], [sflag:$0x6], $0x4000, $0x38;
	[tilespmem:$0x10200] =	vst v63  }
0x5e: {  	_ =	swait.ge [sflag:s22], $0x4000  }
0x5f: {  	[sflag:s22] =	ssyncset.done $0x0  }
0x60: {  	[sflag:s22] =	ssyncadd.s32 $0xFFFFC000  }
.LBB2_7:
0x61: {  	_ =	swait.ge [sflag:s14], $0x80  }
0x62: {  	[sflag:s14] =	ssyncset.done $0x0  }
0x63: {  	[sflag:s14] =	ssyncadd.s32 $0xFFFFFF80  }
0x64: {  	_ =	swait.ge [sflag:s14], $0x80  }
0x65: {  	[sflag:s14] =	ssyncset.done $0x0  }
0x66: {  	[sflag:s14] =	ssyncadd.s32 $0xFFFFFF80  }
0x67: {  	[tilespmem:s17], [sflag:$0x4] =	stream.indirect.gather [hbm4b:s1+s15], $0x80, s16, s15, $0xb8;
	[tilespmem:$0x10200] =	vst v63  }
0x68: {  	_ = 	snop  }
0x69: {  	[tilespmem:s19], [sflag:$0x4] =	stream.indirect.gather [hbm4b:s1+s15], $0x80, s18, s15, $0xb8;
	[tilespmem:$0x10200] =	vst v63  }
.LBB2_8:
0x6a: {  	_ =	swait.ge [sflag:s20], $0x4000  }
0x6b: {  	p0 =	seq.s32 s24, $0xC;
	[sflag:s20] =	ssyncset.done $0x0  }
0x6c: {  	s26 =	sshll.u32 @!p0 s25, $0x4;
	[sflag:s20] =	ssyncadd.s32 $0xFFFFC000  }
0x6d: {  	s26 =	sadd.s32 @!p0 $0x200, s26;
	_ =	swait.ge [sflag:s20], $0x4000  }
0x6e: {  	s29 =	simm.s32 @!p0 $0x0;
	s26 =	sand.u32 @!p0 $0x1FFFFDF0, s26;
	[sflag:s20] =	ssyncset.done $0x0  }
0x6f: {  	s30 =	simm.s32 @!p0 $0x10000;
	s28 =	sadd.s32 @!p0 s4, s26;
	[sflag:s20] =	ssyncadd.s32 $0xFFFFC000  }
0x70: {  	[tilespmem:s30], [sflag:$0x1] =	stream.linear.gather @!p0 [hbm4b:s28+s29], $0x80, $0x38;
	[tilespmem:$0x10200] =	vst v63  }
0x71: {  	s26 =	sadd.s32 @!p0 s6, s26;
	s28 =	simm.s32 @!p0 $0x10100  }
0x72: {  	[tilespmem:s28], [sflag:$0x1] =	stream.linear.gather @!p0 [hbm4b:s26+s29], $0x80, $0x38;
	[tilespmem:$0x10200] =	vst v63  }
0x73: {  	s26 =	simm.s32 $0x0  }
0x74: {  	v7 =	vld [tilespmem:s26+$0x8000]  }
0x75: {  	v11 =	vld [tilespmem:s26+$0x8010]  }
0x76: {  	v5 =	vld [tilespmem:s26+$0x8020]  }
0x77: {  	v4 =	vld [tilespmem:s26+$0x8030]  }
0x78: {  	v3 =	vld [tilespmem:s26+$0x8040]  }
0x79: {  	v2 =	vld [tilespmem:s26+$0x8050]  }
0x7a: {  	v1 =	vld [tilespmem:s26+$0x8060]  }
0x7b: {  	v0 =	vld [tilespmem:s26+$0x8070]  }
0x7c: {  	v12 =	vld [tilespmem:s26+$0x0]  }
0x7d: {  	v13 =	vld [tilespmem:s26+$0x10]  }
0x7e: {  	v10 =	vld [tilespmem:s26+$0x20]  }
0x7f: {  	v9 =	vld [tilespmem:s26+$0x30]  }
0x80: {  	v8 =	vld [tilespmem:s26+$0x40]  }
0x81: {  	v6 =	vld [tilespmem:s26+$0x50];
	v12 =	vadd.f32 v7, v12  }
0x82: {  	s28 =	simm.s32 $0x200;
	v11 =	vadd.f32 v11, v13;
	v7 =	vld [tilespmem:s26+$0x60]  }
.LBB2_9:
0x83: {  	s29 =	sshra.s32 s28, $0x2;
	p0 =	sne.s32 s28, $0xFE00;
	[tilespmem:s26+$0x0] =	vst v12;
	v5 =	vadd.f32 v5, v10;
	v10 =	vld [tilespmem:s26+$0x70]  }
0x84: {  	v12 =	vld [tilespmem:s29+$0x8000];
	[tilespmem:s26+$0x10] =	vst v11;
	v4 =	vadd.f32 v4, v9  }
0x85: {  	v11 =	vld [tilespmem:s29+$0x8010];
	[tilespmem:s26+$0x20] =	vst v5;
	v3 =	vadd.f32 v3, v8  }
0x86: {  	v5 =	vld [tilespmem:s29+$0x8020];
	[tilespmem:s26+$0x30] =	vst v4;
	v2 =	vadd.f32 v2, v6  }
0x87: {  	v4 =	vld [tilespmem:s29+$0x8030];
	[tilespmem:s26+$0x40] =	vst v3;
	v1 =	vadd.f32 v1, v7  }
0x88: {  	v3 =	vld [tilespmem:s29+$0x8040];
	[tilespmem:s26+$0x50] =	vst v2;
	v0 =	vadd.f32 v0, v10  }
0x89: {  	v2 =	vld [tilespmem:s29+$0x8050];
	[tilespmem:s26+$0x60] =	vst v1  }
0x8a: {  	v1 =	vld [tilespmem:s29+$0x8060];
	[tilespmem:s26+$0x70] =	vst v0;
	s26 =	smov.u32 s29  }
0x8b: {  	v0 =	vld [tilespmem:s26+$0x8070]  }
0x8c: {  	v6 =	vld [tilespmem:s26+$0x0]  }
0x8d: {  	v7 =	vld [tilespmem:s26+$0x10]  }
.Ltmp3:
0x8e: {  	v10 =	vld [tilespmem:s26+$0x20];
	(pc) =	sbr.rel @p0 .LBB2_9-.Ltmp3, $4  }
0x8f: {  	v9 =	vld [tilespmem:s26+$0x30]  }
0x90: {  	v8 =	vld [tilespmem:s26+$0x40]  }
0x91: {  	v12 =	vadd.f32 v12, v6;
	v6 =	vld [tilespmem:s26+$0x50]  }
0x92: {  	s28 =	sadd.s32 $0x200, s28;
	v11 =	vadd.f32 v11, v7;
	v7 =	vld [tilespmem:s26+$0x60]  }
0x93: {  	[tilespmem:s26+$0x0] =	vst v12;
	v5 =	vadd.f32 v5, v10;
	v63 =	vld [tilespmem:s26+$0x70]  }
0x94: {  	[tilespmem:s26+$0x10] =	vst v11;
	v4 =	vadd.f32 v4, v9  }
0x95: {  	s24 =	sadd.s32 $0x1, s24;
	[tilespmem:s26+$0x20] =	vst v5;
	v3 =	vadd.f32 v3, v8  }
0x96: {  	p0 =	sne.s32 s24, $0xD;
	[tilespmem:s26+$0x30] =	vst v4;
	v2 =	vadd.f32 v2, v6  }
.Ltmp4:
0x97: {  	s25 =	sshll.u32 s25, $0xB;
	[tilespmem:s26+$0x40] =	vst v3;
	v1 =	vadd.f32 v1, v7;
	(pc) =	sbr.rel @p0 .LBB2_2-.Ltmp4, $4  }
0x98: {  	s25 =	sadd.s32 $0x1FFF0000, s25;
	[tilespmem:s26+$0x50] =	vst v2;
	v0 =	vadd.f32 v0, v63  }
0x99: {  	s25 =	sand.u32 $0x1FFEF800, s25;
	[tilespmem:s26+$0x60] =	vst v1  }
0x9a: {  	s25 =	sadd.s32 s7, s25;
	[tilespmem:s26+$0x70] =	vst v0  }
0x9b: {  	[hbm4b:s25+s3] =	stream.linear.scatter [tilespmem:s3], [sflag:$0x5], $0x4000, $0x38;
	[tilespmem:$0x10200] =	vst v63  }
0x9c: {  	s23 =	sadd.s32 $0x1, s23  }
0x9d: {  	_ =	swait.ge [sflag:s21], $0x4000;
	p0 =	sne.s32 s23, s11  }
.Ltmp5:
0x9e: {  	[sflag:s21] =	ssyncset.done $0x0;
	(pc) =	sbr.rel @p0 .LBB2_1-.Ltmp5, $4  }
0x9f: {  	[sflag:s21] =	ssyncadd.s32 $0xFFFFC000  }
0xa0: {  	_ =	swait.ge [sflag:s22], $0x4000  }
0xa1: {  	[sflag:s22] =	ssyncset.done $0x0  }
0xa2: {  	[sflag:s22] =	ssyncadd.s32 $0xFFFFC000  }
0xa3: {  	_ =	sfence.sel $0x180000  }
0xa4: {  	[bflag:$0x0] =	sbarrier.arrive $0xFFFF  }
0xa5: {  	p0 =	sne.s32 s2, $0x0;
	_ =	strace $0x9000004D  }
0xa6: {  	s0 =	sadd.s32 @!p0 $0x100000, s0;
	[bflag:$0x2] =	sbarrier.arrive $0xFFFF  }
0xa7: {  	[sflag:s0] =	ssyncadd.tile.s32 @!p0 $0x1;
	_ =	shalt  }
.Lfunc_end2:
_tile_overlayer_lowered:
.L_overlay_start_2:
0xa8: {  	(tag) =	ssettag $0x2  }
0xa9: {  	s0 =	rddreg [dreg:$0x0];
	s2 =	stileid.u32  }
0xaa: {  	s1 =	rddreg [dreg:$0x1];
	p0 =	sne.s32 s2, $0x0  }
0xab: {  	s3 =	rddreg [dreg:$0x2];
	[bflag:$0x3] =	sbarrier.arrive $0xFFFF;
	s2 =	simm.s32 @!p0 $0x1C07  }
0xac: {  	[timem:s3], [sflag:s2] =	dma.local @!p0 [hbm:s0], s1  }
0xad: {  	s0 =	simm.s32 @!p0 $0x7  }
0xae: {  	_ =	swait.ge @!p0 [sflag:s0], s1  }
0xaf: {  	s1 =	ssub.s32 @!p0 $0x0, s1;
	[sflag:s0] =	ssyncset.done @!p0 $0x0  }
0xb0: {  	[sflag:s0] =	ssyncadd.s32 @!p0 s1  }
0xb1: {  	[bflag:$0x3] =	sbarrier.arrive $0xFFFF  }
0xb2: {  	_ =	shalt  }

// kernel: kernel.16.cloned.1.call-start
scs
__scs_entry_jumppad:
0x0: {  	(pc) =	sbr.rel $0x88, $3  }
0x1: {  	(tag) =	ssettag $0x0;
	lr =	simm.s32 $0x1  }
0x2: {  	[smem:$0x3F96] =	sst lr;
	_ =	strace $0xD0000000  }
0x3: {  	_ = 	snop  }
0x4: {  	_ = 	snop  }
0x5: {  	_ = 	snop  }
0x6: {  	_ = 	snop  }
0x7: {  	_ = 	snop  }
__scs_overlays_trampoline_lowered:
0x8: {  	[smem:$0x3FA5] =	sst s0  }
0x9: {  	[smem:$0x3FA6] =	sst s1  }
0xa: {  	[smem:$0x3FA7] =	sst s2  }
0xb: {  	[smem:$0x3FA8] =	sst s3  }
0xc: {  	[smem:$0x3FA9] =	sst s4  }
0xd: {  	[smem:$0x3FAA] =	sst s5  }
0xe: {  	[smem:$0x3FAB] =	sst s6  }
0xf: {  	[smem:$0x3FAC] =	sst s7  }
0x10: {  	[smem:$0x3FAD] =	sst s8  }
0x11: {  	[smem:$0x3FAE] =	sst s9;
	s0 =	simm.s32 @!p0 $0x0  }
0x12: {  	s1 =	sld [smem:$0x3F94];
	s0 =	simm.s32 @p0 $0x1  }
0x13: {  	[smem:$0x3FAF] =	sst s0;
	s0 =	simm.s32 @!p1 $0x0  }
0x14: {  	s2 =	sld [smem:$0x3F93];
	s0 =	simm.s32 @p1 $0x1  }
0x15: {  	[smem:$0x3FB0] =	sst s0;
	s0 =	simm.s32 @!p2 $0x0  }
0x16: {  	s3 =	sld [smem:$0x3FDB];
	s0 =	simm.s32 @p2 $0x1  }
0x17: {  	s4 =	simm.s32 $0x1BF5;
	[smem:$0x3FB2] =	sst s0  }
0x18: {  	s0 =	sld [smem:$0x3F95];
	_ =	swait.ge [sflag:s4], $0x0  }
0x19: {  	s7 =	sld [smem:$0x3F96]  }
0x1a: {  	s8 =	sadd.s32 $0xFFFFE003, lr  }
0x1b: {  	s9 =	sadd.s32 $0xFFFFFEF7, lr;
	s5 =	simm.s32 $0xFFFFFFFF;
	p2 =	slt.u32 s8, $0xFFFFF086  }
0x1c: {  	p1 =	slt.u32 s9, $0xF7A;
	s5 =	simm.s32 @!p2 $0x0  }
0x1d: {  	s5 =	simm.s32 @p1 $0x1;
	p0 =	seq.s32 s7, s2  }
0x1e: {  	s7 =	smul.u32 @!p0 $0xF7A, s2;
	p2 =	seq.s32 @!p0 s5, $0x0  }
0x1f: {  	s9 =	smul.u32 $0xF7A, s1;
	s8 =	simm.s32 @!p0 $0x1BF5;
	p2 =	por !p2, p0  }
0x20: {  	[sflag:s8] =	ssyncset.s32 @!p0 $0xFFFFF086;
	s6 =	sadd.s32 @!p0 s3, s7;
	s7 =	simm.s32 @!p0 $0x108  }
0x21: {  	s3 =	sadd.s32 s3, s9;
	s6 =	sadd.s32 @!p0 $0x88, s6;
	s7 =	simm.s32 @p2 $0x1082  }
0x22: {  	[simem:s7], [sflag:s8] =	dma.local @!p0 [hbm:s6], $0xF7A  }
0x23: {  	s9 =	sor.u32 $0xD0000000, s2;
	s6 =	simm.s32 $0x108;
	_ =	swait.ge @!p0 [sflag:s8], $0x0  }
0x24: {  	s3 =	sadd.s32 $0x88, s3;
	s6 =	simm.s32 @!p1 $0x1082;
	[sflag:s4] =	ssyncset.s32 $0xFFFFF086  }
0x25: {  	[simem:s6], [sflag:s4] =	dma.local [hbm:s3], $0xF7A  }
0x26: {  	[smem:$0x3F96] =	sst s1;
	(tag) =	ssettag s2;
	_ =	strace s9  }
0x27: {  	s1 =	sld [smem:$0x3FA6]  }
0x28: {  	s2 =	sld [smem:$0x3FA7]  }
0x29: {  	s4 =	sld [smem:$0x3FA9]  }
0x2a: {  	p0 =	seq.s32 s5, $0x0;
	s5 =	sld [smem:$0x3FAA]  }
0x2b: {  	s6 =	sld [smem:$0x3FAB]  }
0x2c: {  	s7 =	sld [smem:$0x3FAC]  }
0x2d: {  	s3 =	simm.s32 $0x108;
	s8 =	sld [smem:$0x3FAD]  }
0x2e: {  	s3 =	simm.s32 @!p0 $0x1082;
	s9 =	sld [smem:$0x3FAE]  }
0x2f: {  	lr =	sadd.s32 s0, s3;
	s0 =	sld [smem:$0x3FA5]  }
0x30: {  	s3 =	sld [smem:$0x3FA8]  }
0x31: {  	[smem:$0x3FB1] =	sst s10  }
0x32: {  	s10 =	sld [smem:$0x3FAF];
	_ =	sdelay $0x3  }
0x33: {  	p0 =	seq.s32 s10, $0x1;
	s10 =	sld [smem:$0x3FB1];
	_ =	sdelay $0x3  }
0x34: {  	[smem:$0x3FB1] =	sst s10  }
0x35: {  	s10 =	sld [smem:$0x3FB0];
	_ =	sdelay $0x3  }
0x36: {  	p1 =	seq.s32 s10, $0x1;
	s10 =	sld [smem:$0x3FB1];
	_ =	sdelay $0x3  }
0x37: {  	[smem:$0x3FB1] =	sst s10  }
0x38: {  	s10 =	sld [smem:$0x3FB2]  }
0x39: {  	_ = 	snop;
	(pc) =	sbr.ind lr, $3  }
0x3a: {  	_ = 	snop  }
0x3b: {  	_ = 	snop  }
0x3c: {  	p2 =	seq.s32 s10, $0x1;
	s10 =	sld [smem:$0x3FB1]  }
0x3d: {  	_ =	shalt  }
0x3e: {  	_ =	shalt  }
0x3f: {  	_ =	shalt  }
0x40: {  	_ =	shalt  }
0x41: {  	_ =	shalt  }
0x42: {  	_ =	shalt  }
0x43: {  	_ =	shalt  }
0x44: {  	_ =	shalt  }
0x45: {  	_ =	shalt  }
0x46: {  	_ =	shalt  }
0x47: {  	_ =	shalt  }
0x48: {  	_ =	shalt  }
0x49: {  	_ =	shalt  }
0x4a: {  	_ =	shalt  }
0x4b: {  	_ =	shalt  }
0x4c: {  	_ =	shalt  }
0x4d: {  	_ =	shalt  }
0x4e: {  	_ =	shalt  }
0x4f: {  	_ =	shalt  }
0x50: {  	_ =	shalt  }
0x51: {  	_ =	shalt  }
0x52: {  	_ =	shalt  }
0x53: {  	_ =	shalt  }
0x54: {  	_ =	shalt  }
0x55: {  	_ =	shalt  }
0x56: {  	_ =	shalt  }
0x57: {  	_ =	shalt  }
0x58: {  	_ =	shalt  }
0x59: {  	_ =	shalt  }
0x5a: {  	_ =	shalt  }
0x5b: {  	_ =	shalt  }
0x5c: {  	_ =	shalt  }
0x5d: {  	_ =	shalt  }
0x5e: {  	_ =	shalt  }
0x5f: {  	_ =	shalt  }
0x60: {  	_ =	shalt  }
0x61: {  	_ =	shalt  }
0x62: {  	_ =	shalt  }
0x63: {  	_ =	shalt  }
0x64: {  	_ =	shalt  }
0x65: {  	_ =	shalt  }
0x66: {  	_ =	shalt  }
0x67: {  	_ =	shalt  }
0x68: {  	_ =	shalt  }
0x69: {  	_ =	shalt  }
0x6a: {  	_ =	shalt  }
0x6b: {  	_ =	shalt  }
0x6c: {  	_ =	shalt  }
0x6d: {  	_ =	shalt  }
0x6e: {  	_ =	shalt  }
0x6f: {  	_ =	shalt  }
0x70: {  	_ =	shalt  }
0x71: {  	_ =	shalt  }
0x72: {  	_ =	shalt  }
0x73: {  	_ =	shalt  }
0x74: {  	_ =	shalt  }
0x75: {  	_ =	shalt  }
0x76: {  	_ =	shalt  }
0x77: {  	_ =	shalt  }
0x78: {  	_ =	shalt  }
0x79: {  	_ =	shalt  }
0x7a: {  	_ =	shalt  }
0x7b: {  	_ =	shalt  }
0x7c: {  	_ =	shalt  }
0x7d: {  	_ =	shalt  }
0x7e: {  	_ =	shalt  }
0x7f: {  	_ =	shalt  }
0x80: {  	_ =	shalt  }
0x81: {  	_ =	shalt  }
0x82: {  	_ =	shalt  }
0x83: {  	_ =	shalt  }
0x84: {  	_ =	shalt  }
0x85: {  	_ =	shalt  }
0x86: {  	_ =	shalt  }
0x87: {  	_ =	shalt  }
.Lfunc_end0:
.L_simem_size_0:
called_computation.1_lowered:
.L_overlay_start_0:
0x88: {  	s2 =	sld [smem:$0x3FD9]  }
0x89: {  	s3 =	sld [smem:$0x3FFE];
	_ =	sdelay $0x1  }
0x8a: {  	s1 =	srdreg.scid  }
0x8b: {  	s0 =	sand.u32 $0x1, s1  }
0x8c: {  	s17 =	sshll.u32 s0, $0xA;
	s2 =	sadd.s32 s3, s2  }
0x8d: {  	s2 =	sadd.s32 s2, s17  }
0x8e: {  	[smem:$0x3FBD] =	sst s2  }
0x8f: {  	_ = 	snop  }
0x90: {  	s2 =	sld [smem:$0x3FD0];
	(tm) =	ssettm $0x1  }
0x91: {  	s18 =	sld [smem:$0x3FFB];
	_ =	sdelay $0x3  }
0x92: {  	_ =	strace s18  }
0x93: {  	s3 =	sld [smem:$0x3FFC];
	_ =	sdelay $0x3  }
0x94: {  	_ =	strace s3  }
0x95: {  	s3 =	sld [smem:$0x3FFD];
	_ =	sdelay $0x3  }
0x96: {  	_ =	strace s3  }
0x97: {  	_ =	strace $0x8FFFFFFF  }
0x98: {  	s19 =	sld [smem:$0x3FDB];
	_ =	sdelay $0x1  }
0x99: {  	s4 =	simm.s32 $_scs_section_size  }
0x9a: {  	s5 =	simm.s32 $_size__tile_overlayer_lowered;
	s6 =	simm.s32 $_tile_overlayer_lowered  }
0x9b: {  	s22 =	simm.s32 $0x1BFF;
	s21 =	sshll.u32 s6, $0x1;
	s3 =	sadd.s32 s4, s19  }
0x9c: {  	s7 =	simm.s32 $0x0;
	s20 =	sshll.u32 s5, $0x1;
	s5 =	sadd.s32 s21, s3  }
0x9d: {  	[timem:s7], [sflag:s22] =	dma.local [hbm:s5], s20  }
0x9e: {  	_ =	swait.ge [sflag:s22], s20  }
0x9f: {  	s4 =	ssub.s32 $0x0, s20;
	[sflag:s22] =	ssyncset.done $0x0  }
0xa0: {  	[sflag:s22] =	ssyncadd.s32 s4;
	_ =	sdelay $0x1  }
0xa1: {  	s23 =	simm.s32 $0x1B8B  }
0xa2: {  	_ =	swait.ge [sflag:s23], $0x1  }
0xa3: {  	[sflag:s23] =	ssyncset.done $0x0  }
0xa4: {  	s25 =	simm.s32 $0x1B8E;
	s24 =	sld [smem:$0x3FFE];
	[sflag:s23] =	ssyncadd.s32 $0xFFFFFFFF  }
0xa5: {  	s26 =	simm.s32 $execute0_lowered;
	[smem:$0x3FD2] =	sst s25  }
0xa6: {  	s5 =	sshll.u32 s26, $0x1;
	_ =	strace $0x80000046;
	[dreg:$0x1] =	wrdreg $0xFFFFFFFF  }
0xa7: {  	s28 =	simm.s32 $_size_execute0_lowered;
	s3 =	sadd.s32 s3, s5;
	[dreg:$0x0] =	wrdreg $0x0  }
0xa8: {  	s5 =	sshll.u32 s28, $0x1;
	[dreg:$0x2] =	wrdreg s3  }
0xa9: {  	[dreg:$0x3] =	wrdreg s5  }
0xaa: {  	[dreg:$0x4] =	wrdreg $0xC0  }
0xab: {  	_ =	task [dreg:s7], $0x5FFFF  }
0xac: {  	[dreg:$0x1] =	wrdreg $0xFFFFFFFF  }
0xad: {  	[dreg:$0x0] =	wrdreg $0x60  }
0xae: {  	[dreg:$0x2] =	wrdreg s2  }
0xaf: {  	[dreg:$0x3] =	wrdreg s24  }
0xb0: {  	[dreg:$0x4] =	wrdreg $0xA  }
0xb1: {  	_ =	task.clear_ibuf [dreg:s7], $0x5FFFF;
	_ =	strace $0x90000046  }
0xb2: {  	s29 =	simm.s32 $0xA;
	_ =	strace $0x80000048  }
0xb3: {  	_ =	swait.ge [sflag:s29], $0x1  }
0xb4: {  	[sflag:s29] =	ssyncadd.s32 $0xFFFFFFFF  }
0xb5: {  	_ =	strace $0x90000048  }
0xb6: {  	_ =	sfence  }
0xb7: {  	s30 =	sld [smem:$0x0];
	_ =	sdelay $0x2  }
0xb8: {  	s31 =	sshll.u32 s1, $0xD;
	s1 =	sshrl.u32 s1, $0x2  }
0xb9: {  	s3 =	sand.u32 $0x4000, s31;
	s1 =	sadd.s32 s1, s30  }
0xba: {  	s0 =	sor.u32 s3, s0;
	s1 =	sshll.u32 s1, $0x11  }
0xbb: {  	s0 =	sor.u32 s1, s0  }
0xbc: {  	s0 =	sadd.s32 $0x8F2B, s0  }
0xbd: {  	[sflag:s0] =	ssyncadd.remote.s32 $0x1  }
0xbe: {  	_ =	sfence.sel $0xFFFF  }
0xbf: {  	[dreg:$0x0] =	wrdreg $0xFFFFFFFF;
	(pc) =	sbr.abs _section_cstart, $3  }
0xc0: {  	[dreg:$0x1] =	wrdreg $0xFFFFFFFF  }
0xc1: {  	_ =	task.clear_ibuf [dreg:s7], $0x2FFFF;
	_ =	strace $0x9FFFFFFF  }
0xc2: {  	(tm) =	ssettm $0x7FFFFFFF  }
0xc3: {  	_ =	shalt  }
tec
execute0_lowered:
.L_overlay_start_1:
0x0: {  	(tag) =	ssettag $0x1  }
0x1: {  	s1 =	rddreg [dreg:$0x0]  }
0x2: {  	s7 =	rddreg [dreg:$0x1]  }
0x3: {  	s0 =	rddreg [dreg:$0x2];
	s3 =	simm.s32 $0x0;
	s4 =	srdreg.scid  }
0x4: {  	s2 =	stileid.u32;
	s12 =	simm.s32 $0x10000;
	s13 =	simm.s32 $0x10100  }
0x5: {  	s14 =	simm.s32 $0x2;
	s15 =	simm.s32 $0x80;
	s16 =	simm.s32 $0x10080  }
0x6: {  	s17 =	simm.s32 $0x4000;
	s18 =	simm.s32 $0x10180;
	s19 =	simm.s32 $0xC000  }
0x7: {  	s20 =	simm.s32 $0x3;
	s21 =	simm.s32 $0x5;
	s22 =	simm.s32 $0x6  }
0x8: {  	s23 =	simm.s32 $0x0;
	[smem:$0x7FF] =	sst s3;
	s6 =	sand.u32 $0x1, s4  }
0x9: {  	s31 =	sshll.u32 s2, $0x1;
	s5 =	sadd.s32 $0xD000, s7;
	_ =	strace $0x80000047  }
0xa: {  	s4 =	sor.u32 s6, s31;
	s8 =	ssub.s32 $0x2, s6;
	s6 =	sadd.s32 $0x3200, s7  }
0xb: {  	s7 =	sadd.s32 $0x16E00, s7;
	s9 =	sshll.u32 s4, $0x4;
	s10 =	sshrl.u32 s8, $0x1  }
0xc: {  	s9 =	sor.u32 $0x3200, s9;
	s11 =	ssub.s32 s8, s10;
	s10 =	sor.u32 $0x20, s4  }
0xd: {  	s8 =	sadd.s32 s5, s9;
	s9 =	sadd.s32 s6, s9;
	s11 =	smax.u32 s11, $0x1  }
.LBB2_1:
0xe: {  	[tilespmem:s12], [sflag:$0x1] =	stream.linear.gather [hbm4b:s8+s3], $0x80, $0x38;
	[tilespmem:$0x10200] =	vst v63  }
0xf: {  	s24 =	simm.s32 $0x0  }
0x10: {  	[tilespmem:s13], [sflag:$0x1] =	stream.linear.gather [hbm4b:s9+s3], $0x80, $0x38;
	[tilespmem:$0x10200] =	vst v63  }
.LBB2_2:
0x11: {  	p0 =	seq.s32 s24, $0x0  }
0x12: {  	s25 =	simm.s32 @p0 $0x1  }
0x13: {  	_ =	swait.ge @p0 [sflag:s25], $0x80  }
0x14: {  	[sflag:s25] =	ssyncset.done @p0 $0x0  }
0x15: {  	[sflag:s25] =	ssyncadd.s32 @p0 $0xFFFFFF80  }
0x16: {  	_ =	swait.ge @p0 [sflag:s25], $0x80  }
0x17: {  	s26 =	simm.s32 @p0 $0x10000;
	[sflag:s25] =	ssyncset.done @p0 $0x0  }
0x18: {  	s28 =	simm.s32 @p0 $0x0;
	[sflag:s25] =	ssyncadd.s32 @p0 $0xFFFFFF80;
	s25 =	simm.s32 @p0 $0x80  }
0x19: {  	[tilespmem:s28], [sflag:$0x3] =	stream.indirect.gather @p0 [hbm4b:s1+s25], $0x80, s26, s25, $0xb8;
	[tilespmem:$0x10200] =	vst v63  }
0x1a: {  	s26 =	simm.s32 @p0 $0x10100;
	s28 =	simm.s32 @p0 $0x8000  }
0x1b: {  	[tilespmem:s28], [sflag:$0x3] =	stream.indirect.gather @p0 [hbm4b:s1+s25], $0x80, s26, s25, $0xb8;
	[tilespmem:$0x10200] =	vst v63  }
0x1c: {  	s25 =	simm.s32 @!p0 $0x5  }
0x1d: {  	_ =	swait.ge @!p0 [sflag:s25], $0x4000  }
0x1e: {  	[sflag:s25] =	ssyncset.done @!p0 $0x0  }
0x1f: {  	[sflag:s25] =	ssyncadd.s32 @!p0 $0xFFFFC000;
	s25 =	simm.s32 @!p0 $0x1  }
0x20: {  	_ =	swait.ge @!p0 [sflag:s25], $0x80  }
0x21: {  	[sflag:s25] =	ssyncset.done @!p0 $0x0  }
0x22: {  	[sflag:s25] =	ssyncadd.s32 @!p0 $0xFFFFFF80  }
0x23: {  	_ =	swait.ge @!p0 [sflag:s25], $0x80  }
0x24: {  	s26 =	simm.s32 @!p0 $0x10000;
	[sflag:s25] =	ssyncset.done @!p0 $0x0  }
0x25: {  	s28 =	simm.s32 @!p0 $0x0;
	[sflag:s25] =	ssyncadd.s32 @!p0 $0xFFFFFF80;
	s25 =	simm.s32 @!p0 $0x80  }
0x26: {  	[tilespmem:s28], [sflag:$0x3] =	stream.indirect.gather @!p0 [hbm4b:s1+s25], $0x80, s26, s25, $0xb8;
	[tilespmem:$0x10200] =	vst v63  }
0x27: {  	s26 =	simm.s32 @!p0 $0x10100;
	s28 =	simm.s32 @!p0 $0x8000  }
0x28: {  	[tilespmem:s28], [sflag:$0x3] =	stream.indirect.gather @!p0 [hbm4b:s1+s25], $0x80, s26, s25, $0xb8;
	[tilespmem:$0x10200] =	vst v63  }
0x29: {  	s25 =	simm.s32 @!p0 $0x4  }
0x2a: {  	s28 =	sshll.u32 s24, $0x6;
	_ =	swait.ge @!p0 [sflag:s25], $0x4000  }
0x2b: {  	s26 =	sor.u32 $0x20, s28;
	[sflag:s25] =	ssyncset.done @!p0 $0x0  }
0x2c: {  	s28 =	sor.u32 s4, s28;
	p1 =	sgt.u32 s26, $0x31F;
	[sflag:s25] =	ssyncadd.s32 @!p0 $0xFFFFC000  }
0x2d: {  	s29 =	sshll.u32 @!p1 s28, $0x4;
	_ =	swait.ge @!p0 [sflag:s25], $0x4000  }
0x2e: {  	s30 =	simm.s32 @!p1 $0x0;
	p2 =	seq.s32 @!p1 s24, $0x0;
	[sflag:s25] =	ssyncset.done @!p0 $0x0  }
0x2f: {  	p2 =	por p1, !p2;
	[sflag:s25] =	ssyncadd.s32 @!p0 $0xFFFFC000;
	s25 =	sadd.s32 @!p1 $0x3400, s29  }
.Ltmp0:
0x30: {  	s31 =	simm.s32 @!p1 $0x10080;
	s29 =	sadd.s32 @!p1 s5, s25;
	(pc) =	sbr.rel @!p2 .LBB2_7-.Ltmp0, $4  }
0x31: {  	[tilespmem:s31], [sflag:$0x2] =	stream.linear.gather @!p1 [hbm4b:s29+s30], $0x80, $0x38;
	[tilespmem:$0x10200] =	vst v63  }
0x32: {  	s25 =	sadd.s32 @!p1 s6, s25;
	s29 =	simm.s32 @!p1 $0x10180  }
0x33: {  	[tilespmem:s29], [sflag:$0x2] =	stream.linear.gather @!p1 [hbm4b:s25+s30], $0x80, $0x38;
	[tilespmem:$0x10200] =	vst v63  }
0x34: {  	s25 =	smov.u32 s10  }
0x35: {  	s25 =	simm.s32 $0x0  }
0x36: {  	v7 =	vld [tilespmem:s25+$0xC000]  }
0x37: {  	v11 =	vld [tilespmem:s25+$0xC010]  }
0x38: {  	v5 =	vld [tilespmem:s25+$0xC020]  }
0x39: {  	v4 =	vld [tilespmem:s25+$0xC030]  }
0x3a: {  	v3 =	vld [tilespmem:s25+$0xC040]  }
0x3b: {  	v2 =	vld [tilespmem:s25+$0xC050]  }
0x3c: {  	v1 =	vld [tilespmem:s25+$0xC060]  }
0x3d: {  	v0 =	vld [tilespmem:s25+$0xC070]  }
0x3e: {  	v12 =	vld [tilespmem:s25+$0x4000]  }
0x3f: {  	v13 =	vld [tilespmem:s25+$0x4010]  }
0x40: {  	v10 =	vld [tilespmem:s25+$0x4020]  }
0x41: {  	v9 =	vld [tilespmem:s25+$0x4030]  }
0x42: {  	v8 =	vld [tilespmem:s25+$0x4040]  }
0x43: {  	v6 =	vld [tilespmem:s25+$0x4050];
	v12 =	vadd.f32 v7, v12  }
0x44: {  	s29 =	simm.s32 $0x200;
	v11 =	vadd.f32 v11, v13;
	v7 =	vld [tilespmem:s25+$0x4060]  }
.LBB2_4:
0x45: {  	s30 =	sshra.s32 s29, $0x2;
	p2 =	sne.s32 s29, $0xFE00;
	[tilespmem:s25+$0x4000] =	vst v12;
	v5 =	vadd.f32 v5, v10;
	v10 =	vld [tilespmem:s25+$0x4070]  }
0x46: {  	v12 =	vld [tilespmem:s30+$0xC000];
	[tilespmem:s25+$0x4010] =	vst v11;
	v4 =	vadd.f32 v4, v9  }
0x47: {  	v11 =	vld [tilespmem:s30+$0xC010];
	[tilespmem:s25+$0x4020] =	vst v5;
	v3 =	vadd.f32 v3, v8  }
0x48: {  	v5 =	vld [tilespmem:s30+$0xC020];
	[tilespmem:s25+$0x4030] =	vst v4;
	v2 =	vadd.f32 v2, v6  }
0x49: {  	v4 =	vld [tilespmem:s30+$0xC030];
	[tilespmem:s25+$0x4040] =	vst v3;
	v1 =	vadd.f32 v1, v7  }
0x4a: {  	v3 =	vld [tilespmem:s30+$0xC040];
	[tilespmem:s25+$0x4050] =	vst v2;
	v0 =	vadd.f32 v0, v10  }
0x4b: {  	v2 =	vld [tilespmem:s30+$0xC050];
	[tilespmem:s25+$0x4060] =	vst v1  }
0x4c: {  	v1 =	vld [tilespmem:s30+$0xC060];
	[tilespmem:s25+$0x4070] =	vst v0;
	s25 =	smov.u32 s30  }
0x4d: {  	v0 =	vld [tilespmem:s25+$0xC070]  }
0x4e: {  	v6 =	vld [tilespmem:s25+$0x4000]  }
0x4f: {  	v7 =	vld [tilespmem:s25+$0x4010]  }
.Ltmp1:
0x50: {  	v10 =	vld [tilespmem:s25+$0x4020];
	(pc) =	sbr.rel @p2 .LBB2_4-.Ltmp1, $4  }
0x51: {  	v9 =	vld [tilespmem:s25+$0x4030]  }
0x52: {  	v8 =	vld [tilespmem:s25+$0x4040]  }
0x53: {  	v12 =	vadd.f32 v12, v6;
	v6 =	vld [tilespmem:s25+$0x4050]  }
0x54: {  	s29 =	sadd.s32 $0x200, s29;
	v11 =	vadd.f32 v11, v7;
	v7 =	vld [tilespmem:s25+$0x4060]  }
0x55: {  	[tilespmem:s25+$0x4000] =	vst v12;
	v5 =	vadd.f32 v5, v10;
	v63 =	vld [tilespmem:s25+$0x4070]  }
0x56: {  	[tilespmem:s25+$0x4010] =	vst v11;
	v4 =	vadd.f32 v4, v9  }
0x57: {  	[tilespmem:s25+$0x4020] =	vst v5;
	v3 =	vadd.f32 v3, v8  }
0x58: {  	[tilespmem:s25+$0x4030] =	vst v4;
	v2 =	vadd.f32 v2, v6  }
.Ltmp2:
0x59: {  	s28 =	sshll.u32 s28, $0xB;
	[tilespmem:s25+$0x4040] =	vst v3;
	v1 =	vadd.f32 v1, v7;
	(pc) =	sbr.rel @p1 .LBB2_8-.Ltmp2, $4  }
0x5a: {  	s28 =	sadd.s32 $0x1FFF0000, s28;
	[tilespmem:s25+$0x4050] =	vst v2;
	v0 =	vadd.f32 v0, v63  }
0x5b: {  	s28 =	sand.u32 $0x1FFFF800, s28;
	[tilespmem:s25+$0x4060] =	vst v1  }
0x5c: {  	s31 =	sadd.s32 s7, s28;
	[tilespmem:s25+$0x4070] =	vst v0;
	s25 =	sor.u32 s4, s26  }
0x5d: {  	[hbm4b:s31+s3] =	stream.linear.scatter [tilespmem:s17], [sflag:$0x6], $0x4000, $0x38;
	[tilespmem:$0x10200] =	vst v63  }
0x5e: {  	s26 =	simm.s32 @!p0 $0x6  }
0x5f: {  	_ =	swait.ge @!p0 [sflag:s26], $0x4000  }
0x60: {  	[sflag:s26] =	ssyncset.done @!p0 $0x0  }
0x61: {  	[sflag:s26] =	ssyncadd.s32 @!p0 $0xFFFFC000  }
.LBB2_7:
0x62: {  	_ =	swait.ge [sflag:s14], $0x80  }
0x63: {  	[sflag:s14] =	ssyncset.done $0x0  }
0x64: {  	[sflag:s14] =	ssyncadd.s32 $0xFFFFFF80  }
0x65: {  	_ =	swait.ge [sflag:s14], $0x80  }
0x66: {  	[sflag:s14] =	ssyncset.done $0x0  }
0x67: {  	[sflag:s14] =	ssyncadd.s32 $0xFFFFFF80  }
0x68: {  	[tilespmem:s17], [sflag:$0x4] =	stream.indirect.gather [hbm4b:s1+s15], $0x80, s16, s15, $0xb8;
	[tilespmem:$0x10200] =	vst v63  }
0x69: {  	_ = 	snop  }
0x6a: {  	[tilespmem:s19], [sflag:$0x4] =	stream.indirect.gather [hbm4b:s1+s15], $0x80, s18, s15, $0xb8;
	[tilespmem:$0x10200] =	vst v63  }
.LBB2_8:
0x6b: {  	_ =	swait.ge [sflag:s20], $0x4000  }
0x6c: {  	[sflag:s20] =	ssyncset.done $0x0  }
0x6d: {  	p0 =	seq.s32 s24, $0xC;
	[sflag:s20] =	ssyncadd.s32 $0xFFFFC000  }
0x6e: {  	s26 =	sshll.u32 @!p0 s25, $0x4;
	_ =	swait.ge [sflag:s20], $0x4000  }
0x6f: {  	s29 =	simm.s32 @!p0 $0x0;
	s26 =	sadd.s32 @!p0 $0x3400, s26;
	[sflag:s20] =	ssyncset.done $0x0  }
0x70: {  	s30 =	simm.s32 @!p0 $0x10000;
	s28 =	sadd.s32 @!p0 s5, s26;
	[sflag:s20] =	ssyncadd.s32 $0xFFFFC000  }
0x71: {  	[tilespmem:s30], [sflag:$0x1] =	stream.linear.gather @!p0 [hbm4b:s28+s29], $0x80, $0x38;
	[tilespmem:$0x10200] =	vst v63  }
0x72: {  	s26 =	sadd.s32 @!p0 s6, s26;
	s28 =	simm.s32 @!p0 $0x10100  }
0x73: {  	[tilespmem:s28], [sflag:$0x1] =	stream.linear.gather @!p0 [hbm4b:s26+s29], $0x80, $0x38;
	[tilespmem:$0x10200] =	vst v63  }
0x74: {  	s26 =	simm.s32 $0x0  }
0x75: {  	v7 =	vld [tilespmem:s26+$0x8000]  }
0x76: {  	v11 =	vld [tilespmem:s26+$0x8010]  }
0x77: {  	v5 =	vld [tilespmem:s26+$0x8020]  }
0x78: {  	v4 =	vld [tilespmem:s26+$0x8030]  }
0x79: {  	v3 =	vld [tilespmem:s26+$0x8040]  }
0x7a: {  	v2 =	vld [tilespmem:s26+$0x8050]  }
0x7b: {  	v1 =	vld [tilespmem:s26+$0x8060]  }
0x7c: {  	v0 =	vld [tilespmem:s26+$0x8070]  }
0x7d: {  	v12 =	vld [tilespmem:s26+$0x0]  }
0x7e: {  	v13 =	vld [tilespmem:s26+$0x10]  }
0x7f: {  	v10 =	vld [tilespmem:s26+$0x20]  }
0x80: {  	v9 =	vld [tilespmem:s26+$0x30]  }
0x81: {  	v8 =	vld [tilespmem:s26+$0x40]  }
0x82: {  	v6 =	vld [tilespmem:s26+$0x50];
	v12 =	vadd.f32 v7, v12  }
0x83: {  	s28 =	simm.s32 $0x200;
	v11 =	vadd.f32 v11, v13;
	v7 =	vld [tilespmem:s26+$0x60]  }
.LBB2_9:
0x84: {  	s29 =	sshra.s32 s28, $0x2;
	p0 =	sne.s32 s28, $0xFE00;
	[tilespmem:s26+$0x0] =	vst v12;
	v5 =	vadd.f32 v5, v10;
	v10 =	vld [tilespmem:s26+$0x70]  }
0x85: {  	v12 =	vld [tilespmem:s29+$0x8000];
	[tilespmem:s26+$0x10] =	vst v11;
	v4 =	vadd.f32 v4, v9  }
0x86: {  	v11 =	vld [tilespmem:s29+$0x8010];
	[tilespmem:s26+$0x20] =	vst v5;
	v3 =	vadd.f32 v3, v8  }
0x87: {  	v5 =	vld [tilespmem:s29+$0x8020];
	[tilespmem:s26+$0x30] =	vst v4;
	v2 =	vadd.f32 v2, v6  }
0x88: {  	v4 =	vld [tilespmem:s29+$0x8030];
	[tilespmem:s26+$0x40] =	vst v3;
	v1 =	vadd.f32 v1, v7  }
0x89: {  	v3 =	vld [tilespmem:s29+$0x8040];
	[tilespmem:s26+$0x50] =	vst v2;
	v0 =	vadd.f32 v0, v10  }
0x8a: {  	v2 =	vld [tilespmem:s29+$0x8050];
	[tilespmem:s26+$0x60] =	vst v1  }
0x8b: {  	v1 =	vld [tilespmem:s29+$0x8060];
	[tilespmem:s26+$0x70] =	vst v0;
	s26 =	smov.u32 s29  }
0x8c: {  	v0 =	vld [tilespmem:s26+$0x8070]  }
0x8d: {  	v6 =	vld [tilespmem:s26+$0x0]  }
0x8e: {  	v7 =	vld [tilespmem:s26+$0x10]  }
.Ltmp3:
0x8f: {  	v10 =	vld [tilespmem:s26+$0x20];
	(pc) =	sbr.rel @p0 .LBB2_9-.Ltmp3, $4  }
0x90: {  	v9 =	vld [tilespmem:s26+$0x30]  }
0x91: {  	v8 =	vld [tilespmem:s26+$0x40]  }
0x92: {  	v12 =	vadd.f32 v12, v6;
	v6 =	vld [tilespmem:s26+$0x50]  }
0x93: {  	s28 =	sadd.s32 $0x200, s28;
	v11 =	vadd.f32 v11, v7;
	v7 =	vld [tilespmem:s26+$0x60]  }
0x94: {  	[tilespmem:s26+$0x0] =	vst v12;
	v5 =	vadd.f32 v5, v10;
	v63 =	vld [tilespmem:s26+$0x70]  }
0x95: {  	[tilespmem:s26+$0x10] =	vst v11;
	v4 =	vadd.f32 v4, v9  }
0x96: {  	s24 =	sadd.s32 $0x1, s24;
	[tilespmem:s26+$0x20] =	vst v5;
	v3 =	vadd.f32 v3, v8  }
0x97: {  	p0 =	sne.s32 s24, $0xD;
	[tilespmem:s26+$0x30] =	vst v4;
	v2 =	vadd.f32 v2, v6  }
.Ltmp4:
0x98: {  	s25 =	sshll.u32 s25, $0xB;
	[tilespmem:s26+$0x40] =	vst v3;
	v1 =	vadd.f32 v1, v7;
	(pc) =	sbr.rel @p0 .LBB2_2-.Ltmp4, $4  }
0x99: {  	s25 =	sadd.s32 $0x1FFF0000, s25;
	[tilespmem:s26+$0x50] =	vst v2;
	v0 =	vadd.f32 v0, v63  }
0x9a: {  	s25 =	sand.u32 $0x1FFEF800, s25;
	[tilespmem:s26+$0x60] =	vst v1  }
0x9b: {  	s25 =	sadd.s32 s7, s25;
	[tilespmem:s26+$0x70] =	vst v0  }
0x9c: {  	[hbm4b:s25+s3] =	stream.linear.scatter [tilespmem:s3], [sflag:$0x5], $0x4000, $0x38;
	[tilespmem:$0x10200] =	vst v63  }
0x9d: {  	s23 =	sadd.s32 $0x1, s23  }
0x9e: {  	_ =	swait.ge [sflag:s21], $0x4000;
	p0 =	sne.s32 s23, s11  }
.Ltmp5:
0x9f: {  	[sflag:s21] =	ssyncset.done $0x0;
	(pc) =	sbr.rel @p0 .LBB2_1-.Ltmp5, $4  }
0xa0: {  	[sflag:s21] =	ssyncadd.s32 $0xFFFFC000  }
0xa1: {  	_ =	swait.ge [sflag:s22], $0x4000  }
0xa2: {  	[sflag:s22] =	ssyncset.done $0x0  }
0xa3: {  	[sflag:s22] =	ssyncadd.s32 $0xFFFFC000  }
0xa4: {  	_ =	sfence.sel $0x180000  }
0xa5: {  	[bflag:$0x0] =	sbarrier.arrive $0xFFFF  }
0xa6: {  	p0 =	sne.s32 s2, $0x0;
	_ =	strace $0x90000047  }
0xa7: {  	s0 =	sadd.s32 @!p0 $0x100000, s0;
	[bflag:$0x2] =	sbarrier.arrive $0xFFFF  }
0xa8: {  	[sflag:s0] =	ssyncadd.tile.s32 @!p0 $0x1;
	_ =	shalt  }
.Lfunc_end2:
_tile_overlayer_lowered:
.L_overlay_start_2:
0xa9: {  	(tag) =	ssettag $0x2  }
0xaa: {  	s0 =	rddreg [dreg:$0x0];
	s2 =	stileid.u32  }
0xab: {  	s1 =	rddreg [dreg:$0x1];
	p0 =	sne.s32 s2, $0x0  }
0xac: {  	s3 =	rddreg [dreg:$0x2];
	[bflag:$0x3] =	sbarrier.arrive $0xFFFF;
	s2 =	simm.s32 @!p0 $0x1C07  }
0xad: {  	[timem:s3], [sflag:s2] =	dma.local @!p0 [hbm:s0], s1  }
0xae: {  	s0 =	simm.s32 @!p0 $0x7  }
0xaf: {  	_ =	swait.ge @!p0 [sflag:s0], s1  }
0xb0: {  	s1 =	ssub.s32 @!p0 $0x0, s1;
	[sflag:s0] =	ssyncset.done @!p0 $0x0  }
0xb1: {  	[sflag:s0] =	ssyncadd.s32 @!p0 s1  }
0xb2: {  	[bflag:$0x3] =	sbarrier.arrive $0xFFFF  }
0xb3: {  	_ =	shalt  }

// kernel: kernel.19.cloned.1.call-start
scs
__scs_entry_jumppad:
0x0: {  	(pc) =	sbr.rel $0x88, $3  }
0x1: {  	(tag) =	ssettag $0x0;
	lr =	simm.s32 $0x1  }
0x2: {  	[smem:$0x3F96] =	sst lr;
	_ =	strace $0xD0000000  }
0x3: {  	_ = 	snop  }
0x4: {  	_ = 	snop  }
0x5: {  	_ = 	snop  }
0x6: {  	_ = 	snop  }
0x7: {  	_ = 	snop  }
__scs_overlays_trampoline_lowered:
0x8: {  	[smem:$0x3FA5] =	sst s0  }
0x9: {  	[smem:$0x3FA6] =	sst s1  }
0xa: {  	[smem:$0x3FA7] =	sst s2  }
0xb: {  	[smem:$0x3FA8] =	sst s3  }
0xc: {  	[smem:$0x3FA9] =	sst s4  }
0xd: {  	[smem:$0x3FAA] =	sst s5  }
0xe: {  	[smem:$0x3FAB] =	sst s6  }
0xf: {  	[smem:$0x3FAC] =	sst s7  }
0x10: {  	[smem:$0x3FAD] =	sst s8  }
0x11: {  	[smem:$0x3FAE] =	sst s9;
	s0 =	simm.s32 @!p0 $0x0  }
0x12: {  	s1 =	sld [smem:$0x3F94];
	s0 =	simm.s32 @p0 $0x1  }
0x13: {  	[smem:$0x3FAF] =	sst s0;
	s0 =	simm.s32 @!p1 $0x0  }
0x14: {  	s2 =	sld [smem:$0x3F93];
	s0 =	simm.s32 @p1 $0x1  }
0x15: {  	[smem:$0x3FB0] =	sst s0;
	s0 =	simm.s32 @!p2 $0x0  }
0x16: {  	s3 =	sld [smem:$0x3FDB];
	s0 =	simm.s32 @p2 $0x1  }
0x17: {  	s4 =	simm.s32 $0x1BF5;
	[smem:$0x3FB2] =	sst s0  }
0x18: {  	s0 =	sld [smem:$0x3F95];
	_ =	swait.ge [sflag:s4], $0x0  }
0x19: {  	s7 =	sld [smem:$0x3F96]  }
0x1a: {  	s8 =	sadd.s32 $0xFFFFE003, lr  }
0x1b: {  	s9 =	sadd.s32 $0xFFFFFEF7, lr;
	s5 =	simm.s32 $0xFFFFFFFF;
	p2 =	slt.u32 s8, $0xFFFFF086  }
0x1c: {  	p1 =	slt.u32 s9, $0xF7A;
	s5 =	simm.s32 @!p2 $0x0  }
0x1d: {  	s5 =	simm.s32 @p1 $0x1;
	p0 =	seq.s32 s7, s2  }
0x1e: {  	s7 =	smul.u32 @!p0 $0xF7A, s2;
	p2 =	seq.s32 @!p0 s5, $0x0  }
0x1f: {  	s9 =	smul.u32 $0xF7A, s1;
	s8 =	simm.s32 @!p0 $0x1BF5;
	p2 =	por !p2, p0  }
0x20: {  	[sflag:s8] =	ssyncset.s32 @!p0 $0xFFFFF086;
	s6 =	sadd.s32 @!p0 s3, s7;
	s7 =	simm.s32 @!p0 $0x108  }
0x21: {  	s3 =	sadd.s32 s3, s9;
	s6 =	sadd.s32 @!p0 $0x88, s6;
	s7 =	simm.s32 @p2 $0x1082  }
0x22: {  	[simem:s7], [sflag:s8] =	dma.local @!p0 [hbm:s6], $0xF7A  }
0x23: {  	s9 =	sor.u32 $0xD0000000, s2;
	s6 =	simm.s32 $0x108;
	_ =	swait.ge @!p0 [sflag:s8], $0x0  }
0x24: {  	s3 =	sadd.s32 $0x88, s3;
	s6 =	simm.s32 @!p1 $0x1082;
	[sflag:s4] =	ssyncset.s32 $0xFFFFF086  }
0x25: {  	[simem:s6], [sflag:s4] =	dma.local [hbm:s3], $0xF7A  }
0x26: {  	[smem:$0x3F96] =	sst s1;
	(tag) =	ssettag s2;
	_ =	strace s9  }
0x27: {  	s1 =	sld [smem:$0x3FA6]  }
0x28: {  	s2 =	sld [smem:$0x3FA7]  }
0x29: {  	s4 =	sld [smem:$0x3FA9]  }
0x2a: {  	p0 =	seq.s32 s5, $0x0;
	s5 =	sld [smem:$0x3FAA]  }
0x2b: {  	s6 =	sld [smem:$0x3FAB]  }
0x2c: {  	s7 =	sld [smem:$0x3FAC]  }
0x2d: {  	s3 =	simm.s32 $0x108;
	s8 =	sld [smem:$0x3FAD]  }
0x2e: {  	s3 =	simm.s32 @!p0 $0x1082;
	s9 =	sld [smem:$0x3FAE]  }
0x2f: {  	lr =	sadd.s32 s0, s3;
	s0 =	sld [smem:$0x3FA5]  }
0x30: {  	s3 =	sld [smem:$0x3FA8]  }
0x31: {  	[smem:$0x3FB1] =	sst s10  }
0x32: {  	s10 =	sld [smem:$0x3FAF];
	_ =	sdelay $0x3  }
0x33: {  	p0 =	seq.s32 s10, $0x1;
	s10 =	sld [smem:$0x3FB1];
	_ =	sdelay $0x3  }
0x34: {  	[smem:$0x3FB1] =	sst s10  }
0x35: {  	s10 =	sld [smem:$0x3FB0];
	_ =	sdelay $0x3  }
0x36: {  	p1 =	seq.s32 s10, $0x1;
	s10 =	sld [smem:$0x3FB1];
	_ =	sdelay $0x3  }
0x37: {  	[smem:$0x3FB1] =	sst s10  }
0x38: {  	s10 =	sld [smem:$0x3FB2]  }
0x39: {  	_ = 	snop;
	(pc) =	sbr.ind lr, $3  }
0x3a: {  	_ = 	snop  }
0x3b: {  	_ = 	snop  }
0x3c: {  	p2 =	seq.s32 s10, $0x1;
	s10 =	sld [smem:$0x3FB1]  }
0x3d: {  	_ =	shalt  }
0x3e: {  	_ =	shalt  }
0x3f: {  	_ =	shalt  }
0x40: {  	_ =	shalt  }
0x41: {  	_ =	shalt  }
0x42: {  	_ =	shalt  }
0x43: {  	_ =	shalt  }
0x44: {  	_ =	shalt  }
0x45: {  	_ =	shalt  }
0x46: {  	_ =	shalt  }
0x47: {  	_ =	shalt  }
0x48: {  	_ =	shalt  }
0x49: {  	_ =	shalt  }
0x4a: {  	_ =	shalt  }
0x4b: {  	_ =	shalt  }
0x4c: {  	_ =	shalt  }
0x4d: {  	_ =	shalt  }
0x4e: {  	_ =	shalt  }
0x4f: {  	_ =	shalt  }
0x50: {  	_ =	shalt  }
0x51: {  	_ =	shalt  }
0x52: {  	_ =	shalt  }
0x53: {  	_ =	shalt  }
0x54: {  	_ =	shalt  }
0x55: {  	_ =	shalt  }
0x56: {  	_ =	shalt  }
0x57: {  	_ =	shalt  }
0x58: {  	_ =	shalt  }
0x59: {  	_ =	shalt  }
0x5a: {  	_ =	shalt  }
0x5b: {  	_ =	shalt  }
0x5c: {  	_ =	shalt  }
0x5d: {  	_ =	shalt  }
0x5e: {  	_ =	shalt  }
0x5f: {  	_ =	shalt  }
0x60: {  	_ =	shalt  }
0x61: {  	_ =	shalt  }
0x62: {  	_ =	shalt  }
0x63: {  	_ =	shalt  }
0x64: {  	_ =	shalt  }
0x65: {  	_ =	shalt  }
0x66: {  	_ =	shalt  }
0x67: {  	_ =	shalt  }
0x68: {  	_ =	shalt  }
0x69: {  	_ =	shalt  }
0x6a: {  	_ =	shalt  }
0x6b: {  	_ =	shalt  }
0x6c: {  	_ =	shalt  }
0x6d: {  	_ =	shalt  }
0x6e: {  	_ =	shalt  }
0x6f: {  	_ =	shalt  }
0x70: {  	_ =	shalt  }
0x71: {  	_ =	shalt  }
0x72: {  	_ =	shalt  }
0x73: {  	_ =	shalt  }
0x74: {  	_ =	shalt  }
0x75: {  	_ =	shalt  }
0x76: {  	_ =	shalt  }
0x77: {  	_ =	shalt  }
0x78: {  	_ =	shalt  }
0x79: {  	_ =	shalt  }
0x7a: {  	_ =	shalt  }
0x7b: {  	_ =	shalt  }
0x7c: {  	_ =	shalt  }
0x7d: {  	_ =	shalt  }
0x7e: {  	_ =	shalt  }
0x7f: {  	_ =	shalt  }
0x80: {  	_ =	shalt  }
0x81: {  	_ =	shalt  }
0x82: {  	_ =	shalt  }
0x83: {  	_ =	shalt  }
0x84: {  	_ =	shalt  }
0x85: {  	_ =	shalt  }
0x86: {  	_ =	shalt  }
0x87: {  	_ =	shalt  }
.Lfunc_end0:
.L_simem_size_0:
called_computation.2_lowered:
.L_overlay_start_0:
0x88: {  	s2 =	sld [smem:$0x3FD9]  }
0x89: {  	s3 =	sld [smem:$0x3FFE];
	_ =	sdelay $0x1  }
0x8a: {  	s1 =	srdreg.scid  }
0x8b: {  	s0 =	sand.u32 $0x1, s1  }
0x8c: {  	s17 =	sshll.u32 s0, $0xA;
	s2 =	sadd.s32 s3, s2  }
0x8d: {  	s2 =	sadd.s32 s2, s17  }
0x8e: {  	[smem:$0x3FBD] =	sst s2  }
0x8f: {  	_ = 	snop  }
0x90: {  	s18 =	sld [smem:$0x3FD0];
	(tm) =	ssettm $0x1  }
0x91: {  	s19 =	sld [smem:$0x3FFB];
	_ =	sdelay $0x3  }
0x92: {  	_ =	strace s19  }
0x93: {  	s2 =	sld [smem:$0x3FFC];
	_ =	sdelay $0x3  }
0x94: {  	_ =	strace s2  }
0x95: {  	s2 =	sld [smem:$0x3FFD];
	_ =	sdelay $0x3  }
0x96: {  	_ =	strace s2  }
0x97: {  	_ =	strace $0x8FFFFFFF  }
0x98: {  	s20 =	sld [smem:$0x3FDB];
	_ =	sdelay $0x1  }
0x99: {  	s4 =	simm.s32 $_scs_section_size  }
0x9a: {  	s5 =	simm.s32 $_size__tile_overlayer_lowered;
	s6 =	simm.s32 $_tile_overlayer_lowered  }
0x9b: {  	s7 =	simm.s32 $0x1BFF;
	s21 =	sshll.u32 s6, $0x1;
	s4 =	sadd.s32 s4, s20  }
0x9c: {  	s22 =	simm.s32 $0x0;
	s5 =	sshll.u32 s5, $0x1;
	s6 =	sadd.s32 s21, s4  }
0x9d: {  	[timem:s22], [sflag:s7] =	dma.local [hbm:s6], s5  }
0x9e: {  	_ =	swait.ge [sflag:s7], s5  }
0x9f: {  	s5 =	ssub.s32 $0x0, s5;
	[sflag:s7] =	ssyncset.done $0x0  }
0xa0: {  	[sflag:s7] =	ssyncadd.s32 s5;
	_ =	sdelay $0x1  }
0xa1: {  	s23 =	simm.s32 $0x1B8B  }
0xa2: {  	_ =	swait.ge [sflag:s23], $0x1  }
0xa3: {  	[sflag:s23] =	ssyncset.done $0x0  }
0xa4: {  	[sflag:s23] =	ssyncadd.s32 $0xFFFFFFFF  }
0xa5: {  	s5 =	sld [smem:$0x0]  }
0xa6: {  	s6 =	sand.u32 $0xFFFFFFFE, s1  }
0xa7: {  	p0 =	sne.s32 s1, s6  }
0xa8: {  	s6 =	sshll.u32 @p0 s6, $0xE  }
0xa9: {  	s6 =	sadd.s32 @p0 $0x11B8D, s6;
	s7 =	sshll.u32 @p0 s5, $0x11  }
0xaa: {  	s6 =	sor.u32 @p0 s7, s6  }
0xab: {  	[sflag:s6] =	ssyncadd.remote.s32 @p0 $0x1;
	_ =	sdelay $0x1  }
0xac: {  	s6 =	simm.s32 @p0 $0x1B8D  }
0xad: {  	_ =	swait.eq @p0 [sflag:s6], $0x1  }
0xae: {  	[sflag:s6] =	ssyncadd.s32 @p0 $0xFFFFFFFF  }
0xaf: {  	s7 =	sshll.u32 @!p0 s1, $0xE  }
0xb0: {  	s7 =	sor.u32 @!p0 $0x4000, s7;
	s6 =	simm.s32 @!p0 $0x1B8D  }
0xb1: {  	s5 =	sshll.u32 @!p0 s5, $0x11;
	s7 =	sadd.s32 @!p0 $0x11B8D, s7;
	_ =	swait.eq @!p0 [sflag:s6], $0x1  }
0xb2: {  	s5 =	sor.u32 @!p0 s5, s7;
	[sflag:s6] =	ssyncadd.s32 @!p0 $0xFFFFFFFF  }
0xb3: {  	s25 =	simm.s32 $0x1B8E;
	s24 =	sld [smem:$0x3FFE];
	[sflag:s5] =	ssyncadd.remote.s32 @!p0 $0x1  }
0xb4: {  	s26 =	simm.s32 $execute0_lowered;
	[smem:$0x3FD2] =	sst s25  }
0xb5: {  	s6 =	sshll.u32 s26, $0x1;
	_ =	strace $0x80000049;
	[dreg:$0x1] =	wrdreg $0xFFFFFFFF  }
0xb6: {  	s28 =	simm.s32 $_size_execute0_lowered;
	s4 =	sadd.s32 s4, s6;
	[dreg:$0x0] =	wrdreg $0x0  }
0xb7: {  	s6 =	sshll.u32 s28, $0x1;
	[dreg:$0x2] =	wrdreg s4  }
0xb8: {  	[dreg:$0x3] =	wrdreg s6  }
0xb9: {  	[dreg:$0x4] =	wrdreg $0xC0  }
0xba: {  	_ =	task [dreg:s22], $0x5FFFF  }
0xbb: {  	[dreg:$0x1] =	wrdreg $0xFFFFFFFF  }
0xbc: {  	[dreg:$0x0] =	wrdreg $0x60  }
0xbd: {  	[dreg:$0x2] =	wrdreg s18  }
0xbe: {  	[dreg:$0x3] =	wrdreg s24  }
0xbf: {  	[dreg:$0x4] =	wrdreg $0xB  }
0xc0: {  	_ =	task.clear_ibuf [dreg:s22], $0x5FFFF;
	_ =	strace $0x90000049  }
0xc1: {  	s29 =	simm.s32 $0xB;
	_ =	strace $0x8000004B  }
0xc2: {  	_ =	swait.ge [sflag:s29], $0x1  }
0xc3: {  	[sflag:s29] =	ssyncadd.s32 $0xFFFFFFFF  }
0xc4: {  	_ =	strace $0x9000004B  }
0xc5: {  	_ =	sfence  }
0xc6: {  	s30 =	sld [smem:$0x0];
	_ =	sdelay $0x2  }
0xc7: {  	s31 =	sshll.u32 s1, $0xD;
	s1 =	sshrl.u32 s1, $0x2  }
0xc8: {  	s4 =	sand.u32 $0x4000, s31;
	s1 =	sadd.s32 s1, s30  }
0xc9: {  	s0 =	sor.u32 s4, s0;
	s1 =	sshll.u32 s1, $0x11  }
0xca: {  	s0 =	sor.u32 s1, s0  }
0xcb: {  	s0 =	sadd.s32 $0x8F2B, s0  }
0xcc: {  	[sflag:s0] =	ssyncadd.remote.s32 $0x1  }
0xcd: {  	_ =	sfence.sel $0xFFFF  }
0xce: {  	[dreg:$0x0] =	wrdreg $0xFFFFFFFF;
	(pc) =	sbr.abs _section_cstart, $3  }
0xcf: {  	[dreg:$0x1] =	wrdreg $0xFFFFFFFF  }
0xd0: {  	_ =	task.clear_ibuf [dreg:s22], $0x2FFFF;
	_ =	strace $0x9FFFFFFF  }
0xd1: {  	(tm) =	ssettm $0x7FFFFFFF  }
tec
execute0_lowered:
.L_overlay_start_1:
0x0: {  	(tag) =	ssettag $0x1  }
0x1: {  	s1 =	rddreg [dreg:$0x0]  }
0x2: {  	s7 =	rddreg [dreg:$0x1]  }
0x3: {  	s0 =	rddreg [dreg:$0x2];
	s3 =	simm.s32 $0x0;
	s4 =	srdreg.scid  }
0x4: {  	s2 =	stileid.u32;
	s12 =	simm.s32 $0x10000;
	s13 =	simm.s32 $0x10100  }
0x5: {  	s14 =	simm.s32 $0x2;
	s15 =	simm.s32 $0x80;
	s16 =	simm.s32 $0x10080  }
0x6: {  	s17 =	simm.s32 $0x4000;
	s18 =	simm.s32 $0x10180;
	s19 =	simm.s32 $0xC000  }
0x7: {  	s20 =	simm.s32 $0x3;
	s21 =	simm.s32 $0x5;
	s22 =	simm.s32 $0x6  }
0x8: {  	s23 =	simm.s32 $0x0;
	[smem:$0x7FF] =	sst s3;
	s6 =	sand.u32 $0x1, s4  }
0x9: {  	s31 =	sshll.u32 s2, $0x1;
	s5 =	sadd.s32 $0xD000, s7;
	_ =	strace $0x8000004A  }
0xa: {  	s4 =	sor.u32 s6, s31;
	s8 =	ssub.s32 $0x2, s6;
	s6 =	sadd.s32 $0x3200, s7  }
0xb: {  	s7 =	sadd.s32 $0x1A6E00, s7;
	s9 =	sshll.u32 s4, $0x4;
	s10 =	sshrl.u32 s8, $0x1  }
0xc: {  	s9 =	sor.u32 $0x6400, s9;
	s11 =	ssub.s32 s8, s10;
	s10 =	sor.u32 $0x20, s4  }
0xd: {  	s8 =	sadd.s32 s5, s9;
	s9 =	sadd.s32 s6, s9;
	s11 =	smax.u32 s11, $0x1  }
.LBB2_1:
0xe: {  	[tilespmem:s12], [sflag:$0x1] =	stream.linear.gather [hbm4b:s8+s3], $0x80, $0x38;
	[tilespmem:$0x10200] =	vst v63  }
0xf: {  	s24 =	simm.s32 $0x0  }
0x10: {  	[tilespmem:s13], [sflag:$0x1] =	stream.linear.gather [hbm4b:s9+s3], $0x80, $0x38;
	[tilespmem:$0x10200] =	vst v63  }
.LBB2_2:
0x11: {  	p0 =	seq.s32 s24, $0x0  }
0x12: {  	s25 =	simm.s32 @p0 $0x1  }
0x13: {  	_ =	swait.ge @p0 [sflag:s25], $0x80  }
0x14: {  	[sflag:s25] =	ssyncset.done @p0 $0x0  }
0x15: {  	[sflag:s25] =	ssyncadd.s32 @p0 $0xFFFFFF80  }
0x16: {  	_ =	swait.ge @p0 [sflag:s25], $0x80  }
0x17: {  	s26 =	simm.s32 @p0 $0x10000;
	[sflag:s25] =	ssyncset.done @p0 $0x0  }
0x18: {  	s28 =	simm.s32 @p0 $0x0;
	[sflag:s25] =	ssyncadd.s32 @p0 $0xFFFFFF80;
	s25 =	simm.s32 @p0 $0x80  }
0x19: {  	[tilespmem:s28], [sflag:$0x3] =	stream.indirect.gather @p0 [hbm4b:s1+s25], $0x80, s26, s25, $0xb8;
	[tilespmem:$0x10200] =	vst v63  }
0x1a: {  	s26 =	simm.s32 @p0 $0x10100;
	s28 =	simm.s32 @p0 $0x8000  }
0x1b: {  	[tilespmem:s28], [sflag:$0x3] =	stream.indirect.gather @p0 [hbm4b:s1+s25], $0x80, s26, s25, $0xb8;
	[tilespmem:$0x10200] =	vst v63  }
0x1c: {  	s25 =	simm.s32 @!p0 $0x5  }
0x1d: {  	_ =	swait.ge @!p0 [sflag:s25], $0x4000  }
0x1e: {  	[sflag:s25] =	ssyncset.done @!p0 $0x0  }
0x1f: {  	[sflag:s25] =	ssyncadd.s32 @!p0 $0xFFFFC000;
	s25 =	simm.s32 @!p0 $0x1  }
0x20: {  	_ =	swait.ge @!p0 [sflag:s25], $0x80  }
0x21: {  	[sflag:s25] =	ssyncset.done @!p0 $0x0  }
0x22: {  	[sflag:s25] =	ssyncadd.s32 @!p0 $0xFFFFFF80  }
0x23: {  	_ =	swait.ge @!p0 [sflag:s25], $0x80  }
0x24: {  	s26 =	simm.s32 @!p0 $0x10000;
	[sflag:s25] =	ssyncset.done @!p0 $0x0  }
0x25: {  	s28 =	simm.s32 @!p0 $0x0;
	[sflag:s25] =	ssyncadd.s32 @!p0 $0xFFFFFF80;
	s25 =	simm.s32 @!p0 $0x80  }
0x26: {  	[tilespmem:s28], [sflag:$0x3] =	stream.indirect.gather @!p0 [hbm4b:s1+s25], $0x80, s26, s25, $0xb8;
	[tilespmem:$0x10200] =	vst v63  }
0x27: {  	s26 =	simm.s32 @!p0 $0x10100;
	s28 =	simm.s32 @!p0 $0x8000  }
0x28: {  	[tilespmem:s28], [sflag:$0x3] =	stream.indirect.gather @!p0 [hbm4b:s1+s25], $0x80, s26, s25, $0xb8;
	[tilespmem:$0x10200] =	vst v63  }
0x29: {  	s25 =	simm.s32 @!p0 $0x4  }
0x2a: {  	s28 =	sshll.u32 s24, $0x6;
	_ =	swait.ge @!p0 [sflag:s25], $0x4000  }
0x2b: {  	s26 =	sor.u32 $0x20, s28;
	[sflag:s25] =	ssyncset.done @!p0 $0x0  }
0x2c: {  	s28 =	sor.u32 s4, s28;
	p1 =	sgt.u32 s26, $0x31F;
	[sflag:s25] =	ssyncadd.s32 @!p0 $0xFFFFC000  }
0x2d: {  	s29 =	sshll.u32 @!p1 s28, $0x4;
	_ =	swait.ge @!p0 [sflag:s25], $0x4000  }
0x2e: {  	s30 =	simm.s32 @!p1 $0x0;
	p2 =	seq.s32 @!p1 s24, $0x0;
	[sflag:s25] =	ssyncset.done @!p0 $0x0  }
0x2f: {  	p2 =	por p1, !p2;
	[sflag:s25] =	ssyncadd.s32 @!p0 $0xFFFFC000;
	s25 =	sadd.s32 @!p1 $0x6600, s29  }
.Ltmp0:
0x30: {  	s31 =	simm.s32 @!p1 $0x10080;
	s29 =	sadd.s32 @!p1 s5, s25;
	(pc) =	sbr.rel @!p2 .LBB2_7-.Ltmp0, $4  }
0x31: {  	[tilespmem:s31], [sflag:$0x2] =	stream.linear.gather @!p1 [hbm4b:s29+s30], $0x80, $0x38;
	[tilespmem:$0x10200] =	vst v63  }
0x32: {  	s25 =	sadd.s32 @!p1 s6, s25;
	s29 =	simm.s32 @!p1 $0x10180  }
0x33: {  	[tilespmem:s29], [sflag:$0x2] =	stream.linear.gather @!p1 [hbm4b:s25+s30], $0x80, $0x38;
	[tilespmem:$0x10200] =	vst v63  }
0x34: {  	s25 =	smov.u32 s10  }
0x35: {  	s25 =	simm.s32 $0x0  }
0x36: {  	v7 =	vld [tilespmem:s25+$0xC000]  }
0x37: {  	v11 =	vld [tilespmem:s25+$0xC010]  }
0x38: {  	v5 =	vld [tilespmem:s25+$0xC020]  }
0x39: {  	v4 =	vld [tilespmem:s25+$0xC030]  }
0x3a: {  	v3 =	vld [tilespmem:s25+$0xC040]  }
0x3b: {  	v2 =	vld [tilespmem:s25+$0xC050]  }
0x3c: {  	v1 =	vld [tilespmem:s25+$0xC060]  }
0x3d: {  	v0 =	vld [tilespmem:s25+$0xC070]  }
0x3e: {  	v12 =	vld [tilespmem:s25+$0x4000]  }
0x3f: {  	v13 =	vld [tilespmem:s25+$0x4010]  }
0x40: {  	v10 =	vld [tilespmem:s25+$0x4020]  }
0x41: {  	v9 =	vld [tilespmem:s25+$0x4030]  }
0x42: {  	v8 =	vld [tilespmem:s25+$0x4040]  }
0x43: {  	v6 =	vld [tilespmem:s25+$0x4050];
	v12 =	vadd.f32 v7, v12  }
0x44: {  	s29 =	simm.s32 $0x200;
	v11 =	vadd.f32 v11, v13;
	v7 =	vld [tilespmem:s25+$0x4060]  }
.LBB2_4:
0x45: {  	s30 =	sshra.s32 s29, $0x2;
	p2 =	sne.s32 s29, $0xFE00;
	[tilespmem:s25+$0x4000] =	vst v12;
	v5 =	vadd.f32 v5, v10;
	v10 =	vld [tilespmem:s25+$0x4070]  }
0x46: {  	v12 =	vld [tilespmem:s30+$0xC000];
	[tilespmem:s25+$0x4010] =	vst v11;
	v4 =	vadd.f32 v4, v9  }
0x47: {  	v11 =	vld [tilespmem:s30+$0xC010];
	[tilespmem:s25+$0x4020] =	vst v5;
	v3 =	vadd.f32 v3, v8  }
0x48: {  	v5 =	vld [tilespmem:s30+$0xC020];
	[tilespmem:s25+$0x4030] =	vst v4;
	v2 =	vadd.f32 v2, v6  }
0x49: {  	v4 =	vld [tilespmem:s30+$0xC030];
	[tilespmem:s25+$0x4040] =	vst v3;
	v1 =	vadd.f32 v1, v7  }
0x4a: {  	v3 =	vld [tilespmem:s30+$0xC040];
	[tilespmem:s25+$0x4050] =	vst v2;
	v0 =	vadd.f32 v0, v10  }
0x4b: {  	v2 =	vld [tilespmem:s30+$0xC050];
	[tilespmem:s25+$0x4060] =	vst v1  }
0x4c: {  	v1 =	vld [tilespmem:s30+$0xC060];
	[tilespmem:s25+$0x4070] =	vst v0;
	s25 =	smov.u32 s30  }
0x4d: {  	v0 =	vld [tilespmem:s25+$0xC070]  }
0x4e: {  	v6 =	vld [tilespmem:s25+$0x4000]  }
0x4f: {  	v7 =	vld [tilespmem:s25+$0x4010]  }
.Ltmp1:
0x50: {  	v10 =	vld [tilespmem:s25+$0x4020];
	(pc) =	sbr.rel @p2 .LBB2_4-.Ltmp1, $4  }
0x51: {  	v9 =	vld [tilespmem:s25+$0x4030]  }
0x52: {  	v8 =	vld [tilespmem:s25+$0x4040]  }
0x53: {  	v12 =	vadd.f32 v12, v6;
	v6 =	vld [tilespmem:s25+$0x4050]  }
0x54: {  	s29 =	sadd.s32 $0x200, s29;
	v11 =	vadd.f32 v11, v7;
	v7 =	vld [tilespmem:s25+$0x4060]  }
0x55: {  	[tilespmem:s25+$0x4000] =	vst v12;
	v5 =	vadd.f32 v5, v10;
	v63 =	vld [tilespmem:s25+$0x4070]  }
0x56: {  	[tilespmem:s25+$0x4010] =	vst v11;
	v4 =	vadd.f32 v4, v9  }
0x57: {  	[tilespmem:s25+$0x4020] =	vst v5;
	v3 =	vadd.f32 v3, v8  }
0x58: {  	[tilespmem:s25+$0x4030] =	vst v4;
	v2 =	vadd.f32 v2, v6  }
.Ltmp2:
0x59: {  	s28 =	sshll.u32 s28, $0xB;
	[tilespmem:s25+$0x4040] =	vst v3;
	v1 =	vadd.f32 v1, v7;
	(pc) =	sbr.rel @p1 .LBB2_8-.Ltmp2, $4  }
0x5a: {  	s28 =	sadd.s32 $0x1FFF0000, s28;
	[tilespmem:s25+$0x4050] =	vst v2;
	v0 =	vadd.f32 v0, v63  }
0x5b: {  	s28 =	sand.u32 $0x1FFFF800, s28;
	[tilespmem:s25+$0x4060] =	vst v1  }
0x5c: {  	s31 =	sadd.s32 s7, s28;
	[tilespmem:s25+$0x4070] =	vst v0;
	s25 =	sor.u32 s4, s26  }
0x5d: {  	[hbm4b:s31+s3] =	stream.linear.scatter [tilespmem:s17], [sflag:$0x6], $0x4000, $0x38;
	[tilespmem:$0x10200] =	vst v63  }
0x5e: {  	s26 =	simm.s32 @!p0 $0x6  }
0x5f: {  	_ =	swait.ge @!p0 [sflag:s26], $0x4000  }
0x60: {  	[sflag:s26] =	ssyncset.done @!p0 $0x0  }
0x61: {  	[sflag:s26] =	ssyncadd.s32 @!p0 $0xFFFFC000  }
.LBB2_7:
0x62: {  	_ =	swait.ge [sflag:s14], $0x80  }
0x63: {  	[sflag:s14] =	ssyncset.done $0x0  }
0x64: {  	[sflag:s14] =	ssyncadd.s32 $0xFFFFFF80  }
0x65: {  	_ =	swait.ge [sflag:s14], $0x80  }
0x66: {  	[sflag:s14] =	ssyncset.done $0x0  }
0x67: {  	[sflag:s14] =	ssyncadd.s32 $0xFFFFFF80  }
0x68: {  	[tilespmem:s17], [sflag:$0x4] =	stream.indirect.gather [hbm4b:s1+s15], $0x80, s16, s15, $0xb8;
	[tilespmem:$0x10200] =	vst v63  }
0x69: {  	_ = 	snop  }
0x6a: {  	[tilespmem:s19], [sflag:$0x4] =	stream.indirect.gather [hbm4b:s1+s15], $0x80, s18, s15, $0xb8;
	[tilespmem:$0x10200] =	vst v63  }
.LBB2_8:
0x6b: {  	_ =	swait.ge [sflag:s20], $0x4000  }
0x6c: {  	[sflag:s20] =	ssyncset.done $0x0  }
0x6d: {  	p0 =	seq.s32 s24, $0xC;
	[sflag:s20] =	ssyncadd.s32 $0xFFFFC000  }
0x6e: {  	s26 =	sshll.u32 @!p0 s25, $0x4;
	_ =	swait.ge [sflag:s20], $0x4000  }
0x6f: {  	s29 =	simm.s32 @!p0 $0x0;
	s26 =	sadd.s32 @!p0 $0x6600, s26;
	[sflag:s20] =	ssyncset.done $0x0  }
0x70: {  	s30 =	simm.s32 @!p0 $0x10000;
	s28 =	sadd.s32 @!p0 s5, s26;
	[sflag:s20] =	ssyncadd.s32 $0xFFFFC000  }
0x71: {  	[tilespmem:s30], [sflag:$0x1] =	stream.linear.gather @!p0 [hbm4b:s28+s29], $0x80, $0x38;
	[tilespmem:$0x10200] =	vst v63  }
0x72: {  	s26 =	sadd.s32 @!p0 s6, s26;
	s28 =	simm.s32 @!p0 $0x10100  }
0x73: {  	[tilespmem:s28], [sflag:$0x1] =	stream.linear.gather @!p0 [hbm4b:s26+s29], $0x80, $0x38;
	[tilespmem:$0x10200] =	vst v63  }
0x74: {  	s26 =	simm.s32 $0x0  }
0x75: {  	v7 =	vld [tilespmem:s26+$0x8000]  }
0x76: {  	v11 =	vld [tilespmem:s26+$0x8010]  }
0x77: {  	v5 =	vld [tilespmem:s26+$0x8020]  }
0x78: {  	v4 =	vld [tilespmem:s26+$0x8030]  }
0x79: {  	v3 =	vld [tilespmem:s26+$0x8040]  }
0x7a: {  	v2 =	vld [tilespmem:s26+$0x8050]  }
0x7b: {  	v1 =	vld [tilespmem:s26+$0x8060]  }
0x7c: {  	v0 =	vld [tilespmem:s26+$0x8070]  }
0x7d: {  	v12 =	vld [tilespmem:s26+$0x0]  }
0x7e: {  	v13 =	vld [tilespmem:s26+$0x10]  }
0x7f: {  	v10 =	vld [tilespmem:s26+$0x20]  }
0x80: {  	v9 =	vld [tilespmem:s26+$0x30]  }
0x81: {  	v8 =	vld [tilespmem:s26+$0x40]  }
0x82: {  	v6 =	vld [tilespmem:s26+$0x50];
	v12 =	vadd.f32 v7, v12  }
0x83: {  	s28 =	simm.s32 $0x200;
	v11 =	vadd.f32 v11, v13;
	v7 =	vld [tilespmem:s26+$0x60]  }
.LBB2_9:
0x84: {  	s29 =	sshra.s32 s28, $0x2;
	p0 =	sne.s32 s28, $0xFE00;
	[tilespmem:s26+$0x0] =	vst v12;
	v5 =	vadd.f32 v5, v10;
	v10 =	vld [tilespmem:s26+$0x70]  }
0x85: {  	v12 =	vld [tilespmem:s29+$0x8000];
	[tilespmem:s26+$0x10] =	vst v11;
	v4 =	vadd.f32 v4, v9  }
0x86: {  	v11 =	vld [tilespmem:s29+$0x8010];
	[tilespmem:s26+$0x20] =	vst v5;
	v3 =	vadd.f32 v3, v8  }
0x87: {  	v5 =	vld [tilespmem:s29+$0x8020];
	[tilespmem:s26+$0x30] =	vst v4;
	v2 =	vadd.f32 v2, v6  }
0x88: {  	v4 =	vld [tilespmem:s29+$0x8030];
	[tilespmem:s26+$0x40] =	vst v3;
	v1 =	vadd.f32 v1, v7  }
0x89: {  	v3 =	vld [tilespmem:s29+$0x8040];
	[tilespmem:s26+$0x50] =	vst v2;
	v0 =	vadd.f32 v0, v10  }
0x8a: {  	v2 =	vld [tilespmem:s29+$0x8050];
	[tilespmem:s26+$0x60] =	vst v1  }
0x8b: {  	v1 =	vld [tilespmem:s29+$0x8060];
	[tilespmem:s26+$0x70] =	vst v0;
	s26 =	smov.u32 s29  }
0x8c: {  	v0 =	vld [tilespmem:s26+$0x8070]  }
0x8d: {  	v6 =	vld [tilespmem:s26+$0x0]  }
0x8e: {  	v7 =	vld [tilespmem:s26+$0x10]  }
.Ltmp3:
0x8f: {  	v10 =	vld [tilespmem:s26+$0x20];
	(pc) =	sbr.rel @p0 .LBB2_9-.Ltmp3, $4  }
0x90: {  	v9 =	vld [tilespmem:s26+$0x30]  }
0x91: {  	v8 =	vld [tilespmem:s26+$0x40]  }
0x92: {  	v12 =	vadd.f32 v12, v6;
	v6 =	vld [tilespmem:s26+$0x50]  }
0x93: {  	s28 =	sadd.s32 $0x200, s28;
	v11 =	vadd.f32 v11, v7;
	v7 =	vld [tilespmem:s26+$0x60]  }
0x94: {  	[tilespmem:s26+$0x0] =	vst v12;
	v5 =	vadd.f32 v5, v10;
	v63 =	vld [tilespmem:s26+$0x70]  }
0x95: {  	[tilespmem:s26+$0x10] =	vst v11;
	v4 =	vadd.f32 v4, v9  }
0x96: {  	s24 =	sadd.s32 $0x1, s24;
	[tilespmem:s26+$0x20] =	vst v5;
	v3 =	vadd.f32 v3, v8  }
0x97: {  	p0 =	sne.s32 s24, $0xD;
	[tilespmem:s26+$0x30] =	vst v4;
	v2 =	vadd.f32 v2, v6  }
.Ltmp4:
0x98: {  	s25 =	sshll.u32 s25, $0xB;
	[tilespmem:s26+$0x40] =	vst v3;
	v1 =	vadd.f32 v1, v7;
	(pc) =	sbr.rel @p0 .LBB2_2-.Ltmp4, $4  }
0x99: {  	s25 =	sadd.s32 $0x1FFF0000, s25;
	[tilespmem:s26+$0x50] =	vst v2;
	v0 =	vadd.f32 v0, v63  }
0x9a: {  	s25 =	sand.u32 $0x1FFEF800, s25;
	[tilespmem:s26+$0x60] =	vst v1  }
0x9b: {  	s25 =	sadd.s32 s7, s25;
	[tilespmem:s26+$0x70] =	vst v0  }
0x9c: {  	[hbm4b:s25+s3] =	stream.linear.scatter [tilespmem:s3], [sflag:$0x5], $0x4000, $0x38;
	[tilespmem:$0x10200] =	vst v63  }
0x9d: {  	s23 =	sadd.s32 $0x1, s23  }
0x9e: {  	_ =	swait.ge [sflag:s21], $0x4000;
	p0 =	sne.s32 s23, s11  }
.Ltmp5:
0x9f: {  	[sflag:s21] =	ssyncset.done $0x0;
	(pc) =	sbr.rel @p0 .LBB2_1-.Ltmp5, $4  }
0xa0: {  	[sflag:s21] =	ssyncadd.s32 $0xFFFFC000  }
0xa1: {  	_ =	swait.ge [sflag:s22], $0x4000  }
0xa2: {  	[sflag:s22] =	ssyncset.done $0x0  }
0xa3: {  	[sflag:s22] =	ssyncadd.s32 $0xFFFFC000  }
0xa4: {  	_ =	sfence.sel $0x180000  }
0xa5: {  	[bflag:$0x0] =	sbarrier.arrive $0xFFFF  }
0xa6: {  	p0 =	sne.s32 s2, $0x0;
	_ =	strace $0x9000004A  }
0xa7: {  	s0 =	sadd.s32 @!p0 $0x100000, s0;
	[bflag:$0x2] =	sbarrier.arrive $0xFFFF  }
0xa8: {  	[sflag:s0] =	ssyncadd.tile.s32 @!p0 $0x1;
	_ =	shalt  }
.Lfunc_end2:
_tile_overlayer_lowered:
.L_overlay_start_2:
0xa9: {  	(tag) =	ssettag $0x2  }
0xaa: {  	s0 =	rddreg [dreg:$0x0];
	s2 =	stileid.u32  }
0xab: {  	s1 =	rddreg [dreg:$0x1];
	p0 =	sne.s32 s2, $0x0  }
0xac: {  	s3 =	rddreg [dreg:$0x2];
	[bflag:$0x3] =	sbarrier.arrive $0xFFFF;
	s2 =	simm.s32 @!p0 $0x1C07  }
0xad: {  	[timem:s3], [sflag:s2] =	dma.local @!p0 [hbm:s0], s1  }
0xae: {  	s0 =	simm.s32 @!p0 $0x7  }
0xaf: {  	_ =	swait.ge @!p0 [sflag:s0], s1  }
0xb0: {  	s1 =	ssub.s32 @!p0 $0x0, s1;
	[sflag:s0] =	ssyncset.done @!p0 $0x0  }
0xb1: {  	[sflag:s0] =	ssyncadd.s32 @!p0 s1  }
0xb2: {  	[bflag:$0x3] =	sbarrier.arrive $0xFFFF  }
0xb3: {  	_ =	shalt  }

// kernel: kernel.22.cloned.1.call-start
scs
__scs_entry_jumppad:
0x0: {  	(pc) =	sbr.rel $0x88, $3  }
0x1: {  	(tag) =	ssettag $0x0;
	lr =	simm.s32 $0x1  }
0x2: {  	[smem:$0x3F96] =	sst lr;
	_ =	strace $0xD0000000  }
0x3: {  	_ = 	snop  }
0x4: {  	_ = 	snop  }
0x5: {  	_ = 	snop  }
0x6: {  	_ = 	snop  }
0x7: {  	_ = 	snop  }
__scs_overlays_trampoline_lowered:
0x8: {  	[smem:$0x3FA5] =	sst s0  }
0x9: {  	[smem:$0x3FA6] =	sst s1  }
0xa: {  	[smem:$0x3FA7] =	sst s2  }
0xb: {  	[smem:$0x3FA8] =	sst s3  }
0xc: {  	[smem:$0x3FA9] =	sst s4  }
0xd: {  	[smem:$0x3FAA] =	sst s5  }
0xe: {  	[smem:$0x3FAB] =	sst s6  }
0xf: {  	[smem:$0x3FAC] =	sst s7  }
0x10: {  	[smem:$0x3FAD] =	sst s8  }
0x11: {  	[smem:$0x3FAE] =	sst s9;
	s0 =	simm.s32 @!p0 $0x0  }
0x12: {  	s1 =	sld [smem:$0x3F94];
	s0 =	simm.s32 @p0 $0x1  }
0x13: {  	[smem:$0x3FAF] =	sst s0;
	s0 =	simm.s32 @!p1 $0x0  }
0x14: {  	s2 =	sld [smem:$0x3F93];
	s0 =	simm.s32 @p1 $0x1  }
0x15: {  	[smem:$0x3FB0] =	sst s0;
	s0 =	simm.s32 @!p2 $0x0  }
0x16: {  	s3 =	sld [smem:$0x3FDB];
	s0 =	simm.s32 @p2 $0x1  }
0x17: {  	s4 =	simm.s32 $0x1BF5;
	[smem:$0x3FB2] =	sst s0  }
0x18: {  	s0 =	sld [smem:$0x3F95];
	_ =	swait.ge [sflag:s4], $0x0  }
0x19: {  	s7 =	sld [smem:$0x3F96]  }
0x1a: {  	s8 =	sadd.s32 $0xFFFFE003, lr  }
0x1b: {  	s9 =	sadd.s32 $0xFFFFFEF7, lr;
	s5 =	simm.s32 $0xFFFFFFFF;
	p2 =	slt.u32 s8, $0xFFFFF086  }
0x1c: {  	p1 =	slt.u32 s9, $0xF7A;
	s5 =	simm.s32 @!p2 $0x0  }
0x1d: {  	s5 =	simm.s32 @p1 $0x1;
	p0 =	seq.s32 s7, s2  }
0x1e: {  	s7 =	smul.u32 @!p0 $0xF7A, s2;
	p2 =	seq.s32 @!p0 s5, $0x0  }
0x1f: {  	s9 =	smul.u32 $0xF7A, s1;
	s8 =	simm.s32 @!p0 $0x1BF5;
	p2 =	por !p2, p0  }
0x20: {  	[sflag:s8] =	ssyncset.s32 @!p0 $0xFFFFF086;
	s6 =	sadd.s32 @!p0 s3, s7;
	s7 =	simm.s32 @!p0 $0x108  }
0x21: {  	s3 =	sadd.s32 s3, s9;
	s6 =	sadd.s32 @!p0 $0x88, s6;
	s7 =	simm.s32 @p2 $0x1082  }
0x22: {  	[simem:s7], [sflag:s8] =	dma.local @!p0 [hbm:s6], $0xF7A  }
0x23: {  	s9 =	sor.u32 $0xD0000000, s2;
	s6 =	simm.s32 $0x108;
	_ =	swait.ge @!p0 [sflag:s8], $0x0  }
0x24: {  	s3 =	sadd.s32 $0x88, s3;
	s6 =	simm.s32 @!p1 $0x1082;
	[sflag:s4] =	ssyncset.s32 $0xFFFFF086  }
0x25: {  	[simem:s6], [sflag:s4] =	dma.local [hbm:s3], $0xF7A  }
0x26: {  	[smem:$0x3F96] =	sst s1;
	(tag) =	ssettag s2;
	_ =	strace s9  }
0x27: {  	s1 =	sld [smem:$0x3FA6]  }
0x28: {  	s2 =	sld [smem:$0x3FA7]  }
0x29: {  	s4 =	sld [smem:$0x3FA9]  }
0x2a: {  	p0 =	seq.s32 s5, $0x0;
	s5 =	sld [smem:$0x3FAA]  }
0x2b: {  	s6 =	sld [smem:$0x3FAB]  }
0x2c: {  	s7 =	sld [smem:$0x3FAC]  }
0x2d: {  	s3 =	simm.s32 $0x108;
	s8 =	sld [smem:$0x3FAD]  }
0x2e: {  	s3 =	simm.s32 @!p0 $0x1082;
	s9 =	sld [smem:$0x3FAE]  }
0x2f: {  	lr =	sadd.s32 s0, s3;
	s0 =	sld [smem:$0x3FA5]  }
0x30: {  	s3 =	sld [smem:$0x3FA8]  }
0x31: {  	[smem:$0x3FB1] =	sst s10  }
0x32: {  	s10 =	sld [smem:$0x3FAF];
	_ =	sdelay $0x3  }
0x33: {  	p0 =	seq.s32 s10, $0x1;
	s10 =	sld [smem:$0x3FB1];
	_ =	sdelay $0x3  }
0x34: {  	[smem:$0x3FB1] =	sst s10  }
0x35: {  	s10 =	sld [smem:$0x3FB0];
	_ =	sdelay $0x3  }
0x36: {  	p1 =	seq.s32 s10, $0x1;
	s10 =	sld [smem:$0x3FB1];
	_ =	sdelay $0x3  }
0x37: {  	[smem:$0x3FB1] =	sst s10  }
0x38: {  	s10 =	sld [smem:$0x3FB2]  }
0x39: {  	_ = 	snop;
	(pc) =	sbr.ind lr, $3  }
0x3a: {  	_ = 	snop  }
0x3b: {  	_ = 	snop  }
0x3c: {  	p2 =	seq.s32 s10, $0x1;
	s10 =	sld [smem:$0x3FB1]  }
0x3d: {  	_ =	shalt  }
0x3e: {  	_ =	shalt  }
0x3f: {  	_ =	shalt  }
0x40: {  	_ =	shalt  }
0x41: {  	_ =	shalt  }
0x42: {  	_ =	shalt  }
0x43: {  	_ =	shalt  }
0x44: {  	_ =	shalt  }
0x45: {  	_ =	shalt  }
0x46: {  	_ =	shalt  }
0x47: {  	_ =	shalt  }
0x48: {  	_ =	shalt  }
0x49: {  	_ =	shalt  }
0x4a: {  	_ =	shalt  }
0x4b: {  	_ =	shalt  }
0x4c: {  	_ =	shalt  }
0x4d: {  	_ =	shalt  }
0x4e: {  	_ =	shalt  }
0x4f: {  	_ =	shalt  }
0x50: {  	_ =	shalt  }
0x51: {  	_ =	shalt  }
0x52: {  	_ =	shalt  }
0x53: {  	_ =	shalt  }
0x54: {  	_ =	shalt  }
0x55: {  	_ =	shalt  }
0x56: {  	_ =	shalt  }
0x57: {  	_ =	shalt  }
0x58: {  	_ =	shalt  }
0x59: {  	_ =	shalt  }
0x5a: {  	_ =	shalt  }
0x5b: {  	_ =	shalt  }
0x5c: {  	_ =	shalt  }
0x5d: {  	_ =	shalt  }
0x5e: {  	_ =	shalt  }
0x5f: {  	_ =	shalt  }
0x60: {  	_ =	shalt  }
0x61: {  	_ =	shalt  }
0x62: {  	_ =	shalt  }
0x63: {  	_ =	shalt  }
0x64: {  	_ =	shalt  }
0x65: {  	_ =	shalt  }
0x66: {  	_ =	shalt  }
0x67: {  	_ =	shalt  }
0x68: {  	_ =	shalt  }
0x69: {  	_ =	shalt  }
0x6a: {  	_ =	shalt  }
0x6b: {  	_ =	shalt  }
0x6c: {  	_ =	shalt  }
0x6d: {  	_ =	shalt  }
0x6e: {  	_ =	shalt  }
0x6f: {  	_ =	shalt  }
0x70: {  	_ =	shalt  }
0x71: {  	_ =	shalt  }
0x72: {  	_ =	shalt  }
0x73: {  	_ =	shalt  }
0x74: {  	_ =	shalt  }
0x75: {  	_ =	shalt  }
0x76: {  	_ =	shalt  }
0x77: {  	_ =	shalt  }
0x78: {  	_ =	shalt  }
0x79: {  	_ =	shalt  }
0x7a: {  	_ =	shalt  }
0x7b: {  	_ =	shalt  }
0x7c: {  	_ =	shalt  }
0x7d: {  	_ =	shalt  }
0x7e: {  	_ =	shalt  }
0x7f: {  	_ =	shalt  }
0x80: {  	_ =	shalt  }
0x81: {  	_ =	shalt  }
0x82: {  	_ =	shalt  }
0x83: {  	_ =	shalt  }
0x84: {  	_ =	shalt  }
0x85: {  	_ =	shalt  }
0x86: {  	_ =	shalt  }
0x87: {  	_ =	shalt  }
.Lfunc_end0:
.L_simem_size_0:
called_computation.3_lowered:
.L_overlay_start_0:
0x88: {  	s2 =	sld [smem:$0x3FD9]  }
0x89: {  	s3 =	sld [smem:$0x3FFE];
	_ =	sdelay $0x1  }
0x8a: {  	s1 =	srdreg.scid  }
0x8b: {  	s0 =	sand.u32 $0x1, s1  }
0x8c: {  	s17 =	sshll.u32 s0, $0xA;
	s2 =	sadd.s32 s3, s2  }
0x8d: {  	s2 =	sadd.s32 s2, s17  }
0x8e: {  	[smem:$0x3FBD] =	sst s2  }
0x8f: {  	_ = 	snop  }
0x90: {  	s18 =	sld [smem:$0x3FD0];
	(tm) =	ssettm $0x1  }
0x91: {  	s19 =	sld [smem:$0x3FFB];
	_ =	sdelay $0x3  }
0x92: {  	_ =	strace s19  }
0x93: {  	s2 =	sld [smem:$0x3FFC];
	_ =	sdelay $0x3  }
0x94: {  	_ =	strace s2  }
0x95: {  	s2 =	sld [smem:$0x3FFD];
	_ =	sdelay $0x3  }
0x96: {  	_ =	strace s2  }
0x97: {  	_ =	strace $0x8FFFFFFF  }
0x98: {  	s20 =	sld [smem:$0x3FDB];
	_ =	sdelay $0x1  }
0x99: {  	s4 =	simm.s32 $_scs_section_size  }
0x9a: {  	s5 =	simm.s32 $_size__tile_overlayer_lowered;
	s6 =	simm.s32 $_tile_overlayer_lowered  }
0x9b: {  	s7 =	simm.s32 $0x1BFF;
	s21 =	sshll.u32 s6, $0x1;
	s4 =	sadd.s32 s4, s20  }
0x9c: {  	s22 =	simm.s32 $0x0;
	s5 =	sshll.u32 s5, $0x1;
	s6 =	sadd.s32 s21, s4  }
0x9d: {  	[timem:s22], [sflag:s7] =	dma.local [hbm:s6], s5  }
0x9e: {  	_ =	swait.ge [sflag:s7], s5  }
0x9f: {  	s5 =	ssub.s32 $0x0, s5;
	[sflag:s7] =	ssyncset.done $0x0  }
0xa0: {  	[sflag:s7] =	ssyncadd.s32 s5;
	_ =	sdelay $0x1  }
0xa1: {  	s23 =	simm.s32 $0x1B8B  }
0xa2: {  	_ =	swait.ge [sflag:s23], $0x1  }
0xa3: {  	[sflag:s23] =	ssyncset.done $0x0  }
0xa4: {  	[sflag:s23] =	ssyncadd.s32 $0xFFFFFFFF  }
0xa5: {  	s5 =	sld [smem:$0x0]  }
0xa6: {  	s6 =	sand.u32 $0xFFFFFFFE, s1  }
0xa7: {  	p0 =	sne.s32 s1, s6  }
0xa8: {  	s6 =	sshll.u32 @p0 s6, $0xE  }
0xa9: {  	s6 =	sadd.s32 @p0 $0x11B8D, s6;
	s7 =	sshll.u32 @p0 s5, $0x11  }
0xaa: {  	s6 =	sor.u32 @p0 s7, s6  }
0xab: {  	[sflag:s6] =	ssyncadd.remote.s32 @p0 $0x1;
	_ =	sdelay $0x1  }
0xac: {  	s6 =	simm.s32 @p0 $0x1B8D  }
0xad: {  	_ =	swait.eq @p0 [sflag:s6], $0x1  }
0xae: {  	[sflag:s6] =	ssyncadd.s32 @p0 $0xFFFFFFFF  }
0xaf: {  	s7 =	sshll.u32 @!p0 s1, $0xE  }
0xb0: {  	s7 =	sor.u32 @!p0 $0x4000, s7;
	s6 =	simm.s32 @!p0 $0x1B8D  }
0xb1: {  	s5 =	sshll.u32 @!p0 s5, $0x11;
	s7 =	sadd.s32 @!p0 $0x11B8D, s7;
	_ =	swait.eq @!p0 [sflag:s6], $0x1  }
0xb2: {  	s5 =	sor.u32 @!p0 s5, s7;
	[sflag:s6] =	ssyncadd.s32 @!p0 $0xFFFFFFFF  }
0xb3: {  	s25 =	simm.s32 $0x1B8E;
	s24 =	sld [smem:$0x3FFE];
	[sflag:s5] =	ssyncadd.remote.s32 @!p0 $0x1  }
0xb4: {  	s26 =	simm.s32 $execute0_lowered;
	[smem:$0x3FD2] =	sst s25  }
0xb5: {  	s6 =	sshll.u32 s26, $0x1;
	_ =	strace $0x8000004F;
	[dreg:$0x1] =	wrdreg $0xFFFFFFFF  }
0xb6: {  	s28 =	simm.s32 $_size_execute0_lowered;
	s4 =	sadd.s32 s4, s6;
	[dreg:$0x0] =	wrdreg $0x0  }
0xb7: {  	s6 =	sshll.u32 s28, $0x1;
	[dreg:$0x2] =	wrdreg s4  }
0xb8: {  	[dreg:$0x3] =	wrdreg s6  }
0xb9: {  	[dreg:$0x4] =	wrdreg $0xC0  }
0xba: {  	_ =	task [dreg:s22], $0x5FFFF  }
0xbb: {  	[dreg:$0x1] =	wrdreg $0xFFFFFFFF  }
0xbc: {  	[dreg:$0x0] =	wrdreg $0x60  }
0xbd: {  	[dreg:$0x2] =	wrdreg s18  }
0xbe: {  	[dreg:$0x3] =	wrdreg s24  }
0xbf: {  	[dreg:$0x4] =	wrdreg $0xC  }
0xc0: {  	_ =	task.clear_ibuf [dreg:s22], $0x5FFFF;
	_ =	strace $0x9000004F  }
0xc1: {  	s29 =	simm.s32 $0xC;
	_ =	strace $0x80000051  }
0xc2: {  	_ =	swait.ge [sflag:s29], $0x1  }
0xc3: {  	[sflag:s29] =	ssyncadd.s32 $0xFFFFFFFF  }
0xc4: {  	_ =	strace $0x90000051  }
0xc5: {  	_ =	sfence  }
0xc6: {  	s30 =	sld [smem:$0x0];
	_ =	sdelay $0x2  }
0xc7: {  	s31 =	sshll.u32 s1, $0xD;
	s1 =	sshrl.u32 s1, $0x2  }
0xc8: {  	s4 =	sand.u32 $0x4000, s31;
	s1 =	sadd.s32 s1, s30  }
0xc9: {  	s0 =	sor.u32 s4, s0;
	s1 =	sshll.u32 s1, $0x11  }
0xca: {  	s0 =	sor.u32 s1, s0  }
0xcb: {  	s0 =	sadd.s32 $0x8F2B, s0  }
0xcc: {  	[sflag:s0] =	ssyncadd.remote.s32 $0x1  }
0xcd: {  	_ =	sfence.sel $0xFFFF  }
0xce: {  	[dreg:$0x0] =	wrdreg $0xFFFFFFFF;
	(pc) =	sbr.abs _section_cstart, $3  }
0xcf: {  	[dreg:$0x1] =	wrdreg $0xFFFFFFFF  }
0xd0: {  	_ =	task.clear_ibuf [dreg:s22], $0x2FFFF;
	_ =	strace $0x9FFFFFFF  }
0xd1: {  	(tm) =	ssettm $0x7FFFFFFF  }
tec
execute0_lowered:
.L_overlay_start_1:
0x0: {  	(tag) =	ssettag $0x1  }
0x1: {  	s1 =	rddreg [dreg:$0x0]  }
0x2: {  	s7 =	rddreg [dreg:$0x1]  }
0x3: {  	s0 =	rddreg [dreg:$0x2];
	s3 =	simm.s32 $0x0;
	s4 =	srdreg.scid  }
0x4: {  	s2 =	stileid.u32;
	s12 =	simm.s32 $0x10100;
	s13 =	simm.s32 $0x4000  }
0x5: {  	s14 =	simm.s32 $0x2;
	s15 =	simm.s32 $0x80;
	s16 =	simm.s32 $0x10080  }
0x6: {  	s17 =	simm.s32 $0x10180;
	s18 =	simm.s32 $0xC000;
	s19 =	simm.s32 $0x3  }
0x7: {  	s20 =	simm.s32 $0x5;
	s21 =	simm.s32 $0x6;
	s22 =	simm.s32 $0x0  }
0x8: {  	[smem:$0x7FF] =	sst s3;
	s5 =	sand.u32 $0x1, s4;
	s6 =	sshll.u32 s2, $0x1  }
.Ltmp0:
0x9: {  	s8 =	ssub.s32 $0x2, s5;
	s5 =	sor.u32 s5, s6;
	(pc) =	sbr.rel .LBB2_1-.Ltmp0, $4  }
0xa: {  	s4 =	sadd.s32 $0xD000, s7;
	_ =	strace $0x80000050;
	s10 =	sshll.u32 s5, $0x4  }
0xb: {  	s6 =	sadd.s32 $0x3200, s7;
	s9 =	sshrl.u32 s8, $0x1;
	s31 =	sor.u32 $0x9600, s10  }
0xc: {  	s7 =	sadd.s32 $0x4C6E00, s7;
	s11 =	ssub.s32 s8, s9;
	s8 =	sadd.s32 s4, s31  }
0xd: {  	s9 =	sadd.s32 s6, s31;
	s10 =	smax.u32 s11, $0x1;
	s11 =	simm.s32 $0x10000  }
.LBB2_13:
0xe: {  	s22 =	sadd.s32 $0x1, s22  }
0xf: {  	_ =	swait.ge [sflag:s20], $0x4000;
	p0 =	sne.s32 s22, s10  }
.Ltmp1:
0x10: {  	[sflag:s20] =	ssyncset.done $0x0;
	(pc) =	sbr.rel @!p0 .LBB2_14-.Ltmp1, $4  }
0x11: {  	[sflag:s20] =	ssyncadd.s32 $0xFFFFC000  }
0x12: {  	_ =	swait.ge [sflag:s21], $0x4000  }
0x13: {  	[sflag:s21] =	ssyncset.done $0x0  }
0x14: {  	[sflag:s21] =	ssyncadd.s32 $0xFFFFC000  }
.LBB2_1:
.Ltmp2:
0x15: {  	(pc) =	sbr.rel .LBB2_2-.Ltmp2, $4  }
0x16: {  	_ = 	snop  }
0x17: {  	[tilespmem:s11], [sflag:$0x1] =	stream.linear.gather [hbm4b:s8+s3], $0x80, $0x38;
	[tilespmem:$0x10200] =	vst v63  }
0x18: {  	s23 =	simm.s32 $0x0  }
0x19: {  	[tilespmem:s12], [sflag:$0x1] =	stream.linear.gather [hbm4b:s9+s3], $0x80, $0x38;
	[tilespmem:$0x10200] =	vst v63  }
.LBB2_12:
0x1a: {  	s23 =	sadd.s32 $0x1, s23  }
0x1b: {  	p0 =	sne.s32 s23, $0x3  }
.Ltmp3:
0x1c: {  	_ = 	snop;
	(pc) =	sbr.rel @!p0 .LBB2_13-.Ltmp3, $1  }
0x1d: {  	_ =	sdelay $0x3  }
.LBB2_2:
0x1e: {  	s24 =	sshll.u32 s23, $0x6  }
0x1f: {  	s24 =	sor.u32 s5, s24  }
0x20: {  	p0 =	sgt.u32 s24, $0x63  }
0x21: {  	p1 =	seq.s32 @!p0 s23, $0x0  }
0x22: {  	p1 =	por p1, p0  }
0x23: {  	s25 =	simm.s32 @!p1 $0x5  }
0x24: {  	_ =	swait.ge @!p1 [sflag:s25], $0x4000  }
0x25: {  	[sflag:s25] =	ssyncset.done @!p1 $0x0  }
0x26: {  	[sflag:s25] =	ssyncadd.s32 @!p1 $0xFFFFC000;
	s25 =	simm.s32 @!p0 $0x1  }
0x27: {  	_ =	swait.ge @!p0 [sflag:s25], $0x80  }
0x28: {  	[sflag:s25] =	ssyncset.done @!p0 $0x0  }
0x29: {  	[sflag:s25] =	ssyncadd.s32 @!p0 $0xFFFFFF80  }
0x2a: {  	_ =	swait.ge @!p0 [sflag:s25], $0x80  }
0x2b: {  	p5 =	sne.s32 s23, $0x0;
	s26 =	simm.s32 @!p0 $0x10000;
	[sflag:s25] =	ssyncset.done @!p0 $0x0  }
0x2c: {  	s28 =	simm.s32 @!p0 $0x0;
	[sflag:s25] =	ssyncadd.s32 @!p0 $0xFFFFFF80;
	s25 =	simm.s32 @!p0 $0x80  }
0x2d: {  	[tilespmem:s28], [sflag:$0x3] =	stream.indirect.gather @!p0 [hbm4b:s1+s25], $0x80, s26, s25, $0xb8;
	[tilespmem:$0x10200] =	vst v63  }
0x2e: {  	p6 =	slt.u32 s24, $0x84;
	s26 =	simm.s32 @!p0 $0x10100;
	s28 =	simm.s32 @!p0 $0x8000  }
0x2f: {  	[tilespmem:s28], [sflag:$0x3] =	stream.indirect.gather @!p0 [hbm4b:s1+s25], $0x80, s26, s25, $0xb8;
	[tilespmem:$0x10200] =	vst v63  }
0x30: {  	p0 =	por !p5, !p6  }
0x31: {  	p0 =	por !p0, !p0  }
0x32: {  	s25 =	simm.s32 @p0 $0x4  }
0x33: {  	_ =	swait.ge @p0 [sflag:s25], $0x4000  }
0x34: {  	[sflag:s25] =	ssyncset.done @p0 $0x0  }
0x35: {  	[sflag:s25] =	ssyncadd.s32 @p0 $0xFFFFC000  }
0x36: {  	p1 =	sgt.u32 s24, $0x43;
	_ =	swait.ge @p0 [sflag:s25], $0x4000  }
0x37: {  	s26 =	sshll.u32 @!p1 s24, $0x4;
	[sflag:s25] =	ssyncset.done @p0 $0x0  }
.Ltmp4:
0x38: {  	[sflag:s25] =	ssyncadd.s32 @p0 $0xFFFFC000;
	s25 =	sor.u32 @!p1 $0x9800, s26;
	(pc) =	sbr.rel @!p0 .LBB2_6-.Ltmp4, $4  }
0x39: {  	s29 =	simm.s32 @!p1 $0x10080;
	s28 =	simm.s32 @!p1 $0x0;
	s26 =	sadd.s32 @!p1 s4, s25  }
0x3a: {  	[tilespmem:s29], [sflag:$0x2] =	stream.linear.gather @!p1 [hbm4b:s26+s28], $0x80, $0x38;
	[tilespmem:$0x10200] =	vst v63  }
0x3b: {  	s25 =	sadd.s32 @!p1 s6, s25;
	s26 =	simm.s32 @!p1 $0x10180  }
0x3c: {  	[tilespmem:s26], [sflag:$0x2] =	stream.linear.gather @!p1 [hbm4b:s25+s28], $0x80, $0x38;
	[tilespmem:$0x10200] =	vst v63  }
0x3d: {  	s25 =	simm.s32 $0x0  }
0x3e: {  	v7 =	vld [tilespmem:s25+$0xC000]  }
0x3f: {  	v11 =	vld [tilespmem:s25+$0xC010]  }
0x40: {  	v5 =	vld [tilespmem:s25+$0xC020]  }
0x41: {  	v4 =	vld [tilespmem:s25+$0xC030]  }
0x42: {  	v3 =	vld [tilespmem:s25+$0xC040]  }
0x43: {  	v2 =	vld [tilespmem:s25+$0xC050]  }
0x44: {  	v1 =	vld [tilespmem:s25+$0xC060]  }
0x45: {  	v0 =	vld [tilespmem:s25+$0xC070]  }
0x46: {  	v12 =	vld [tilespmem:s25+$0x4000]  }
0x47: {  	v13 =	vld [tilespmem:s25+$0x4010]  }
0x48: {  	v10 =	vld [tilespmem:s25+$0x4020]  }
0x49: {  	v9 =	vld [tilespmem:s25+$0x4030]  }
0x4a: {  	v8 =	vld [tilespmem:s25+$0x4040]  }
0x4b: {  	v6 =	vld [tilespmem:s25+$0x4050];
	v12 =	vadd.f32 v7, v12  }
0x4c: {  	s26 =	simm.s32 $0x200;
	v11 =	vadd.f32 v11, v13;
	v7 =	vld [tilespmem:s25+$0x4060]  }
.LBB2_4:
0x4d: {  	s28 =	sshra.s32 s26, $0x2;
	p0 =	sne.s32 s26, $0xFE00;
	[tilespmem:s25+$0x4000] =	vst v12;
	v5 =	vadd.f32 v5, v10;
	v10 =	vld [tilespmem:s25+$0x4070]  }
0x4e: {  	v12 =	vld [tilespmem:s28+$0xC000];
	[tilespmem:s25+$0x4010] =	vst v11;
	v4 =	vadd.f32 v4, v9  }
0x4f: {  	v11 =	vld [tilespmem:s28+$0xC010];
	[tilespmem:s25+$0x4020] =	vst v5;
	v3 =	vadd.f32 v3, v8  }
0x50: {  	v5 =	vld [tilespmem:s28+$0xC020];
	[tilespmem:s25+$0x4030] =	vst v4;
	v2 =	vadd.f32 v2, v6  }
0x51: {  	v4 =	vld [tilespmem:s28+$0xC030];
	[tilespmem:s25+$0x4040] =	vst v3;
	v1 =	vadd.f32 v1, v7  }
0x52: {  	v3 =	vld [tilespmem:s28+$0xC040];
	[tilespmem:s25+$0x4050] =	vst v2;
	v0 =	vadd.f32 v0, v10  }
0x53: {  	v2 =	vld [tilespmem:s28+$0xC050];
	[tilespmem:s25+$0x4060] =	vst v1  }
0x54: {  	v1 =	vld [tilespmem:s28+$0xC060];
	[tilespmem:s25+$0x4070] =	vst v0;
	s25 =	smov.u32 s28  }
0x55: {  	v0 =	vld [tilespmem:s25+$0xC070]  }
0x56: {  	v6 =	vld [tilespmem:s25+$0x4000]  }
0x57: {  	v7 =	vld [tilespmem:s25+$0x4010]  }
.Ltmp5:
0x58: {  	v10 =	vld [tilespmem:s25+$0x4020];
	(pc) =	sbr.rel @p0 .LBB2_4-.Ltmp5, $4  }
0x59: {  	v9 =	vld [tilespmem:s25+$0x4030]  }
0x5a: {  	v8 =	vld [tilespmem:s25+$0x4040]  }
0x5b: {  	v12 =	vadd.f32 v12, v6;
	v6 =	vld [tilespmem:s25+$0x4050]  }
0x5c: {  	s26 =	sadd.s32 $0x200, s26;
	v11 =	vadd.f32 v11, v7;
	v7 =	vld [tilespmem:s25+$0x4060]  }
0x5d: {  	[tilespmem:s25+$0x4000] =	vst v12;
	v5 =	vadd.f32 v5, v10;
	v63 =	vld [tilespmem:s25+$0x4070]  }
0x5e: {  	[tilespmem:s25+$0x4010] =	vst v11;
	v4 =	vadd.f32 v4, v9  }
0x5f: {  	[tilespmem:s25+$0x4020] =	vst v5;
	v3 =	vadd.f32 v3, v8  }
0x60: {  	[tilespmem:s25+$0x4030] =	vst v4;
	v2 =	vadd.f32 v2, v6  }
0x61: {  	s26 =	sshll.u32 s24, $0xB;
	[tilespmem:s25+$0x4040] =	vst v3;
	v1 =	vadd.f32 v1, v7  }
0x62: {  	s26 =	sadd.s32 $0x1FFF0000, s26;
	[tilespmem:s25+$0x4050] =	vst v2;
	v0 =	vadd.f32 v0, v63  }
0x63: {  	s26 =	sand.u32 $0x1FFFF800, s26;
	[tilespmem:s25+$0x4060] =	vst v1  }
0x64: {  	s31 =	sadd.s32 s7, s26;
	[tilespmem:s25+$0x4070] =	vst v0  }
0x65: {  	[hbm4b:s31+s3] =	stream.linear.scatter [tilespmem:s13], [sflag:$0x6], $0x4000, $0x38;
	[tilespmem:$0x10200] =	vst v63  }
.LBB2_6:
0x66: {  	s24 =	sor.u32 $0x20, s24  }
0x67: {  	p0 =	sgt.u32 s24, $0x63  }
.Ltmp6:
0x68: {  	_ = 	snop;
	(pc) =	sbr.rel @p0 .LBB2_8-.Ltmp6, $1  }
0x69: {  	_ =	sdelay $0x3  }
0x6a: {  	p0 =	seq.s32 s23, $0x0  }
0x6b: {  	s25 =	simm.s32 @!p0 $0x6  }
0x6c: {  	_ =	swait.ge @!p0 [sflag:s25], $0x4000  }
0x6d: {  	[sflag:s25] =	ssyncset.done @!p0 $0x0  }
0x6e: {  	[sflag:s25] =	ssyncadd.s32 @!p0 $0xFFFFC000  }
0x6f: {  	_ =	swait.ge [sflag:s14], $0x80  }
0x70: {  	[sflag:s14] =	ssyncset.done $0x0  }
0x71: {  	[sflag:s14] =	ssyncadd.s32 $0xFFFFFF80  }
0x72: {  	_ =	swait.ge [sflag:s14], $0x80  }
.Ltmp7:
0x73: {  	[sflag:s14] =	ssyncset.done $0x0;
	(pc) =	sbr.rel .LBB2_9-.Ltmp7, $4  }
0x74: {  	[sflag:s14] =	ssyncadd.s32 $0xFFFFFF80  }
0x75: {  	[tilespmem:s13], [sflag:$0x4] =	stream.indirect.gather [hbm4b:s1+s15], $0x80, s16, s15, $0xb8;
	[tilespmem:$0x10200] =	vst v63  }
0x76: {  	_ = 	snop  }
0x77: {  	[tilespmem:s18], [sflag:$0x4] =	stream.indirect.gather [hbm4b:s1+s15], $0x80, s17, s15, $0xb8;
	[tilespmem:$0x10200] =	vst v63  }
.LBB2_8:
0x78: {  	p0 =	sgt.u32 s24, $0x83  }
.Ltmp8:
0x79: {  	_ = 	snop;
	(pc) =	sbr.rel @p0 .LBB2_12-.Ltmp8, $1  }
0x7a: {  	_ =	sdelay $0x3  }
.LBB2_9:
0x7b: {  	_ =	swait.ge [sflag:s19], $0x4000  }
0x7c: {  	[sflag:s19] =	ssyncset.done $0x0  }
0x7d: {  	p0 =	sgt.u32 s24, $0x43;
	[sflag:s19] =	ssyncadd.s32 $0xFFFFC000  }
0x7e: {  	s25 =	sshll.u32 @!p0 s24, $0x4;
	_ =	swait.ge [sflag:s19], $0x4000  }
0x7f: {  	s28 =	simm.s32 @!p0 $0x0;
	s25 =	sor.u32 @!p0 $0x9800, s25;
	[sflag:s19] =	ssyncset.done $0x0  }
0x80: {  	s29 =	simm.s32 @!p0 $0x10000;
	s26 =	sadd.s32 @!p0 s4, s25;
	[sflag:s19] =	ssyncadd.s32 $0xFFFFC000  }
0x81: {  	[tilespmem:s29], [sflag:$0x1] =	stream.linear.gather @!p0 [hbm4b:s26+s28], $0x80, $0x38;
	[tilespmem:$0x10200] =	vst v63  }
0x82: {  	s25 =	sadd.s32 @!p0 s6, s25;
	s26 =	simm.s32 @!p0 $0x10100  }
0x83: {  	[tilespmem:s26], [sflag:$0x1] =	stream.linear.gather @!p0 [hbm4b:s25+s28], $0x80, $0x38;
	[tilespmem:$0x10200] =	vst v63  }
0x84: {  	s25 =	simm.s32 $0x0  }
0x85: {  	v7 =	vld [tilespmem:s25+$0x8000]  }
0x86: {  	v11 =	vld [tilespmem:s25+$0x8010]  }
0x87: {  	v5 =	vld [tilespmem:s25+$0x8020]  }
0x88: {  	v4 =	vld [tilespmem:s25+$0x8030]  }
0x89: {  	v3 =	vld [tilespmem:s25+$0x8040]  }
0x8a: {  	v2 =	vld [tilespmem:s25+$0x8050]  }
0x8b: {  	v1 =	vld [tilespmem:s25+$0x8060]  }
0x8c: {  	v0 =	vld [tilespmem:s25+$0x8070]  }
0x8d: {  	v12 =	vld [tilespmem:s25+$0x0]  }
0x8e: {  	v13 =	vld [tilespmem:s25+$0x10]  }
0x8f: {  	v10 =	vld [tilespmem:s25+$0x20]  }
0x90: {  	v9 =	vld [tilespmem:s25+$0x30]  }
0x91: {  	v8 =	vld [tilespmem:s25+$0x40]  }
0x92: {  	v6 =	vld [tilespmem:s25+$0x50];
	v12 =	vadd.f32 v7, v12  }
0x93: {  	s26 =	simm.s32 $0x200;
	v11 =	vadd.f32 v11, v13;
	v7 =	vld [tilespmem:s25+$0x60]  }
.LBB2_10:
0x94: {  	s28 =	sshra.s32 s26, $0x2;
	p0 =	sne.s32 s26, $0xFE00;
	[tilespmem:s25+$0x0] =	vst v12;
	v5 =	vadd.f32 v5, v10;
	v10 =	vld [tilespmem:s25+$0x70]  }
0x95: {  	v12 =	vld [tilespmem:s28+$0x8000];
	[tilespmem:s25+$0x10] =	vst v11;
	v4 =	vadd.f32 v4, v9  }
0x96: {  	v11 =	vld [tilespmem:s28+$0x8010];
	[tilespmem:s25+$0x20] =	vst v5;
	v3 =	vadd.f32 v3, v8  }
0x97: {  	v5 =	vld [tilespmem:s28+$0x8020];
	[tilespmem:s25+$0x30] =	vst v4;
	v2 =	vadd.f32 v2, v6  }
0x98: {  	v4 =	vld [tilespmem:s28+$0x8030];
	[tilespmem:s25+$0x40] =	vst v3;
	v1 =	vadd.f32 v1, v7  }
0x99: {  	v3 =	vld [tilespmem:s28+$0x8040];
	[tilespmem:s25+$0x50] =	vst v2;
	v0 =	vadd.f32 v0, v10  }
0x9a: {  	v2 =	vld [tilespmem:s28+$0x8050];
	[tilespmem:s25+$0x60] =	vst v1  }
0x9b: {  	v1 =	vld [tilespmem:s28+$0x8060];
	[tilespmem:s25+$0x70] =	vst v0;
	s25 =	smov.u32 s28  }
0x9c: {  	v0 =	vld [tilespmem:s25+$0x8070]  }
0x9d: {  	v6 =	vld [tilespmem:s25+$0x0]  }
0x9e: {  	v7 =	vld [tilespmem:s25+$0x10]  }
.Ltmp9:
0x9f: {  	v10 =	vld [tilespmem:s25+$0x20];
	(pc) =	sbr.rel @p0 .LBB2_10-.Ltmp9, $4  }
0xa0: {  	v9 =	vld [tilespmem:s25+$0x30]  }
0xa1: {  	v8 =	vld [tilespmem:s25+$0x40]  }
0xa2: {  	v12 =	vadd.f32 v12, v6;
	v6 =	vld [tilespmem:s25+$0x50]  }
0xa3: {  	s26 =	sadd.s32 $0x200, s26;
	v11 =	vadd.f32 v11, v7;
	v7 =	vld [tilespmem:s25+$0x60]  }
0xa4: {  	[tilespmem:s25+$0x0] =	vst v12;
	v5 =	vadd.f32 v5, v10;
	v63 =	vld [tilespmem:s25+$0x70]  }
0xa5: {  	[tilespmem:s25+$0x10] =	vst v11;
	v4 =	vadd.f32 v4, v9  }
0xa6: {  	[tilespmem:s25+$0x20] =	vst v5;
	v3 =	vadd.f32 v3, v8  }
0xa7: {  	[tilespmem:s25+$0x30] =	vst v4;
	v2 =	vadd.f32 v2, v6  }
.Ltmp10:
0xa8: {  	s24 =	sshll.u32 s24, $0xB;
	[tilespmem:s25+$0x40] =	vst v3;
	v1 =	vadd.f32 v1, v7;
	(pc) =	sbr.rel .LBB2_12-.Ltmp10, $4  }
0xa9: {  	s24 =	sadd.s32 $0x70000, s24;
	[tilespmem:s25+$0x50] =	vst v2;
	v0 =	vadd.f32 v0, v63  }
0xaa: {  	s24 =	sand.u32 $0x6F800, s24;
	[tilespmem:s25+$0x60] =	vst v1  }
0xab: {  	s24 =	sadd.s32 s7, s24;
	[tilespmem:s25+$0x70] =	vst v0  }
0xac: {  	[hbm4b:s24+s3] =	stream.linear.scatter [tilespmem:s3], [sflag:$0x5], $0x4000, $0x38;
	[tilespmem:$0x10200] =	vst v63  }
.LBB2_14:
0xad: {  	_ =	sfence.sel $0x180000  }
0xae: {  	[bflag:$0x0] =	sbarrier.arrive $0xFFFF  }
0xaf: {  	p0 =	sne.s32 s2, $0x0;
	_ =	strace $0x90000050  }
0xb0: {  	s0 =	sadd.s32 @!p0 $0x100000, s0;
	[bflag:$0x2] =	sbarrier.arrive $0xFFFF  }
0xb1: {  	[sflag:s0] =	ssyncadd.tile.s32 @!p0 $0x1;
	_ =	shalt  }
.Lfunc_end2:
_tile_overlayer_lowered:
.L_overlay_start_2:
0xb2: {  	(tag) =	ssettag $0x2  }
0xb3: {  	s0 =	rddreg [dreg:$0x0];
	s2 =	stileid.u32  }
0xb4: {  	s1 =	rddreg [dreg:$0x1];
	p0 =	sne.s32 s2, $0x0  }
0xb5: {  	s3 =	rddreg [dreg:$0x2];
	[bflag:$0x3] =	sbarrier.arrive $0xFFFF;
	s2 =	simm.s32 @!p0 $0x1C07  }
0xb6: {  	[timem:s3], [sflag:s2] =	dma.local @!p0 [hbm:s0], s1  }
0xb7: {  	s0 =	simm.s32 @!p0 $0x7  }
0xb8: {  	_ =	swait.ge @!p0 [sflag:s0], s1  }
0xb9: {  	s1 =	ssub.s32 @!p0 $0x0, s1;
	[sflag:s0] =	ssyncset.done @!p0 $0x0  }
0xba: {  	[sflag:s0] =	ssyncadd.s32 @!p0 s1  }
0xbb: {  	[bflag:$0x3] =	sbarrier.arrive $0xFFFF  }
0xbc: {  	_ =	shalt  }

// kernel: kernel.25.cloned.1.call-start
scs
__scs_entry_jumppad:
0x0: {  	(pc) =	sbr.rel $0x88, $3  }
0x1: {  	(tag) =	ssettag $0x0;
	lr =	simm.s32 $0x1  }
0x2: {  	[smem:$0x3F96] =	sst lr;
	_ =	strace $0xD0000000  }
0x3: {  	_ = 	snop  }
0x4: {  	_ = 	snop  }
0x5: {  	_ = 	snop  }
0x6: {  	_ = 	snop  }
0x7: {  	_ = 	snop  }
__scs_overlays_trampoline_lowered:
0x8: {  	[smem:$0x3FA5] =	sst s0  }
0x9: {  	[smem:$0x3FA6] =	sst s1  }
0xa: {  	[smem:$0x3FA7] =	sst s2  }
0xb: {  	[smem:$0x3FA8] =	sst s3  }
0xc: {  	[smem:$0x3FA9] =	sst s4  }
0xd: {  	[smem:$0x3FAA] =	sst s5  }
0xe: {  	[smem:$0x3FAB] =	sst s6  }
0xf: {  	[smem:$0x3FAC] =	sst s7  }
0x10: {  	[smem:$0x3FAD] =	sst s8  }
0x11: {  	[smem:$0x3FAE] =	sst s9;
	s0 =	simm.s32 @!p0 $0x0  }
0x12: {  	s1 =	sld [smem:$0x3F94];
	s0 =	simm.s32 @p0 $0x1  }
0x13: {  	[smem:$0x3FAF] =	sst s0;
	s0 =	simm.s32 @!p1 $0x0  }
0x14: {  	s2 =	sld [smem:$0x3F93];
	s0 =	simm.s32 @p1 $0x1  }
0x15: {  	[smem:$0x3FB0] =	sst s0;
	s0 =	simm.s32 @!p2 $0x0  }
0x16: {  	s3 =	sld [smem:$0x3FDB];
	s0 =	simm.s32 @p2 $0x1  }
0x17: {  	s4 =	simm.s32 $0x1BF5;
	[smem:$0x3FB2] =	sst s0  }
0x18: {  	s0 =	sld [smem:$0x3F95];
	_ =	swait.ge [sflag:s4], $0x0  }
0x19: {  	s7 =	sld [smem:$0x3F96]  }
0x1a: {  	s8 =	sadd.s32 $0xFFFFE003, lr  }
0x1b: {  	s9 =	sadd.s32 $0xFFFFFEF7, lr;
	s5 =	simm.s32 $0xFFFFFFFF;
	p2 =	slt.u32 s8, $0xFFFFF086  }
0x1c: {  	p1 =	slt.u32 s9, $0xF7A;
	s5 =	simm.s32 @!p2 $0x0  }
0x1d: {  	s5 =	simm.s32 @p1 $0x1;
	p0 =	seq.s32 s7, s2  }
0x1e: {  	s7 =	smul.u32 @!p0 $0xF7A, s2;
	p2 =	seq.s32 @!p0 s5, $0x0  }
0x1f: {  	s9 =	smul.u32 $0xF7A, s1;
	s8 =	simm.s32 @!p0 $0x1BF5;
	p2 =	por !p2, p0  }
0x20: {  	[sflag:s8] =	ssyncset.s32 @!p0 $0xFFFFF086;
	s6 =	sadd.s32 @!p0 s3, s7;
	s7 =	simm.s32 @!p0 $0x108  }
0x21: {  	s3 =	sadd.s32 s3, s9;
	s6 =	sadd.s32 @!p0 $0x88, s6;
	s7 =	simm.s32 @p2 $0x1082  }
0x22: {  	[simem:s7], [sflag:s8] =	dma.local @!p0 [hbm:s6], $0xF7A  }
0x23: {  	s9 =	sor.u32 $0xD0000000, s2;
	s6 =	simm.s32 $0x108;
	_ =	swait.ge @!p0 [sflag:s8], $0x0  }
0x24: {  	s3 =	sadd.s32 $0x88, s3;
	s6 =	simm.s32 @!p1 $0x1082;
	[sflag:s4] =	ssyncset.s32 $0xFFFFF086  }
0x25: {  	[simem:s6], [sflag:s4] =	dma.local [hbm:s3], $0xF7A  }
0x26: {  	[smem:$0x3F96] =	sst s1;
	(tag) =	ssettag s2;
	_ =	strace s9  }
0x27: {  	s1 =	sld [smem:$0x3FA6]  }
0x28: {  	s2 =	sld [smem:$0x3FA7]  }
0x29: {  	s4 =	sld [smem:$0x3FA9]  }
0x2a: {  	p0 =	seq.s32 s5, $0x0;
	s5 =	sld [smem:$0x3FAA]  }
0x2b: {  	s6 =	sld [smem:$0x3FAB]  }
0x2c: {  	s7 =	sld [smem:$0x3FAC]  }
0x2d: {  	s3 =	simm.s32 $0x108;
	s8 =	sld [smem:$0x3FAD]  }
0x2e: {  	s3 =	simm.s32 @!p0 $0x1082;
	s9 =	sld [smem:$0x3FAE]  }
0x2f: {  	lr =	sadd.s32 s0, s3;
	s0 =	sld [smem:$0x3FA5]  }
0x30: {  	s3 =	sld [smem:$0x3FA8]  }
0x31: {  	[smem:$0x3FB1] =	sst s10  }
0x32: {  	s10 =	sld [smem:$0x3FAF];
	_ =	sdelay $0x3  }
0x33: {  	p0 =	seq.s32 s10, $0x1;
	s10 =	sld [smem:$0x3FB1];
	_ =	sdelay $0x3  }
0x34: {  	[smem:$0x3FB1] =	sst s10  }
0x35: {  	s10 =	sld [smem:$0x3FB0];
	_ =	sdelay $0x3  }
0x36: {  	p1 =	seq.s32 s10, $0x1;
	s10 =	sld [smem:$0x3FB1];
	_ =	sdelay $0x3  }
0x37: {  	[smem:$0x3FB1] =	sst s10  }
0x38: {  	s10 =	sld [smem:$0x3FB2]  }
0x39: {  	_ = 	snop;
	(pc) =	sbr.ind lr, $3  }
0x3a: {  	_ = 	snop  }
0x3b: {  	_ = 	snop  }
0x3c: {  	p2 =	seq.s32 s10, $0x1;
	s10 =	sld [smem:$0x3FB1]  }
0x3d: {  	_ =	shalt  }
0x3e: {  	_ =	shalt  }
0x3f: {  	_ =	shalt  }
0x40: {  	_ =	shalt  }
0x41: {  	_ =	shalt  }
0x42: {  	_ =	shalt  }
0x43: {  	_ =	shalt  }
0x44: {  	_ =	shalt  }
0x45: {  	_ =	shalt  }
0x46: {  	_ =	shalt  }
0x47: {  	_ =	shalt  }
0x48: {  	_ =	shalt  }
0x49: {  	_ =	shalt  }
0x4a: {  	_ =	shalt  }
0x4b: {  	_ =	shalt  }
0x4c: {  	_ =	shalt  }
0x4d: {  	_ =	shalt  }
0x4e: {  	_ =	shalt  }
0x4f: {  	_ =	shalt  }
0x50: {  	_ =	shalt  }
0x51: {  	_ =	shalt  }
0x52: {  	_ =	shalt  }
0x53: {  	_ =	shalt  }
0x54: {  	_ =	shalt  }
0x55: {  	_ =	shalt  }
0x56: {  	_ =	shalt  }
0x57: {  	_ =	shalt  }
0x58: {  	_ =	shalt  }
0x59: {  	_ =	shalt  }
0x5a: {  	_ =	shalt  }
0x5b: {  	_ =	shalt  }
0x5c: {  	_ =	shalt  }
0x5d: {  	_ =	shalt  }
0x5e: {  	_ =	shalt  }
0x5f: {  	_ =	shalt  }
0x60: {  	_ =	shalt  }
0x61: {  	_ =	shalt  }
0x62: {  	_ =	shalt  }
0x63: {  	_ =	shalt  }
0x64: {  	_ =	shalt  }
0x65: {  	_ =	shalt  }
0x66: {  	_ =	shalt  }
0x67: {  	_ =	shalt  }
0x68: {  	_ =	shalt  }
0x69: {  	_ =	shalt  }
0x6a: {  	_ =	shalt  }
0x6b: {  	_ =	shalt  }
0x6c: {  	_ =	shalt  }
0x6d: {  	_ =	shalt  }
0x6e: {  	_ =	shalt  }
0x6f: {  	_ =	shalt  }
0x70: {  	_ =	shalt  }
0x71: {  	_ =	shalt  }
0x72: {  	_ =	shalt  }
0x73: {  	_ =	shalt  }
0x74: {  	_ =	shalt  }
0x75: {  	_ =	shalt  }
0x76: {  	_ =	shalt  }
0x77: {  	_ =	shalt  }
0x78: {  	_ =	shalt  }
0x79: {  	_ =	shalt  }
0x7a: {  	_ =	shalt  }
0x7b: {  	_ =	shalt  }
0x7c: {  	_ =	shalt  }
0x7d: {  	_ =	shalt  }
0x7e: {  	_ =	shalt  }
0x7f: {  	_ =	shalt  }
0x80: {  	_ =	shalt  }
0x81: {  	_ =	shalt  }
0x82: {  	_ =	shalt  }
0x83: {  	_ =	shalt  }
0x84: {  	_ =	shalt  }
0x85: {  	_ =	shalt  }
0x86: {  	_ =	shalt  }
0x87: {  	_ =	shalt  }
.Lfunc_end0:
.L_simem_size_0:
called_computation.4_lowered:
.L_overlay_start_0:
0x88: {  	s2 =	sld [smem:$0x3FD9]  }
0x89: {  	s3 =	sld [smem:$0x3FFE];
	_ =	sdelay $0x1  }
0x8a: {  	s1 =	srdreg.scid  }
0x8b: {  	s0 =	sand.u32 $0x1, s1  }
0x8c: {  	s17 =	sshll.u32 s0, $0xA;
	s2 =	sadd.s32 s3, s2  }
0x8d: {  	s2 =	sadd.s32 s2, s17  }
0x8e: {  	[smem:$0x3FBD] =	sst s2  }
0x8f: {  	_ = 	snop  }
0x90: {  	s2 =	sld [smem:$0x3FD0];
	(tm) =	ssettm $0x1  }
0x91: {  	s18 =	sld [smem:$0x3FFB];
	_ =	sdelay $0x3  }
0x92: {  	_ =	strace s18  }
0x93: {  	s3 =	sld [smem:$0x3FFC];
	_ =	sdelay $0x3  }
0x94: {  	_ =	strace s3  }
0x95: {  	s3 =	sld [smem:$0x3FFD];
	_ =	sdelay $0x3  }
0x96: {  	_ =	strace s3  }
0x97: {  	_ =	strace $0x8FFFFFFF  }
0x98: {  	s19 =	sld [smem:$0x3FDB];
	_ =	sdelay $0x1  }
0x99: {  	s4 =	simm.s32 $_scs_section_size  }
0x9a: {  	s5 =	simm.s32 $_size__tile_overlayer_lowered;
	s6 =	simm.s32 $_tile_overlayer_lowered  }
0x9b: {  	s22 =	simm.s32 $0x1BFF;
	s21 =	sshll.u32 s6, $0x1;
	s3 =	sadd.s32 s4, s19  }
0x9c: {  	s7 =	simm.s32 $0x0;
	s20 =	sshll.u32 s5, $0x1;
	s5 =	sadd.s32 s21, s3  }
0x9d: {  	[timem:s7], [sflag:s22] =	dma.local [hbm:s5], s20  }
0x9e: {  	_ =	swait.ge [sflag:s22], s20  }
0x9f: {  	s4 =	ssub.s32 $0x0, s20;
	[sflag:s22] =	ssyncset.done $0x0  }
0xa0: {  	[sflag:s22] =	ssyncadd.s32 s4;
	_ =	sdelay $0x1  }
0xa1: {  	s23 =	simm.s32 $0x1B8B  }
0xa2: {  	_ =	swait.ge [sflag:s23], $0x1  }
0xa3: {  	[sflag:s23] =	ssyncset.done $0x0  }
0xa4: {  	s25 =	simm.s32 $0x1B8E;
	s24 =	sld [smem:$0x3FFE];
	[sflag:s23] =	ssyncadd.s32 $0xFFFFFFFF  }
0xa5: {  	s26 =	simm.s32 $execute0_lowered;
	[smem:$0x3FD2] =	sst s25  }
0xa6: {  	s5 =	sshll.u32 s26, $0x1;
	_ =	strace $0x80000052;
	[dreg:$0x1] =	wrdreg $0xFFFFFFFF  }
0xa7: {  	s28 =	simm.s32 $_size_execute0_lowered;
	s3 =	sadd.s32 s3, s5;
	[dreg:$0x0] =	wrdreg $0x0  }
0xa8: {  	s5 =	sshll.u32 s28, $0x1;
	[dreg:$0x2] =	wrdreg s3  }
0xa9: {  	[dreg:$0x3] =	wrdreg s5  }
0xaa: {  	[dreg:$0x4] =	wrdreg $0xC0  }
0xab: {  	_ =	task [dreg:s7], $0x5FFFF  }
0xac: {  	[dreg:$0x1] =	wrdreg $0xFFFFFFFF  }
0xad: {  	[dreg:$0x0] =	wrdreg $0x60  }
0xae: {  	[dreg:$0x2] =	wrdreg s2  }
0xaf: {  	[dreg:$0x3] =	wrdreg s24  }
0xb0: {  	[dreg:$0x4] =	wrdreg $0xC2000  }
0xb1: {  	[dreg:$0x5] =	wrdreg $0x9  }
0xb2: {  	_ =	task.clear_ibuf [dreg:s7], $0x6FFFF;
	_ =	strace $0x90000052  }
0xb3: {  	s29 =	simm.s32 $0x9;
	_ =	strace $0x80000054  }
0xb4: {  	_ =	swait.ge [sflag:s29], $0x1  }
0xb5: {  	[sflag:s29] =	ssyncadd.s32 $0xFFFFFFFF  }
0xb6: {  	_ =	strace $0x90000054  }
0xb7: {  	_ =	sfence  }
0xb8: {  	s30 =	sld [smem:$0x0];
	_ =	sdelay $0x2  }
0xb9: {  	s31 =	sshll.u32 s1, $0xD;
	s1 =	sshrl.u32 s1, $0x2  }
0xba: {  	s3 =	sand.u32 $0x4000, s31;
	s1 =	sadd.s32 s1, s30  }
0xbb: {  	s0 =	sor.u32 s3, s0;
	s1 =	sshll.u32 s1, $0x11  }
0xbc: {  	s0 =	sor.u32 s1, s0  }
0xbd: {  	s0 =	sadd.s32 $0x8F2B, s0  }
0xbe: {  	[sflag:s0] =	ssyncadd.remote.s32 $0x1  }
0xbf: {  	_ =	sfence.sel $0xFFFF  }
0xc0: {  	[dreg:$0x0] =	wrdreg $0xFFFFFFFF;
	(pc) =	sbr.abs _section_cstart, $3  }
0xc1: {  	[dreg:$0x1] =	wrdreg $0xFFFFFFFF  }
0xc2: {  	_ =	task.clear_ibuf [dreg:s7], $0x2FFFF;
	_ =	strace $0x9FFFFFFF  }
0xc3: {  	(tm) =	ssettm $0x7FFFFFFF  }
tec
execute0_lowered:
.L_overlay_start_1:
0x0: {  	(tag) =	ssettag $0x1  }
0x1: {  	s1 =	rddreg [dreg:$0x0]  }
0x2: {  	s13 =	rddreg [dreg:$0x1]  }
0x3: {  	s2 =	rddreg [dreg:$0x2];
	s3 =	simm.s32 $0x0;
	s0 =	srdreg.scid  }
0x4: {  	s24 =	stileid.u32;
	s30 =	simm.s32 $0x80;
	s28 =	simm.s32 $0x4  }
0x5: {  	s31 =	simm.s32 $0xC080;
	s0 =	sand.u32 $0x1, s0;
	s9 =	smul.u32 $0x2800, s24  }
0x6: {  	[smem:$0x7FF] =	sst s3;
	s8 =	sor.u32 $0x10, s24;
	s4 =	smul.u32 $0x138800, s0  }
0x7: {  	s5 =	sadd.s32 $0x3200, s13;
	s10 =	sor.u32 $0x20, s24;
	s11 =	smul.u32 $0x2800, s8  }
0x8: {  	s7 =	sadd.s32 $0x368E00, s13;
	s14 =	sor.u32 $0x30, s24;
	s15 =	smul.u32 $0x2800, s10  }
0x9: {  	s16 =	sor.u32 $0x40, s24;
	s25 =	sshll.u32 s24, $0x1;
	s17 =	smul.u32 $0x2800, s14  }
0xa: {  	s19 =	sor.u32 $0x50, s24;
	s21 =	sor.u32 $0x70, s24;
	s18 =	smul.u32 $0x2800, s16  }
0xb: {  	_ =	strace $0x80000053;
	s6 =	ssub.s32 $0x2, s0;
	s20 =	smul.u32 $0x2800, s19  }
0xc: {  	s23 =	smul.u32 $0x2800, s21;
	p0 =	sgt.u32 s21, $0x7C;
	s12 =	sshrl.u32 s6, $0x1  }
0xd: {  	s12 =	ssub.s32 s6, s12;
	s6 =	sor.u32 s0, s25;
	s0 =	sor.u32 $0x60, s24  }
0xe: {  	s9 =	sadd.s32 s4, s9;
	s11 =	sadd.s32 s4, s11;
	s15 =	sadd.s32 s4, s15  }
0xf: {  	s17 =	sadd.s32 s4, s17;
	s18 =	sadd.s32 s4, s18;
	s20 =	sadd.s32 s4, s20  }
0x10: {  	s22 =	smul.u32 $0x2800, s0;
	s9 =	sshrl.u32 s9, $0x3;
	s26 =	sshll.u32 s6, $0x4  }
0x11: {  	s29 =	sshrl.u32 s11, $0x3;
	s11 =	sshrl.u32 s15, $0x3;
	s15 =	sshrl.u32 s17, $0x3  }
0x12: {  	s18 =	sshrl.u32 s18, $0x3;
	s20 =	sshrl.u32 s20, $0x3;
	s0 =	smul.u32 $0xA000, s0  }
0x13: {  	s9 =	sadd.s32 s7, s9;
	s17 =	sadd.s32 s7, s15;
	s15 =	sadd.s32 $0x1A6E00, s13  }
0x14: {  	s22 =	sadd.s32 s4, s22;
	s4 =	sadd.s32 s4, s23;
	[dreg:$0x4] =	wrdreg s9  }
0x15: {  	s9 =	sadd.s32 s7, s29;
	[dreg:$0x7] =	wrdreg s17;
	s17 =	sadd.s32 $0x4F8E00, s13  }
0x16: {  	s29 =	sshll.u32 s6, $0xB;
	s23 =	smul.u32 $0xA000, s10;
	s0 =	sshrl.u32 s0, $0x2  }
0x17: {  	[dreg:$0x5] =	wrdreg s9;
	s9 =	sadd.s32 s7, s11;
	s22 =	sshrl.u32 s22, $0x3  }
0x18: {  	s4 =	sshrl.u32 s4, $0x3;
	s11 =	smul.u32 $0xA000, s24;
	s24 =	smax.u32 s12, $0x1  }
0x19: {  	s0 =	sadd.s32 s0, s2;
	[dreg:$0x6] =	wrdreg s9;
	s9 =	sadd.s32 s7, s18  }
0x1a: {  	s25 =	sadd.s32 s7, s22;
	s4 =	sadd.s32 s7, s4;
	[dreg:$0x10] =	wrdreg s24  }
0x1b: {  	s18 =	sadd.s32 $0x16E00, s13;
	s22 =	sadd.s32 s17, s29;
	[dreg:$0x17] =	wrdreg s0  }
0x1c: {  	s10 =	sshrl.u32 s23, $0x2;
	[dreg:$0x8] =	wrdreg s9;
	s9 =	sadd.s32 s7, s20  }
0x1d: {  	[dreg:$0xa] =	wrdreg s25;
	s20 =	sadd.s32 s5, s26;
	s26 =	smul.u32 $0xA000, s8  }
0x1e: {  	s0 =	sadd.s32 $0x336E00, s13;
	[dreg:$0xb] =	wrdreg s4;
	s25 =	smul.u32 $0xA000, s14  }
0x1f: {  	[dreg:$0xe] =	wrdreg s22;
	s8 =	sshrl.u32 s11, $0x2;
	s11 =	smul.u32 $0xA000, s19  }
0x20: {  	s7 =	sadd.s32 s18, s29;
	s14 =	smul.u32 $0xA000, s21;
	[dreg:$0x9] =	wrdreg s9  }
0x21: {  	s9 =	sadd.s32 s15, s29;
	[dreg:$0xf] =	wrdreg s7;
	s22 =	sadd.s32 s8, s2  }
0x22: {  	s29 =	smul.u32 $0xA000, s16;
	s7 =	sadd.s32 $0x6600, s13;
	[dreg:$0xc] =	wrdreg s20  }
0x23: {  	s24 =	sadd.s32 $0x3200, s20;
	[dreg:$0xd] =	wrdreg s9;
	s4 =	sshrl.u32 s26, $0x2  }
0x24: {  	s12 =	sshrl.u32 s25, $0x2;
	s19 =	sshrl.u32 s11, $0x2;
	s21 =	sshrl.u32 s14, $0x2  }
0x25: {  	s9 =	sadd.s32 $0x9800, s13;
	s11 =	sadd.s32 $0xCA00, s13;
	[dreg:$0x19] =	wrdreg s24  }
0x26: {  	s25 =	sadd.s32 $0x6400, s20;
	s24 =	simm.s32 $0x5;
	s14 =	simm.s32 $0x4000  }
0x27: {  	[dreg:$0x11] =	wrdreg s22;
	s26 =	sadd.s32 s4, s2;
	s4 =	sadd.s32 s10, s2  }
0x28: {  	s8 =	sshrl.u32 s29, $0x2;
	s23 =	sadd.s32 s21, s2;
	[dreg:$0x1a] =	wrdreg s25  }
0x29: {  	s10 =	sadd.s32 $0x13400, s13;
	s29 =	sadd.s32 $0x9600, s20;
	[dreg:$0x13] =	wrdreg s4  }
0x2a: {  	s25 =	simm.s32 $0x7;
	s21 =	simm.s32 $0x0;
	[dreg:$0x18] =	wrdreg s23  }
.Ltmp0:
0x2b: {  	s4 =	sadd.s32 s12, s2;
	[dreg:$0x1b] =	wrdreg s29;
	(pc) =	sbr.rel .LBB2_1-.Ltmp0, $4  }
0x2c: {  	s16 =	sadd.s32 s8, s2;
	s8 =	sadd.s32 $0x10200, s13;
	[dreg:$0x12] =	wrdreg s26  }
0x2d: {  	s12 =	sadd.s32 $0x16600, s13;
	s23 =	simm.s32 $0xC000;
	[dreg:$0x14] =	wrdreg s4  }
0x2e: {  	[dreg:$0x15] =	wrdreg s16;
	s4 =	sadd.s32 s19, s2;
	s16 =	simm.s32 $0x8000  }
0x2f: {  	v0 =	vimm.f32 $0.0e+00;
	[dreg:$0x16] =	wrdreg s4;
	s4 =	sadd.s32 $0xD000, s13;
	s13 =	sadd.s32 $0x3400, s13  }
.LBB2_42:
0x30: {  	s19 =	simm.s32 $0x8  }
0x31: {  	_ =	swait.ge [sflag:s19], $0x4000  }
0x32: {  	[sflag:s19] =	ssyncset.done $0x0  }
0x33: {  	s22 =	simm.s32 $0x9;
	[sflag:s19] =	ssyncadd.s32 $0xFFFFC000  }
0x34: {  	_ =	swait.ge [sflag:s22], $0x4000  }
0x35: {  	[sflag:s22] =	ssyncset.done $0x0  }
0x36: {  	[sflag:s22] =	ssyncadd.s32 $0xFFFFC000  }
0x37: {  	[bflag:$0x0] =	sbarrier.arrive $0xFFFF  }
0x38: {  	s21 =	simm.s32 $0xB;
	s22 =	rddreg [dreg:$0x11]  }
0x39: {  	[tilespmem:s16], [sflag:$0xB] =	stream.linear.gather [spmem:s22], $0x2800, $0x38;
	[tilespmem:$0x1FA80] =	vst v63  }
0x3a: {  	_ =	swait.ge [sflag:s21], $0x2800  }
0x3b: {  	[sflag:s21] =	ssyncset.done $0x0  }
0x3c: {  	s20 =	simm.s32 $0xA;
	s26 =	rddreg [dreg:$0x4];
	[sflag:s21] =	ssyncadd.s32 $0xFFFFD800  }
0x3d: {  	[hbm4b:s26+s3] =	stream.linear.scatter [tilespmem:s16], [sflag:$0xA], $0x2800, $0x38;
	[tilespmem:$0x1FA80] =	vst v63  }
0x3e: {  	_ =	swait.ge [sflag:s20], $0x2800  }
0x3f: {  	[sflag:s20] =	ssyncset.done $0x0  }
0x40: {  	s26 =	rddreg [dreg:$0x12];
	[sflag:s20] =	ssyncadd.s32 $0xFFFFD800  }
0x41: {  	[tilespmem:s16], [sflag:$0xB] =	stream.linear.gather [spmem:s26], $0x2800, $0x38;
	[tilespmem:$0x1FA80] =	vst v63  }
0x42: {  	_ =	swait.ge [sflag:s21], $0x2800  }
0x43: {  	[sflag:s21] =	ssyncset.done $0x0  }
0x44: {  	s29 =	rddreg [dreg:$0x5];
	[sflag:s21] =	ssyncadd.s32 $0xFFFFD800  }
0x45: {  	[hbm4b:s29+s3] =	stream.linear.scatter [tilespmem:s16], [sflag:$0xA], $0x2800, $0x38;
	[tilespmem:$0x1FA80] =	vst v63  }
0x46: {  	_ =	swait.ge [sflag:s20], $0x2800  }
0x47: {  	[sflag:s20] =	ssyncset.done $0x0  }
0x48: {  	s29 =	rddreg [dreg:$0x13];
	[sflag:s20] =	ssyncadd.s32 $0xFFFFD800  }
0x49: {  	[tilespmem:s16], [sflag:$0xB] =	stream.linear.gather [spmem:s29], $0x2800, $0x38;
	[tilespmem:$0x1FA80] =	vst v63  }
0x4a: {  	_ =	swait.ge [sflag:s21], $0x2800  }
0x4b: {  	[sflag:s21] =	ssyncset.done $0x0  }
0x4c: {  	s29 =	rddreg [dreg:$0x6];
	[sflag:s21] =	ssyncadd.s32 $0xFFFFD800  }
0x4d: {  	[hbm4b:s29+s3] =	stream.linear.scatter [tilespmem:s16], [sflag:$0xA], $0x2800, $0x38;
	[tilespmem:$0x1FA80] =	vst v63  }
0x4e: {  	_ =	swait.ge [sflag:s20], $0x2800  }
0x4f: {  	[sflag:s20] =	ssyncset.done $0x0  }
0x50: {  	s29 =	rddreg [dreg:$0x14];
	[sflag:s20] =	ssyncadd.s32 $0xFFFFD800  }
0x51: {  	[tilespmem:s16], [sflag:$0xB] =	stream.linear.gather [spmem:s29], $0x2800, $0x38;
	[tilespmem:$0x1FA80] =	vst v63  }
0x52: {  	_ =	swait.ge [sflag:s21], $0x2800  }
0x53: {  	[sflag:s21] =	ssyncset.done $0x0  }
0x54: {  	s29 =	rddreg [dreg:$0x7];
	[sflag:s21] =	ssyncadd.s32 $0xFFFFD800  }
0x55: {  	[hbm4b:s29+s3] =	stream.linear.scatter [tilespmem:s16], [sflag:$0xA], $0x2800, $0x38;
	[tilespmem:$0x1FA80] =	vst v63  }
0x56: {  	_ =	swait.ge [sflag:s20], $0x2800  }
0x57: {  	[sflag:s20] =	ssyncset.done $0x0  }
0x58: {  	s29 =	rddreg [dreg:$0x15];
	[sflag:s20] =	ssyncadd.s32 $0xFFFFD800  }
0x59: {  	[tilespmem:s16], [sflag:$0xB] =	stream.linear.gather [spmem:s29], $0x2800, $0x38;
	[tilespmem:$0x1FA80] =	vst v63  }
0x5a: {  	_ =	swait.ge [sflag:s21], $0x2800  }
0x5b: {  	[sflag:s21] =	ssyncset.done $0x0  }
0x5c: {  	s29 =	rddreg [dreg:$0x8];
	[sflag:s21] =	ssyncadd.s32 $0xFFFFD800  }
0x5d: {  	[hbm4b:s29+s3] =	stream.linear.scatter [tilespmem:s16], [sflag:$0xA], $0x2800, $0x38;
	[tilespmem:$0x1FA80] =	vst v63  }
0x5e: {  	_ =	swait.ge [sflag:s20], $0x2800  }
0x5f: {  	[sflag:s20] =	ssyncset.done $0x0  }
0x60: {  	s29 =	rddreg [dreg:$0x16];
	[sflag:s20] =	ssyncadd.s32 $0xFFFFD800  }
0x61: {  	[tilespmem:s16], [sflag:$0xB] =	stream.linear.gather [spmem:s29], $0x2800, $0x38;
	[tilespmem:$0x1FA80] =	vst v63  }
0x62: {  	_ =	swait.ge [sflag:s21], $0x2800  }
0x63: {  	[sflag:s21] =	ssyncset.done $0x0  }
0x64: {  	s29 =	rddreg [dreg:$0x9];
	[sflag:s21] =	ssyncadd.s32 $0xFFFFD800  }
0x65: {  	[hbm4b:s29+s3] =	stream.linear.scatter [tilespmem:s16], [sflag:$0xA], $0x2800, $0x38;
	[tilespmem:$0x1FA80] =	vst v63  }
0x66: {  	_ =	swait.ge [sflag:s20], $0x2800  }
0x67: {  	[sflag:s20] =	ssyncset.done $0x0  }
0x68: {  	s29 =	rddreg [dreg:$0x17];
	[sflag:s20] =	ssyncadd.s32 $0xFFFFD800  }
0x69: {  	[tilespmem:s16], [sflag:$0xB] =	stream.linear.gather [spmem:s29], $0x2800, $0x38;
	[tilespmem:$0x1FA80] =	vst v63  }
0x6a: {  	_ =	swait.ge [sflag:s21], $0x2800  }
0x6b: {  	[sflag:s21] =	ssyncset.done $0x0  }
0x6c: {  	s29 =	rddreg [dreg:$0xa];
	[sflag:s21] =	ssyncadd.s32 $0xFFFFD800  }
0x6d: {  	[hbm4b:s29+s3] =	stream.linear.scatter [tilespmem:s16], [sflag:$0xA], $0x2800, $0x38;
	[tilespmem:$0x1FA80] =	vst v63  }
0x6e: {  	_ =	swait.ge [sflag:s20], $0x2800  }
0x6f: {  	[sflag:s20] =	ssyncset.done $0x0  }
0x70: {  	s19 =	simm.s32 @!p0 $0x8000;
	[sflag:s20] =	ssyncadd.s32 $0xFFFFD800;
	s20 =	rddreg [dreg:$0x18]  }
0x71: {  	[tilespmem:s19], [sflag:$0xB] =	stream.linear.gather @!p0 [spmem:s20], $0x2800, $0x38;
	[tilespmem:$0x1FA80] =	vst v63  }
0x72: {  	s20 =	simm.s32 @!p0 $0xB  }
0x73: {  	_ =	swait.ge @!p0 [sflag:s20], $0x2800  }
0x74: {  	[sflag:s20] =	ssyncset.done @!p0 $0x0  }
0x75: {  	s21 =	rddreg [dreg:$0xb];
	[sflag:s20] =	ssyncadd.s32 @!p0 $0xFFFFD800;
	s20 =	simm.s32 @!p0 $0x0  }
0x76: {  	[hbm4b:s21+s20] =	stream.linear.scatter @!p0 [tilespmem:s19], [sflag:$0xA], $0x2800, $0x38;
	[tilespmem:$0x1FA80] =	vst v63  }
0x77: {  	s19 =	simm.s32 @!p0 $0xA  }
0x78: {  	_ =	swait.ge @!p0 [sflag:s19], $0x2800  }
0x79: {  	s20 =	rddreg [dreg:$0x1c]  }
0x7a: {  	s29 =	rddreg [dreg:$0x10];
	s21 =	sadd.s32 $0x1, s20  }
0x7b: {  	p1 =	sne.s32 s21, s29  }
.Ltmp1:
0x7c: {  	_ = 	snop;
	(pc) =	sbr.rel @!p1 .LBB2_43-.Ltmp1, $3  }
0x7d: {  	_ =	sdelay $0x1  }
0x7e: {  	[sflag:s19] =	ssyncset.done @!p0 $0x0  }
0x7f: {  	[sflag:s19] =	ssyncadd.s32 @!p0 $0xFFFFD800  }
.LBB2_1:
0x80: {  	[dreg:$0x1c] =	wrdreg s21;
	s19 =	simm.s32 $0x70;
	s20 =	simm.s32 $0x3C0  }
.LBB2_2:
0x81: {  	p1 =	sne.s32 s20, $0x9FC0;
	[tilespmem:s19+$0x0] =	vst v0  }
0x82: {  	[tilespmem:s19+$0xFFFFFF90] =	vst v0  }
0x83: {  	[tilespmem:s19+$0xFFFFFFA0] =	vst v0  }
.Ltmp2:
0x84: {  	[tilespmem:s19+$0xFFFFFFB0] =	vst v0;
	(pc) =	sbr.rel @p1 .LBB2_2-.Ltmp2, $4  }
0x85: {  	[tilespmem:s19+$0xFFFFFFC0] =	vst v0  }
0x86: {  	[tilespmem:s19+$0xFFFFFFD0] =	vst v0  }
0x87: {  	[tilespmem:s19+$0xFFFFFFE0] =	vst v0  }
0x88: {  	[tilespmem:s19+$0xFFFFFFF0] =	vst v0;
	s19 =	sshra.s32 s20, $0x2;
	s20 =	sadd.s32 $0x200, s20  }
0x89: {  	[tilespmem:s19+$0x0] =	vst v0  }
0x8a: {  	[tilespmem:s19+$0xFFFFFF90] =	vst v0  }
0x8b: {  	[tilespmem:s19+$0xFFFFFFA0] =	vst v0  }
0x8c: {  	[tilespmem:s19+$0xFFFFFFB0] =	vst v0  }
0x8d: {  	[tilespmem:s19+$0xFFFFFFC0] =	vst v0  }
0x8e: {  	[tilespmem:s19+$0xFFFFFFD0] =	vst v0  }
0x8f: {  	[tilespmem:s19+$0xFFFFFFE0] =	vst v0  }
0x90: {  	[tilespmem:s19+$0xFFFFFFF0] =	vst v0;
	s20 =	simm.s32 $0xA  }
0x91: {  	[spmem:s22] =	stream.linear.scatter [tilespmem:s3], [sflag:$0xA], $0x2800, $0x38;
	[tilespmem:$0x1FA80] =	vst v63  }
0x92: {  	_ =	swait.ge [sflag:s20], $0x2800  }
0x93: {  	[sflag:s20] =	ssyncset.done $0x0  }
0x94: {  	[sflag:s20] =	ssyncadd.s32 $0xFFFFD800  }
0x95: {  	[spmem:s26] =	stream.linear.scatter [tilespmem:s3], [sflag:$0xA], $0x2800, $0x38;
	[tilespmem:$0x1FA80] =	vst v63  }
0x96: {  	_ =	swait.ge [sflag:s20], $0x2800  }
0x97: {  	[sflag:s20] =	ssyncset.done $0x0  }
0x98: {  	s21 =	rddreg [dreg:$0x13];
	[sflag:s20] =	ssyncadd.s32 $0xFFFFD800  }
0x99: {  	[spmem:s21] =	stream.linear.scatter [tilespmem:s3], [sflag:$0xA], $0x2800, $0x38;
	[tilespmem:$0x1FA80] =	vst v63  }
0x9a: {  	_ =	swait.ge [sflag:s20], $0x2800  }
0x9b: {  	[sflag:s20] =	ssyncset.done $0x0  }
0x9c: {  	s22 =	rddreg [dreg:$0x14];
	[sflag:s20] =	ssyncadd.s32 $0xFFFFD800  }
0x9d: {  	[spmem:s22] =	stream.linear.scatter [tilespmem:s3], [sflag:$0xA], $0x2800, $0x38;
	[tilespmem:$0x1FA80] =	vst v63  }
0x9e: {  	_ =	swait.ge [sflag:s20], $0x2800  }
0x9f: {  	[sflag:s20] =	ssyncset.done $0x0  }
0xa0: {  	s26 =	rddreg [dreg:$0x15];
	[sflag:s20] =	ssyncadd.s32 $0xFFFFD800  }
0xa1: {  	[spmem:s26] =	stream.linear.scatter [tilespmem:s3], [sflag:$0xA], $0x2800, $0x38;
	[tilespmem:$0x1FA80] =	vst v63  }
0xa2: {  	_ =	swait.ge [sflag:s20], $0x2800  }
0xa3: {  	[sflag:s20] =	ssyncset.done $0x0  }
0xa4: {  	s29 =	rddreg [dreg:$0x16];
	[sflag:s20] =	ssyncadd.s32 $0xFFFFD800  }
0xa5: {  	[spmem:s29] =	stream.linear.scatter [tilespmem:s3], [sflag:$0xA], $0x2800, $0x38;
	[tilespmem:$0x1FA80] =	vst v63  }
0xa6: {  	_ =	swait.ge [sflag:s20], $0x2800  }
0xa7: {  	[sflag:s20] =	ssyncset.done $0x0  }
0xa8: {  	s21 =	rddreg [dreg:$0x17];
	[sflag:s20] =	ssyncadd.s32 $0xFFFFD800  }
0xa9: {  	[spmem:s21] =	stream.linear.scatter [tilespmem:s3], [sflag:$0xA], $0x2800, $0x38;
	[tilespmem:$0x1FA80] =	vst v63  }
0xaa: {  	_ =	swait.ge [sflag:s20], $0x2800  }
0xab: {  	[sflag:s20] =	ssyncset.done $0x0  }
0xac: {  	s19 =	simm.s32 @!p0 $0x0;
	[sflag:s20] =	ssyncadd.s32 $0xFFFFD800;
	s20 =	rddreg [dreg:$0x18]  }
0xad: {  	[spmem:s20] =	stream.linear.scatter @!p0 [tilespmem:s19], [sflag:$0xA], $0x2800, $0x38;
	[tilespmem:$0x1FA80] =	vst v63  }
0xae: {  	s19 =	simm.s32 @!p0 $0xA  }
0xaf: {  	_ =	swait.ge @!p0 [sflag:s19], $0x2800  }
0xb0: {  	[sflag:s19] =	ssyncset.done @!p0 $0x0  }
0xb1: {  	[sflag:s19] =	ssyncadd.s32 @!p0 $0xFFFFD800  }
0xb2: {  	[bflag:$0x0] =	sbarrier.arrive $0xFFFF  }
0xb3: {  	s26 =	simm.s32 $0x0;
	s29 =	simm.s32 $0xC100;
	s22 =	rddreg [dreg:$0xc]  }
0xb4: {  	[tilespmem:s29], [sflag:$0x1] =	stream.linear.gather [hbm4b:s22+s26], $0x80, $0x38;
	[tilespmem:$0x1FA80] =	vst v63  }
.LBB2_4:
0xb5: {  	p1 =	seq.s32 s26, $0x0  }
0xb6: {  	s19 =	simm.s32 @p1 $0x1  }
0xb7: {  	_ =	swait.ge @p1 [sflag:s19], $0x80  }
0xb8: {  	s20 =	simm.s32 @p1 $0xC100;
	[sflag:s19] =	ssyncset.done @p1 $0x0  }
0xb9: {  	s21 =	simm.s32 @p1 $0x0;
	[sflag:s19] =	ssyncadd.s32 @p1 $0xFFFFFF80;
	s19 =	simm.s32 @p1 $0x80  }
0xba: {  	[tilespmem:s21], [sflag:$0x5] =	stream.indirect.gather @p1 [hbm4b:s1+s19], $0x80, s20, s19, $0xb8;
	[tilespmem:$0x1FA80] =	vst v63  }
0xbb: {  	s19 =	simm.s32 @!p1 $0x8  }
0xbc: {  	_ =	swait.ge @!p1 [sflag:s19], $0x4000  }
0xbd: {  	[sflag:s19] =	ssyncset.done @!p1 $0x0  }
0xbe: {  	s20 =	simm.s32 @!p1 $0x1;
	[sflag:s19] =	ssyncadd.s32 @!p1 $0xFFFFC000  }
0xbf: {  	_ =	swait.ge @!p1 [sflag:s20], $0x80  }
0xc0: {  	s22 =	simm.s32 @!p1 $0x0;
	s21 =	simm.s32 @!p1 $0xC100;
	[sflag:s20] =	ssyncset.done @!p1 $0x0  }
0xc1: {  	s19 =	sshll.u32 s26, $0x6;
	[sflag:s20] =	ssyncadd.s32 @!p1 $0xFFFFFF80;
	s20 =	simm.s32 @!p1 $0x80  }
0xc2: {  	[tilespmem:s22], [sflag:$0x5] =	stream.indirect.gather @!p1 [hbm4b:s1+s20], $0x80, s21, s20, $0xb8;
	[tilespmem:$0x1FA80] =	vst v63  }
0xc3: {  	s20 =	sor.u32 s6, s19;
	s21 =	simm.s32 @!p1 $0x6  }
.Ltmp3:
0xc4: {  	s22 =	sor.u32 $0x20, s20;
	_ =	swait.ge @!p1 [sflag:s21], $0x4000;
	(pc) =	sbr.rel @p1 .LBB2_8-.Ltmp3, $4  }
0xc5: {  	[sflag:s21] =	ssyncset.done @!p1 $0x0;
	p2 =	sgt.u32 s22, $0x31F  }
0xc6: {  	[sflag:s21] =	ssyncadd.s32 @!p1 $0xFFFFC000;
	s21 =	sshll.u32 @!p2 s22, $0x4  }
0xc7: {  	s22 =	simm.s32 @!p2 $0x0;
	s29 =	simm.s32 @!p2 $0xC180;
	s21 =	sadd.s32 @!p2 s5, s21  }
0xc8: {  	[tilespmem:s29], [sflag:$0x2] =	stream.linear.gather @!p2 [hbm4b:s21+s22], $0x80, $0x38;
	[tilespmem:$0x1FA80] =	vst v63  }
0xc9: {  	_ =	swait.ge [sflag:s25], $0x4000  }
0xca: {  	[sflag:s25] =	ssyncset.done $0x0  }
0xcb: {  	s21 =	simm.s32 $0x0;
	[sflag:s25] =	ssyncadd.s32 $0xFFFFC000  }
0xcc: {  	v8 =	vld [tilespmem:s21+$0x8000]  }
0xcd: {  	v12 =	vld [tilespmem:s21+$0x8010]  }
0xce: {  	v6 =	vld [tilespmem:s21+$0x8020]  }
0xcf: {  	v5 =	vld [tilespmem:s21+$0x8030]  }
0xd0: {  	v4 =	vld [tilespmem:s21+$0x8040]  }
0xd1: {  	v3 =	vld [tilespmem:s21+$0x8050]  }
0xd2: {  	v2 =	vld [tilespmem:s21+$0x8060]  }
0xd3: {  	v1 =	vld [tilespmem:s21+$0x8070]  }
0xd4: {  	v13 =	vld [tilespmem:s21+$0x4000]  }
0xd5: {  	v14 =	vld [tilespmem:s21+$0x4010]  }
0xd6: {  	v11 =	vld [tilespmem:s21+$0x4020]  }
0xd7: {  	v10 =	vld [tilespmem:s21+$0x4030]  }
0xd8: {  	v9 =	vld [tilespmem:s21+$0x4040]  }
0xd9: {  	v7 =	vld [tilespmem:s21+$0x4050];
	v13 =	vmul.f32 v8, v13  }
0xda: {  	s22 =	simm.s32 $0x200;
	v12 =	vmul.f32 v12, v14;
	v8 =	vld [tilespmem:s21+$0x4060]  }
.LBB2_6:
0xdb: {  	s29 =	sshra.s32 s22, $0x2;
	p1 =	sne.s32 s22, $0xFE00;
	[tilespmem:s21+$0x4000] =	vst v13;
	v6 =	vmul.f32 v6, v11;
	v11 =	vld [tilespmem:s21+$0x4070]  }
0xdc: {  	v13 =	vld [tilespmem:s29+$0x8000];
	[tilespmem:s21+$0x4010] =	vst v12;
	v5 =	vmul.f32 v5, v10  }
0xdd: {  	v12 =	vld [tilespmem:s29+$0x8010];
	[tilespmem:s21+$0x4020] =	vst v6;
	v4 =	vmul.f32 v4, v9  }
0xde: {  	v6 =	vld [tilespmem:s29+$0x8020];
	[tilespmem:s21+$0x4030] =	vst v5;
	v3 =	vmul.f32 v3, v7  }
0xdf: {  	v5 =	vld [tilespmem:s29+$0x8030];
	[tilespmem:s21+$0x4040] =	vst v4;
	v2 =	vmul.f32 v2, v8  }
0xe0: {  	v4 =	vld [tilespmem:s29+$0x8040];
	[tilespmem:s21+$0x4050] =	vst v3;
	v1 =	vmul.f32 v1, v11  }
0xe1: {  	v3 =	vld [tilespmem:s29+$0x8050];
	[tilespmem:s21+$0x4060] =	vst v2  }
0xe2: {  	v2 =	vld [tilespmem:s29+$0x8060];
	[tilespmem:s21+$0x4070] =	vst v1;
	s21 =	smov.u32 s29  }
0xe3: {  	v1 =	vld [tilespmem:s21+$0x8070]  }
0xe4: {  	v7 =	vld [tilespmem:s21+$0x4000]  }
0xe5: {  	v8 =	vld [tilespmem:s21+$0x4010]  }
.Ltmp4:
0xe6: {  	v11 =	vld [tilespmem:s21+$0x4020];
	(pc) =	sbr.rel @p1 .LBB2_6-.Ltmp4, $4  }
0xe7: {  	v10 =	vld [tilespmem:s21+$0x4030]  }
0xe8: {  	v9 =	vld [tilespmem:s21+$0x4040]  }
0xe9: {  	v13 =	vmul.f32 v13, v7;
	v7 =	vld [tilespmem:s21+$0x4050]  }
0xea: {  	s22 =	sadd.s32 $0x200, s22;
	v12 =	vmul.f32 v12, v8;
	v8 =	vld [tilespmem:s21+$0x4060]  }
0xeb: {  	[tilespmem:s21+$0x4000] =	vst v13;
	v6 =	vmul.f32 v6, v11;
	v63 =	vld [tilespmem:s21+$0x4070]  }
0xec: {  	[tilespmem:s21+$0x4010] =	vst v12;
	v5 =	vmul.f32 v5, v10  }
0xed: {  	[tilespmem:s21+$0x4020] =	vst v6;
	v4 =	vmul.f32 v4, v9  }
0xee: {  	[tilespmem:s21+$0x4030] =	vst v5;
	v3 =	vmul.f32 v3, v7  }
0xef: {  	[tilespmem:s21+$0x4040] =	vst v4;
	v2 =	vmul.f32 v2, v8  }
0xf0: {  	[tilespmem:s21+$0x4050] =	vst v3;
	v1 =	vmul.f32 v1, v63  }
0xf1: {  	s22 =	sshll.u32 s20, $0xB;
	[tilespmem:s21+$0x4060] =	vst v2  }
0xf2: {  	s29 =	sadd.s32 s15, s22;
	[tilespmem:s21+$0x4070] =	vst v1  }
0xf3: {  	[tilespmem:s16], [sflag:$0x7] =	stream.linear.gather [hbm4b:s29+s3], $0x4000, $0x38;
	[tilespmem:$0x1FA80] =	vst v63  }
.Ltmp5:
0xf4: {  	_ = 	snop;
	(pc) =	sbr.rel .LBB2_9-.Ltmp5, $4  }
0xf5: {  	_ =	swait.ge [sflag:s28], $0x80  }
0xf6: {  	[sflag:s28] =	ssyncset.done $0x0  }
0xf7: {  	[sflag:s28] =	ssyncadd.s32 $0xFFFFFF80  }
0xf8: {  	[spmem:s2] =	stream.indirect.scatter.add.f32 [tilespmem:s14], [sflag:$0x9], $0x80, s31, s30, $0xb8;
	[tilespmem:$0x1FA80] =	vst v63  }
.LBB2_8:
0xf9: {  	s21 =	rddreg [dreg:$0xd]  }
0xfa: {  	[tilespmem:s16], [sflag:$0x7] =	stream.linear.gather [hbm4b:s21+s3], $0x4000, $0x38;
	[tilespmem:$0x1FA80] =	vst v63  }
.LBB2_9:
0xfb: {  	s20 =	sshll.u32 s20, $0x4;
	s19 =	sor.u32 $0x20, s19  }
0xfc: {  	s20 =	sadd.s32 s4, s20;
	p1 =	sgt.u32 s19, $0x31F  }
0xfd: {  	[tilespmem:s23], [sflag:$0x3] =	stream.linear.gather [hbm4b:s20+s3], $0x80, $0x38;
	[tilespmem:$0x1FA80] =	vst v63  }
0xfe: {  	p2 =	seq.s32 @!p1 s26, $0x0  }
0xff: {  	p2 =	por p2, p1  }
0x100: {  	s20 =	simm.s32 @!p2 $0x9  }
0x101: {  	_ =	swait.ge @!p2 [sflag:s20], $0x4000  }
0x102: {  	[sflag:s20] =	ssyncset.done @!p2 $0x0  }
0x103: {  	[sflag:s20] =	ssyncadd.s32 @!p2 $0xFFFFC000;
	s20 =	simm.s32 @!p1 $0x2  }
0x104: {  	_ =	swait.ge @!p1 [sflag:s20], $0x80  }
0x105: {  	s21 =	simm.s32 @!p1 $0xC180;
	[sflag:s20] =	ssyncset.done @!p1 $0x0  }
0x106: {  	s22 =	simm.s32 @!p1 $0x4000;
	[sflag:s20] =	ssyncadd.s32 @!p1 $0xFFFFFF80;
	s20 =	simm.s32 @!p1 $0x80  }
0x107: {  	[tilespmem:s22], [sflag:$0x6] =	stream.indirect.gather @!p1 [hbm4b:s1+s20], $0x80, s21, s20, $0xb8;
	[tilespmem:$0x1FA80] =	vst v63  }
0x108: {  	s19 =	sor.u32 s6, s19;
	p2 =	seq.s32 s26, $0xC;
	_ =	swait.ge [sflag:s24], $0x4000  }
0x109: {  	s20 =	sshll.u32 @!p2 s19, $0x4;
	s21 =	simm.s32 @!p2 $0x0;
	[sflag:s24] =	ssyncset.done $0x0  }
0x10a: {  	s22 =	simm.s32 @!p2 $0xC100;
	s20 =	sadd.s32 @!p2 s13, s20;
	[sflag:s24] =	ssyncadd.s32 $0xFFFFC000  }
0x10b: {  	[tilespmem:s22], [sflag:$0x1] =	stream.linear.gather @!p2 [hbm4b:s20+s21], $0x80, $0x38;
	[tilespmem:$0x1FA80] =	vst v63  }
0x10c: {  	_ =	swait.ge [sflag:s25], $0x4000  }
0x10d: {  	[sflag:s25] =	ssyncset.done $0x0  }
0x10e: {  	s20 =	simm.s32 $0x0;
	[sflag:s25] =	ssyncadd.s32 $0xFFFFC000  }
0x10f: {  	v8 =	vld [tilespmem:s20+$0x8000]  }
0x110: {  	v12 =	vld [tilespmem:s20+$0x8010]  }
0x111: {  	v6 =	vld [tilespmem:s20+$0x8020]  }
0x112: {  	v5 =	vld [tilespmem:s20+$0x8030]  }
0x113: {  	v4 =	vld [tilespmem:s20+$0x8040]  }
0x114: {  	v3 =	vld [tilespmem:s20+$0x8050]  }
0x115: {  	v2 =	vld [tilespmem:s20+$0x8060]  }
0x116: {  	v1 =	vld [tilespmem:s20+$0x8070]  }
0x117: {  	v13 =	vld [tilespmem:s20+$0x0]  }
0x118: {  	v14 =	vld [tilespmem:s20+$0x10]  }
0x119: {  	v11 =	vld [tilespmem:s20+$0x20]  }
0x11a: {  	v10 =	vld [tilespmem:s20+$0x30]  }
0x11b: {  	v9 =	vld [tilespmem:s20+$0x40]  }
0x11c: {  	v7 =	vld [tilespmem:s20+$0x50];
	v13 =	vmul.f32 v8, v13  }
0x11d: {  	s21 =	simm.s32 $0x200;
	v12 =	vmul.f32 v12, v14;
	v8 =	vld [tilespmem:s20+$0x60]  }
.LBB2_10:
0x11e: {  	s22 =	sshra.s32 s21, $0x2;
	p2 =	sne.s32 s21, $0xFE00;
	[tilespmem:s20+$0x0] =	vst v13;
	v6 =	vmul.f32 v6, v11;
	v11 =	vld [tilespmem:s20+$0x70]  }
0x11f: {  	v13 =	vld [tilespmem:s22+$0x8000];
	[tilespmem:s20+$0x10] =	vst v12;
	v5 =	vmul.f32 v5, v10  }
0x120: {  	v12 =	vld [tilespmem:s22+$0x8010];
	[tilespmem:s20+$0x20] =	vst v6;
	v4 =	vmul.f32 v4, v9  }
0x121: {  	v6 =	vld [tilespmem:s22+$0x8020];
	[tilespmem:s20+$0x30] =	vst v5;
	v3 =	vmul.f32 v3, v7  }
0x122: {  	v5 =	vld [tilespmem:s22+$0x8030];
	[tilespmem:s20+$0x40] =	vst v4;
	v2 =	vmul.f32 v2, v8  }
0x123: {  	v4 =	vld [tilespmem:s22+$0x8040];
	[tilespmem:s20+$0x50] =	vst v3;
	v1 =	vmul.f32 v1, v11  }
0x124: {  	v3 =	vld [tilespmem:s22+$0x8050];
	[tilespmem:s20+$0x60] =	vst v2  }
0x125: {  	v2 =	vld [tilespmem:s22+$0x8060];
	[tilespmem:s20+$0x70] =	vst v1;
	s20 =	smov.u32 s22  }
0x126: {  	v1 =	vld [tilespmem:s20+$0x8070]  }
0x127: {  	v7 =	vld [tilespmem:s20+$0x0]  }
0x128: {  	v8 =	vld [tilespmem:s20+$0x10]  }
.Ltmp6:
0x129: {  	v11 =	vld [tilespmem:s20+$0x20];
	(pc) =	sbr.rel @p2 .LBB2_10-.Ltmp6, $4  }
0x12a: {  	v10 =	vld [tilespmem:s20+$0x30]  }
0x12b: {  	v9 =	vld [tilespmem:s20+$0x40]  }
0x12c: {  	v13 =	vmul.f32 v13, v7;
	v7 =	vld [tilespmem:s20+$0x50]  }
0x12d: {  	s21 =	sadd.s32 $0x200, s21;
	v12 =	vmul.f32 v12, v8;
	v8 =	vld [tilespmem:s20+$0x60]  }
0x12e: {  	[tilespmem:s20+$0x0] =	vst v13;
	v6 =	vmul.f32 v6, v11;
	v63 =	vld [tilespmem:s20+$0x70]  }
0x12f: {  	[tilespmem:s20+$0x10] =	vst v12;
	v5 =	vmul.f32 v5, v10  }
0x130: {  	[tilespmem:s20+$0x20] =	vst v6;
	v4 =	vmul.f32 v4, v9  }
0x131: {  	[tilespmem:s20+$0x30] =	vst v5;
	v3 =	vmul.f32 v3, v7  }
0x132: {  	[tilespmem:s20+$0x40] =	vst v4;
	v2 =	vmul.f32 v2, v8  }
0x133: {  	[tilespmem:s20+$0x50] =	vst v3;
	v1 =	vmul.f32 v1, v63  }
0x134: {  	[tilespmem:s20+$0x60] =	vst v2  }
0x135: {  	[tilespmem:s20+$0x70] =	vst v1;
	s20 =	simm.s32 @p1 $0x3  }
0x136: {  	_ =	swait.ge @p1 [sflag:s20], $0x80  }
0x137: {  	s21 =	simm.s32 @p1 $0xC000;
	[sflag:s20] =	ssyncset.done @p1 $0x0  }
0x138: {  	s22 =	simm.s32 @p1 $0x0;
	[sflag:s20] =	ssyncadd.s32 @p1 $0xFFFFFF80;
	s20 =	simm.s32 @p1 $0x80  }
0x139: {  	[spmem:s2] =	stream.indirect.scatter.add.f32 @p1 [tilespmem:s22], [sflag:$0x8], $0x80, s21, s20, $0xb8;
	[tilespmem:$0x1FA80] =	vst v63  }
0x13a: {  	s20 =	sshll.u32 @!p1 s19, $0xB  }
0x13b: {  	s21 =	simm.s32 @!p1 $0x0;
	s22 =	simm.s32 @!p1 $0x8000;
	s20 =	sadd.s32 @!p1 s15, s20  }
0x13c: {  	[tilespmem:s22], [sflag:$0x7] =	stream.linear.gather @!p1 [hbm4b:s20+s21], $0x4000, $0x38;
	[tilespmem:$0x1FA80] =	vst v63  }
0x13d: {  	s20 =	simm.s32 @!p1 $0x3  }
0x13e: {  	_ =	swait.ge @!p1 [sflag:s20], $0x80  }
0x13f: {  	s19 =	sshll.u32 @!p1 s19, $0x4;
	[sflag:s20] =	ssyncset.done @!p1 $0x0  }
0x140: {  	s22 =	simm.s32 @!p1 $0xC000;
	[sflag:s20] =	ssyncadd.s32 @!p1 $0xFFFFFF80;
	s20 =	simm.s32 @!p1 $0x80  }
0x141: {  	[spmem:s2] =	stream.indirect.scatter.add.f32 @!p1 [tilespmem:s21], [sflag:$0x8], $0x80, s22, s20, $0xb8;
	[tilespmem:$0x1FA80] =	vst v63  }
0x142: {  	s26 =	sadd.s32 $0x1, s26;
	s19 =	sadd.s32 @!p1 s4, s19;
	s20 =	simm.s32 @!p1 $0xC080  }
0x143: {  	[tilespmem:s20], [sflag:$0x4] =	stream.linear.gather @!p1 [hbm4b:s19+s21], $0x80, $0x38;
	[tilespmem:$0x1FA80] =	vst v63  }
0x144: {  	p1 =	sne.s32 s26, $0xD  }
.Ltmp7:
0x145: {  	_ = 	snop;
	(pc) =	sbr.rel @p1 .LBB2_4-.Ltmp7, $1  }
0x146: {  	_ =	sdelay $0x3  }
0x147: {  	s19 =	simm.s32 $0x8  }
0x148: {  	_ =	swait.ge [sflag:s19], $0x4000  }
0x149: {  	[sflag:s19] =	ssyncset.done $0x0  }
0x14a: {  	s26 =	simm.s32 $0x9;
	[sflag:s19] =	ssyncadd.s32 $0xFFFFC000  }
0x14b: {  	_ =	swait.ge [sflag:s26], $0x4000  }
0x14c: {  	s20 =	simm.s32 $0xC100;
	[sflag:s26] =	ssyncset.done $0x0  }
0x14d: {  	s29 =	rddreg [dreg:$0x19];
	[sflag:s26] =	ssyncadd.s32 $0xFFFFC000;
	s26 =	simm.s32 $0x0  }
0x14e: {  	[tilespmem:s20], [sflag:$0x1] =	stream.linear.gather [hbm4b:s29+s26], $0x80, $0x38;
	[tilespmem:$0x1FA80] =	vst v63  }
.LBB2_13:
0x14f: {  	p2 =	seq.s32 s26, $0x0  }
0x150: {  	s19 =	simm.s32 @p2 $0x1  }
0x151: {  	_ =	swait.ge @p2 [sflag:s19], $0x80  }
0x152: {  	s20 =	simm.s32 @p2 $0xC100;
	[sflag:s19] =	ssyncset.done @p2 $0x0  }
0x153: {  	s21 =	simm.s32 @p2 $0x0;
	[sflag:s19] =	ssyncadd.s32 @p2 $0xFFFFFF80;
	s19 =	simm.s32 @p2 $0x80  }
0x154: {  	[tilespmem:s21], [sflag:$0x5] =	stream.indirect.gather @p2 [hbm4b:s1+s19], $0x80, s20, s19, $0xb8;
	[tilespmem:$0x1FA80] =	vst v63  }
0x155: {  	s19 =	simm.s32 @!p2 $0x8  }
0x156: {  	_ =	swait.ge @!p2 [sflag:s19], $0x4000  }
0x157: {  	[sflag:s19] =	ssyncset.done @!p2 $0x0  }
0x158: {  	[sflag:s19] =	ssyncadd.s32 @!p2 $0xFFFFC000;
	s19 =	simm.s32 @!p2 $0x1  }
0x159: {  	_ =	swait.ge @!p2 [sflag:s19], $0x80  }
0x15a: {  	s20 =	simm.s32 @!p2 $0xC100;
	[sflag:s19] =	ssyncset.done @!p2 $0x0  }
0x15b: {  	s21 =	simm.s32 @!p2 $0x0;
	[sflag:s19] =	ssyncadd.s32 @!p2 $0xFFFFFF80;
	s19 =	simm.s32 @!p2 $0x80  }
0x15c: {  	[tilespmem:s21], [sflag:$0x5] =	stream.indirect.gather @!p2 [hbm4b:s1+s19], $0x80, s20, s19, $0xb8;
	[tilespmem:$0x1FA80] =	vst v63  }
0x15d: {  	s29 =	sshll.u32 s26, $0x6;
	s21 =	simm.s32 @!p2 $0x6  }
.Ltmp8:
0x15e: {  	s19 =	sor.u32 $0x20, s29;
	_ =	swait.ge @!p2 [sflag:s21], $0x4000;
	(pc) =	sbr.rel @p2 .LBB2_17-.Ltmp8, $4  }
0x15f: {  	s20 =	sor.u32 s6, s29;
	p1 =	sgt.u32 s19, $0x31F;
	[sflag:s21] =	ssyncset.done @!p2 $0x0  }
0x160: {  	[sflag:s21] =	ssyncadd.s32 @!p2 $0xFFFFC000;
	s21 =	sshll.u32 @!p1 s20, $0x4  }
0x161: {  	s22 =	simm.s32 @!p1 $0x0;
	s29 =	simm.s32 @!p1 $0xC180;
	s21 =	sadd.s32 @!p1 s21, s7  }
0x162: {  	[tilespmem:s29], [sflag:$0x2] =	stream.linear.gather @!p1 [hbm4b:s21+s22], $0x80, $0x38;
	[tilespmem:$0x1FA80] =	vst v63  }
0x163: {  	_ =	swait.ge [sflag:s25], $0x4000  }
0x164: {  	[sflag:s25] =	ssyncset.done $0x0  }
0x165: {  	s21 =	simm.s32 $0x0;
	[sflag:s25] =	ssyncadd.s32 $0xFFFFC000  }
0x166: {  	v8 =	vld [tilespmem:s21+$0x8000]  }
0x167: {  	v12 =	vld [tilespmem:s21+$0x8010]  }
0x168: {  	v6 =	vld [tilespmem:s21+$0x8020]  }
0x169: {  	v5 =	vld [tilespmem:s21+$0x8030]  }
0x16a: {  	v4 =	vld [tilespmem:s21+$0x8040]  }
0x16b: {  	v3 =	vld [tilespmem:s21+$0x8050]  }
0x16c: {  	v2 =	vld [tilespmem:s21+$0x8060]  }
0x16d: {  	v1 =	vld [tilespmem:s21+$0x8070]  }
0x16e: {  	v13 =	vld [tilespmem:s21+$0x4000]  }
0x16f: {  	v14 =	vld [tilespmem:s21+$0x4010]  }
0x170: {  	v11 =	vld [tilespmem:s21+$0x4020]  }
0x171: {  	v10 =	vld [tilespmem:s21+$0x4030]  }
0x172: {  	v9 =	vld [tilespmem:s21+$0x4040]  }
0x173: {  	v7 =	vld [tilespmem:s21+$0x4050];
	v13 =	vmul.f32 v8, v13  }
0x174: {  	s22 =	simm.s32 $0x200;
	v12 =	vmul.f32 v12, v14;
	v8 =	vld [tilespmem:s21+$0x4060]  }
.LBB2_15:
0x175: {  	s29 =	sshra.s32 s22, $0x2;
	p2 =	sne.s32 s22, $0xFE00;
	[tilespmem:s21+$0x4000] =	vst v13;
	v6 =	vmul.f32 v6, v11;
	v11 =	vld [tilespmem:s21+$0x4070]  }
0x176: {  	v13 =	vld [tilespmem:s29+$0x8000];
	[tilespmem:s21+$0x4010] =	vst v12;
	v5 =	vmul.f32 v5, v10  }
0x177: {  	v12 =	vld [tilespmem:s29+$0x8010];
	[tilespmem:s21+$0x4020] =	vst v6;
	v4 =	vmul.f32 v4, v9  }
0x178: {  	v6 =	vld [tilespmem:s29+$0x8020];
	[tilespmem:s21+$0x4030] =	vst v5;
	v3 =	vmul.f32 v3, v7  }
0x179: {  	v5 =	vld [tilespmem:s29+$0x8030];
	[tilespmem:s21+$0x4040] =	vst v4;
	v2 =	vmul.f32 v2, v8  }
0x17a: {  	v4 =	vld [tilespmem:s29+$0x8040];
	[tilespmem:s21+$0x4050] =	vst v3;
	v1 =	vmul.f32 v1, v11  }
0x17b: {  	v3 =	vld [tilespmem:s29+$0x8050];
	[tilespmem:s21+$0x4060] =	vst v2  }
0x17c: {  	v2 =	vld [tilespmem:s29+$0x8060];
	[tilespmem:s21+$0x4070] =	vst v1;
	s21 =	smov.u32 s29  }
0x17d: {  	v1 =	vld [tilespmem:s21+$0x8070]  }
0x17e: {  	v7 =	vld [tilespmem:s21+$0x4000]  }
0x17f: {  	v8 =	vld [tilespmem:s21+$0x4010]  }
.Ltmp9:
0x180: {  	v11 =	vld [tilespmem:s21+$0x4020];
	(pc) =	sbr.rel @p2 .LBB2_15-.Ltmp9, $4  }
0x181: {  	v10 =	vld [tilespmem:s21+$0x4030]  }
0x182: {  	v9 =	vld [tilespmem:s21+$0x4040]  }
0x183: {  	v13 =	vmul.f32 v13, v7;
	v7 =	vld [tilespmem:s21+$0x4050]  }
0x184: {  	s22 =	sadd.s32 $0x200, s22;
	v12 =	vmul.f32 v12, v8;
	v8 =	vld [tilespmem:s21+$0x4060]  }
0x185: {  	[tilespmem:s21+$0x4000] =	vst v13;
	v6 =	vmul.f32 v6, v11;
	v63 =	vld [tilespmem:s21+$0x4070]  }
0x186: {  	[tilespmem:s21+$0x4010] =	vst v12;
	v5 =	vmul.f32 v5, v10  }
0x187: {  	[tilespmem:s21+$0x4020] =	vst v6;
	v4 =	vmul.f32 v4, v9  }
0x188: {  	[tilespmem:s21+$0x4030] =	vst v5;
	v3 =	vmul.f32 v3, v7  }
0x189: {  	[tilespmem:s21+$0x4040] =	vst v4;
	v2 =	vmul.f32 v2, v8  }
0x18a: {  	[tilespmem:s21+$0x4050] =	vst v3;
	v1 =	vmul.f32 v1, v63  }
0x18b: {  	s22 =	sshll.u32 s20, $0xB;
	[tilespmem:s21+$0x4060] =	vst v2  }
0x18c: {  	s29 =	sadd.s32 s17, s22;
	[tilespmem:s21+$0x4070] =	vst v1  }
0x18d: {  	[tilespmem:s16], [sflag:$0x7] =	stream.linear.gather [hbm4b:s29+s3], $0x4000, $0x38;
	[tilespmem:$0x1FA80] =	vst v63  }
.Ltmp10:
0x18e: {  	_ = 	snop;
	(pc) =	sbr.rel .LBB2_18-.Ltmp10, $4  }
0x18f: {  	_ =	swait.ge [sflag:s28], $0x80  }
0x190: {  	[sflag:s28] =	ssyncset.done $0x0  }
0x191: {  	[sflag:s28] =	ssyncadd.s32 $0xFFFFFF80  }
0x192: {  	[spmem:s2] =	stream.indirect.scatter.add.f32 [tilespmem:s14], [sflag:$0x9], $0x80, s31, s30, $0xb8;
	[tilespmem:$0x1FA80] =	vst v63  }
.LBB2_17:
0x193: {  	s21 =	rddreg [dreg:$0xe]  }
0x194: {  	[tilespmem:s16], [sflag:$0x7] =	stream.linear.gather [hbm4b:s21+s3], $0x4000, $0x38;
	[tilespmem:$0x1FA80] =	vst v63  }
.LBB2_18:
0x195: {  	s20 =	sshll.u32 s20, $0x4;
	p2 =	seq.s32 @!p1 s26, $0x0  }
0x196: {  	s20 =	sadd.s32 s20, s8;
	p2 =	por p2, p1  }
0x197: {  	[tilespmem:s23], [sflag:$0x3] =	stream.linear.gather [hbm4b:s20+s3], $0x80, $0x38;
	[tilespmem:$0x1FA80] =	vst v63  }
0x198: {  	s20 =	simm.s32 @!p2 $0x9  }
0x199: {  	_ =	swait.ge @!p2 [sflag:s20], $0x4000  }
0x19a: {  	[sflag:s20] =	ssyncset.done @!p2 $0x0  }
0x19b: {  	[sflag:s20] =	ssyncadd.s32 @!p2 $0xFFFFC000;
	s20 =	simm.s32 @!p1 $0x2  }
0x19c: {  	_ =	swait.ge @!p1 [sflag:s20], $0x80  }
0x19d: {  	s21 =	simm.s32 @!p1 $0xC180;
	[sflag:s20] =	ssyncset.done @!p1 $0x0  }
0x19e: {  	s22 =	simm.s32 @!p1 $0x4000;
	[sflag:s20] =	ssyncadd.s32 @!p1 $0xFFFFFF80;
	s20 =	simm.s32 @!p1 $0x80  }
0x19f: {  	[tilespmem:s22], [sflag:$0x6] =	stream.indirect.gather @!p1 [hbm4b:s1+s20], $0x80, s21, s20, $0xb8;
	[tilespmem:$0x1FA80] =	vst v63  }
0x1a0: {  	s19 =	sor.u32 s6, s19;
	p2 =	seq.s32 s26, $0xC;
	_ =	swait.ge [sflag:s24], $0x4000  }
0x1a1: {  	s20 =	sshll.u32 @!p2 s19, $0x4;
	s21 =	simm.s32 @!p2 $0x0;
	[sflag:s24] =	ssyncset.done $0x0  }
0x1a2: {  	s22 =	simm.s32 @!p2 $0xC100;
	s20 =	sadd.s32 @!p2 s20, s7;
	[sflag:s24] =	ssyncadd.s32 $0xFFFFC000  }
0x1a3: {  	[tilespmem:s22], [sflag:$0x1] =	stream.linear.gather @!p2 [hbm4b:s20+s21], $0x80, $0x38;
	[tilespmem:$0x1FA80] =	vst v63  }
0x1a4: {  	_ =	swait.ge [sflag:s25], $0x4000  }
0x1a5: {  	[sflag:s25] =	ssyncset.done $0x0  }
0x1a6: {  	s20 =	simm.s32 $0x0;
	[sflag:s25] =	ssyncadd.s32 $0xFFFFC000  }
0x1a7: {  	v8 =	vld [tilespmem:s20+$0x8000]  }
0x1a8: {  	v12 =	vld [tilespmem:s20+$0x8010]  }
0x1a9: {  	v6 =	vld [tilespmem:s20+$0x8020]  }
0x1aa: {  	v5 =	vld [tilespmem:s20+$0x8030]  }
0x1ab: {  	v4 =	vld [tilespmem:s20+$0x8040]  }
0x1ac: {  	v3 =	vld [tilespmem:s20+$0x8050]  }
0x1ad: {  	v2 =	vld [tilespmem:s20+$0x8060]  }
0x1ae: {  	v1 =	vld [tilespmem:s20+$0x8070]  }
0x1af: {  	v13 =	vld [tilespmem:s20+$0x0]  }
0x1b0: {  	v14 =	vld [tilespmem:s20+$0x10]  }
0x1b1: {  	v11 =	vld [tilespmem:s20+$0x20]  }
0x1b2: {  	v10 =	vld [tilespmem:s20+$0x30]  }
0x1b3: {  	v9 =	vld [tilespmem:s20+$0x40]  }
0x1b4: {  	v7 =	vld [tilespmem:s20+$0x50];
	v13 =	vmul.f32 v8, v13  }
0x1b5: {  	s21 =	simm.s32 $0x200;
	v12 =	vmul.f32 v12, v14;
	v8 =	vld [tilespmem:s20+$0x60]  }
.LBB2_19:
0x1b6: {  	s22 =	sshra.s32 s21, $0x2;
	p2 =	sne.s32 s21, $0xFE00;
	[tilespmem:s20+$0x0] =	vst v13;
	v6 =	vmul.f32 v6, v11;
	v11 =	vld [tilespmem:s20+$0x70]  }
0x1b7: {  	v13 =	vld [tilespmem:s22+$0x8000];
	[tilespmem:s20+$0x10] =	vst v12;
	v5 =	vmul.f32 v5, v10  }
0x1b8: {  	v12 =	vld [tilespmem:s22+$0x8010];
	[tilespmem:s20+$0x20] =	vst v6;
	v4 =	vmul.f32 v4, v9  }
0x1b9: {  	v6 =	vld [tilespmem:s22+$0x8020];
	[tilespmem:s20+$0x30] =	vst v5;
	v3 =	vmul.f32 v3, v7  }
0x1ba: {  	v5 =	vld [tilespmem:s22+$0x8030];
	[tilespmem:s20+$0x40] =	vst v4;
	v2 =	vmul.f32 v2, v8  }
0x1bb: {  	v4 =	vld [tilespmem:s22+$0x8040];
	[tilespmem:s20+$0x50] =	vst v3;
	v1 =	vmul.f32 v1, v11  }
0x1bc: {  	v3 =	vld [tilespmem:s22+$0x8050];
	[tilespmem:s20+$0x60] =	vst v2  }
0x1bd: {  	v2 =	vld [tilespmem:s22+$0x8060];
	[tilespmem:s20+$0x70] =	vst v1;
	s20 =	smov.u32 s22  }
0x1be: {  	v1 =	vld [tilespmem:s20+$0x8070]  }
0x1bf: {  	v7 =	vld [tilespmem:s20+$0x0]  }
0x1c0: {  	v8 =	vld [tilespmem:s20+$0x10]  }
.Ltmp11:
0x1c1: {  	v11 =	vld [tilespmem:s20+$0x20];
	(pc) =	sbr.rel @p2 .LBB2_19-.Ltmp11, $4  }
0x1c2: {  	v10 =	vld [tilespmem:s20+$0x30]  }
0x1c3: {  	v9 =	vld [tilespmem:s20+$0x40]  }
0x1c4: {  	v13 =	vmul.f32 v13, v7;
	v7 =	vld [tilespmem:s20+$0x50]  }
0x1c5: {  	s21 =	sadd.s32 $0x200, s21;
	v12 =	vmul.f32 v12, v8;
	v8 =	vld [tilespmem:s20+$0x60]  }
0x1c6: {  	[tilespmem:s20+$0x0] =	vst v13;
	v6 =	vmul.f32 v6, v11;
	v63 =	vld [tilespmem:s20+$0x70]  }
0x1c7: {  	[tilespmem:s20+$0x10] =	vst v12;
	v5 =	vmul.f32 v5, v10  }
0x1c8: {  	[tilespmem:s20+$0x20] =	vst v6;
	v4 =	vmul.f32 v4, v9  }
0x1c9: {  	[tilespmem:s20+$0x30] =	vst v5;
	v3 =	vmul.f32 v3, v7  }
0x1ca: {  	[tilespmem:s20+$0x40] =	vst v4;
	v2 =	vmul.f32 v2, v8  }
0x1cb: {  	[tilespmem:s20+$0x50] =	vst v3;
	v1 =	vmul.f32 v1, v63  }
0x1cc: {  	[tilespmem:s20+$0x60] =	vst v2  }
0x1cd: {  	[tilespmem:s20+$0x70] =	vst v1;
	s20 =	simm.s32 @p1 $0x3  }
0x1ce: {  	_ =	swait.ge @p1 [sflag:s20], $0x80  }
0x1cf: {  	s21 =	simm.s32 @p1 $0xC000;
	[sflag:s20] =	ssyncset.done @p1 $0x0  }
0x1d0: {  	s22 =	simm.s32 @p1 $0x0;
	[sflag:s20] =	ssyncadd.s32 @p1 $0xFFFFFF80;
	s20 =	simm.s32 @p1 $0x80  }
0x1d1: {  	[spmem:s2] =	stream.indirect.scatter.add.f32 @p1 [tilespmem:s22], [sflag:$0x8], $0x80, s21, s20, $0xb8;
	[tilespmem:$0x1FA80] =	vst v63  }
0x1d2: {  	s20 =	sshll.u32 @!p1 s19, $0xB  }
0x1d3: {  	s21 =	simm.s32 @!p1 $0x0;
	s22 =	simm.s32 @!p1 $0x8000;
	s20 =	sadd.s32 @!p1 s17, s20  }
0x1d4: {  	[tilespmem:s22], [sflag:$0x7] =	stream.linear.gather @!p1 [hbm4b:s20+s21], $0x4000, $0x38;
	[tilespmem:$0x1FA80] =	vst v63  }
0x1d5: {  	s20 =	simm.s32 @!p1 $0x3  }
0x1d6: {  	_ =	swait.ge @!p1 [sflag:s20], $0x80  }
0x1d7: {  	s19 =	sshll.u32 @!p1 s19, $0x4;
	[sflag:s20] =	ssyncset.done @!p1 $0x0  }
0x1d8: {  	s22 =	simm.s32 @!p1 $0xC000;
	[sflag:s20] =	ssyncadd.s32 @!p1 $0xFFFFFF80;
	s20 =	simm.s32 @!p1 $0x80  }
0x1d9: {  	[spmem:s2] =	stream.indirect.scatter.add.f32 @!p1 [tilespmem:s21], [sflag:$0x8], $0x80, s22, s20, $0xb8;
	[tilespmem:$0x1FA80] =	vst v63  }
0x1da: {  	s26 =	sadd.s32 $0x1, s26;
	s19 =	sadd.s32 @!p1 s19, s8;
	s20 =	simm.s32 @!p1 $0xC080  }
0x1db: {  	[tilespmem:s20], [sflag:$0x4] =	stream.linear.gather @!p1 [hbm4b:s19+s21], $0x80, $0x38;
	[tilespmem:$0x1FA80] =	vst v63  }
0x1dc: {  	p1 =	sne.s32 s26, $0xD  }
.Ltmp12:
0x1dd: {  	_ = 	snop;
	(pc) =	sbr.rel @p1 .LBB2_13-.Ltmp12, $1  }
0x1de: {  	_ =	sdelay $0x3  }
0x1df: {  	s19 =	simm.s32 $0x8  }
0x1e0: {  	_ =	swait.ge [sflag:s19], $0x4000  }
0x1e1: {  	[sflag:s19] =	ssyncset.done $0x0  }
0x1e2: {  	s26 =	simm.s32 $0x9;
	[sflag:s19] =	ssyncadd.s32 $0xFFFFC000  }
0x1e3: {  	_ =	swait.ge [sflag:s26], $0x4000  }
0x1e4: {  	s20 =	simm.s32 $0xC100;
	[sflag:s26] =	ssyncset.done $0x0  }
0x1e5: {  	s29 =	rddreg [dreg:$0x1a];
	[sflag:s26] =	ssyncadd.s32 $0xFFFFC000;
	s26 =	simm.s32 $0x0  }
0x1e6: {  	[tilespmem:s20], [sflag:$0x1] =	stream.linear.gather [hbm4b:s29+s26], $0x80, $0x38;
	[tilespmem:$0x1FA80] =	vst v63  }
.LBB2_22:
0x1e7: {  	p2 =	seq.s32 s26, $0x0  }
0x1e8: {  	s19 =	simm.s32 @p2 $0x1  }
0x1e9: {  	_ =	swait.ge @p2 [sflag:s19], $0x80  }
0x1ea: {  	s20 =	simm.s32 @p2 $0xC100;
	[sflag:s19] =	ssyncset.done @p2 $0x0  }
0x1eb: {  	s21 =	simm.s32 @p2 $0x0;
	[sflag:s19] =	ssyncadd.s32 @p2 $0xFFFFFF80;
	s19 =	simm.s32 @p2 $0x80  }
0x1ec: {  	[tilespmem:s21], [sflag:$0x5] =	stream.indirect.gather @p2 [hbm4b:s1+s19], $0x80, s20, s19, $0xb8;
	[tilespmem:$0x1FA80] =	vst v63  }
0x1ed: {  	s19 =	simm.s32 @!p2 $0x8  }
0x1ee: {  	_ =	swait.ge @!p2 [sflag:s19], $0x4000  }
0x1ef: {  	[sflag:s19] =	ssyncset.done @!p2 $0x0  }
0x1f0: {  	[sflag:s19] =	ssyncadd.s32 @!p2 $0xFFFFC000;
	s19 =	simm.s32 @!p2 $0x1  }
0x1f1: {  	_ =	swait.ge @!p2 [sflag:s19], $0x80  }
0x1f2: {  	s20 =	simm.s32 @!p2 $0xC100;
	[sflag:s19] =	ssyncset.done @!p2 $0x0  }
0x1f3: {  	s21 =	simm.s32 @!p2 $0x0;
	[sflag:s19] =	ssyncadd.s32 @!p2 $0xFFFFFF80;
	s19 =	simm.s32 @!p2 $0x80  }
0x1f4: {  	[tilespmem:s21], [sflag:$0x5] =	stream.indirect.gather @!p2 [hbm4b:s1+s19], $0x80, s20, s19, $0xb8;
	[tilespmem:$0x1FA80] =	vst v63  }
0x1f5: {  	s29 =	sshll.u32 s26, $0x6;
	s21 =	simm.s32 @!p2 $0x6  }
.Ltmp13:
0x1f6: {  	s19 =	sor.u32 $0x20, s29;
	_ =	swait.ge @!p2 [sflag:s21], $0x4000;
	(pc) =	sbr.rel @p2 .LBB2_26-.Ltmp13, $4  }
0x1f7: {  	s20 =	sor.u32 s6, s29;
	p1 =	sgt.u32 s19, $0x31F;
	[sflag:s21] =	ssyncset.done @!p2 $0x0  }
0x1f8: {  	[sflag:s21] =	ssyncadd.s32 @!p2 $0xFFFFC000;
	s21 =	sshll.u32 @!p1 s20, $0x4  }
0x1f9: {  	s22 =	simm.s32 @!p1 $0x0;
	s29 =	simm.s32 @!p1 $0xC180;
	s21 =	sadd.s32 @!p1 s21, s9  }
0x1fa: {  	[tilespmem:s29], [sflag:$0x2] =	stream.linear.gather @!p1 [hbm4b:s21+s22], $0x80, $0x38;
	[tilespmem:$0x1FA80] =	vst v63  }
0x1fb: {  	_ =	swait.ge [sflag:s25], $0x4000  }
0x1fc: {  	[sflag:s25] =	ssyncset.done $0x0  }
0x1fd: {  	s21 =	simm.s32 $0x0;
	[sflag:s25] =	ssyncadd.s32 $0xFFFFC000  }
0x1fe: {  	v8 =	vld [tilespmem:s21+$0x8000]  }
0x1ff: {  	v12 =	vld [tilespmem:s21+$0x8010]  }
0x200: {  	v6 =	vld [tilespmem:s21+$0x8020]  }
0x201: {  	v5 =	vld [tilespmem:s21+$0x8030]  }
0x202: {  	v4 =	vld [tilespmem:s21+$0x8040]  }
0x203: {  	v3 =	vld [tilespmem:s21+$0x8050]  }
0x204: {  	v2 =	vld [tilespmem:s21+$0x8060]  }
0x205: {  	v1 =	vld [tilespmem:s21+$0x8070]  }
0x206: {  	v13 =	vld [tilespmem:s21+$0x4000]  }
0x207: {  	v14 =	vld [tilespmem:s21+$0x4010]  }
0x208: {  	v11 =	vld [tilespmem:s21+$0x4020]  }
0x209: {  	v10 =	vld [tilespmem:s21+$0x4030]  }
0x20a: {  	v9 =	vld [tilespmem:s21+$0x4040]  }
0x20b: {  	v7 =	vld [tilespmem:s21+$0x4050];
	v13 =	vmul.f32 v8, v13  }
0x20c: {  	s22 =	simm.s32 $0x200;
	v12 =	vmul.f32 v12, v14;
	v8 =	vld [tilespmem:s21+$0x4060]  }
.LBB2_24:
0x20d: {  	s29 =	sshra.s32 s22, $0x2;
	p2 =	sne.s32 s22, $0xFE00;
	[tilespmem:s21+$0x4000] =	vst v13;
	v6 =	vmul.f32 v6, v11;
	v11 =	vld [tilespmem:s21+$0x4070]  }
0x20e: {  	v13 =	vld [tilespmem:s29+$0x8000];
	[tilespmem:s21+$0x4010] =	vst v12;
	v5 =	vmul.f32 v5, v10  }
0x20f: {  	v12 =	vld [tilespmem:s29+$0x8010];
	[tilespmem:s21+$0x4020] =	vst v6;
	v4 =	vmul.f32 v4, v9  }
0x210: {  	v6 =	vld [tilespmem:s29+$0x8020];
	[tilespmem:s21+$0x4030] =	vst v5;
	v3 =	vmul.f32 v3, v7  }
0x211: {  	v5 =	vld [tilespmem:s29+$0x8030];
	[tilespmem:s21+$0x4040] =	vst v4;
	v2 =	vmul.f32 v2, v8  }
0x212: {  	v4 =	vld [tilespmem:s29+$0x8040];
	[tilespmem:s21+$0x4050] =	vst v3;
	v1 =	vmul.f32 v1, v11  }
0x213: {  	v3 =	vld [tilespmem:s29+$0x8050];
	[tilespmem:s21+$0x4060] =	vst v2  }
0x214: {  	v2 =	vld [tilespmem:s29+$0x8060];
	[tilespmem:s21+$0x4070] =	vst v1;
	s21 =	smov.u32 s29  }
0x215: {  	v1 =	vld [tilespmem:s21+$0x8070]  }
0x216: {  	v7 =	vld [tilespmem:s21+$0x4000]  }
0x217: {  	v8 =	vld [tilespmem:s21+$0x4010]  }
.Ltmp14:
0x218: {  	v11 =	vld [tilespmem:s21+$0x4020];
	(pc) =	sbr.rel @p2 .LBB2_24-.Ltmp14, $4  }
0x219: {  	v10 =	vld [tilespmem:s21+$0x4030]  }
0x21a: {  	v9 =	vld [tilespmem:s21+$0x4040]  }
0x21b: {  	v13 =	vmul.f32 v13, v7;
	v7 =	vld [tilespmem:s21+$0x4050]  }
0x21c: {  	s22 =	sadd.s32 $0x200, s22;
	v12 =	vmul.f32 v12, v8;
	v8 =	vld [tilespmem:s21+$0x4060]  }
0x21d: {  	[tilespmem:s21+$0x4000] =	vst v13;
	v6 =	vmul.f32 v6, v11;
	v63 =	vld [tilespmem:s21+$0x4070]  }
0x21e: {  	[tilespmem:s21+$0x4010] =	vst v12;
	v5 =	vmul.f32 v5, v10  }
0x21f: {  	[tilespmem:s21+$0x4020] =	vst v6;
	v4 =	vmul.f32 v4, v9  }
0x220: {  	[tilespmem:s21+$0x4030] =	vst v5;
	v3 =	vmul.f32 v3, v7  }
0x221: {  	[tilespmem:s21+$0x4040] =	vst v4;
	v2 =	vmul.f32 v2, v8  }
0x222: {  	[tilespmem:s21+$0x4050] =	vst v3;
	v1 =	vmul.f32 v1, v63  }
0x223: {  	s22 =	sshll.u32 s20, $0xB;
	[tilespmem:s21+$0x4060] =	vst v2  }
0x224: {  	s29 =	sadd.s32 s18, s22;
	[tilespmem:s21+$0x4070] =	vst v1  }
0x225: {  	[tilespmem:s16], [sflag:$0x7] =	stream.linear.gather [hbm4b:s29+s3], $0x4000, $0x38;
	[tilespmem:$0x1FA80] =	vst v63  }
.Ltmp15:
0x226: {  	_ = 	snop;
	(pc) =	sbr.rel .LBB2_27-.Ltmp15, $4  }
0x227: {  	_ =	swait.ge [sflag:s28], $0x80  }
0x228: {  	[sflag:s28] =	ssyncset.done $0x0  }
0x229: {  	[sflag:s28] =	ssyncadd.s32 $0xFFFFFF80  }
0x22a: {  	[spmem:s2] =	stream.indirect.scatter.add.f32 [tilespmem:s14], [sflag:$0x9], $0x80, s31, s30, $0xb8;
	[tilespmem:$0x1FA80] =	vst v63  }
.LBB2_26:
0x22b: {  	s21 =	rddreg [dreg:$0xf]  }
0x22c: {  	[tilespmem:s16], [sflag:$0x7] =	stream.linear.gather [hbm4b:s21+s3], $0x4000, $0x38;
	[tilespmem:$0x1FA80] =	vst v63  }
.LBB2_27:
0x22d: {  	s20 =	sshll.u32 s20, $0x4;
	p2 =	seq.s32 @!p1 s26, $0x0  }
0x22e: {  	s20 =	sadd.s32 s20, s10;
	p2 =	por p2, p1  }
0x22f: {  	[tilespmem:s23], [sflag:$0x3] =	stream.linear.gather [hbm4b:s20+s3], $0x80, $0x38;
	[tilespmem:$0x1FA80] =	vst v63  }
0x230: {  	s20 =	simm.s32 @!p2 $0x9  }
0x231: {  	_ =	swait.ge @!p2 [sflag:s20], $0x4000  }
0x232: {  	[sflag:s20] =	ssyncset.done @!p2 $0x0  }
0x233: {  	[sflag:s20] =	ssyncadd.s32 @!p2 $0xFFFFC000;
	s20 =	simm.s32 @!p1 $0x2  }
0x234: {  	_ =	swait.ge @!p1 [sflag:s20], $0x80  }
0x235: {  	s21 =	simm.s32 @!p1 $0xC180;
	[sflag:s20] =	ssyncset.done @!p1 $0x0  }
0x236: {  	s22 =	simm.s32 @!p1 $0x4000;
	[sflag:s20] =	ssyncadd.s32 @!p1 $0xFFFFFF80;
	s20 =	simm.s32 @!p1 $0x80  }
0x237: {  	[tilespmem:s22], [sflag:$0x6] =	stream.indirect.gather @!p1 [hbm4b:s1+s20], $0x80, s21, s20, $0xb8;
	[tilespmem:$0x1FA80] =	vst v63  }
0x238: {  	s19 =	sor.u32 s6, s19;
	p2 =	seq.s32 s26, $0xC;
	_ =	swait.ge [sflag:s24], $0x4000  }
0x239: {  	s20 =	sshll.u32 @!p2 s19, $0x4;
	s21 =	simm.s32 @!p2 $0x0;
	[sflag:s24] =	ssyncset.done $0x0  }
0x23a: {  	s22 =	simm.s32 @!p2 $0xC100;
	s20 =	sadd.s32 @!p2 s20, s9;
	[sflag:s24] =	ssyncadd.s32 $0xFFFFC000  }
0x23b: {  	[tilespmem:s22], [sflag:$0x1] =	stream.linear.gather @!p2 [hbm4b:s20+s21], $0x80, $0x38;
	[tilespmem:$0x1FA80] =	vst v63  }
0x23c: {  	_ =	swait.ge [sflag:s25], $0x4000  }
0x23d: {  	[sflag:s25] =	ssyncset.done $0x0  }
0x23e: {  	s20 =	simm.s32 $0x0;
	[sflag:s25] =	ssyncadd.s32 $0xFFFFC000  }
0x23f: {  	v8 =	vld [tilespmem:s20+$0x8000]  }
0x240: {  	v12 =	vld [tilespmem:s20+$0x8010]  }
0x241: {  	v6 =	vld [tilespmem:s20+$0x8020]  }
0x242: {  	v5 =	vld [tilespmem:s20+$0x8030]  }
0x243: {  	v4 =	vld [tilespmem:s20+$0x8040]  }
0x244: {  	v3 =	vld [tilespmem:s20+$0x8050]  }
0x245: {  	v2 =	vld [tilespmem:s20+$0x8060]  }
0x246: {  	v1 =	vld [tilespmem:s20+$0x8070]  }
0x247: {  	v13 =	vld [tilespmem:s20+$0x0]  }
0x248: {  	v14 =	vld [tilespmem:s20+$0x10]  }
0x249: {  	v11 =	vld [tilespmem:s20+$0x20]  }
0x24a: {  	v10 =	vld [tilespmem:s20+$0x30]  }
0x24b: {  	v9 =	vld [tilespmem:s20+$0x40]  }
0x24c: {  	v7 =	vld [tilespmem:s20+$0x50];
	v13 =	vmul.f32 v8, v13  }
0x24d: {  	s21 =	simm.s32 $0x200;
	v12 =	vmul.f32 v12, v14;
	v8 =	vld [tilespmem:s20+$0x60]  }
.LBB2_28:
0x24e: {  	s22 =	sshra.s32 s21, $0x2;
	p2 =	sne.s32 s21, $0xFE00;
	[tilespmem:s20+$0x0] =	vst v13;
	v6 =	vmul.f32 v6, v11;
	v11 =	vld [tilespmem:s20+$0x70]  }
0x24f: {  	v13 =	vld [tilespmem:s22+$0x8000];
	[tilespmem:s20+$0x10] =	vst v12;
	v5 =	vmul.f32 v5, v10  }
0x250: {  	v12 =	vld [tilespmem:s22+$0x8010];
	[tilespmem:s20+$0x20] =	vst v6;
	v4 =	vmul.f32 v4, v9  }
0x251: {  	v6 =	vld [tilespmem:s22+$0x8020];
	[tilespmem:s20+$0x30] =	vst v5;
	v3 =	vmul.f32 v3, v7  }
0x252: {  	v5 =	vld [tilespmem:s22+$0x8030];
	[tilespmem:s20+$0x40] =	vst v4;
	v2 =	vmul.f32 v2, v8  }
0x253: {  	v4 =	vld [tilespmem:s22+$0x8040];
	[tilespmem:s20+$0x50] =	vst v3;
	v1 =	vmul.f32 v1, v11  }
0x254: {  	v3 =	vld [tilespmem:s22+$0x8050];
	[tilespmem:s20+$0x60] =	vst v2  }
0x255: {  	v2 =	vld [tilespmem:s22+$0x8060];
	[tilespmem:s20+$0x70] =	vst v1;
	s20 =	smov.u32 s22  }
0x256: {  	v1 =	vld [tilespmem:s20+$0x8070]  }
0x257: {  	v7 =	vld [tilespmem:s20+$0x0]  }
0x258: {  	v8 =	vld [tilespmem:s20+$0x10]  }
.Ltmp16:
0x259: {  	v11 =	vld [tilespmem:s20+$0x20];
	(pc) =	sbr.rel @p2 .LBB2_28-.Ltmp16, $4  }
0x25a: {  	v10 =	vld [tilespmem:s20+$0x30]  }
0x25b: {  	v9 =	vld [tilespmem:s20+$0x40]  }
0x25c: {  	v13 =	vmul.f32 v13, v7;
	v7 =	vld [tilespmem:s20+$0x50]  }
0x25d: {  	s21 =	sadd.s32 $0x200, s21;
	v12 =	vmul.f32 v12, v8;
	v8 =	vld [tilespmem:s20+$0x60]  }
0x25e: {  	[tilespmem:s20+$0x0] =	vst v13;
	v6 =	vmul.f32 v6, v11;
	v63 =	vld [tilespmem:s20+$0x70]  }
0x25f: {  	[tilespmem:s20+$0x10] =	vst v12;
	v5 =	vmul.f32 v5, v10  }
0x260: {  	[tilespmem:s20+$0x20] =	vst v6;
	v4 =	vmul.f32 v4, v9  }
0x261: {  	[tilespmem:s20+$0x30] =	vst v5;
	v3 =	vmul.f32 v3, v7  }
0x262: {  	[tilespmem:s20+$0x40] =	vst v4;
	v2 =	vmul.f32 v2, v8  }
0x263: {  	[tilespmem:s20+$0x50] =	vst v3;
	v1 =	vmul.f32 v1, v63  }
0x264: {  	[tilespmem:s20+$0x60] =	vst v2  }
0x265: {  	[tilespmem:s20+$0x70] =	vst v1;
	s20 =	simm.s32 @p1 $0x3  }
0x266: {  	_ =	swait.ge @p1 [sflag:s20], $0x80  }
0x267: {  	s21 =	simm.s32 @p1 $0xC000;
	[sflag:s20] =	ssyncset.done @p1 $0x0  }
0x268: {  	s22 =	simm.s32 @p1 $0x0;
	[sflag:s20] =	ssyncadd.s32 @p1 $0xFFFFFF80;
	s20 =	simm.s32 @p1 $0x80  }
0x269: {  	[spmem:s2] =	stream.indirect.scatter.add.f32 @p1 [tilespmem:s22], [sflag:$0x8], $0x80, s21, s20, $0xb8;
	[tilespmem:$0x1FA80] =	vst v63  }
0x26a: {  	s20 =	sshll.u32 @!p1 s19, $0xB  }
0x26b: {  	s21 =	simm.s32 @!p1 $0x0;
	s22 =	simm.s32 @!p1 $0x8000;
	s20 =	sadd.s32 @!p1 s18, s20  }
0x26c: {  	[tilespmem:s22], [sflag:$0x7] =	stream.linear.gather @!p1 [hbm4b:s20+s21], $0x4000, $0x38;
	[tilespmem:$0x1FA80] =	vst v63  }
0x26d: {  	s20 =	simm.s32 @!p1 $0x3  }
0x26e: {  	_ =	swait.ge @!p1 [sflag:s20], $0x80  }
0x26f: {  	s19 =	sshll.u32 @!p1 s19, $0x4;
	[sflag:s20] =	ssyncset.done @!p1 $0x0  }
0x270: {  	s22 =	simm.s32 @!p1 $0xC000;
	[sflag:s20] =	ssyncadd.s32 @!p1 $0xFFFFFF80;
	s20 =	simm.s32 @!p1 $0x80  }
0x271: {  	[spmem:s2] =	stream.indirect.scatter.add.f32 @!p1 [tilespmem:s21], [sflag:$0x8], $0x80, s22, s20, $0xb8;
	[tilespmem:$0x1FA80] =	vst v63  }
0x272: {  	s26 =	sadd.s32 $0x1, s26;
	s19 =	sadd.s32 @!p1 s19, s10;
	s20 =	simm.s32 @!p1 $0xC080  }
0x273: {  	[tilespmem:s20], [sflag:$0x4] =	stream.linear.gather @!p1 [hbm4b:s19+s21], $0x80, $0x38;
	[tilespmem:$0x1FA80] =	vst v63  }
0x274: {  	p1 =	sne.s32 s26, $0xD  }
.Ltmp17:
0x275: {  	_ = 	snop;
	(pc) =	sbr.rel @p1 .LBB2_22-.Ltmp17, $1  }
0x276: {  	_ =	sdelay $0x3  }
0x277: {  	s19 =	simm.s32 $0x8  }
0x278: {  	_ =	swait.ge [sflag:s19], $0x4000  }
0x279: {  	[sflag:s19] =	ssyncset.done $0x0  }
.Ltmp18:
0x27a: {  	s26 =	simm.s32 $0x9;
	[sflag:s19] =	ssyncadd.s32 $0xFFFFC000;
	(pc) =	sbr.rel .LBB2_31-.Ltmp18, $4  }
0x27b: {  	_ =	swait.ge [sflag:s26], $0x4000  }
0x27c: {  	s20 =	simm.s32 $0xC100;
	[sflag:s26] =	ssyncset.done $0x0  }
0x27d: {  	s29 =	rddreg [dreg:$0x1b];
	[sflag:s26] =	ssyncadd.s32 $0xFFFFC000;
	s26 =	simm.s32 $0x0  }
0x27e: {  	[tilespmem:s20], [sflag:$0x1] =	stream.linear.gather [hbm4b:s29+s26], $0x80, $0x38;
	[tilespmem:$0x1FA80] =	vst v63  }
.LBB2_41:
0x27f: {  	s26 =	sadd.s32 $0x1, s26  }
0x280: {  	p1 =	sne.s32 s26, $0x3  }
.Ltmp19:
0x281: {  	_ = 	snop;
	(pc) =	sbr.rel @!p1 .LBB2_42-.Ltmp19, $1  }
0x282: {  	_ =	sdelay $0x3  }
.LBB2_31:
0x283: {  	s19 =	sshll.u32 s26, $0x6  }
0x284: {  	s19 =	sor.u32 s6, s19  }
0x285: {  	p1 =	sgt.u32 s19, $0x63  }
0x286: {  	p2 =	seq.s32 @!p1 s26, $0x0  }
0x287: {  	p2 =	por p2, p1  }
0x288: {  	s20 =	simm.s32 @!p2 $0x8  }
0x289: {  	_ =	swait.ge @!p2 [sflag:s20], $0x4000  }
0x28a: {  	[sflag:s20] =	ssyncset.done @!p2 $0x0  }
0x28b: {  	p6 =	sne.s32 s26, $0x0;
	[sflag:s20] =	ssyncadd.s32 @!p2 $0xFFFFC000;
	s20 =	simm.s32 @!p1 $0x1  }
0x28c: {  	p3 =	slt.u32 s19, $0x84;
	s21 =	simm.s32 @!p1 $0x80;
	_ =	swait.ge @!p1 [sflag:s20], $0x80  }
0x28d: {  	s22 =	simm.s32 @!p1 $0xC100;
	p2 =	por !p6, !p3;
	[sflag:s20] =	ssyncset.done @!p1 $0x0  }
0x28e: {  	p2 =	por !p2, !p2;
	[sflag:s20] =	ssyncadd.s32 @!p1 $0xFFFFFF80;
	s20 =	simm.s32 @!p1 $0x0  }
0x28f: {  	[tilespmem:s20], [sflag:$0x5] =	stream.indirect.gather @!p1 [hbm4b:s1+s21], $0x80, s22, s21, $0xb8;
	[tilespmem:$0x1FA80] =	vst v63  }
0x290: {  	s21 =	simm.s32 @p2 $0x6  }
.Ltmp20:
0x291: {  	_ =	swait.ge @p2 [sflag:s21], $0x4000;
	(pc) =	sbr.rel @!p2 .LBB2_35-.Ltmp20, $4  }
0x292: {  	p3 =	sgt.u32 s19, $0x43;
	[sflag:s21] =	ssyncset.done @p2 $0x0  }
0x293: {  	[sflag:s21] =	ssyncadd.s32 @p2 $0xFFFFC000;
	s21 =	sshll.u32 @!p3 s19, $0x4  }
0x294: {  	s29 =	simm.s32 @!p3 $0xC180;
	s22 =	simm.s32 @!p3 $0x0;
	s21 =	sadd.s32 @!p3 s21, s11  }
0x295: {  	[tilespmem:s29], [sflag:$0x2] =	stream.linear.gather @!p3 [hbm4b:s21+s22], $0x80, $0x38;
	[tilespmem:$0x1FA80] =	vst v63  }
0x296: {  	_ =	swait.ge [sflag:s25], $0x4000  }
0x297: {  	[sflag:s25] =	ssyncset.done $0x0  }
0x298: {  	s21 =	simm.s32 $0x0;
	[sflag:s25] =	ssyncadd.s32 $0xFFFFC000  }
0x299: {  	v8 =	vld [tilespmem:s21+$0x8000]  }
0x29a: {  	v12 =	vld [tilespmem:s21+$0x8010]  }
0x29b: {  	v6 =	vld [tilespmem:s21+$0x8020]  }
0x29c: {  	v5 =	vld [tilespmem:s21+$0x8030]  }
0x29d: {  	v4 =	vld [tilespmem:s21+$0x8040]  }
0x29e: {  	v3 =	vld [tilespmem:s21+$0x8050]  }
0x29f: {  	v2 =	vld [tilespmem:s21+$0x8060]  }
0x2a0: {  	v1 =	vld [tilespmem:s21+$0x8070]  }
0x2a1: {  	v13 =	vld [tilespmem:s21+$0x4000]  }
0x2a2: {  	v14 =	vld [tilespmem:s21+$0x4010]  }
0x2a3: {  	v11 =	vld [tilespmem:s21+$0x4020]  }
0x2a4: {  	v10 =	vld [tilespmem:s21+$0x4030]  }
0x2a5: {  	v9 =	vld [tilespmem:s21+$0x4040]  }
0x2a6: {  	v7 =	vld [tilespmem:s21+$0x4050];
	v13 =	vmul.f32 v8, v13  }
0x2a7: {  	s22 =	simm.s32 $0x200;
	v12 =	vmul.f32 v12, v14;
	v8 =	vld [tilespmem:s21+$0x4060]  }
.LBB2_33:
0x2a8: {  	s29 =	sshra.s32 s22, $0x2;
	p3 =	sne.s32 s22, $0xFE00;
	[tilespmem:s21+$0x4000] =	vst v13;
	v6 =	vmul.f32 v6, v11;
	v11 =	vld [tilespmem:s21+$0x4070]  }
0x2a9: {  	v13 =	vld [tilespmem:s29+$0x8000];
	[tilespmem:s21+$0x4010] =	vst v12;
	v5 =	vmul.f32 v5, v10  }
0x2aa: {  	v12 =	vld [tilespmem:s29+$0x8010];
	[tilespmem:s21+$0x4020] =	vst v6;
	v4 =	vmul.f32 v4, v9  }
0x2ab: {  	v6 =	vld [tilespmem:s29+$0x8020];
	[tilespmem:s21+$0x4030] =	vst v5;
	v3 =	vmul.f32 v3, v7  }
0x2ac: {  	v5 =	vld [tilespmem:s29+$0x8030];
	[tilespmem:s21+$0x4040] =	vst v4;
	v2 =	vmul.f32 v2, v8  }
0x2ad: {  	v4 =	vld [tilespmem:s29+$0x8040];
	[tilespmem:s21+$0x4050] =	vst v3;
	v1 =	vmul.f32 v1, v11  }
0x2ae: {  	v3 =	vld [tilespmem:s29+$0x8050];
	[tilespmem:s21+$0x4060] =	vst v2  }
0x2af: {  	v2 =	vld [tilespmem:s29+$0x8060];
	[tilespmem:s21+$0x4070] =	vst v1;
	s21 =	smov.u32 s29  }
0x2b0: {  	v1 =	vld [tilespmem:s21+$0x8070]  }
0x2b1: {  	v7 =	vld [tilespmem:s21+$0x4000]  }
0x2b2: {  	v8 =	vld [tilespmem:s21+$0x4010]  }
.Ltmp21:
0x2b3: {  	v11 =	vld [tilespmem:s21+$0x4020];
	(pc) =	sbr.rel @p3 .LBB2_33-.Ltmp21, $4  }
0x2b4: {  	v10 =	vld [tilespmem:s21+$0x4030]  }
0x2b5: {  	v9 =	vld [tilespmem:s21+$0x4040]  }
0x2b6: {  	v13 =	vmul.f32 v13, v7;
	v7 =	vld [tilespmem:s21+$0x4050]  }
0x2b7: {  	s22 =	sadd.s32 $0x200, s22;
	v12 =	vmul.f32 v12, v8;
	v8 =	vld [tilespmem:s21+$0x4060]  }
0x2b8: {  	[tilespmem:s21+$0x4000] =	vst v13;
	v6 =	vmul.f32 v6, v11;
	v63 =	vld [tilespmem:s21+$0x4070]  }
0x2b9: {  	[tilespmem:s21+$0x4010] =	vst v12;
	v5 =	vmul.f32 v5, v10  }
0x2ba: {  	[tilespmem:s21+$0x4020] =	vst v6;
	v4 =	vmul.f32 v4, v9  }
0x2bb: {  	[tilespmem:s21+$0x4030] =	vst v5;
	v3 =	vmul.f32 v3, v7  }
0x2bc: {  	[tilespmem:s21+$0x4040] =	vst v4;
	v2 =	vmul.f32 v2, v8  }
0x2bd: {  	[tilespmem:s21+$0x4050] =	vst v3;
	v1 =	vmul.f32 v1, v63  }
0x2be: {  	[tilespmem:s21+$0x4060] =	vst v2  }
0x2bf: {  	[tilespmem:s21+$0x4070] =	vst v1  }
.LBB2_35:
0x2c0: {  	s21 =	sshll.u32 @!p1 s19, $0xB  }
0x2c1: {  	s22 =	simm.s32 @!p1 $0x8000;
	s21 =	sadd.s32 @!p1 s0, s21  }
0x2c2: {  	[tilespmem:s22], [sflag:$0x7] =	stream.linear.gather @!p1 [hbm4b:s21+s20], $0x4000, $0x38;
	[tilespmem:$0x1FA80] =	vst v63  }
0x2c3: {  	s21 =	simm.s32 @p2 $0x4  }
0x2c4: {  	_ =	swait.ge @p2 [sflag:s21], $0x80  }
0x2c5: {  	s29 =	simm.s32 @p2 $0x4000;
	[sflag:s21] =	ssyncset.done @p2 $0x0  }
0x2c6: {  	s22 =	simm.s32 @p2 $0xC080;
	[sflag:s21] =	ssyncadd.s32 @p2 $0xFFFFFF80;
	s21 =	simm.s32 @p2 $0x80  }
0x2c7: {  	[spmem:s2] =	stream.indirect.scatter.add.f32 @p2 [tilespmem:s29], [sflag:$0x9], $0x80, s22, s21, $0xb8;
	[tilespmem:$0x1FA80] =	vst v63  }
0x2c8: {  	s21 =	sshll.u32 @!p1 s19, $0x4  }
0x2c9: {  	s22 =	simm.s32 @!p1 $0xC000;
	s19 =	sor.u32 $0x20, s19;
	s21 =	sadd.s32 @!p1 s21, s12  }
0x2ca: {  	[tilespmem:s22], [sflag:$0x3] =	stream.linear.gather @!p1 [hbm4b:s21+s20], $0x80, $0x38;
	[tilespmem:$0x1FA80] =	vst v63  }
0x2cb: {  	p1 =	sgt.u32 s19, $0x63  }
.Ltmp22:
0x2cc: {  	_ = 	snop;
	(pc) =	sbr.rel @p1 .LBB2_37-.Ltmp22, $1  }
0x2cd: {  	_ =	sdelay $0x3  }
0x2ce: {  	p2 =	seq.s32 s26, $0x0  }
0x2cf: {  	s20 =	simm.s32 @!p2 $0x9  }
0x2d0: {  	_ =	swait.ge @!p2 [sflag:s20], $0x4000  }
0x2d1: {  	[sflag:s20] =	ssyncset.done @!p2 $0x0  }
.Ltmp23:
0x2d2: {  	s22 =	simm.s32 $0x2;
	[sflag:s20] =	ssyncadd.s32 @!p2 $0xFFFFC000;
	(pc) =	sbr.rel .LBB2_38-.Ltmp23, $4  }
0x2d3: {  	_ =	swait.ge [sflag:s22], $0x80  }
0x2d4: {  	[sflag:s22] =	ssyncset.done $0x0  }
0x2d5: {  	s29 =	simm.s32 $0xC180;
	[sflag:s22] =	ssyncadd.s32 $0xFFFFFF80  }
0x2d6: {  	[tilespmem:s14], [sflag:$0x6] =	stream.indirect.gather [hbm4b:s1+s30], $0x80, s29, s30, $0xb8;
	[tilespmem:$0x1FA80] =	vst v63  }
.LBB2_37:
0x2d7: {  	p2 =	sgt.u32 s19, $0x83  }
.Ltmp24:
0x2d8: {  	_ = 	snop;
	(pc) =	sbr.rel @p2 .LBB2_41-.Ltmp24, $1  }
0x2d9: {  	_ =	sdelay $0x3  }
.LBB2_38:
0x2da: {  	_ =	swait.ge [sflag:s24], $0x4000;
	p2 =	sgt.u32 s19, $0x43  }
0x2db: {  	[sflag:s24] =	ssyncset.done $0x0;
	s20 =	sshll.u32 @!p2 s19, $0x4;
	s21 =	simm.s32 @!p2 $0x0  }
0x2dc: {  	s22 =	simm.s32 @!p2 $0xC100;
	[sflag:s24] =	ssyncadd.s32 $0xFFFFC000;
	s20 =	sadd.s32 @!p2 s20, s11  }
0x2dd: {  	[tilespmem:s22], [sflag:$0x1] =	stream.linear.gather @!p2 [hbm4b:s20+s21], $0x80, $0x38;
	[tilespmem:$0x1FA80] =	vst v63  }
0x2de: {  	_ =	swait.ge [sflag:s25], $0x4000  }
0x2df: {  	[sflag:s25] =	ssyncset.done $0x0  }
0x2e0: {  	s20 =	simm.s32 $0x0;
	[sflag:s25] =	ssyncadd.s32 $0xFFFFC000  }
0x2e1: {  	v8 =	vld [tilespmem:s20+$0x8000]  }
0x2e2: {  	v12 =	vld [tilespmem:s20+$0x8010]  }
0x2e3: {  	v6 =	vld [tilespmem:s20+$0x8020]  }
0x2e4: {  	v5 =	vld [tilespmem:s20+$0x8030]  }
0x2e5: {  	v4 =	vld [tilespmem:s20+$0x8040]  }
0x2e6: {  	v3 =	vld [tilespmem:s20+$0x8050]  }
0x2e7: {  	v2 =	vld [tilespmem:s20+$0x8060]  }
0x2e8: {  	v1 =	vld [tilespmem:s20+$0x8070]  }
0x2e9: {  	v13 =	vld [tilespmem:s20+$0x0]  }
0x2ea: {  	v14 =	vld [tilespmem:s20+$0x10]  }
0x2eb: {  	v11 =	vld [tilespmem:s20+$0x20]  }
0x2ec: {  	v10 =	vld [tilespmem:s20+$0x30]  }
0x2ed: {  	v9 =	vld [tilespmem:s20+$0x40]  }
0x2ee: {  	v7 =	vld [tilespmem:s20+$0x50];
	v13 =	vmul.f32 v8, v13  }
0x2ef: {  	s21 =	simm.s32 $0x200;
	v12 =	vmul.f32 v12, v14;
	v8 =	vld [tilespmem:s20+$0x60]  }
.LBB2_39:
0x2f0: {  	s22 =	sshra.s32 s21, $0x2;
	p2 =	sne.s32 s21, $0xFE00;
	[tilespmem:s20+$0x0] =	vst v13;
	v6 =	vmul.f32 v6, v11;
	v11 =	vld [tilespmem:s20+$0x70]  }
0x2f1: {  	v13 =	vld [tilespmem:s22+$0x8000];
	[tilespmem:s20+$0x10] =	vst v12;
	v5 =	vmul.f32 v5, v10  }
0x2f2: {  	v12 =	vld [tilespmem:s22+$0x8010];
	[tilespmem:s20+$0x20] =	vst v6;
	v4 =	vmul.f32 v4, v9  }
0x2f3: {  	v6 =	vld [tilespmem:s22+$0x8020];
	[tilespmem:s20+$0x30] =	vst v5;
	v3 =	vmul.f32 v3, v7  }
0x2f4: {  	v5 =	vld [tilespmem:s22+$0x8030];
	[tilespmem:s20+$0x40] =	vst v4;
	v2 =	vmul.f32 v2, v8  }
0x2f5: {  	v4 =	vld [tilespmem:s22+$0x8040];
	[tilespmem:s20+$0x50] =	vst v3;
	v1 =	vmul.f32 v1, v11  }
0x2f6: {  	v3 =	vld [tilespmem:s22+$0x8050];
	[tilespmem:s20+$0x60] =	vst v2  }
0x2f7: {  	v2 =	vld [tilespmem:s22+$0x8060];
	[tilespmem:s20+$0x70] =	vst v1;
	s20 =	smov.u32 s22  }
0x2f8: {  	v1 =	vld [tilespmem:s20+$0x8070]  }
0x2f9: {  	v7 =	vld [tilespmem:s20+$0x0]  }
0x2fa: {  	v8 =	vld [tilespmem:s20+$0x10]  }
.Ltmp25:
0x2fb: {  	v11 =	vld [tilespmem:s20+$0x20];
	(pc) =	sbr.rel @p2 .LBB2_39-.Ltmp25, $4  }
0x2fc: {  	v10 =	vld [tilespmem:s20+$0x30]  }
0x2fd: {  	v9 =	vld [tilespmem:s20+$0x40]  }
0x2fe: {  	v13 =	vmul.f32 v13, v7;
	v7 =	vld [tilespmem:s20+$0x50]  }
0x2ff: {  	s21 =	sadd.s32 $0x200, s21;
	v12 =	vmul.f32 v12, v8;
	v8 =	vld [tilespmem:s20+$0x60]  }
0x300: {  	[tilespmem:s20+$0x0] =	vst v13;
	v6 =	vmul.f32 v6, v11;
	v63 =	vld [tilespmem:s20+$0x70]  }
0x301: {  	[tilespmem:s20+$0x10] =	vst v12;
	v5 =	vmul.f32 v5, v10  }
0x302: {  	[tilespmem:s20+$0x20] =	vst v6;
	v4 =	vmul.f32 v4, v9  }
0x303: {  	[tilespmem:s20+$0x30] =	vst v5;
	v3 =	vmul.f32 v3, v7  }
0x304: {  	[tilespmem:s20+$0x40] =	vst v4;
	v2 =	vmul.f32 v2, v8  }
0x305: {  	[tilespmem:s20+$0x50] =	vst v3;
	v1 =	vmul.f32 v1, v63  }
0x306: {  	[tilespmem:s20+$0x60] =	vst v2  }
0x307: {  	[tilespmem:s20+$0x70] =	vst v1;
	s20 =	simm.s32 @p1 $0x3  }
0x308: {  	_ =	swait.ge @p1 [sflag:s20], $0x80  }
0x309: {  	s21 =	simm.s32 @p1 $0xC000;
	[sflag:s20] =	ssyncset.done @p1 $0x0  }
0x30a: {  	s22 =	simm.s32 @p1 $0x0;
	[sflag:s20] =	ssyncadd.s32 @p1 $0xFFFFFF80;
	s20 =	simm.s32 @p1 $0x80  }
0x30b: {  	[spmem:s2] =	stream.indirect.scatter.add.f32 @p1 [tilespmem:s22], [sflag:$0x8], $0x80, s21, s20, $0xb8;
	[tilespmem:$0x1FA80] =	vst v63  }
0x30c: {  	s20 =	sshll.u32 @!p1 s19, $0xB  }
0x30d: {  	s21 =	simm.s32 @!p1 $0x0;
	s22 =	simm.s32 @!p1 $0x8000;
	s20 =	sadd.s32 @!p1 s0, s20  }
0x30e: {  	[tilespmem:s22], [sflag:$0x7] =	stream.linear.gather @!p1 [hbm4b:s20+s21], $0x4000, $0x38;
	[tilespmem:$0x1FA80] =	vst v63  }
0x30f: {  	s20 =	simm.s32 @!p1 $0x3  }
0x310: {  	_ =	swait.ge @!p1 [sflag:s20], $0x80  }
.Ltmp26:
0x311: {  	s19 =	sshll.u32 @!p1 s19, $0x4;
	[sflag:s20] =	ssyncset.done @!p1 $0x0;
	(pc) =	sbr.rel .LBB2_41-.Ltmp26, $4  }
0x312: {  	s22 =	simm.s32 @!p1 $0xC000;
	[sflag:s20] =	ssyncadd.s32 @!p1 $0xFFFFFF80;
	s20 =	simm.s32 @!p1 $0x80  }
0x313: {  	[spmem:s2] =	stream.indirect.scatter.add.f32 @!p1 [tilespmem:s21], [sflag:$0x8], $0x80, s22, s20, $0xb8;
	[tilespmem:$0x1FA80] =	vst v63  }
0x314: {  	s19 =	sadd.s32 @!p1 s19, s12;
	s20 =	simm.s32 @!p1 $0xC080  }
0x315: {  	[tilespmem:s20], [sflag:$0x4] =	stream.linear.gather @!p1 [hbm4b:s19+s21], $0x80, $0x38;
	[tilespmem:$0x1FA80] =	vst v63  }
.LBB2_43:
0x316: {  	_ =	sfence.sel $0x180000  }
0x317: {  	[bflag:$0x0] =	sbarrier.arrive $0xFFFF  }
0x318: {  	_ =	strace $0x90000053  }
0x319: {  	s0 =	stileid.u32;
	[bflag:$0x2] =	sbarrier.arrive $0xFFFF  }
0x31a: {  	p0 =	sne.s32 s0, $0x0;
	s0 =	rddreg [dreg:$0x3]  }
0x31b: {  	s0 =	sadd.s32 @!p0 $0x100000, s0  }
0x31c: {  	[sflag:s0] =	ssyncadd.tile.s32 @!p0 $0x1;
	_ =	shalt  }
.Lfunc_end2:
_tile_overlayer_lowered:
.L_overlay_start_2:
0x31d: {  	(tag) =	ssettag $0x2  }
0x31e: {  	s0 =	rddreg [dreg:$0x0];
	s2 =	stileid.u32  }
0x31f: {  	s1 =	rddreg [dreg:$0x1];
	p0 =	sne.s32 s2, $0x0  }
0x320: {  	s3 =	rddreg [dreg:$0x2];
	[bflag:$0x3] =	sbarrier.arrive $0xFFFF;
	s2 =	simm.s32 @!p0 $0x1C0A  }
0x321: {  	[timem:s3], [sflag:s2] =	dma.local @!p0 [hbm:s0], s1  }
0x322: {  	s0 =	simm.s32 @!p0 $0xA  }
0x323: {  	_ =	swait.ge @!p0 [sflag:s0], s1  }
0x324: {  	s1 =	ssub.s32 @!p0 $0x0, s1;
	[sflag:s0] =	ssyncset.done @!p0 $0x0  }
0x325: {  	[sflag:s0] =	ssyncadd.s32 @!p0 s1  }
0x326: {  	[bflag:$0x3] =	sbarrier.arrive $0xFFFF  }
0x327: {  	_ =	shalt  }

</sc_bundles>
